<compile_context>
chip_gen: v7x
topology: tpu7x:2x2x1
jax: 0.10.2.dev20260603
libtpu: 0.0.44.dev20260713+nightly
codegen_flags: <defaults>
</compile_context>

<pallas_src>
import functools

import jax
import jax.numpy as jnp
from jax import lax
from jax.experimental import pallas as pl
from jax.experimental.pallas import tpu as pltpu
from jax.experimental.pallas import tpu_sc as plsc

N = 100000
E = 1600000
EPAD = 1638400
D = 32
H = 16
NPAD = 102400
NS = 16
LANES = 16

EPC = EPAD // NS
CHUNK = 2048
NCHUNK = EPC // CHUNK
EPCH = EPAD // (2 * NS)
NCHUNKH = EPCH // CHUNK
SCH = 512
NSCH = EPC // SCH
ROWS = NPAD // NS
SLICE = NPAD // NS

BE = 16384
GRID = EPAD // BE


@functools.cache
def _mesh():
    return plsc.VectorSubcoreMesh(core_axis_name="c", subcore_axis_name="s")


def _lrelu(x):
    return jnp.where(x >= 0, x, 0.01 * x)


def _dot(x, w):
    return jnp.dot(x, w, preferred_element_type=jnp.float32)



def _wspec(shape):
    return pl.BlockSpec(shape, lambda i: (0,) * len(shape))


_a8 = pl.BlockSpec((BE // 8, 8), lambda i: (i, 0))
_epk = pl.BlockSpec((BE // 8, 128), lambda i: (i, 0))

_PK = jax.ShapeDtypeStruct((EPAD // 8, 128), jnp.float32)
D8 = 8 * D


def _k1(a8, ex8, wv8, bv8, w18, b18, w2lo, b2lo, w2hi, b2hi):
    def body(a_ref, ex_ref, wv_ref, bv_ref, w1_ref, b1_ref, wlo_ref,
             blo_ref, whi_ref, bhi_ref, lo_ref, hi_ref):
        hidden = _dot(a_ref[...], ex_ref[...]) * wv_ref[...] + bv_ref[...]
        h1 = _lrelu(_dot(hidden, w1_ref[...]) + b1_ref[...])
        lo_ref[...] = _dot(h1, wlo_ref[...]) + blo_ref[...]
        hi_ref[...] = _dot(h1, whi_ref[...]) + bhi_ref[...]

    return pl.pallas_call(
        body,
        grid=(GRID,),
        in_specs=[_a8, _wspec((8, D8)), _wspec((1, D8)), _wspec((1, D8)),
                  _wspec((D8, D8)), _wspec((1, D8)),
                  _wspec((D8, 128)), _wspec((1, 128)),
                  _wspec((D8, 128)), _wspec((1, 128))],
        out_specs=[_epk, _epk],
        out_shape=[_PK, _PK],
        compiler_params=pltpu.CompilerParams(
            dimension_semantics=("parallel",)),
    )(a8, ex8, wv8, bv8, w18, b18, w2lo, b2lo, w2hi, b2hi)


def _k3(a8, s0lo, s0hi, ex8, wv8, bv8, ua8, ul8, uh8, ub18, uw28, ub28,
        w18, b18, w2lo, b2lo, w2hi, b2hi):
    def body(a_ref, slo_ref, shi_ref, ex_ref, wv_ref, bv_ref, ua_ref,
             ul_ref, uh_ref, ub1_ref, uw2_ref, ub2_ref, w1_ref, b1_ref,
             wlo_ref, blo_ref, whi_ref, bhi_ref, lo_ref, hi_ref):
        hidden = _dot(a_ref[...], ex_ref[...]) * wv_ref[...] + bv_ref[...]
        pre = (_dot(hidden, ua_ref[...]) + _dot(slo_ref[...], ul_ref[...])
               + _dot(shi_ref[...], uh_ref[...]) + ub1_ref[...])
        new1 = _dot(_lrelu(pre), uw2_ref[...]) + ub2_ref[...]
        h1 = _lrelu(_dot(new1, w1_ref[...]) + b1_ref[...])
        lo_ref[...] = _dot(h1, wlo_ref[...]) + blo_ref[...]
        hi_ref[...] = _dot(h1, whi_ref[...]) + bhi_ref[...]

    return pl.pallas_call(
        body,
        grid=(GRID,),
        in_specs=[_a8, _epk, _epk, _wspec((8, D8)), _wspec((1, D8)),
                  _wspec((1, D8)),
                  _wspec((D8, D8)), _wspec((128, D8)), _wspec((128, D8)),
                  _wspec((1, D8)), _wspec((D8, D8)), _wspec((1, D8)),
                  _wspec((D8, D8)), _wspec((1, D8)),
                  _wspec((D8, 128)), _wspec((1, 128)),
                  _wspec((D8, 128)), _wspec((1, 128))],
        out_specs=[_epk, _epk],
        out_shape=[_PK, _PK],
        compiler_params=pltpu.CompilerParams(
            dimension_semantics=("parallel",)),
    )(a8, s0lo, s0hi, ex8, wv8, bv8, ua8, ul8, uh8, ub18, uw28, ub28,
      w18, b18, w2lo, b2lo, w2hi, b2hi)


def _k5(a8, s0lo, s0hi, s1lo, s1hi, ex8, wv8, bv8, ua8, ul8, uh8, ub18,
        uw28, ub28, va8, vl8, vh8, vb18, vw28, vb28, ha8, hb8, hb18,
        hw28, hb28, hw38, hb38):
    def body(a_ref, s0lo_ref, s0hi_ref, s1lo_ref, s1hi_ref, ex_ref,
             wv_ref, bv_ref, ua_ref, ul_ref, uh_ref, ub1_ref, uw2_ref,
             ub2_ref, va_ref, vl_ref, vh_ref, vb1_ref, vw2_ref, vb2_ref,
             ha_ref, hbw_ref, hb1_ref, hw2_ref, hb2_ref, hw3_ref,
             hb3_ref, v_ref):
        hidden = _dot(a_ref[...], ex_ref[...]) * wv_ref[...] + bv_ref[...]
        pre = (_dot(hidden, ua_ref[...]) + _dot(s0lo_ref[...], ul_ref[...])
               + _dot(s0hi_ref[...], uh_ref[...]) + ub1_ref[...])
        new1 = _dot(_lrelu(pre), uw2_ref[...]) + ub2_ref[...]
        pre1 = (_dot(new1, va_ref[...]) + _dot(s1lo_ref[...], vl_ref[...])
                + _dot(s1hi_ref[...], vh_ref[...]) + vb1_ref[...])
        new2 = _dot(_lrelu(pre1), vw2_ref[...]) + vb2_ref[...]
        f1 = _lrelu(_dot(hidden, ha_ref[...]) + _dot(new2, hbw_ref[...])
                    + hb1_ref[...])
        f2 = _lrelu(_dot(f1, hw2_ref[...]) + hb2_ref[...])
        v_ref[...] = _dot(f2, hw3_ref[...]) + hb3_ref[...]

    return pl.pallas_call(
        body,
        grid=(GRID,),
        in_specs=[_a8, _epk, _epk, _epk, _epk, _wspec((8, D8)),
                  _wspec((1, D8)), _wspec((1, D8)),
                  _wspec((D8, D8)), _wspec((128, D8)), _wspec((128, D8)),
                  _wspec((1, D8)), _wspec((D8, D8)), _wspec((1, D8)),
                  _wspec((D8, D8)), _wspec((128, D8)), _wspec((128, D8)),
                  _wspec((1, D8)), _wspec((D8, D8)), _wspec((1, D8)),
                  _wspec((D8, D8)), _wspec((D8, D8)), _wspec((1, D8)),
                  _wspec((D8, D8)), _wspec((1, D8)),
                  _wspec((D8, 8)), _wspec((1, 8))],
        out_specs=[_a8],
        out_shape=[jax.ShapeDtypeStruct((EPAD // 8, 8), jnp.float32)],
        compiler_params=pltpu.CompilerParams(
            dimension_semantics=("parallel",)),
    )(a8, s0lo, s0hi, s1lo, s1hi, ex8, wv8, bv8, ua8, ul8, uh8, ub18,
      uw28, ub28, va8, vl8, vh8, vb18, vw28, vb28, ha8, hb8, hb18,
      hw28, hb28, hw38, hb38)[0]



def _sc_segsum_gather(tr_lo, tr_hi, src, z_tab):

    @functools.partial(
        pl.kernel,
        out_type=(jax.ShapeDtypeStruct((EPAD, H), jnp.float32),) * 2,
        mesh=_mesh(),
        scratch_types=[
            pltpu.VMEM((SCH,), jnp.int32),
            pltpu.VMEM((SCH,), jnp.int32),
            pltpu.VMEM((SCH, H), jnp.float32),
            pltpu.VMEM((SCH, H), jnp.float32),
            pltpu.VMEM_SHARED((NPAD, H), jnp.float32),
            pltpu.SemaphoreType.DMA,
            pltpu.SemaphoreType.DMA,
            pltpu.SemaphoreType.DMA,
            pltpu.SemaphoreType.DMA,
        ],
        compiler_params=pltpu.CompilerParams(use_tc_tiling_on_sc=False),
    )
    def k(lo_hbm, hi_hbm, idx_hbm, z_hbm, olo_hbm, ohi_hbm,
          ib0, ib1, rb0, rb1, table, semL0, semL1, semS0, semS1):
        c = lax.axis_index("c")
        s = lax.axis_index("s")
        pltpu.sync_copy(z_hbm.at[pl.ds(s * ROWS, ROWS)],
                        table.at[pl.ds(s * ROWS, ROWS)])
        plsc.subcore_barrier()

        def esl(i):
            return pl.ds(s * EPC + i * SCH, SCH)

        def accum(tr_hbm):
            def load(i, ib, rb, sem):
                pltpu.async_copy(idx_hbm.at[esl(i)], ib, sem)
                pltpu.async_copy(tr_hbm.at[esl(i)], rb, sem)

            def wait_load(i, ib, rb, sem):
                pltpu.make_async_copy(idx_hbm.at[esl(i)], ib, sem).wait()
                pltpu.make_async_copy(tr_hbm.at[esl(i)], rb, sem).wait()

            load(0, ib0, rb0, semL0)

            @pl.loop(0, NSCH, step=2)
            def _(i):
                load(i + 1, ib1, rb1, semL1)
                wait_load(i, ib0, rb0, semL0)
                pltpu.sync_copy(rb0, table.at[ib0], add=True)

                @pl.when(i + 2 < NSCH)
                def _():
                    load(i + 2, ib0, rb0, semL0)

                wait_load(i + 1, ib1, rb1, semL1)
                pltpu.sync_copy(rb1, table.at[ib1], add=True)

        @pl.when(c == 0)
        def _():
            accum(lo_hbm)

        @pl.when(c == 1)
        def _():
            accum(hi_hbm)

        plsc.subcore_barrier()

        def gather(out_hbm):
            def loadi(i, ib, sem):
                pltpu.async_copy(idx_hbm.at[esl(i)], ib, sem)

            def wait_loadi(i, ib, sem):
                pltpu.make_async_copy(idx_hbm.at[esl(i)], ib, sem).wait()

            def wait_store(i, rb, sem):
                pltpu.make_async_copy(rb, out_hbm.at[esl(i)], sem).wait()

            loadi(0, ib0, semL0)

            @pl.loop(0, NSCH, step=2)
            def _(i):
                loadi(i + 1, ib1, semL1)
                wait_loadi(i, ib0, semL0)

                @pl.when(i >= 2)
                def _():
                    wait_store(i - 2, rb0, semS0)

                pltpu.sync_copy(table.at[ib0], rb0)
                pltpu.async_copy(rb0, out_hbm.at[esl(i)], semS0)

                @pl.when(i + 2 < NSCH)
                def _():
                    loadi(i + 2, ib0, semL0)

                wait_loadi(i + 1, ib1, semL1)

                @pl.when(i >= 2)
                def _():
                    wait_store(i - 1, rb1, semS1)

                pltpu.sync_copy(table.at[ib1], rb1)
                pltpu.async_copy(rb1, out_hbm.at[esl(i + 1)], semS1)

            wait_store(NSCH - 2, rb0, semS0)
            wait_store(NSCH - 1, rb1, semS1)

        @pl.when(c == 0)
        def _():
            gather(olo_hbm)

        @pl.when(c == 1)
        def _():
            gather(ohi_hbm)

    return k(tr_lo, tr_hi, src, z_tab)


def _sc_softmax(v, src, z_vec):

    @functools.partial(
        pl.kernel,
        out_type=jax.ShapeDtypeStruct((EPAD,), jnp.float32),
        mesh=_mesh(),
        scratch_types=[
            pltpu.VMEM((CHUNK,), jnp.float32),
            pltpu.VMEM((CHUNK,), jnp.float32),
            pltpu.VMEM((CHUNK,), jnp.int32),
            pltpu.VMEM((CHUNK,), jnp.int32),
            pltpu.VMEM((CHUNK,), jnp.float32),
            pltpu.VMEM((CHUNK,), jnp.float32),
            pltpu.VMEM((CHUNK,), jnp.float32),
            pltpu.VMEM((CHUNK,), jnp.float32),
            pltpu.VMEM((SLICE,), jnp.float32),
            pltpu.VMEM((SLICE,), jnp.float32),
            pltpu.VMEM_SHARED((NPAD,), jnp.float32),
            pltpu.VMEM_SHARED((NPAD,), jnp.float32),
            pltpu.VMEM_SHARED((NPAD,), jnp.float32),
            pltpu.SemaphoreType.DMA,
            pltpu.SemaphoreType.DMA,
            pltpu.SemaphoreType.DMA,
            pltpu.SemaphoreType.DMA,
        ],
        compiler_params=pltpu.CompilerParams(use_tc_tiling_on_sc=False),
    )
    def k(v_hbm, idx_hbm, z_hbm, out_hbm,
          vb0, vb1, ib0, ib1, eb0, eb1, gbuf, ones, sbuf, cbuf,
          vsum, cnt, denom, semL0, semL1, semS0, semS1):
        c = lax.axis_index("c")
        s = lax.axis_index("s")
        own = (s < NS // 2) == (c == 0)
        base_n = s * SLICE
        nsl = pl.ds(base_n, SLICE)

        def esl(i):
            return pl.ds(s * EPC + i * CHUNK, CHUNK)

        def load(src_hbm, i, vb, ib, sem):
            pltpu.async_copy(src_hbm.at[esl(i)], vb, sem)
            pltpu.async_copy(idx_hbm.at[esl(i)], ib, sem)

        def wait_load(src_hbm, i, vb, ib, sem):
            pltpu.make_async_copy(src_hbm.at[esl(i)], vb, sem).wait()
            pltpu.make_async_copy(idx_hbm.at[esl(i)], ib, sem).wait()

        pltpu.sync_copy(z_hbm.at[nsl], vsum.at[nsl])
        pltpu.sync_copy(z_hbm.at[nsl], cnt.at[nsl])
        pltpu.sync_copy(z_hbm.at[nsl], denom.at[nsl])

        @pl.loop(0, CHUNK, step=LANES)
        def _(j):
            ones[pl.ds(j, LANES)] = jnp.ones((LANES,), jnp.float32)

        plsc.subcore_barrier()

        load(v_hbm, 0, vb0, ib0, semL0)

        @pl.loop(0, NCHUNK, step=2)
        def _(i):
            load(v_hbm, i + 1, vb1, ib1, semL1)
            wait_load(v_hbm, i, vb0, ib0, semL0)
            pltpu.sync_copy(vb0, vsum.at[ib0], add=True)
            pltpu.sync_copy(ones, cnt.at[ib0], add=True)

            @pl.when(i + 2 < NCHUNK)
            def _():
                load(v_hbm, i + 2, vb0, ib0, semL0)

            wait_load(v_hbm, i + 1, vb1, ib1, semL1)
            pltpu.sync_copy(vb1, vsum.at[ib1], add=True)
            pltpu.sync_copy(ones, cnt.at[ib1], add=True)

        plsc.subcore_barrier()

        pltpu.sync_copy(vsum.at[nsl], sbuf)
        pltpu.sync_copy(cnt.at[nsl], cbuf)

        @pl.loop(0, SLICE, step=LANES)
        def _(j):
            sl = pl.ds(j, LANES)
            sbuf[sl] = sbuf[sl] / jnp.maximum(cbuf[sl], 1.0)

        pltpu.sync_copy(sbuf, vsum.at[nsl])
        plsc.subcore_barrier()

        def phase_b(i, vb, ib, eb, semS):
            pltpu.sync_copy(vsum.at[ib], gbuf)

            @pl.loop(0, CHUNK, step=LANES)
            def _(k2):
                sl = pl.ds(k2, LANES)
                eb[sl] = jnp.exp(vb[sl] - gbuf[sl])

            pltpu.sync_copy(eb, denom.at[ib], add=True)

            @pl.when(own)
            def _():
                pltpu.async_copy(eb, out_hbm.at[esl(i)], semS)

        def wait_store(i, eb, sem):
            @pl.when(own)
            def _():
                pltpu.make_async_copy(eb, out_hbm.at[esl(i)], sem).wait()

        load(v_hbm, 0, vb0, ib0, semL0)

        @pl.loop(0, NCHUNK, step=2)
        def _(i):
            load(v_hbm, i + 1, vb1, ib1, semL1)
            wait_load(v_hbm, i, vb0, ib0, semL0)

            @pl.when(i >= 2)
            def _():
                wait_store(i - 2, eb0, semS0)

            phase_b(i, vb0, ib0, eb0, semS0)

            @pl.when(i + 2 < NCHUNK)
            def _():
                load(v_hbm, i + 2, vb0, ib0, semL0)

            wait_load(v_hbm, i + 1, vb1, ib1, semL1)

            @pl.when(i >= 2)
            def _():
                wait_store(i - 1, eb1, semS1)

            phase_b(i + 1, vb1, ib1, eb1, semS1)

        wait_store(NCHUNK - 2, eb0, semS0)
        wait_store(NCHUNK - 1, eb1, semS1)
        plsc.subcore_barrier()

        def hsl(i):
            return pl.ds(c * (EPAD // 2) + s * EPCH + i * CHUNK, CHUNK)

        def loadh(i, vb, ib, sem):
            pltpu.async_copy(out_hbm.at[hsl(i)], vb, sem)
            pltpu.async_copy(idx_hbm.at[hsl(i)], ib, sem)

        def wait_loadh(i, vb, ib, sem):
            pltpu.make_async_copy(out_hbm.at[hsl(i)], vb, sem).wait()
            pltpu.make_async_copy(idx_hbm.at[hsl(i)], ib, sem).wait()

        def phase_c(i, vb, ib, eb, semS):
            pltpu.sync_copy(denom.at[ib], gbuf)

            @pl.loop(0, CHUNK, step=LANES)
            def _(k2):
                sl = pl.ds(k2, LANES)
                eb[sl] = vb[sl] / gbuf[sl]

            pltpu.async_copy(eb, out_hbm.at[hsl(i)], semS)

        def wait_storeh(i, eb, sem):
            pltpu.make_async_copy(eb, out_hbm.at[hsl(i)], sem).wait()

        loadh(0, vb0, ib0, semL0)

        @pl.loop(0, NCHUNKH - 1, step=2)
        def _(i):
            loadh(i + 1, vb1, ib1, semL1)
            wait_loadh(i, vb0, ib0, semL0)

            @pl.when(i >= 2)
            def _():
                wait_storeh(i - 2, eb0, semS0)

            phase_c(i, vb0, ib0, eb0, semS0)

            @pl.when(i + 2 < NCHUNKH)
            def _():
                loadh(i + 2, vb0, ib0, semL0)

            wait_loadh(i + 1, vb1, ib1, semL1)

            @pl.when(i >= 2)
            def _():
                wait_storeh(i - 1, eb1, semS1)

            phase_c(i + 1, vb1, ib1, eb1, semS1)

        wait_loadh(NCHUNKH - 1, vb0, ib0, semL0)
        wait_storeh(NCHUNKH - 3, eb0, semS0)
        phase_c(NCHUNKH - 1, vb0, ib0, eb0, semS0)
        wait_storeh(NCHUNKH - 2, eb1, semS1)
        wait_storeh(NCHUNKH - 1, eb0, semS0)

    return k(v, src, z_vec)



def _bd8(w):
    return jax.scipy.linalg.block_diag(*([w] * 8))


def kernel(edge_attr, edge_index, wv, bv, t0_w1, t0_b1, t0_w2, t0_b2,
           u0_w1, u0_b1, u0_w2, u0_b2, t1_w1, t1_b1, t1_w2, t1_b2,
           u1_w1, u1_b1, u1_w2, u1_b2, h_w1, h_b1, h_w2, h_b2, h_w3,
           h_b3):
    src = jnp.pad(edge_index[0], (0, EPAD - E), constant_values=N)
    a8 = jnp.pad(edge_attr[:, 0], (0, EPAD - E)).reshape(EPAD // 8, 8)
    z_tab = jnp.zeros((NPAD, H), jnp.float32)
    z_vec = jnp.zeros((NPAD,), jnp.float32)

    t8 = lambda b: jnp.tile(b, 8)[None, :]
    ex8 = jnp.kron(jnp.eye(8, dtype=jnp.float32), jnp.ones((1, D), jnp.float32))
    wv8, bv8 = t8(wv[0]), t8(bv)

    unpk = lambda t: t.reshape(EPAD, H)
    pk = lambda t: t.reshape(EPAD // 8, 128)

    tr0lo, tr0hi = _k1(a8, ex8, wv8, bv8, _bd8(t0_w1), t8(t0_b1),
                       _bd8(t0_w2[:, :H]), t8(t0_b2[:H]),
                       _bd8(t0_w2[:, H:]), t8(t0_b2[H:]))
    sg0lo, sg0hi = _sc_segsum_gather(unpk(tr0lo), unpk(tr0hi), src, z_tab)
    sg0lo, sg0hi = pk(sg0lo), pk(sg0hi)
    tr1lo, tr1hi = _k3(a8, sg0lo, sg0hi, ex8, wv8, bv8,
                       _bd8(u0_w1[:D]), _bd8(u0_w1[D:D + H]),
                       _bd8(u0_w1[D + H:]), t8(u0_b1), _bd8(u0_w2),
                       t8(u0_b2),
                       _bd8(t1_w1), t8(t1_b1),
                       _bd8(t1_w2[:, :H]), t8(t1_b2[:H]),
                       _bd8(t1_w2[:, H:]), t8(t1_b2[H:]))
    sg1lo, sg1hi = _sc_segsum_gather(unpk(tr1lo), unpk(tr1hi), src, z_tab)
    sg1lo, sg1hi = pk(sg1lo), pk(sg1hi)
    v = _k5(a8, sg0lo, sg0hi, sg1lo, sg1hi, ex8, wv8, bv8,
            _bd8(u0_w1[:D]), _bd8(u0_w1[D:D + H]), _bd8(u0_w1[D + H:]),
            t8(u0_b1), _bd8(u0_w2), t8(u0_b2),
            _bd8(u1_w1[:D]), _bd8(u1_w1[D:D + H]), _bd8(u1_w1[D + H:]),
            t8(u1_b1), _bd8(u1_w2), t8(u1_b2),
            _bd8(h_w1[:D]), _bd8(h_w1[D:]), t8(h_b1),
            _bd8(h_w2), t8(h_b2), _bd8(h_w3), t8(h_b3))
    votes = _sc_softmax(v.reshape(EPAD), src, z_vec)
    return votes[:E, None]

# --- scband reference (transcript-rebuilt; emitter-appended) ---
"""Pipeline reference for scband-deep-set-strategy-model-30365418782904 (READ-ONLY COPY).

The authoritative reference and input builder live on the scoring server;
editing this copy changes nothing except your own understanding.
"""

import jax, jax.numpy as jnp
import numpy as np

N = 100000
E = 1600000
D = 32

def _lrelu(x):
    return jnp.where(x >= 0, x, 0.01 * x)

def setup_inputs(seed: int = 0):
    key = jax.random.key(seed)
    ks = jax.random.split(key, 30)
    def w(i, shape):
        fan_in = shape[0]
        return ((jax.random.uniform(ks[i], shape, dtype=jnp.float32) * 2.0 - 1.0) / np.sqrt(fan_in)).astype(jnp.float32)
    z = lambda n: jnp.zeros((n,), jnp.float32)
    inp = {}
    inp["edge_attr"] = jax.random.normal(ks[0], (E, 1), dtype=jnp.float32)
    inp["edge_index"] = jax.random.randint(ks[1], (2, E), 0, N, dtype=jnp.int32)
    inp["wv"] = w(2, (1, D)); inp["bv"] = z(D)
    inp["t0_w1"] = w(3, (D, D)); inp["t0_b1"] = z(D)
    inp["t0_w2"] = w(4, (D, D)); inp["t0_b2"] = z(D)
    inp["u0_w1"] = w(5, (2 * D, D)); inp["u0_b1"] = z(D)
    inp["u0_w2"] = w(6, (D, D)); inp["u0_b2"] = z(D)
    inp["t1_w1"] = w(7, (D, D)); inp["t1_b1"] = z(D)
    inp["t1_w2"] = w(8, (D, D)); inp["t1_b2"] = z(D)
    inp["u1_w1"] = w(9, (2 * D, D)); inp["u1_b1"] = z(D)
    inp["u1_w2"] = w(10, (D, D)); inp["u1_b2"] = z(D)
    inp["h_w1"] = w(11, (2 * D, D)); inp["h_b1"] = z(D)
    inp["h_w2"] = w(12, (D, D)); inp["h_b2"] = z(D)
    inp["h_w3"] = w(13, (D, 1)); inp["h_b3"] = z(1)
    return inp

def reference(edge_attr, edge_index, wv, bv, t0_w1, t0_b1, t0_w2, t0_b2, u0_w1, u0_b1, u0_w2, u0_b2, t1_w1, t1_b1, t1_w2, t1_b2, u1_w1, u1_b1, u1_w2, u1_b2, h_w1, h_b1, h_w2, h_b2, h_w3, h_b3):
    src = edge_index[0]
    hidden = edge_attr @ wv + bv
    new = hidden
    layers = [(t0_w1, t0_b1, t0_w2, t0_b2, u0_w1, u0_b1, u0_w2, u0_b2),
              (t1_w1, t1_b1, t1_w2, t1_b2, u1_w1, u1_b1, u1_w2, u1_b2)]
    for tw1, tb1, tw2, tb2, uw1, ub1, uw2, ub2 in layers:
        tr = _lrelu(new @ tw1 + tb1) @ tw2 + tb2
        s = jax.ops.segment_sum(tr, src, num_segments=N)
        aggr = jnp.concatenate([new, s[src]], axis=-1)
        new = _lrelu(aggr @ uw1 + ub1) @ uw2 + ub2
    final = jnp.concatenate([hidden, new], axis=-1)
    v = _lrelu(final @ h_w1 + h_b1)
    v = _lrelu(v @ h_w2 + h_b2)
    values = v @ h_w3 + h_b3
    vflat = values[:, 0]
    seg_max = jax.ops.segment_max(vflat, src, num_segments=N)
    ex = jnp.exp(vflat - seg_max[src])
    denom = jax.ops.segment_sum(ex, src, num_segments=N)
    votes = (ex / denom[src])[:, None] * 1.0
    return votes

if __name__ == "__main__":
    import jax
    _d = setup_inputs()
    print(jax.jit(kernel)(*tuple(_d.values())))

</pallas_src>

<mosaic_0001>
#map = affine_map<(d0, d1) -> (0, 0)>
#map1 = affine_map<(d0, d1) -> (0)>
module attributes {stable_mosaic.version = 14 : i64} {
  func.func @k(%arg0: i32, %arg1: i32, %arg2: memref<1638400x16xf32, #tpu.memory_space<hbm>>, %arg3: memref<1638400x16xf32, #tpu.memory_space<hbm>>, %arg4: memref<1638400xi32, #tpu.memory_space<hbm>>, %arg5: memref<102400x16xf32, #tpu.memory_space<hbm>>, %arg6: memref<1638400x16xf32, #tpu.memory_space<hbm>>, %arg7: memref<1638400x16xf32, #tpu.memory_space<hbm>>, %arg8: memref<512xi32, #tpu.memory_space<vmem>>, %arg9: memref<512xi32, #tpu.memory_space<vmem>>, %arg10: memref<512x16xf32, #tpu.memory_space<vmem>>, %arg11: memref<512x16xf32, #tpu.memory_space<vmem>>, %arg12: memref<102400x16xf32, #tpu.memory_space<vmem_shared>>, %arg13: memref<!tpu.dma_semaphore, #tpu.memory_space<semaphore_mem>>, %arg14: memref<!tpu.dma_semaphore, #tpu.memory_space<semaphore_mem>>, %arg15: memref<!tpu.dma_semaphore, #tpu.memory_space<semaphore_mem>>, %arg16: memref<!tpu.dma_semaphore, #tpu.memory_space<semaphore_mem>>) attributes {dimension_semantics = [#tpu.dimension_semantics<core_parallel>, #tpu.dimension_semantics<subcore_parallel>], iteration_bounds = array<i64: 2, 16>, scalar_prefetch = 0 : i64, scratch_operands = 9 : i64, tpu.core_type = #tpu.core_type<sc_vector_subcore>, window_params = [{transform_indices = #map}, {transform_indices = #map}, {transform_indices = #map1}, {transform_indices = #map}, {transform_indices = #map}, {transform_indices = #map}]} {
    %mul3A = arith.constant 6400 : i32
    %mul3A_0 = arith.muli %arg1, %mul3A : i32
    %mul3A_1 = arith.constant 6400 : i32
    %mul3A_2 = arith.muli %arg1, %mul3A_1 : i32
    "tpu.region"() ({
      %run_scoped3A = tpu.sem_alloc : memref<!tpu.dma_semaphore, #tpu.memory_space<semaphore_mem>>
      %dma_start3A = arith.constant 0 : i32
      %dma_start3A_21 = tpu.memref_slice %arg12[%mul3A_2, %dma_start3A] : memref<102400x16xf32, #tpu.memory_space<vmem_shared>> -> memref<6400x16xf32, #tpu.memory_space<vmem_shared>>
      %dma_start3A_22 = arith.constant 0 : i32
      %dma_start3A_23 = tpu.memref_slice %arg5[%mul3A_0, %dma_start3A_22] : memref<102400x16xf32, #tpu.memory_space<hbm>> -> memref<6400x16xf32, #tpu.memory_space<hbm>>
      tpu.enqueue_dma source(%dma_start3A_23 : memref<6400x16xf32, #tpu.memory_space<hbm>>) target(%dma_start3A_21 : memref<6400x16xf32, #tpu.memory_space<vmem_shared>>) target_semaphore(%run_scoped3A : memref<!tpu.dma_semaphore, #tpu.memory_space<semaphore_mem>>)
      %dma_wait3A = arith.constant 0 : i32
      %dma_wait3A_24 = tpu.memref_slice %arg12[%mul3A_2, %dma_wait3A] : memref<102400x16xf32, #tpu.memory_space<vmem_shared>> -> memref<6400x16xf32, #tpu.memory_space<vmem_shared>>
      %dma_wait3A_25 = arith.constant 0 : i32
      %dma_wait3A_26 = tpu.memref_slice %arg5[%mul3A_0, %dma_wait3A_25] : memref<102400x16xf32, #tpu.memory_space<hbm>> -> memref<6400x16xf32, #tpu.memory_space<hbm>>
      tpu.wait_dma2 semaphore(%run_scoped3A : memref<!tpu.dma_semaphore, #tpu.memory_space<semaphore_mem>>) src(%dma_wait3A_26 : memref<6400x16xf32, #tpu.memory_space<hbm>>) dst(%dma_wait3A_24 : memref<6400x16xf32, #tpu.memory_space<vmem_shared>>)
      tpu.yield
    }) : () -> ()
    %barrier3A = arith.constant 0 : index
    tpu.barrier barrier_id(%barrier3A)
    %eq3A = arith.constant 0 : i32
    %eq3A_3 = arith.cmpi eq, %arg0, %eq3A : i32
    %convert_element_type3A = arith.extui %eq3A_3 : i1 to i32
    %cond3A = arith.constant 0 : i32
    %cond3A_4 = arith.cmpi ne, %convert_element_type3A, %cond3A : i32
    scf.if %cond3A_4 {
      %mul3A_21 = arith.constant 102400 : i32
      %mul3A_22 = arith.muli %arg1, %mul3A_21 : i32
      %add3A = arith.constant 0 : i32
      %add3A_23 = arith.addi %mul3A_22, %add3A : i32
      %dma_start3A = tpu.memref_slice %arg4[%add3A_23] : memref<1638400xi32, #tpu.memory_space<hbm>> -> memref<512xi32, #tpu.memory_space<hbm>>
      %dma_start3A_24 = tpu.memref_slice %arg4[%add3A_23] : memref<1638400xi32, #tpu.memory_space<hbm>> -> memref<512xi32, #tpu.memory_space<hbm>>
      tpu.enqueue_dma source(%dma_start3A_24 : memref<512xi32, #tpu.memory_space<hbm>>) target(%arg8 : memref<512xi32, #tpu.memory_space<vmem>>) target_semaphore(%arg13 : memref<!tpu.dma_semaphore, #tpu.memory_space<semaphore_mem>>)
      %mul3A_25 = arith.constant 102400 : i32
      %mul3A_26 = arith.muli %arg1, %mul3A_25 : i32
      %add3A_27 = arith.constant 0 : i32
      %add3A_28 = arith.addi %mul3A_26, %add3A_27 : i32
      %dma_start3A_29 = arith.constant 0 : i32
      %dma_start3A_30 = tpu.memref_slice %arg2[%add3A_28, %dma_start3A_29] : memref<1638400x16xf32, #tpu.memory_space<hbm>> -> memref<512x16xf32, #tpu.memory_space<hbm>>
      %dma_start3A_31 = arith.constant 0 : i32
      %dma_start3A_32 = tpu.memref_slice %arg2[%add3A_28, %dma_start3A_31] : memref<1638400x16xf32, #tpu.memory_space<hbm>> -> memref<512x16xf32, #tpu.memory_space<hbm>>
      tpu.enqueue_dma source(%dma_start3A_32 : memref<512x16xf32, #tpu.memory_space<hbm>>) target(%arg10 : memref<512x16xf32, #tpu.memory_space<vmem>>) target_semaphore(%arg13 : memref<!tpu.dma_semaphore, #tpu.memory_space<semaphore_mem>>)
      %scan3A = arith.constant 0 : i32
      %scan3A_33 = arith.constant 100 : i32
      %scan3A_34 = arith.addi %scan3A, %scan3A_33 : i32
      %scan3A_35 = arith.constant 1 : i32
      scf.for %scan3A_37 = %scan3A to %scan3A_34 step %scan3A_35  : i32 {
        %mul3A_38 = arith.constant 2 : i32
        %mul3A_39 = arith.muli %scan3A_37, %mul3A_38 : i32
        %add3A_40 = arith.constant 0 : i32
        %add3A_41 = arith.addi %add3A_40, %mul3A_39 : i32
        %add3A_42 = arith.constant 1 : i32
        %add3A_43 = arith.addi %add3A_41, %add3A_42 : i32
        %mul3A_44 = arith.constant 102400 : i32
        %mul3A_45 = arith.muli %arg1, %mul3A_44 : i32
        %mul3A_46 = arith.constant 512 : i32
        %mul3A_47 = arith.muli %add3A_43, %mul3A_46 : i32
        %add3A_48 = arith.addi %mul3A_45, %mul3A_47 : i32
        %dma_start3A_49 = tpu.memref_slice %arg4[%add3A_48] : memref<1638400xi32, #tpu.memory_space<hbm>> -> memref<512xi32, #tpu.memory_space<hbm>>
        %dma_start3A_50 = tpu.memref_slice %arg4[%add3A_48] : memref<1638400xi32, #tpu.memory_space<hbm>> -> memref<512xi32, #tpu.memory_space<hbm>>
        tpu.enqueue_dma source(%dma_start3A_50 : memref<512xi32, #tpu.memory_space<hbm>>) target(%arg9 : memref<512xi32, #tpu.memory_space<vmem>>) target_semaphore(%arg14 : memref<!tpu.dma_semaphore, #tpu.memory_space<semaphore_mem>>)
        %mul3A_51 = arith.constant 102400 : i32
        %mul3A_52 = arith.muli %arg1, %mul3A_51 : i32
        %mul3A_53 = arith.constant 512 : i32
        %mul3A_54 = arith.muli %add3A_43, %mul3A_53 : i32
        %add3A_55 = arith.addi %mul3A_52, %mul3A_54 : i32
        %dma_start3A_56 = arith.constant 0 : i32
        %dma_start3A_57 = tpu.memref_slice %arg2[%add3A_55, %dma_start3A_56] : memref<1638400x16xf32, #tpu.memory_space<hbm>> -> memref<512x16xf32, #tpu.memory_space<hbm>>
        %dma_start3A_58 = arith.constant 0 : i32
        %dma_start3A_59 = tpu.memref_slice %arg2[%add3A_55, %dma_start3A_58] : memref<1638400x16xf32, #tpu.memory_space<hbm>> -> memref<512x16xf32, #tpu.memory_space<hbm>>
        tpu.enqueue_dma source(%dma_start3A_59 : memref<512x16xf32, #tpu.memory_space<hbm>>) target(%arg11 : memref<512x16xf32, #tpu.memory_space<vmem>>) target_semaphore(%arg14 : memref<!tpu.dma_semaphore, #tpu.memory_space<semaphore_mem>>)
        %mul3A_60 = arith.constant 102400 : i32
        %mul3A_61 = arith.muli %arg1, %mul3A_60 : i32
        %mul3A_62 = arith.constant 512 : i32
        %mul3A_63 = arith.muli %add3A_41, %mul3A_62 : i32
        %add3A_64 = arith.addi %mul3A_61, %mul3A_63 : i32
        %dma_wait3A = tpu.memref_slice %arg4[%add3A_64] : memref<1638400xi32, #tpu.memory_space<hbm>> -> memref<512xi32, #tpu.memory_space<hbm>>
        %dma_wait3A_65 = tpu.memref_slice %arg4[%add3A_64] : memref<1638400xi32, #tpu.memory_space<hbm>> -> memref<512xi32, #tpu.memory_space<hbm>>
        tpu.wait_dma2 semaphore(%arg13 : memref<!tpu.dma_semaphore, #tpu.memory_space<semaphore_mem>>) src(%dma_wait3A_65 : memref<512xi32, #tpu.memory_space<hbm>>) dst(%arg8 : memref<512xi32, #tpu.memory_space<vmem>>)
        %mul3A_66 = arith.constant 102400 : i32
        %mul3A_67 = arith.muli %arg1, %mul3A_66 : i32
        %mul3A_68 = arith.constant 512 : i32
        %mul3A_69 = arith.muli %add3A_41, %mul3A_68 : i32
        %add3A_70 = arith.addi %mul3A_67, %mul3A_69 : i32
        %dma_wait3A_71 = arith.constant 0 : i32
        %dma_wait3A_72 = tpu.memref_slice %arg2[%add3A_70, %dma_wait3A_71] : memref<1638400x16xf32, #tpu.memory_space<hbm>> -> memref<512x16xf32, #tpu.memory_space<hbm>>
        %dma_wait3A_73 = arith.constant 0 : i32
        %dma_wait3A_74 = tpu.memref_slice %arg2[%add3A_70, %dma_wait3A_73] : memref<1638400x16xf32, #tpu.memory_space<hbm>> -> memref<512x16xf32, #tpu.memory_space<hbm>>
        tpu.wait_dma2 semaphore(%arg13 : memref<!tpu.dma_semaphore, #tpu.memory_space<semaphore_mem>>) src(%dma_wait3A_74 : memref<512x16xf32, #tpu.memory_space<hbm>>) dst(%arg10 : memref<512x16xf32, #tpu.memory_space<vmem>>)
        "tpu.region"() ({
          %run_scoped3A = tpu.sem_alloc : memref<!tpu.dma_semaphore, #tpu.memory_space<semaphore_mem>>
          %dma_start3A_99 = arith.constant 0 : i32
          %dma_start3A_100 = arith.constant 0 : i32
          %dma_start3A_101 = tpu.memref_slice %arg12[%dma_start3A_99, %dma_start3A_100] : memref<102400x16xf32, #tpu.memory_space<vmem_shared>> -> memref<102400x16xf32, #tpu.memory_space<vmem_shared>>
          tpu.enqueue_indirect_dma source(%arg10 : memref<512x16xf32, #tpu.memory_space<vmem>>) target(%dma_start3A_101 : memref<102400x16xf32, #tpu.memory_space<vmem_shared>>) offsets(%arg8 : memref<512xi32, #tpu.memory_space<vmem>>) semaphore(%run_scoped3A : memref<!tpu.dma_semaphore, #tpu.memory_space<semaphore_mem>>) {add = true}
          %dma_wait3A_102 = arith.constant 0 : i32
          %dma_wait3A_103 = arith.constant 0 : i32
          %dma_wait3A_104 = tpu.memref_slice %arg12[%dma_wait3A_102, %dma_wait3A_103] : memref<102400x16xf32, #tpu.memory_space<vmem_shared>> -> memref<102400x16xf32, #tpu.memory_space<vmem_shared>>
          tpu.wait_indirect_dma semaphore(%run_scoped3A : memref<!tpu.dma_semaphore, #tpu.memory_space<semaphore_mem>>) src(%arg10 : memref<512x16xf32, #tpu.memory_space<vmem>>) dst(%dma_wait3A_104 : memref<102400x16xf32, #tpu.memory_space<vmem_shared>>)
          tpu.yield
        }) : () -> ()
        %add3A_75 = arith.constant 2 : i32
        %add3A_76 = arith.addi %add3A_41, %add3A_75 : i32
        %lt3A = arith.constant 200 : i32
        %lt3A_77 = arith.cmpi slt, %add3A_76, %lt3A : i32
        %convert_element_type3A_78 = arith.extui %lt3A_77 : i1 to i32
        %cond3A_79 = arith.constant 0 : i32
        %cond3A_80 = arith.cmpi ne, %convert_element_type3A_78, %cond3A_79 : i32
        scf.if %cond3A_80 {
          %add3A_99 = arith.constant 2 : i32
          %add3A_100 = arith.addi %add3A_41, %add3A_99 : i32
          %mul3A_101 = arith.constant 102400 : i32
          %mul3A_102 = arith.muli %arg1, %mul3A_101 : i32
          %mul3A_103 = arith.constant 512 : i32
          %mul3A_104 = arith.muli %add3A_100, %mul3A_103 : i32
          %add3A_105 = arith.addi %mul3A_102, %mul3A_104 : i32
          %dma_start3A_106 = tpu.memref_slice %arg4[%add3A_105] : memref<1638400xi32, #tpu.memory_space<hbm>> -> memref<512xi32, #tpu.memory_space<hbm>>
          %dma_start3A_107 = tpu.memref_slice %arg4[%add3A_105] : memref<1638400xi32, #tpu.memory_space<hbm>> -> memref<512xi32, #tpu.memory_space<hbm>>
          tpu.enqueue_dma source(%dma_start3A_107 : memref<512xi32, #tpu.memory_space<hbm>>) target(%arg8 : memref<512xi32, #tpu.memory_space<vmem>>) target_semaphore(%arg13 : memref<!tpu.dma_semaphore, #tpu.memory_space<semaphore_mem>>)
          %mul3A_108 = arith.constant 102400 : i32
          %mul3A_109 = arith.muli %arg1, %mul3A_108 : i32
          %mul3A_110 = arith.constant 512 : i32
          %mul3A_111 = arith.muli %add3A_100, %mul3A_110 : i32
          %add3A_112 = arith.addi %mul3A_109, %mul3A_111 : i32
          %dma_start3A_113 = arith.constant 0 : i32
          %dma_start3A_114 = tpu.memref_slice %arg2[%add3A_112, %dma_start3A_113] : memref<1638400x16xf32, #tpu.memory_space<hbm>> -> memref<512x16xf32, #tpu.memory_space<hbm>>
          %dma_start3A_115 = arith.constant 0 : i32
          %dma_start3A_116 = tpu.memref_slice %arg2[%add3A_112, %dma_start3A_115] : memref<1638400x16xf32, #tpu.memory_space<hbm>> -> memref<512x16xf32, #tpu.memory_space<hbm>>
          tpu.enqueue_dma source(%dma_start3A_116 : memref<512x16xf32, #tpu.memory_space<hbm>>) target(%arg10 : memref<512x16xf32, #tpu.memory_space<vmem>>) target_semaphore(%arg13 : memref<!tpu.dma_semaphore, #tpu.memory_space<semaphore_mem>>)
        } else {
        }
        %add3A_81 = arith.constant 1 : i32
        %add3A_82 = arith.addi %add3A_41, %add3A_81 : i32
        %mul3A_83 = arith.constant 102400 : i32
        %mul3A_84 = arith.muli %arg1, %mul3A_83 : i32
        %mul3A_85 = arith.constant 512 : i32
        %mul3A_86 = arith.muli %add3A_82, %mul3A_85 : i32
        %add3A_87 = arith.addi %mul3A_84, %mul3A_86 : i32
        %dma_wait3A_88 = tpu.memref_slice %arg4[%add3A_87] : memref<1638400xi32, #tpu.memory_space<hbm>> -> memref<512xi32, #tpu.memory_space<hbm>>
        %dma_wait3A_89 = tpu.memref_slice %arg4[%add3A_87] : memref<1638400xi32, #tpu.memory_space<hbm>> -> memref<512xi32, #tpu.memory_space<hbm>>
        tpu.wait_dma2 semaphore(%arg14 : memref<!tpu.dma_semaphore, #tpu.memory_space<semaphore_mem>>) src(%dma_wait3A_89 : memref<512xi32, #tpu.memory_space<hbm>>) dst(%arg9 : memref<512xi32, #tpu.memory_space<vmem>>)
        %mul3A_90 = arith.constant 102400 : i32
        %mul3A_91 = arith.muli %arg1, %mul3A_90 : i32
        %mul3A_92 = arith.constant 512 : i32
        %mul3A_93 = arith.muli %add3A_82, %mul3A_92 : i32
        %add3A_94 = arith.addi %mul3A_91, %mul3A_93 : i32
        %dma_wait3A_95 = arith.constant 0 : i32
        %dma_wait3A_96 = tpu.memref_slice %arg2[%add3A_94, %dma_wait3A_95] : memref<1638400x16xf32, #tpu.memory_space<hbm>> -> memref<512x16xf32, #tpu.memory_space<hbm>>
        %dma_wait3A_97 = arith.constant 0 : i32
        %dma_wait3A_98 = tpu.memref_slice %arg2[%add3A_94, %dma_wait3A_97] : memref<1638400x16xf32, #tpu.memory_space<hbm>> -> memref<512x16xf32, #tpu.memory_space<hbm>>
        tpu.wait_dma2 semaphore(%arg14 : memref<!tpu.dma_semaphore, #tpu.memory_space<semaphore_mem>>) src(%dma_wait3A_98 : memref<512x16xf32, #tpu.memory_space<hbm>>) dst(%arg11 : memref<512x16xf32, #tpu.memory_space<vmem>>)
        "tpu.region"() ({
          %run_scoped3A = tpu.sem_alloc : memref<!tpu.dma_semaphore, #tpu.memory_space<semaphore_mem>>
          %dma_start3A_99 = arith.constant 0 : i32
          %dma_start3A_100 = arith.constant 0 : i32
          %dma_start3A_101 = tpu.memref_slice %arg12[%dma_start3A_99, %dma_start3A_100] : memref<102400x16xf32, #tpu.memory_space<vmem_shared>> -> memref<102400x16xf32, #tpu.memory_space<vmem_shared>>
          tpu.enqueue_indirect_dma source(%arg11 : memref<512x16xf32, #tpu.memory_space<vmem>>) target(%dma_start3A_101 : memref<102400x16xf32, #tpu.memory_space<vmem_shared>>) offsets(%arg9 : memref<512xi32, #tpu.memory_space<vmem>>) semaphore(%run_scoped3A : memref<!tpu.dma_semaphore, #tpu.memory_space<semaphore_mem>>) {add = true}
          %dma_wait3A_102 = arith.constant 0 : i32
          %dma_wait3A_103 = arith.constant 0 : i32
          %dma_wait3A_104 = tpu.memref_slice %arg12[%dma_wait3A_102, %dma_wait3A_103] : memref<102400x16xf32, #tpu.memory_space<vmem_shared>> -> memref<102400x16xf32, #tpu.memory_space<vmem_shared>>
          tpu.wait_indirect_dma semaphore(%run_scoped3A : memref<!tpu.dma_semaphore, #tpu.memory_space<semaphore_mem>>) src(%arg11 : memref<512x16xf32, #tpu.memory_space<vmem>>) dst(%dma_wait3A_104 : memref<102400x16xf32, #tpu.memory_space<vmem_shared>>)
          tpu.yield
        }) : () -> ()
      }
      %scan3A_36 = arith.constant 100 : i32
    } else {
    }
    %eq3A_5 = arith.constant 1 : i32
    %eq3A_6 = arith.cmpi eq, %arg0, %eq3A_5 : i32
    %convert_element_type3A_7 = arith.extui %eq3A_6 : i1 to i32
    %cond3A_8 = arith.constant 0 : i32
    %cond3A_9 = arith.cmpi ne, %convert_element_type3A_7, %cond3A_8 : i32
    scf.if %cond3A_9 {
      %mul3A_21 = arith.constant 102400 : i32
      %mul3A_22 = arith.muli %arg1, %mul3A_21 : i32
      %add3A = arith.constant 0 : i32
      %add3A_23 = arith.addi %mul3A_22, %add3A : i32
      %dma_start3A = tpu.memref_slice %arg4[%add3A_23] : memref<1638400xi32, #tpu.memory_space<hbm>> -> memref<512xi32, #tpu.memory_space<hbm>>
      %dma_start3A_24 = tpu.memref_slice %arg4[%add3A_23] : memref<1638400xi32, #tpu.memory_space<hbm>> -> memref<512xi32, #tpu.memory_space<hbm>>
      tpu.enqueue_dma source(%dma_start3A_24 : memref<512xi32, #tpu.memory_space<hbm>>) target(%arg8 : memref<512xi32, #tpu.memory_space<vmem>>) target_semaphore(%arg13 : memref<!tpu.dma_semaphore, #tpu.memory_space<semaphore_mem>>)
      %mul3A_25 = arith.constant 102400 : i32
      %mul3A_26 = arith.muli %arg1, %mul3A_25 : i32
      %add3A_27 = arith.constant 0 : i32
      %add3A_28 = arith.addi %mul3A_26, %add3A_27 : i32
      %dma_start3A_29 = arith.constant 0 : i32
      %dma_start3A_30 = tpu.memref_slice %arg3[%add3A_28, %dma_start3A_29] : memref<1638400x16xf32, #tpu.memory_space<hbm>> -> memref<512x16xf32, #tpu.memory_space<hbm>>
      %dma_start3A_31 = arith.constant 0 : i32
      %dma_start3A_32 = tpu.memref_slice %arg3[%add3A_28, %dma_start3A_31] : memref<1638400x16xf32, #tpu.memory_space<hbm>> -> memref<512x16xf32, #tpu.memory_space<hbm>>
      tpu.enqueue_dma source(%dma_start3A_32 : memref<512x16xf32, #tpu.memory_space<hbm>>) target(%arg10 : memref<512x16xf32, #tpu.memory_space<vmem>>) target_semaphore(%arg13 : memref<!tpu.dma_semaphore, #tpu.memory_space<semaphore_mem>>)
      %scan3A = arith.constant 0 : i32
      %scan3A_33 = arith.constant 100 : i32
      %scan3A_34 = arith.addi %scan3A, %scan3A_33 : i32
      %scan3A_35 = arith.constant 1 : i32
      scf.for %scan3A_37 = %scan3A to %scan3A_34 step %scan3A_35  : i32 {
        %mul3A_38 = arith.constant 2 : i32
        %mul3A_39 = arith.muli %scan3A_37, %mul3A_38 : i32
        %add3A_40 = arith.constant 0 : i32
        %add3A_41 = arith.addi %add3A_40, %mul3A_39 : i32
        %add3A_42 = arith.constant 1 : i32
        %add3A_43 = arith.addi %add3A_41, %add3A_42 : i32
        %mul3A_44 = arith.constant 102400 : i32
        %mul3A_45 = arith.muli %arg1, %mul3A_44 : i32
        %mul3A_46 = arith.constant 512 : i32
        %mul3A_47 = arith.muli %add3A_43, %mul3A_46 : i32
        %add3A_48 = arith.addi %mul3A_45, %mul3A_47 : i32
        %dma_start3A_49 = tpu.memref_slice %arg4[%add3A_48] : memref<1638400xi32, #tpu.memory_space<hbm>> -> memref<512xi32, #tpu.memory_space<hbm>>
        %dma_start3A_50 = tpu.memref_slice %arg4[%add3A_48] : memref<1638400xi32, #tpu.memory_space<hbm>> -> memref<512xi32, #tpu.memory_space<hbm>>
        tpu.enqueue_dma source(%dma_start3A_50 : memref<512xi32, #tpu.memory_space<hbm>>) target(%arg9 : memref<512xi32, #tpu.memory_space<vmem>>) target_semaphore(%arg14 : memref<!tpu.dma_semaphore, #tpu.memory_space<semaphore_mem>>)
        %mul3A_51 = arith.constant 102400 : i32
        %mul3A_52 = arith.muli %arg1, %mul3A_51 : i32
        %mul3A_53 = arith.constant 512 : i32
        %mul3A_54 = arith.muli %add3A_43, %mul3A_53 : i32
        %add3A_55 = arith.addi %mul3A_52, %mul3A_54 : i32
        %dma_start3A_56 = arith.constant 0 : i32
        %dma_start3A_57 = tpu.memref_slice %arg3[%add3A_55, %dma_start3A_56] : memref<1638400x16xf32, #tpu.memory_space<hbm>> -> memref<512x16xf32, #tpu.memory_space<hbm>>
        %dma_start3A_58 = arith.constant 0 : i32
        %dma_start3A_59 = tpu.memref_slice %arg3[%add3A_55, %dma_start3A_58] : memref<1638400x16xf32, #tpu.memory_space<hbm>> -> memref<512x16xf32, #tpu.memory_space<hbm>>
        tpu.enqueue_dma source(%dma_start3A_59 : memref<512x16xf32, #tpu.memory_space<hbm>>) target(%arg11 : memref<512x16xf32, #tpu.memory_space<vmem>>) target_semaphore(%arg14 : memref<!tpu.dma_semaphore, #tpu.memory_space<semaphore_mem>>)
        %mul3A_60 = arith.constant 102400 : i32
        %mul3A_61 = arith.muli %arg1, %mul3A_60 : i32
        %mul3A_62 = arith.constant 512 : i32
        %mul3A_63 = arith.muli %add3A_41, %mul3A_62 : i32
        %add3A_64 = arith.addi %mul3A_61, %mul3A_63 : i32
        %dma_wait3A = tpu.memref_slice %arg4[%add3A_64] : memref<1638400xi32, #tpu.memory_space<hbm>> -> memref<512xi32, #tpu.memory_space<hbm>>
        %dma_wait3A_65 = tpu.memref_slice %arg4[%add3A_64] : memref<1638400xi32, #tpu.memory_space<hbm>> -> memref<512xi32, #tpu.memory_space<hbm>>
        tpu.wait_dma2 semaphore(%arg13 : memref<!tpu.dma_semaphore, #tpu.memory_space<semaphore_mem>>) src(%dma_wait3A_65 : memref<512xi32, #tpu.memory_space<hbm>>) dst(%arg8 : memref<512xi32, #tpu.memory_space<vmem>>)
        %mul3A_66 = arith.constant 102400 : i32
        %mul3A_67 = arith.muli %arg1, %mul3A_66 : i32
        %mul3A_68 = arith.constant 512 : i32
        %mul3A_69 = arith.muli %add3A_41, %mul3A_68 : i32
        %add3A_70 = arith.addi %mul3A_67, %mul3A_69 : i32
        %dma_wait3A_71 = arith.constant 0 : i32
        %dma_wait3A_72 = tpu.memref_slice %arg3[%add3A_70, %dma_wait3A_71] : memref<1638400x16xf32, #tpu.memory_space<hbm>> -> memref<512x16xf32, #tpu.memory_space<hbm>>
        %dma_wait3A_73 = arith.constant 0 : i32
        %dma_wait3A_74 = tpu.memref_slice %arg3[%add3A_70, %dma_wait3A_73] : memref<1638400x16xf32, #tpu.memory_space<hbm>> -> memref<512x16xf32, #tpu.memory_space<hbm>>
        tpu.wait_dma2 semaphore(%arg13 : memref<!tpu.dma_semaphore, #tpu.memory_space<semaphore_mem>>) src(%dma_wait3A_74 : memref<512x16xf32, #tpu.memory_space<hbm>>) dst(%arg10 : memref<512x16xf32, #tpu.memory_space<vmem>>)
        "tpu.region"() ({
          %run_scoped3A = tpu.sem_alloc : memref<!tpu.dma_semaphore, #tpu.memory_space<semaphore_mem>>
          %dma_start3A_99 = arith.constant 0 : i32
          %dma_start3A_100 = arith.constant 0 : i32
          %dma_start3A_101 = tpu.memref_slice %arg12[%dma_start3A_99, %dma_start3A_100] : memref<102400x16xf32, #tpu.memory_space<vmem_shared>> -> memref<102400x16xf32, #tpu.memory_space<vmem_shared>>
          tpu.enqueue_indirect_dma source(%arg10 : memref<512x16xf32, #tpu.memory_space<vmem>>) target(%dma_start3A_101 : memref<102400x16xf32, #tpu.memory_space<vmem_shared>>) offsets(%arg8 : memref<512xi32, #tpu.memory_space<vmem>>) semaphore(%run_scoped3A : memref<!tpu.dma_semaphore, #tpu.memory_space<semaphore_mem>>) {add = true}
          %dma_wait3A_102 = arith.constant 0 : i32
          %dma_wait3A_103 = arith.constant 0 : i32
          %dma_wait3A_104 = tpu.memref_slice %arg12[%dma_wait3A_102, %dma_wait3A_103] : memref<102400x16xf32, #tpu.memory_space<vmem_shared>> -> memref<102400x16xf32, #tpu.memory_space<vmem_shared>>
          tpu.wait_indirect_dma semaphore(%run_scoped3A : memref<!tpu.dma_semaphore, #tpu.memory_space<semaphore_mem>>) src(%arg10 : memref<512x16xf32, #tpu.memory_space<vmem>>) dst(%dma_wait3A_104 : memref<102400x16xf32, #tpu.memory_space<vmem_shared>>)
          tpu.yield
        }) : () -> ()
        %add3A_75 = arith.constant 2 : i32
        %add3A_76 = arith.addi %add3A_41, %add3A_75 : i32
        %lt3A = arith.constant 200 : i32
        %lt3A_77 = arith.cmpi slt, %add3A_76, %lt3A : i32
        %convert_element_type3A_78 = arith.extui %lt3A_77 : i1 to i32
        %cond3A_79 = arith.constant 0 : i32
        %cond3A_80 = arith.cmpi ne, %convert_element_type3A_78, %cond3A_79 : i32
        scf.if %cond3A_80 {
          %add3A_99 = arith.constant 2 : i32
          %add3A_100 = arith.addi %add3A_41, %add3A_99 : i32
          %mul3A_101 = arith.constant 102400 : i32
          %mul3A_102 = arith.muli %arg1, %mul3A_101 : i32
          %mul3A_103 = arith.constant 512 : i32
          %mul3A_104 = arith.muli %add3A_100, %mul3A_103 : i32
          %add3A_105 = arith.addi %mul3A_102, %mul3A_104 : i32
          %dma_start3A_106 = tpu.memref_slice %arg4[%add3A_105] : memref<1638400xi32, #tpu.memory_space<hbm>> -> memref<512xi32, #tpu.memory_space<hbm>>
          %dma_start3A_107 = tpu.memref_slice %arg4[%add3A_105] : memref<1638400xi32, #tpu.memory_space<hbm>> -> memref<512xi32, #tpu.memory_space<hbm>>
          tpu.enqueue_dma source(%dma_start3A_107 : memref<512xi32, #tpu.memory_space<hbm>>) target(%arg8 : memref<512xi32, #tpu.memory_space<vmem>>) target_semaphore(%arg13 : memref<!tpu.dma_semaphore, #tpu.memory_space<semaphore_mem>>)
          %mul3A_108 = arith.constant 102400 : i32
          %mul3A_109 = arith.muli %arg1, %mul3A_108 : i32
          %mul3A_110 = arith.constant 512 : i32
          %mul3A_111 = arith.muli %add3A_100, %mul3A_110 : i32
          %add3A_112 = arith.addi %mul3A_109, %mul3A_111 : i32
          %dma_start3A_113 = arith.constant 0 : i32
          %dma_start3A_114 = tpu.memref_slice %arg3[%add3A_112, %dma_start3A_113] : memref<1638400x16xf32, #tpu.memory_space<hbm>> -> memref<512x16xf32, #tpu.memory_space<hbm>>
          %dma_start3A_115 = arith.constant 0 : i32
          %dma_start3A_116 = tpu.memref_slice %arg3[%add3A_112, %dma_start3A_115] : memref<1638400x16xf32, #tpu.memory_space<hbm>> -> memref<512x16xf32, #tpu.memory_space<hbm>>
          tpu.enqueue_dma source(%dma_start3A_116 : memref<512x16xf32, #tpu.memory_space<hbm>>) target(%arg10 : memref<512x16xf32, #tpu.memory_space<vmem>>) target_semaphore(%arg13 : memref<!tpu.dma_semaphore, #tpu.memory_space<semaphore_mem>>)
        } else {
        }
        %add3A_81 = arith.constant 1 : i32
        %add3A_82 = arith.addi %add3A_41, %add3A_81 : i32
        %mul3A_83 = arith.constant 102400 : i32
        %mul3A_84 = arith.muli %arg1, %mul3A_83 : i32
        %mul3A_85 = arith.constant 512 : i32
        %mul3A_86 = arith.muli %add3A_82, %mul3A_85 : i32
        %add3A_87 = arith.addi %mul3A_84, %mul3A_86 : i32
        %dma_wait3A_88 = tpu.memref_slice %arg4[%add3A_87] : memref<1638400xi32, #tpu.memory_space<hbm>> -> memref<512xi32, #tpu.memory_space<hbm>>
        %dma_wait3A_89 = tpu.memref_slice %arg4[%add3A_87] : memref<1638400xi32, #tpu.memory_space<hbm>> -> memref<512xi32, #tpu.memory_space<hbm>>
        tpu.wait_dma2 semaphore(%arg14 : memref<!tpu.dma_semaphore, #tpu.memory_space<semaphore_mem>>) src(%dma_wait3A_89 : memref<512xi32, #tpu.memory_space<hbm>>) dst(%arg9 : memref<512xi32, #tpu.memory_space<vmem>>)
        %mul3A_90 = arith.constant 102400 : i32
        %mul3A_91 = arith.muli %arg1, %mul3A_90 : i32
        %mul3A_92 = arith.constant 512 : i32
        %mul3A_93 = arith.muli %add3A_82, %mul3A_92 : i32
        %add3A_94 = arith.addi %mul3A_91, %mul3A_93 : i32
        %dma_wait3A_95 = arith.constant 0 : i32
        %dma_wait3A_96 = tpu.memref_slice %arg3[%add3A_94, %dma_wait3A_95] : memref<1638400x16xf32, #tpu.memory_space<hbm>> -> memref<512x16xf32, #tpu.memory_space<hbm>>
        %dma_wait3A_97 = arith.constant 0 : i32
        %dma_wait3A_98 = tpu.memref_slice %arg3[%add3A_94, %dma_wait3A_97] : memref<1638400x16xf32, #tpu.memory_space<hbm>> -> memref<512x16xf32, #tpu.memory_space<hbm>>
        tpu.wait_dma2 semaphore(%arg14 : memref<!tpu.dma_semaphore, #tpu.memory_space<semaphore_mem>>) src(%dma_wait3A_98 : memref<512x16xf32, #tpu.memory_space<hbm>>) dst(%arg11 : memref<512x16xf32, #tpu.memory_space<vmem>>)
        "tpu.region"() ({
          %run_scoped3A = tpu.sem_alloc : memref<!tpu.dma_semaphore, #tpu.memory_space<semaphore_mem>>
          %dma_start3A_99 = arith.constant 0 : i32
          %dma_start3A_100 = arith.constant 0 : i32
          %dma_start3A_101 = tpu.memref_slice %arg12[%dma_start3A_99, %dma_start3A_100] : memref<102400x16xf32, #tpu.memory_space<vmem_shared>> -> memref<102400x16xf32, #tpu.memory_space<vmem_shared>>
          tpu.enqueue_indirect_dma source(%arg11 : memref<512x16xf32, #tpu.memory_space<vmem>>) target(%dma_start3A_101 : memref<102400x16xf32, #tpu.memory_space<vmem_shared>>) offsets(%arg9 : memref<512xi32, #tpu.memory_space<vmem>>) semaphore(%run_scoped3A : memref<!tpu.dma_semaphore, #tpu.memory_space<semaphore_mem>>) {add = true}
          %dma_wait3A_102 = arith.constant 0 : i32
          %dma_wait3A_103 = arith.constant 0 : i32
          %dma_wait3A_104 = tpu.memref_slice %arg12[%dma_wait3A_102, %dma_wait3A_103] : memref<102400x16xf32, #tpu.memory_space<vmem_shared>> -> memref<102400x16xf32, #tpu.memory_space<vmem_shared>>
          tpu.wait_indirect_dma semaphore(%run_scoped3A : memref<!tpu.dma_semaphore, #tpu.memory_space<semaphore_mem>>) src(%arg11 : memref<512x16xf32, #tpu.memory_space<vmem>>) dst(%dma_wait3A_104 : memref<102400x16xf32, #tpu.memory_space<vmem_shared>>)
          tpu.yield
        }) : () -> ()
      }
      %scan3A_36 = arith.constant 100 : i32
    } else {
    }
    %barrier3A_10 = arith.constant 0 : index
    tpu.barrier barrier_id(%barrier3A_10)
    %eq3A_11 = arith.constant 0 : i32
    %eq3A_12 = arith.cmpi eq, %arg0, %eq3A_11 : i32
    %convert_element_type3A_13 = arith.extui %eq3A_12 : i1 to i32
    %cond3A_14 = arith.constant 0 : i32
    %cond3A_15 = arith.cmpi ne, %convert_element_type3A_13, %cond3A_14 : i32
    scf.if %cond3A_15 {
      %mul3A_21 = arith.constant 102400 : i32
      %mul3A_22 = arith.muli %arg1, %mul3A_21 : i32
      %add3A = arith.constant 0 : i32
      %add3A_23 = arith.addi %mul3A_22, %add3A : i32
      %dma_start3A = tpu.memref_slice %arg4[%add3A_23] : memref<1638400xi32, #tpu.memory_space<hbm>> -> memref<512xi32, #tpu.memory_space<hbm>>
      %dma_start3A_24 = tpu.memref_slice %arg4[%add3A_23] : memref<1638400xi32, #tpu.memory_space<hbm>> -> memref<512xi32, #tpu.memory_space<hbm>>
      tpu.enqueue_dma source(%dma_start3A_24 : memref<512xi32, #tpu.memory_space<hbm>>) target(%arg8 : memref<512xi32, #tpu.memory_space<vmem>>) target_semaphore(%arg13 : memref<!tpu.dma_semaphore, #tpu.memory_space<semaphore_mem>>)
      %scan3A = arith.constant 0 : i32
      %scan3A_25 = arith.constant 100 : i32
      %scan3A_26 = arith.addi %scan3A, %scan3A_25 : i32
      %scan3A_27 = arith.constant 1 : i32
      scf.for %scan3A_44 = %scan3A to %scan3A_26 step %scan3A_27  : i32 {
        %mul3A_45 = arith.constant 2 : i32
        %mul3A_46 = arith.muli %scan3A_44, %mul3A_45 : i32
        %add3A_47 = arith.constant 0 : i32
        %add3A_48 = arith.addi %add3A_47, %mul3A_46 : i32
        %add3A_49 = arith.constant 1 : i32
        %add3A_50 = arith.addi %add3A_48, %add3A_49 : i32
        %mul3A_51 = arith.constant 102400 : i32
        %mul3A_52 = arith.muli %arg1, %mul3A_51 : i32
        %mul3A_53 = arith.constant 512 : i32
        %mul3A_54 = arith.muli %add3A_50, %mul3A_53 : i32
        %add3A_55 = arith.addi %mul3A_52, %mul3A_54 : i32
        %dma_start3A_56 = tpu.memref_slice %arg4[%add3A_55] : memref<1638400xi32, #tpu.memory_space<hbm>> -> memref<512xi32, #tpu.memory_space<hbm>>
        %dma_start3A_57 = tpu.memref_slice %arg4[%add3A_55] : memref<1638400xi32, #tpu.memory_space<hbm>> -> memref<512xi32, #tpu.memory_space<hbm>>
        tpu.enqueue_dma source(%dma_start3A_57 : memref<512xi32, #tpu.memory_space<hbm>>) target(%arg9 : memref<512xi32, #tpu.memory_space<vmem>>) target_semaphore(%arg14 : memref<!tpu.dma_semaphore, #tpu.memory_space<semaphore_mem>>)
        %mul3A_58 = arith.constant 102400 : i32
        %mul3A_59 = arith.muli %arg1, %mul3A_58 : i32
        %mul3A_60 = arith.constant 512 : i32
        %mul3A_61 = arith.muli %add3A_48, %mul3A_60 : i32
        %add3A_62 = arith.addi %mul3A_59, %mul3A_61 : i32
        %dma_wait3A_63 = tpu.memref_slice %arg4[%add3A_62] : memref<1638400xi32, #tpu.memory_space<hbm>> -> memref<512xi32, #tpu.memory_space<hbm>>
        %dma_wait3A_64 = tpu.memref_slice %arg4[%add3A_62] : memref<1638400xi32, #tpu.memory_space<hbm>> -> memref<512xi32, #tpu.memory_space<hbm>>
        tpu.wait_dma2 semaphore(%arg13 : memref<!tpu.dma_semaphore, #tpu.memory_space<semaphore_mem>>) src(%dma_wait3A_64 : memref<512xi32, #tpu.memory_space<hbm>>) dst(%arg8 : memref<512xi32, #tpu.memory_space<vmem>>)
        %ge3A = arith.constant 2 : i32
        %ge3A_65 = arith.cmpi sge, %add3A_48, %ge3A : i32
        %convert_element_type3A_66 = arith.extui %ge3A_65 : i1 to i32
        %cond3A_67 = arith.constant 0 : i32
        %cond3A_68 = arith.cmpi ne, %convert_element_type3A_66, %cond3A_67 : i32
        scf.if %cond3A_68 {
          %sub3A = arith.constant 2 : i32
          %sub3A_109 = arith.subi %add3A_48, %sub3A : i32
          %mul3A_110 = arith.constant 102400 : i32
          %mul3A_111 = arith.muli %arg1, %mul3A_110 : i32
          %mul3A_112 = arith.constant 512 : i32
          %mul3A_113 = arith.muli %sub3A_109, %mul3A_112 : i32
          %add3A_114 = arith.addi %mul3A_111, %mul3A_113 : i32
          %dma_wait3A_115 = arith.constant 0 : i32
          %dma_wait3A_116 = tpu.memref_slice %arg6[%add3A_114, %dma_wait3A_115] : memref<1638400x16xf32, #tpu.memory_space<hbm>> -> memref<512x16xf32, #tpu.memory_space<hbm>>
          %dma_wait3A_117 = arith.constant 0 : i32
          %dma_wait3A_118 = tpu.memref_slice %arg6[%add3A_114, %dma_wait3A_117] : memref<1638400x16xf32, #tpu.memory_space<hbm>> -> memref<512x16xf32, #tpu.memory_space<hbm>>
          tpu.wait_dma2 semaphore(%arg15 : memref<!tpu.dma_semaphore, #tpu.memory_space<semaphore_mem>>) src(%arg10 : memref<512x16xf32, #tpu.memory_space<vmem>>) dst(%dma_wait3A_118 : memref<512x16xf32, #tpu.memory_space<hbm>>)
        } else {
        }
        "tpu.region"() ({
          %run_scoped3A = tpu.sem_alloc : memref<!tpu.dma_semaphore, #tpu.memory_space<semaphore_mem>>
          %dma_start3A_109 = arith.constant 0 : i32
          %dma_start3A_110 = arith.constant 0 : i32
          %dma_start3A_111 = tpu.memref_slice %arg12[%dma_start3A_109, %dma_start3A_110] : memref<102400x16xf32, #tpu.memory_space<vmem_shared>> -> memref<102400x16xf32, #tpu.memory_space<vmem_shared>>
          tpu.enqueue_indirect_dma source(%dma_start3A_111 : memref<102400x16xf32, #tpu.memory_space<vmem_shared>>) target(%arg10 : memref<512x16xf32, #tpu.memory_space<vmem>>) offsets(%arg8 : memref<512xi32, #tpu.memory_space<vmem>>) semaphore(%run_scoped3A : memref<!tpu.dma_semaphore, #tpu.memory_space<semaphore_mem>>)
          %dma_wait3A_112 = arith.constant 0 : i32
          %dma_wait3A_113 = arith.constant 0 : i32
          %dma_wait3A_114 = tpu.memref_slice %arg12[%dma_wait3A_112, %dma_wait3A_113] : memref<102400x16xf32, #tpu.memory_space<vmem_shared>> -> memref<102400x16xf32, #tpu.memory_space<vmem_shared>>
          tpu.wait_indirect_dma semaphore(%run_scoped3A : memref<!tpu.dma_semaphore, #tpu.memory_space<semaphore_mem>>) src(%dma_wait3A_114 : memref<102400x16xf32, #tpu.memory_space<vmem_shared>>) dst(%arg10 : memref<512x16xf32, #tpu.memory_space<vmem>>)
          tpu.yield
        }) : () -> ()
        %mul3A_69 = arith.constant 102400 : i32
        %mul3A_70 = arith.muli %arg1, %mul3A_69 : i32
        %mul3A_71 = arith.constant 512 : i32
        %mul3A_72 = arith.muli %add3A_48, %mul3A_71 : i32
        %add3A_73 = arith.addi %mul3A_70, %mul3A_72 : i32
        %dma_start3A_74 = arith.constant 0 : i32
        %dma_start3A_75 = tpu.memref_slice %arg6[%add3A_73, %dma_start3A_74] : memref<1638400x16xf32, #tpu.memory_space<hbm>> -> memref<512x16xf32, #tpu.memory_space<hbm>>
        %dma_start3A_76 = arith.constant 0 : i32
        %dma_start3A_77 = tpu.memref_slice %arg6[%add3A_73, %dma_start3A_76] : memref<1638400x16xf32, #tpu.memory_space<hbm>> -> memref<512x16xf32, #tpu.memory_space<hbm>>
        tpu.enqueue_dma source(%arg10 : memref<512x16xf32, #tpu.memory_space<vmem>>) target(%dma_start3A_77 : memref<512x16xf32, #tpu.memory_space<hbm>>) target_semaphore(%arg15 : memref<!tpu.dma_semaphore, #tpu.memory_space<semaphore_mem>>)
        %add3A_78 = arith.constant 2 : i32
        %add3A_79 = arith.addi %add3A_48, %add3A_78 : i32
        %lt3A = arith.constant 200 : i32
        %lt3A_80 = arith.cmpi slt, %add3A_79, %lt3A : i32
        %convert_element_type3A_81 = arith.extui %lt3A_80 : i1 to i32
        %cond3A_82 = arith.constant 0 : i32
        %cond3A_83 = arith.cmpi ne, %convert_element_type3A_81, %cond3A_82 : i32
        scf.if %cond3A_83 {
          %add3A_109 = arith.constant 2 : i32
          %add3A_110 = arith.addi %add3A_48, %add3A_109 : i32
          %mul3A_111 = arith.constant 102400 : i32
          %mul3A_112 = arith.muli %arg1, %mul3A_111 : i32
          %mul3A_113 = arith.constant 512 : i32
          %mul3A_114 = arith.muli %add3A_110, %mul3A_113 : i32
          %add3A_115 = arith.addi %mul3A_112, %mul3A_114 : i32
          %dma_start3A_116 = tpu.memref_slice %arg4[%add3A_115] : memref<1638400xi32, #tpu.memory_space<hbm>> -> memref<512xi32, #tpu.memory_space<hbm>>
          %dma_start3A_117 = tpu.memref_slice %arg4[%add3A_115] : memref<1638400xi32, #tpu.memory_space<hbm>> -> memref<512xi32, #tpu.memory_space<hbm>>
          tpu.enqueue_dma source(%dma_start3A_117 : memref<512xi32, #tpu.memory_space<hbm>>) target(%arg8 : memref<512xi32, #tpu.memory_space<vmem>>) target_semaphore(%arg13 : memref<!tpu.dma_semaphore, #tpu.memory_space<semaphore_mem>>)
        } else {
        }
        %add3A_84 = arith.constant 1 : i32
        %add3A_85 = arith.addi %add3A_48, %add3A_84 : i32
        %mul3A_86 = arith.constant 102400 : i32
        %mul3A_87 = arith.muli %arg1, %mul3A_86 : i32
        %mul3A_88 = arith.constant 512 : i32
        %mul3A_89 = arith.muli %add3A_85, %mul3A_88 : i32
        %add3A_90 = arith.addi %mul3A_87, %mul3A_89 : i32
        %dma_wait3A_91 = tpu.memref_slice %arg4[%add3A_90] : memref<1638400xi32, #tpu.memory_space<hbm>> -> memref<512xi32, #tpu.memory_space<hbm>>
        %dma_wait3A_92 = tpu.memref_slice %arg4[%add3A_90] : memref<1638400xi32, #tpu.memory_space<hbm>> -> memref<512xi32, #tpu.memory_space<hbm>>
        tpu.wait_dma2 semaphore(%arg14 : memref<!tpu.dma_semaphore, #tpu.memory_space<semaphore_mem>>) src(%dma_wait3A_92 : memref<512xi32, #tpu.memory_space<hbm>>) dst(%arg9 : memref<512xi32, #tpu.memory_space<vmem>>)
        %ge3A_93 = arith.constant 2 : i32
        %ge3A_94 = arith.cmpi sge, %add3A_48, %ge3A_93 : i32
        %convert_element_type3A_95 = arith.extui %ge3A_94 : i1 to i32
        %cond3A_96 = arith.constant 0 : i32
        %cond3A_97 = arith.cmpi ne, %convert_element_type3A_95, %cond3A_96 : i32
        scf.if %cond3A_97 {
          %sub3A = arith.constant 1 : i32
          %sub3A_109 = arith.subi %add3A_48, %sub3A : i32
          %mul3A_110 = arith.constant 102400 : i32
          %mul3A_111 = arith.muli %arg1, %mul3A_110 : i32
          %mul3A_112 = arith.constant 512 : i32
          %mul3A_113 = arith.muli %sub3A_109, %mul3A_112 : i32
          %add3A_114 = arith.addi %mul3A_111, %mul3A_113 : i32
          %dma_wait3A_115 = arith.constant 0 : i32
          %dma_wait3A_116 = tpu.memref_slice %arg6[%add3A_114, %dma_wait3A_115] : memref<1638400x16xf32, #tpu.memory_space<hbm>> -> memref<512x16xf32, #tpu.memory_space<hbm>>
          %dma_wait3A_117 = arith.constant 0 : i32
          %dma_wait3A_118 = tpu.memref_slice %arg6[%add3A_114, %dma_wait3A_117] : memref<1638400x16xf32, #tpu.memory_space<hbm>> -> memref<512x16xf32, #tpu.memory_space<hbm>>
          tpu.wait_dma2 semaphore(%arg16 : memref<!tpu.dma_semaphore, #tpu.memory_space<semaphore_mem>>) src(%arg11 : memref<512x16xf32, #tpu.memory_space<vmem>>) dst(%dma_wait3A_118 : memref<512x16xf32, #tpu.memory_space<hbm>>)
        } else {
        }
        "tpu.region"() ({
          %run_scoped3A = tpu.sem_alloc : memref<!tpu.dma_semaphore, #tpu.memory_space<semaphore_mem>>
          %dma_start3A_109 = arith.constant 0 : i32
          %dma_start3A_110 = arith.constant 0 : i32
          %dma_start3A_111 = tpu.memref_slice %arg12[%dma_start3A_109, %dma_start3A_110] : memref<102400x16xf32, #tpu.memory_space<vmem_shared>> -> memref<102400x16xf32, #tpu.memory_space<vmem_shared>>
          tpu.enqueue_indirect_dma source(%dma_start3A_111 : memref<102400x16xf32, #tpu.memory_space<vmem_shared>>) target(%arg11 : memref<512x16xf32, #tpu.memory_space<vmem>>) offsets(%arg9 : memref<512xi32, #tpu.memory_space<vmem>>) semaphore(%run_scoped3A : memref<!tpu.dma_semaphore, #tpu.memory_space<semaphore_mem>>)
          %dma_wait3A_112 = arith.constant 0 : i32
          %dma_wait3A_113 = arith.constant 0 : i32
          %dma_wait3A_114 = tpu.memref_slice %arg12[%dma_wait3A_112, %dma_wait3A_113] : memref<102400x16xf32, #tpu.memory_space<vmem_shared>> -> memref<102400x16xf32, #tpu.memory_space<vmem_shared>>
          tpu.wait_indirect_dma semaphore(%run_scoped3A : memref<!tpu.dma_semaphore, #tpu.memory_space<semaphore_mem>>) src(%dma_wait3A_114 : memref<102400x16xf32, #tpu.memory_space<vmem_shared>>) dst(%arg11 : memref<512x16xf32, #tpu.memory_space<vmem>>)
          tpu.yield
        }) : () -> ()
        %add3A_98 = arith.constant 1 : i32
        %add3A_99 = arith.addi %add3A_48, %add3A_98 : i32
        %mul3A_100 = arith.constant 102400 : i32
        %mul3A_101 = arith.muli %arg1, %mul3A_100 : i32
        %mul3A_102 = arith.constant 512 : i32
        %mul3A_103 = arith.muli %add3A_99, %mul3A_102 : i32
        %add3A_104 = arith.addi %mul3A_101, %mul3A_103 : i32
        %dma_start3A_105 = arith.constant 0 : i32
        %dma_start3A_106 = tpu.memref_slice %arg6[%add3A_104, %dma_start3A_105] : memref<1638400x16xf32, #tpu.memory_space<hbm>> -> memref<512x16xf32, #tpu.memory_space<hbm>>
        %dma_start3A_107 = arith.constant 0 : i32
        %dma_start3A_108 = tpu.memref_slice %arg6[%add3A_104, %dma_start3A_107] : memref<1638400x16xf32, #tpu.memory_space<hbm>> -> memref<512x16xf32, #tpu.memory_space<hbm>>
        tpu.enqueue_dma source(%arg11 : memref<512x16xf32, #tpu.memory_space<vmem>>) target(%dma_start3A_108 : memref<512x16xf32, #tpu.memory_space<hbm>>) target_semaphore(%arg16 : memref<!tpu.dma_semaphore, #tpu.memory_space<semaphore_mem>>)
      }
      %scan3A_28 = arith.constant 100 : i32
      %mul3A_29 = arith.constant 102400 : i32
      %mul3A_30 = arith.muli %arg1, %mul3A_29 : i32
      %add3A_31 = arith.constant 101376 : i32
      %add3A_32 = arith.addi %mul3A_30, %add3A_31 : i32
      %dma_wait3A = arith.constant 0 : i32
      %dma_wait3A_33 = tpu.memref_slice %arg6[%add3A_32, %dma_wait3A] : memref<1638400x16xf32, #tpu.memory_space<hbm>> -> memref<512x16xf32, #tpu.memory_space<hbm>>
      %dma_wait3A_34 = arith.constant 0 : i32
      %dma_wait3A_35 = tpu.memref_slice %arg6[%add3A_32, %dma_wait3A_34] : memref<1638400x16xf32, #tpu.memory_space<hbm>> -> memref<512x16xf32, #tpu.memory_space<hbm>>
      tpu.wait_dma2 semaphore(%arg15 : memref<!tpu.dma_semaphore, #tpu.memory_space<semaphore_mem>>) src(%arg10 : memref<512x16xf32, #tpu.memory_space<vmem>>) dst(%dma_wait3A_35 : memref<512x16xf32, #tpu.memory_space<hbm>>)
      %mul3A_36 = arith.constant 102400 : i32
      %mul3A_37 = arith.muli %arg1, %mul3A_36 : i32
      %add3A_38 = arith.constant 101888 : i32
      %add3A_39 = arith.addi %mul3A_37, %add3A_38 : i32
      %dma_wait3A_40 = arith.constant 0 : i32
      %dma_wait3A_41 = tpu.memref_slice %arg6[%add3A_39, %dma_wait3A_40] : memref<1638400x16xf32, #tpu.memory_space<hbm>> -> memref<512x16xf32, #tpu.memory_space<hbm>>
      %dma_wait3A_42 = arith.constant 0 : i32
      %dma_wait3A_43 = tpu.memref_slice %arg6[%add3A_39, %dma_wait3A_42] : memref<1638400x16xf32, #tpu.memory_space<hbm>> -> memref<512x16xf32, #tpu.memory_space<hbm>>
      tpu.wait_dma2 semaphore(%arg16 : memref<!tpu.dma_semaphore, #tpu.memory_space<semaphore_mem>>) src(%arg11 : memref<512x16xf32, #tpu.memory_space<vmem>>) dst(%dma_wait3A_43 : memref<512x16xf32, #tpu.memory_space<hbm>>)
    } else {
    }
    %eq3A_16 = arith.constant 1 : i32
    %eq3A_17 = arith.cmpi eq, %arg0, %eq3A_16 : i32
    %convert_element_type3A_18 = arith.extui %eq3A_17 : i1 to i32
    %cond3A_19 = arith.constant 0 : i32
    %cond3A_20 = arith.cmpi ne, %convert_element_type3A_18, %cond3A_19 : i32
    scf.if %cond3A_20 {
      %mul3A_21 = arith.constant 102400 : i32
      %mul3A_22 = arith.muli %arg1, %mul3A_21 : i32
      %add3A = arith.constant 0 : i32
      %add3A_23 = arith.addi %mul3A_22, %add3A : i32
      %dma_start3A = tpu.memref_slice %arg4[%add3A_23] : memref<1638400xi32, #tpu.memory_space<hbm>> -> memref<512xi32, #tpu.memory_space<hbm>>
      %dma_start3A_24 = tpu.memref_slice %arg4[%add3A_23] : memref<1638400xi32, #tpu.memory_space<hbm>> -> memref<512xi32, #tpu.memory_space<hbm>>
      tpu.enqueue_dma source(%dma_start3A_24 : memref<512xi32, #tpu.memory_space<hbm>>) target(%arg8 : memref<512xi32, #tpu.memory_space<vmem>>) target_semaphore(%arg13 : memref<!tpu.dma_semaphore, #tpu.memory_space<semaphore_mem>>)
      %scan3A = arith.constant 0 : i32
      %scan3A_25 = arith.constant 100 : i32
      %scan3A_26 = arith.addi %scan3A, %scan3A_25 : i32
      %scan3A_27 = arith.constant 1 : i32
      scf.for %scan3A_44 = %scan3A to %scan3A_26 step %scan3A_27  : i32 {
        %mul3A_45 = arith.constant 2 : i32
        %mul3A_46 = arith.muli %scan3A_44, %mul3A_45 : i32
        %add3A_47 = arith.constant 0 : i32
        %add3A_48 = arith.addi %add3A_47, %mul3A_46 : i32
        %add3A_49 = arith.constant 1 : i32
        %add3A_50 = arith.addi %add3A_48, %add3A_49 : i32
        %mul3A_51 = arith.constant 102400 : i32
        %mul3A_52 = arith.muli %arg1, %mul3A_51 : i32
        %mul3A_53 = arith.constant 512 : i32
        %mul3A_54 = arith.muli %add3A_50, %mul3A_53 : i32
        %add3A_55 = arith.addi %mul3A_52, %mul3A_54 : i32
        %dma_start3A_56 = tpu.memref_slice %arg4[%add3A_55] : memref<1638400xi32, #tpu.memory_space<hbm>> -> memref<512xi32, #tpu.memory_space<hbm>>
        %dma_start3A_57 = tpu.memref_slice %arg4[%add3A_55] : memref<1638400xi32, #tpu.memory_space<hbm>> -> memref<512xi32, #tpu.memory_space<hbm>>
        tpu.enqueue_dma source(%dma_start3A_57 : memref<512xi32, #tpu.memory_space<hbm>>) target(%arg9 : memref<512xi32, #tpu.memory_space<vmem>>) target_semaphore(%arg14 : memref<!tpu.dma_semaphore, #tpu.memory_space<semaphore_mem>>)
        %mul3A_58 = arith.constant 102400 : i32
        %mul3A_59 = arith.muli %arg1, %mul3A_58 : i32
        %mul3A_60 = arith.constant 512 : i32
        %mul3A_61 = arith.muli %add3A_48, %mul3A_60 : i32
        %add3A_62 = arith.addi %mul3A_59, %mul3A_61 : i32
        %dma_wait3A_63 = tpu.memref_slice %arg4[%add3A_62] : memref<1638400xi32, #tpu.memory_space<hbm>> -> memref<512xi32, #tpu.memory_space<hbm>>
        %dma_wait3A_64 = tpu.memref_slice %arg4[%add3A_62] : memref<1638400xi32, #tpu.memory_space<hbm>> -> memref<512xi32, #tpu.memory_space<hbm>>
        tpu.wait_dma2 semaphore(%arg13 : memref<!tpu.dma_semaphore, #tpu.memory_space<semaphore_mem>>) src(%dma_wait3A_64 : memref<512xi32, #tpu.memory_space<hbm>>) dst(%arg8 : memref<512xi32, #tpu.memory_space<vmem>>)
        %ge3A = arith.constant 2 : i32
        %ge3A_65 = arith.cmpi sge, %add3A_48, %ge3A : i32
        %convert_element_type3A_66 = arith.extui %ge3A_65 : i1 to i32
        %cond3A_67 = arith.constant 0 : i32
        %cond3A_68 = arith.cmpi ne, %convert_element_type3A_66, %cond3A_67 : i32
        scf.if %cond3A_68 {
          %sub3A = arith.constant 2 : i32
          %sub3A_109 = arith.subi %add3A_48, %sub3A : i32
          %mul3A_110 = arith.constant 102400 : i32
          %mul3A_111 = arith.muli %arg1, %mul3A_110 : i32
          %mul3A_112 = arith.constant 512 : i32
          %mul3A_113 = arith.muli %sub3A_109, %mul3A_112 : i32
          %add3A_114 = arith.addi %mul3A_111, %mul3A_113 : i32
          %dma_wait3A_115 = arith.constant 0 : i32
          %dma_wait3A_116 = tpu.memref_slice %arg7[%add3A_114, %dma_wait3A_115] : memref<1638400x16xf32, #tpu.memory_space<hbm>> -> memref<512x16xf32, #tpu.memory_space<hbm>>
          %dma_wait3A_117 = arith.constant 0 : i32
          %dma_wait3A_118 = tpu.memref_slice %arg7[%add3A_114, %dma_wait3A_117] : memref<1638400x16xf32, #tpu.memory_space<hbm>> -> memref<512x16xf32, #tpu.memory_space<hbm>>
          tpu.wait_dma2 semaphore(%arg15 : memref<!tpu.dma_semaphore, #tpu.memory_space<semaphore_mem>>) src(%arg10 : memref<512x16xf32, #tpu.memory_space<vmem>>) dst(%dma_wait3A_118 : memref<512x16xf32, #tpu.memory_space<hbm>>)
        } else {
        }
        "tpu.region"() ({
          %run_scoped3A = tpu.sem_alloc : memref<!tpu.dma_semaphore, #tpu.memory_space<semaphore_mem>>
          %dma_start3A_109 = arith.constant 0 : i32
          %dma_start3A_110 = arith.constant 0 : i32
          %dma_start3A_111 = tpu.memref_slice %arg12[%dma_start3A_109, %dma_start3A_110] : memref<102400x16xf32, #tpu.memory_space<vmem_shared>> -> memref<102400x16xf32, #tpu.memory_space<vmem_shared>>
          tpu.enqueue_indirect_dma source(%dma_start3A_111 : memref<102400x16xf32, #tpu.memory_space<vmem_shared>>) target(%arg10 : memref<512x16xf32, #tpu.memory_space<vmem>>) offsets(%arg8 : memref<512xi32, #tpu.memory_space<vmem>>) semaphore(%run_scoped3A : memref<!tpu.dma_semaphore, #tpu.memory_space<semaphore_mem>>)
          %dma_wait3A_112 = arith.constant 0 : i32
          %dma_wait3A_113 = arith.constant 0 : i32
          %dma_wait3A_114 = tpu.memref_slice %arg12[%dma_wait3A_112, %dma_wait3A_113] : memref<102400x16xf32, #tpu.memory_space<vmem_shared>> -> memref<102400x16xf32, #tpu.memory_space<vmem_shared>>
          tpu.wait_indirect_dma semaphore(%run_scoped3A : memref<!tpu.dma_semaphore, #tpu.memory_space<semaphore_mem>>) src(%dma_wait3A_114 : memref<102400x16xf32, #tpu.memory_space<vmem_shared>>) dst(%arg10 : memref<512x16xf32, #tpu.memory_space<vmem>>)
          tpu.yield
        }) : () -> ()
        %mul3A_69 = arith.constant 102400 : i32
        %mul3A_70 = arith.muli %arg1, %mul3A_69 : i32
        %mul3A_71 = arith.constant 512 : i32
        %mul3A_72 = arith.muli %add3A_48, %mul3A_71 : i32
        %add3A_73 = arith.addi %mul3A_70, %mul3A_72 : i32
        %dma_start3A_74 = arith.constant 0 : i32
        %dma_start3A_75 = tpu.memref_slice %arg7[%add3A_73, %dma_start3A_74] : memref<1638400x16xf32, #tpu.memory_space<hbm>> -> memref<512x16xf32, #tpu.memory_space<hbm>>
        %dma_start3A_76 = arith.constant 0 : i32
        %dma_start3A_77 = tpu.memref_slice %arg7[%add3A_73, %dma_start3A_76] : memref<1638400x16xf32, #tpu.memory_space<hbm>> -> memref<512x16xf32, #tpu.memory_space<hbm>>
        tpu.enqueue_dma source(%arg10 : memref<512x16xf32, #tpu.memory_space<vmem>>) target(%dma_start3A_77 : memref<512x16xf32, #tpu.memory_space<hbm>>) target_semaphore(%arg15 : memref<!tpu.dma_semaphore, #tpu.memory_space<semaphore_mem>>)
        %add3A_78 = arith.constant 2 : i32
        %add3A_79 = arith.addi %add3A_48, %add3A_78 : i32
        %lt3A = arith.constant 200 : i32
        %lt3A_80 = arith.cmpi slt, %add3A_79, %lt3A : i32
        %convert_element_type3A_81 = arith.extui %lt3A_80 : i1 to i32
        %cond3A_82 = arith.constant 0 : i32
        %cond3A_83 = arith.cmpi ne, %convert_element_type3A_81, %cond3A_82 : i32
        scf.if %cond3A_83 {
          %add3A_109 = arith.constant 2 : i32
          %add3A_110 = arith.addi %add3A_48, %add3A_109 : i32
          %mul3A_111 = arith.constant 102400 : i32
          %mul3A_112 = arith.muli %arg1, %mul3A_111 : i32
          %mul3A_113 = arith.constant 512 : i32
          %mul3A_114 = arith.muli %add3A_110, %mul3A_113 : i32
          %add3A_115 = arith.addi %mul3A_112, %mul3A_114 : i32
          %dma_start3A_116 = tpu.memref_slice %arg4[%add3A_115] : memref<1638400xi32, #tpu.memory_space<hbm>> -> memref<512xi32, #tpu.memory_space<hbm>>
          %dma_start3A_117 = tpu.memref_slice %arg4[%add3A_115] : memref<1638400xi32, #tpu.memory_space<hbm>> -> memref<512xi32, #tpu.memory_space<hbm>>
          tpu.enqueue_dma source(%dma_start3A_117 : memref<512xi32, #tpu.memory_space<hbm>>) target(%arg8 : memref<512xi32, #tpu.memory_space<vmem>>) target_semaphore(%arg13 : memref<!tpu.dma_semaphore, #tpu.memory_space<semaphore_mem>>)
        } else {
        }
        %add3A_84 = arith.constant 1 : i32
        %add3A_85 = arith.addi %add3A_48, %add3A_84 : i32
        %mul3A_86 = arith.constant 102400 : i32
        %mul3A_87 = arith.muli %arg1, %mul3A_86 : i32
        %mul3A_88 = arith.constant 512 : i32
        %mul3A_89 = arith.muli %add3A_85, %mul3A_88 : i32
        %add3A_90 = arith.addi %mul3A_87, %mul3A_89 : i32
        %dma_wait3A_91 = tpu.memref_slice %arg4[%add3A_90] : memref<1638400xi32, #tpu.memory_space<hbm>> -> memref<512xi32, #tpu.memory_space<hbm>>
        %dma_wait3A_92 = tpu.memref_slice %arg4[%add3A_90] : memref<1638400xi32, #tpu.memory_space<hbm>> -> memref<512xi32, #tpu.memory_space<hbm>>
        tpu.wait_dma2 semaphore(%arg14 : memref<!tpu.dma_semaphore, #tpu.memory_space<semaphore_mem>>) src(%dma_wait3A_92 : memref<512xi32, #tpu.memory_space<hbm>>) dst(%arg9 : memref<512xi32, #tpu.memory_space<vmem>>)
        %ge3A_93 = arith.constant 2 : i32
        %ge3A_94 = arith.cmpi sge, %add3A_48, %ge3A_93 : i32
        %convert_element_type3A_95 = arith.extui %ge3A_94 : i1 to i32
        %cond3A_96 = arith.constant 0 : i32
        %cond3A_97 = arith.cmpi ne, %convert_element_type3A_95, %cond3A_96 : i32
        scf.if %cond3A_97 {
          %sub3A = arith.constant 1 : i32
          %sub3A_109 = arith.subi %add3A_48, %sub3A : i32
          %mul3A_110 = arith.constant 102400 : i32
          %mul3A_111 = arith.muli %arg1, %mul3A_110 : i32
          %mul3A_112 = arith.constant 512 : i32
          %mul3A_113 = arith.muli %sub3A_109, %mul3A_112 : i32
          %add3A_114 = arith.addi %mul3A_111, %mul3A_113 : i32
          %dma_wait3A_115 = arith.constant 0 : i32
          %dma_wait3A_116 = tpu.memref_slice %arg7[%add3A_114, %dma_wait3A_115] : memref<1638400x16xf32, #tpu.memory_space<hbm>> -> memref<512x16xf32, #tpu.memory_space<hbm>>
          %dma_wait3A_117 = arith.constant 0 : i32
          %dma_wait3A_118 = tpu.memref_slice %arg7[%add3A_114, %dma_wait3A_117] : memref<1638400x16xf32, #tpu.memory_space<hbm>> -> memref<512x16xf32, #tpu.memory_space<hbm>>
          tpu.wait_dma2 semaphore(%arg16 : memref<!tpu.dma_semaphore, #tpu.memory_space<semaphore_mem>>) src(%arg11 : memref<512x16xf32, #tpu.memory_space<vmem>>) dst(%dma_wait3A_118 : memref<512x16xf32, #tpu.memory_space<hbm>>)
        } else {
        }
        "tpu.region"() ({
          %run_scoped3A = tpu.sem_alloc : memref<!tpu.dma_semaphore, #tpu.memory_space<semaphore_mem>>
          %dma_start3A_109 = arith.constant 0 : i32
          %dma_start3A_110 = arith.constant 0 : i32
          %dma_start3A_111 = tpu.memref_slice %arg12[%dma_start3A_109, %dma_start3A_110] : memref<102400x16xf32, #tpu.memory_space<vmem_shared>> -> memref<102400x16xf32, #tpu.memory_space<vmem_shared>>
          tpu.enqueue_indirect_dma source(%dma_start3A_111 : memref<102400x16xf32, #tpu.memory_space<vmem_shared>>) target(%arg11 : memref<512x16xf32, #tpu.memory_space<vmem>>) offsets(%arg9 : memref<512xi32, #tpu.memory_space<vmem>>) semaphore(%run_scoped3A : memref<!tpu.dma_semaphore, #tpu.memory_space<semaphore_mem>>)
          %dma_wait3A_112 = arith.constant 0 : i32
          %dma_wait3A_113 = arith.constant 0 : i32
          %dma_wait3A_114 = tpu.memref_slice %arg12[%dma_wait3A_112, %dma_wait3A_113] : memref<102400x16xf32, #tpu.memory_space<vmem_shared>> -> memref<102400x16xf32, #tpu.memory_space<vmem_shared>>
          tpu.wait_indirect_dma semaphore(%run_scoped3A : memref<!tpu.dma_semaphore, #tpu.memory_space<semaphore_mem>>) src(%dma_wait3A_114 : memref<102400x16xf32, #tpu.memory_space<vmem_shared>>) dst(%arg11 : memref<512x16xf32, #tpu.memory_space<vmem>>)
          tpu.yield
        }) : () -> ()
        %add3A_98 = arith.constant 1 : i32
        %add3A_99 = arith.addi %add3A_48, %add3A_98 : i32
        %mul3A_100 = arith.constant 102400 : i32
        %mul3A_101 = arith.muli %arg1, %mul3A_100 : i32
        %mul3A_102 = arith.constant 512 : i32
        %mul3A_103 = arith.muli %add3A_99, %mul3A_102 : i32
        %add3A_104 = arith.addi %mul3A_101, %mul3A_103 : i32
        %dma_start3A_105 = arith.constant 0 : i32
        %dma_start3A_106 = tpu.memref_slice %arg7[%add3A_104, %dma_start3A_105] : memref<1638400x16xf32, #tpu.memory_space<hbm>> -> memref<512x16xf32, #tpu.memory_space<hbm>>
        %dma_start3A_107 = arith.constant 0 : i32
        %dma_start3A_108 = tpu.memref_slice %arg7[%add3A_104, %dma_start3A_107] : memref<1638400x16xf32, #tpu.memory_space<hbm>> -> memref<512x16xf32, #tpu.memory_space<hbm>>
        tpu.enqueue_dma source(%arg11 : memref<512x16xf32, #tpu.memory_space<vmem>>) target(%dma_start3A_108 : memref<512x16xf32, #tpu.memory_space<hbm>>) target_semaphore(%arg16 : memref<!tpu.dma_semaphore, #tpu.memory_space<semaphore_mem>>)
      }
      %scan3A_28 = arith.constant 100 : i32
      %mul3A_29 = arith.constant 102400 : i32
      %mul3A_30 = arith.muli %arg1, %mul3A_29 : i32
      %add3A_31 = arith.constant 101376 : i32
      %add3A_32 = arith.addi %mul3A_30, %add3A_31 : i32
      %dma_wait3A = arith.constant 0 : i32
      %dma_wait3A_33 = tpu.memref_slice %arg7[%add3A_32, %dma_wait3A] : memref<1638400x16xf32, #tpu.memory_space<hbm>> -> memref<512x16xf32, #tpu.memory_space<hbm>>
      %dma_wait3A_34 = arith.constant 0 : i32
      %dma_wait3A_35 = tpu.memref_slice %arg7[%add3A_32, %dma_wait3A_34] : memref<1638400x16xf32, #tpu.memory_space<hbm>> -> memref<512x16xf32, #tpu.memory_space<hbm>>
      tpu.wait_dma2 semaphore(%arg15 : memref<!tpu.dma_semaphore, #tpu.memory_space<semaphore_mem>>) src(%arg10 : memref<512x16xf32, #tpu.memory_space<vmem>>) dst(%dma_wait3A_35 : memref<512x16xf32, #tpu.memory_space<hbm>>)
      %mul3A_36 = arith.constant 102400 : i32
      %mul3A_37 = arith.muli %arg1, %mul3A_36 : i32
      %add3A_38 = arith.constant 101888 : i32
      %add3A_39 = arith.addi %mul3A_37, %add3A_38 : i32
      %dma_wait3A_40 = arith.constant 0 : i32
      %dma_wait3A_41 = tpu.memref_slice %arg7[%add3A_39, %dma_wait3A_40] : memref<1638400x16xf32, #tpu.memory_space<hbm>> -> memref<512x16xf32, #tpu.memory_space<hbm>>
      %dma_wait3A_42 = arith.constant 0 : i32
      %dma_wait3A_43 = tpu.memref_slice %arg7[%add3A_39, %dma_wait3A_42] : memref<1638400x16xf32, #tpu.memory_space<hbm>> -> memref<512x16xf32, #tpu.memory_space<hbm>>
      tpu.wait_dma2 semaphore(%arg16 : memref<!tpu.dma_semaphore, #tpu.memory_space<semaphore_mem>>) src(%arg11 : memref<512x16xf32, #tpu.memory_space<vmem>>) dst(%dma_wait3A_43 : memref<512x16xf32, #tpu.memory_space<hbm>>)
    } else {
    }
    return
  }
}

#map = affine_map<(d0, d1) -> (0, 0)>
#map1 = affine_map<(d0, d1) -> (0)>
module attributes {stable_mosaic.version = 14 : i64} {
  func.func @k(%arg0: i32, %arg1: i32, %arg2: memref<1638400x16xf32, #tpu.memory_space<hbm>>, %arg3: memref<1638400x16xf32, #tpu.memory_space<hbm>>, %arg4: memref<1638400xi32, #tpu.memory_space<hbm>>, %arg5: memref<102400x16xf32, #tpu.memory_space<hbm>>, %arg6: memref<1638400x16xf32, #tpu.memory_space<hbm>>, %arg7: memref<1638400x16xf32, #tpu.memory_space<hbm>>, %arg8: memref<512xi32, #tpu.memory_space<vmem>>, %arg9: memref<512xi32, #tpu.memory_space<vmem>>, %arg10: memref<512x16xf32, #tpu.memory_space<vmem>>, %arg11: memref<512x16xf32, #tpu.memory_space<vmem>>, %arg12: memref<102400x16xf32, #tpu.memory_space<vmem_shared>>, %arg13: memref<!tpu.dma_semaphore, #tpu.memory_space<semaphore_mem>>, %arg14: memref<!tpu.dma_semaphore, #tpu.memory_space<semaphore_mem>>, %arg15: memref<!tpu.dma_semaphore, #tpu.memory_space<semaphore_mem>>, %arg16: memref<!tpu.dma_semaphore, #tpu.memory_space<semaphore_mem>>) attributes {dimension_semantics = [#tpu.dimension_semantics<core_parallel>, #tpu.dimension_semantics<subcore_parallel>], iteration_bounds = array<i64: 2, 16>, scalar_prefetch = 0 : i64, scratch_operands = 9 : i64, tpu.core_type = #tpu.core_type<sc_vector_subcore>, window_params = [{transform_indices = #map}, {transform_indices = #map}, {transform_indices = #map1}, {transform_indices = #map}, {transform_indices = #map}, {transform_indices = #map}]} {
    %mul3A = arith.constant 6400 : i32
    %mul3A_0 = arith.muli %arg1, %mul3A : i32
    %mul3A_1 = arith.constant 6400 : i32
    %mul3A_2 = arith.muli %arg1, %mul3A_1 : i32
    "tpu.region"() ({
      %run_scoped3A = tpu.sem_alloc : memref<!tpu.dma_semaphore, #tpu.memory_space<semaphore_mem>>
      %dma_start3A = arith.constant 0 : i32
      %dma_start3A_21 = tpu.memref_slice %arg12[%mul3A_2, %dma_start3A] : memref<102400x16xf32, #tpu.memory_space<vmem_shared>> -> memref<6400x16xf32, #tpu.memory_space<vmem_shared>>
      %dma_start3A_22 = arith.constant 0 : i32
      %dma_start3A_23 = tpu.memref_slice %arg5[%mul3A_0, %dma_start3A_22] : memref<102400x16xf32, #tpu.memory_space<hbm>> -> memref<6400x16xf32, #tpu.memory_space<hbm>>
      tpu.enqueue_dma source(%dma_start3A_23 : memref<6400x16xf32, #tpu.memory_space<hbm>>) target(%dma_start3A_21 : memref<6400x16xf32, #tpu.memory_space<vmem_shared>>) target_semaphore(%run_scoped3A : memref<!tpu.dma_semaphore, #tpu.memory_space<semaphore_mem>>)
      %dma_wait3A = arith.constant 0 : i32
      %dma_wait3A_24 = tpu.memref_slice %arg12[%mul3A_2, %dma_wait3A] : memref<102400x16xf32, #tpu.memory_space<vmem_shared>> -> memref<6400x16xf32, #tpu.memory_space<vmem_shared>>
      %dma_wait3A_25 = arith.constant 0 : i32
      %dma_wait3A_26 = tpu.memref_slice %arg5[%mul3A_0, %dma_wait3A_25] : memref<102400x16xf32, #tpu.memory_space<hbm>> -> memref<6400x16xf32, #tpu.memory_space<hbm>>
      tpu.wait_dma2 semaphore(%run_scoped3A : memref<!tpu.dma_semaphore, #tpu.memory_space<semaphore_mem>>) src(%dma_wait3A_26 : memref<6400x16xf32, #tpu.memory_space<hbm>>) dst(%dma_wait3A_24 : memref<6400x16xf32, #tpu.memory_space<vmem_shared>>)
      tpu.yield
    }) : () -> ()
    %barrier3A = arith.constant 0 : index
    tpu.barrier barrier_id(%barrier3A)
    %eq3A = arith.constant 0 : i32
    %eq3A_3 = arith.cmpi eq, %arg0, %eq3A : i32
    %convert_element_type3A = arith.extui %eq3A_3 : i1 to i32
    %cond3A = arith.constant 0 : i32
    %cond3A_4 = arith.cmpi ne, %convert_element_type3A, %cond3A : i32
    scf.if %cond3A_4 {
      %mul3A_21 = arith.constant 102400 : i32
      %mul3A_22 = arith.muli %arg1, %mul3A_21 : i32
      %add3A = arith.constant 0 : i32
      %add3A_23 = arith.addi %mul3A_22, %add3A : i32
      %dma_start3A = tpu.memref_slice %arg4[%add3A_23] : memref<1638400xi32, #tpu.memory_space<hbm>> -> memref<512xi32, #tpu.memory_space<hbm>>
      %dma_start3A_24 = tpu.memref_slice %arg4[%add3A_23] : memref<1638400xi32, #tpu.memory_space<hbm>> -> memref<512xi32, #tpu.memory_space<hbm>>
      tpu.enqueue_dma source(%dma_start3A_24 : memref<512xi32, #tpu.memory_space<hbm>>) target(%arg8 : memref<512xi32, #tpu.memory_space<vmem>>) target_semaphore(%arg13 : memref<!tpu.dma_semaphore, #tpu.memory_space<semaphore_mem>>)
      %mul3A_25 = arith.constant 102400 : i32
      %mul3A_26 = arith.muli %arg1, %mul3A_25 : i32
      %add3A_27 = arith.constant 0 : i32
      %add3A_28 = arith.addi %mul3A_26, %add3A_27 : i32
      %dma_start3A_29 = arith.constant 0 : i32
      %dma_start3A_30 = tpu.memref_slice %arg2[%add3A_28, %dma_start3A_29] : memref<1638400x16xf32, #tpu.memory_space<hbm>> -> memref<512x16xf32, #tpu.memory_space<hbm>>
      %dma_start3A_31 = arith.constant 0 : i32
      %dma_start3A_32 = tpu.memref_slice %arg2[%add3A_28, %dma_start3A_31] : memref<1638400x16xf32, #tpu.memory_space<hbm>> -> memref<512x16xf32, #tpu.memory_space<hbm>>
      tpu.enqueue_dma source(%dma_start3A_32 : memref<512x16xf32, #tpu.memory_space<hbm>>) target(%arg10 : memref<512x16xf32, #tpu.memory_space<vmem>>) target_semaphore(%arg13 : memref<!tpu.dma_semaphore, #tpu.memory_space<semaphore_mem>>)
      %scan3A = arith.constant 0 : i32
      %scan3A_33 = arith.constant 100 : i32
      %scan3A_34 = arith.addi %scan3A, %scan3A_33 : i32
      %scan3A_35 = arith.constant 1 : i32
      scf.for %scan3A_37 = %scan3A to %scan3A_34 step %scan3A_35  : i32 {
        %mul3A_38 = arith.constant 2 : i32
        %mul3A_39 = arith.muli %scan3A_37, %mul3A_38 : i32
        %add3A_40 = arith.constant 0 : i32
        %add3A_41 = arith.addi %add3A_40, %mul3A_39 : i32
        %add3A_42 = arith.constant 1 : i32
        %add3A_43 = arith.addi %add3A_41, %add3A_42 : i32
        %mul3A_44 = arith.constant 102400 : i32
        %mul3A_45 = arith.muli %arg1, %mul3A_44 : i32
        %mul3A_46 = arith.constant 512 : i32
        %mul3A_47 = arith.muli %add3A_43, %mul3A_46 : i32
        %add3A_48 = arith.addi %mul3A_45, %mul3A_47 : i32
        %dma_start3A_49 = tpu.memref_slice %arg4[%add3A_48] : memref<1638400xi32, #tpu.memory_space<hbm>> -> memref<512xi32, #tpu.memory_space<hbm>>
        %dma_start3A_50 = tpu.memref_slice %arg4[%add3A_48] : memref<1638400xi32, #tpu.memory_space<hbm>> -> memref<512xi32, #tpu.memory_space<hbm>>
        tpu.enqueue_dma source(%dma_start3A_50 : memref<512xi32, #tpu.memory_space<hbm>>) target(%arg9 : memref<512xi32, #tpu.memory_space<vmem>>) target_semaphore(%arg14 : memref<!tpu.dma_semaphore, #tpu.memory_space<semaphore_mem>>)
        %mul3A_51 = arith.constant 102400 : i32
        %mul3A_52 = arith.muli %arg1, %mul3A_51 : i32
        %mul3A_53 = arith.constant 512 : i32
        %mul3A_54 = arith.muli %add3A_43, %mul3A_53 : i32
        %add3A_55 = arith.addi %mul3A_52, %mul3A_54 : i32
        %dma_start3A_56 = arith.constant 0 : i32
        %dma_start3A_57 = tpu.memref_slice %arg2[%add3A_55, %dma_start3A_56] : memref<1638400x16xf32, #tpu.memory_space<hbm>> -> memref<512x16xf32, #tpu.memory_space<hbm>>
        %dma_start3A_58 = arith.constant 0 : i32
        %dma_start3A_59 = tpu.memref_slice %arg2[%add3A_55, %dma_start3A_58] : memref<1638400x16xf32, #tpu.memory_space<hbm>> -> memref<512x16xf32, #tpu.memory_space<hbm>>
        tpu.enqueue_dma source(%dma_start3A_59 : memref<512x16xf32, #tpu.memory_space<hbm>>) target(%arg11 : memref<512x16xf32, #tpu.memory_space<vmem>>) target_semaphore(%arg14 : memref<!tpu.dma_semaphore, #tpu.memory_space<semaphore_mem>>)
        %mul3A_60 = arith.constant 102400 : i32
        %mul3A_61 = arith.muli %arg1, %mul3A_60 : i32
        %mul3A_62 = arith.constant 512 : i32
        %mul3A_63 = arith.muli %add3A_41, %mul3A_62 : i32
        %add3A_64 = arith.addi %mul3A_61, %mul3A_63 : i32
        %dma_wait3A = tpu.memref_slice %arg4[%add3A_64] : memref<1638400xi32, #tpu.memory_space<hbm>> -> memref<512xi32, #tpu.memory_space<hbm>>
        %dma_wait3A_65 = tpu.memref_slice %arg4[%add3A_64] : memref<1638400xi32, #tpu.memory_space<hbm>> -> memref<512xi32, #tpu.memory_space<hbm>>
        tpu.wait_dma2 semaphore(%arg13 : memref<!tpu.dma_semaphore, #tpu.memory_space<semaphore_mem>>) src(%dma_wait3A_65 : memref<512xi32, #tpu.memory_space<hbm>>) dst(%arg8 : memref<512xi32, #tpu.memory_space<vmem>>)
        %mul3A_66 = arith.constant 102400 : i32
        %mul3A_67 = arith.muli %arg1, %mul3A_66 : i32
        %mul3A_68 = arith.constant 512 : i32
        %mul3A_69 = arith.muli %add3A_41, %mul3A_68 : i32
        %add3A_70 = arith.addi %mul3A_67, %mul3A_69 : i32
        %dma_wait3A_71 = arith.constant 0 : i32
        %dma_wait3A_72 = tpu.memref_slice %arg2[%add3A_70, %dma_wait3A_71] : memref<1638400x16xf32, #tpu.memory_space<hbm>> -> memref<512x16xf32, #tpu.memory_space<hbm>>
        %dma_wait3A_73 = arith.constant 0 : i32
        %dma_wait3A_74 = tpu.memref_slice %arg2[%add3A_70, %dma_wait3A_73] : memref<1638400x16xf32, #tpu.memory_space<hbm>> -> memref<512x16xf32, #tpu.memory_space<hbm>>
        tpu.wait_dma2 semaphore(%arg13 : memref<!tpu.dma_semaphore, #tpu.memory_space<semaphore_mem>>) src(%dma_wait3A_74 : memref<512x16xf32, #tpu.memory_space<hbm>>) dst(%arg10 : memref<512x16xf32, #tpu.memory_space<vmem>>)
        "tpu.region"() ({
          %run_scoped3A = tpu.sem_alloc : memref<!tpu.dma_semaphore, #tpu.memory_space<semaphore_mem>>
          %dma_start3A_99 = arith.constant 0 : i32
          %dma_start3A_100 = arith.constant 0 : i32
          %dma_start3A_101 = tpu.memref_slice %arg12[%dma_start3A_99, %dma_start3A_100] : memref<102400x16xf32, #tpu.memory_space<vmem_shared>> -> memref<102400x16xf32, #tpu.memory_space<vmem_shared>>
          tpu.enqueue_indirect_dma source(%arg10 : memref<512x16xf32, #tpu.memory_space<vmem>>) target(%dma_start3A_101 : memref<102400x16xf32, #tpu.memory_space<vmem_shared>>) offsets(%arg8 : memref<512xi32, #tpu.memory_space<vmem>>) semaphore(%run_scoped3A : memref<!tpu.dma_semaphore, #tpu.memory_space<semaphore_mem>>) {add = true}
          %dma_wait3A_102 = arith.constant 0 : i32
          %dma_wait3A_103 = arith.constant 0 : i32
          %dma_wait3A_104 = tpu.memref_slice %arg12[%dma_wait3A_102, %dma_wait3A_103] : memref<102400x16xf32, #tpu.memory_space<vmem_shared>> -> memref<102400x16xf32, #tpu.memory_space<vmem_shared>>
          tpu.wait_indirect_dma semaphore(%run_scoped3A : memref<!tpu.dma_semaphore, #tpu.memory_space<semaphore_mem>>) src(%arg10 : memref<512x16xf32, #tpu.memory_space<vmem>>) dst(%dma_wait3A_104 : memref<102400x16xf32, #tpu.memory_space<vmem_shared>>)
          tpu.yield
        }) : () -> ()
        %add3A_75 = arith.constant 2 : i32
        %add3A_76 = arith.addi %add3A_41, %add3A_75 : i32
        %lt3A = arith.constant 200 : i32
        %lt3A_77 = arith.cmpi slt, %add3A_76, %lt3A : i32
        %convert_element_type3A_78 = arith.extui %lt3A_77 : i1 to i32
        %cond3A_79 = arith.constant 0 : i32
        %cond3A_80 = arith.cmpi ne, %convert_element_type3A_78, %cond3A_79 : i32
        scf.if %cond3A_80 {
          %add3A_99 = arith.constant 2 : i32
          %add3A_100 = arith.addi %add3A_41, %add3A_99 : i32
          %mul3A_101 = arith.constant 102400 : i32
          %mul3A_102 = arith.muli %arg1, %mul3A_101 : i32
          %mul3A_103 = arith.constant 512 : i32
          %mul3A_104 = arith.muli %add3A_100, %mul3A_103 : i32
          %add3A_105 = arith.addi %mul3A_102, %mul3A_104 : i32
          %dma_start3A_106 = tpu.memref_slice %arg4[%add3A_105] : memref<1638400xi32, #tpu.memory_space<hbm>> -> memref<512xi32, #tpu.memory_space<hbm>>
          %dma_start3A_107 = tpu.memref_slice %arg4[%add3A_105] : memref<1638400xi32, #tpu.memory_space<hbm>> -> memref<512xi32, #tpu.memory_space<hbm>>
          tpu.enqueue_dma source(%dma_start3A_107 : memref<512xi32, #tpu.memory_space<hbm>>) target(%arg8 : memref<512xi32, #tpu.memory_space<vmem>>) target_semaphore(%arg13 : memref<!tpu.dma_semaphore, #tpu.memory_space<semaphore_mem>>)
          %mul3A_108 = arith.constant 102400 : i32
          %mul3A_109 = arith.muli %arg1, %mul3A_108 : i32
          %mul3A_110 = arith.constant 512 : i32
          %mul3A_111 = arith.muli %add3A_100, %mul3A_110 : i32
          %add3A_112 = arith.addi %mul3A_109, %mul3A_111 : i32
          %dma_start3A_113 = arith.constant 0 : i32
          %dma_start3A_114 = tpu.memref_slice %arg2[%add3A_112, %dma_start3A_113] : memref<1638400x16xf32, #tpu.memory_space<hbm>> -> memref<512x16xf32, #tpu.memory_space<hbm>>
          %dma_start3A_115 = arith.constant 0 : i32
          %dma_start3A_116 = tpu.memref_slice %arg2[%add3A_112, %dma_start3A_115] : memref<1638400x16xf32, #tpu.memory_space<hbm>> -> memref<512x16xf32, #tpu.memory_space<hbm>>
          tpu.enqueue_dma source(%dma_start3A_116 : memref<512x16xf32, #tpu.memory_space<hbm>>) target(%arg10 : memref<512x16xf32, #tpu.memory_space<vmem>>) target_semaphore(%arg13 : memref<!tpu.dma_semaphore, #tpu.memory_space<semaphore_mem>>)
        } else {
        }
        %add3A_81 = arith.constant 1 : i32
        %add3A_82 = arith.addi %add3A_41, %add3A_81 : i32
        %mul3A_83 = arith.constant 102400 : i32
        %mul3A_84 = arith.muli %arg1, %mul3A_83 : i32
        %mul3A_85 = arith.constant 512 : i32
        %mul3A_86 = arith.muli %add3A_82, %mul3A_85 : i32
        %add3A_87 = arith.addi %mul3A_84, %mul3A_86 : i32
        %dma_wait3A_88 = tpu.memref_slice %arg4[%add3A_87] : memref<1638400xi32, #tpu.memory_space<hbm>> -> memref<512xi32, #tpu.memory_space<hbm>>
        %dma_wait3A_89 = tpu.memref_slice %arg4[%add3A_87] : memref<1638400xi32, #tpu.memory_space<hbm>> -> memref<512xi32, #tpu.memory_space<hbm>>
        tpu.wait_dma2 semaphore(%arg14 : memref<!tpu.dma_semaphore, #tpu.memory_space<semaphore_mem>>) src(%dma_wait3A_89 : memref<512xi32, #tpu.memory_space<hbm>>) dst(%arg9 : memref<512xi32, #tpu.memory_space<vmem>>)
        %mul3A_90 = arith.constant 102400 : i32
        %mul3A_91 = arith.muli %arg1, %mul3A_90 : i32
        %mul3A_92 = arith.constant 512 : i32
        %mul3A_93 = arith.muli %add3A_82, %mul3A_92 : i32
        %add3A_94 = arith.addi %mul3A_91, %mul3A_93 : i32
        %dma_wait3A_95 = arith.constant 0 : i32
        %dma_wait3A_96 = tpu.memref_slice %arg2[%add3A_94, %dma_wait3A_95] : memref<1638400x16xf32, #tpu.memory_space<hbm>> -> memref<512x16xf32, #tpu.memory_space<hbm>>
        %dma_wait3A_97 = arith.constant 0 : i32
        %dma_wait3A_98 = tpu.memref_slice %arg2[%add3A_94, %dma_wait3A_97] : memref<1638400x16xf32, #tpu.memory_space<hbm>> -> memref<512x16xf32, #tpu.memory_space<hbm>>
        tpu.wait_dma2 semaphore(%arg14 : memref<!tpu.dma_semaphore, #tpu.memory_space<semaphore_mem>>) src(%dma_wait3A_98 : memref<512x16xf32, #tpu.memory_space<hbm>>) dst(%arg11 : memref<512x16xf32, #tpu.memory_space<vmem>>)
        "tpu.region"() ({
          %run_scoped3A = tpu.sem_alloc : memref<!tpu.dma_semaphore, #tpu.memory_space<semaphore_mem>>
          %dma_start3A_99 = arith.constant 0 : i32
          %dma_start3A_100 = arith.constant 0 : i32
          %dma_start3A_101 = tpu.memref_slice %arg12[%dma_start3A_99, %dma_start3A_100] : memref<102400x16xf32, #tpu.memory_space<vmem_shared>> -> memref<102400x16xf32, #tpu.memory_space<vmem_shared>>
          tpu.enqueue_indirect_dma source(%arg11 : memref<512x16xf32, #tpu.memory_space<vmem>>) target(%dma_start3A_101 : memref<102400x16xf32, #tpu.memory_space<vmem_shared>>) offsets(%arg9 : memref<512xi32, #tpu.memory_space<vmem>>) semaphore(%run_scoped3A : memref<!tpu.dma_semaphore, #tpu.memory_space<semaphore_mem>>) {add = true}
          %dma_wait3A_102 = arith.constant 0 : i32
          %dma_wait3A_103 = arith.constant 0 : i32
          %dma_wait3A_104 = tpu.memref_slice %arg12[%dma_wait3A_102, %dma_wait3A_103] : memref<102400x16xf32, #tpu.memory_space<vmem_shared>> -> memref<102400x16xf32, #tpu.memory_space<vmem_shared>>
          tpu.wait_indirect_dma semaphore(%run_scoped3A : memref<!tpu.dma_semaphore, #tpu.memory_space<semaphore_mem>>) src(%arg11 : memref<512x16xf32, #tpu.memory_space<vmem>>) dst(%dma_wait3A_104 : memref<102400x16xf32, #tpu.memory_space<vmem_shared>>)
          tpu.yield
        }) : () -> ()
      }
      %scan3A_36 = arith.constant 100 : i32
    } else {
    }
    %eq3A_5 = arith.constant 1 : i32
    %eq3A_6 = arith.cmpi eq, %arg0, %eq3A_5 : i32
    %convert_element_type3A_7 = arith.extui %eq3A_6 : i1 to i32
    %cond3A_8 = arith.constant 0 : i32
    %cond3A_9 = arith.cmpi ne, %convert_element_type3A_7, %cond3A_8 : i32
    scf.if %cond3A_9 {
      %mul3A_21 = arith.constant 102400 : i32
      %mul3A_22 = arith.muli %arg1, %mul3A_21 : i32
      %add3A = arith.constant 0 : i32
      %add3A_23 = arith.addi %mul3A_22, %add3A : i32
      %dma_start3A = tpu.memref_slice %arg4[%add3A_23] : memref<1638400xi32, #tpu.memory_space<hbm>> -> memref<512xi32, #tpu.memory_space<hbm>>
      %dma_start3A_24 = tpu.memref_slice %arg4[%add3A_23] : memref<1638400xi32, #tpu.memory_space<hbm>> -> memref<512xi32, #tpu.memory_space<hbm>>
      tpu.enqueue_dma source(%dma_start3A_24 : memref<512xi32, #tpu.memory_space<hbm>>) target(%arg8 : memref<512xi32, #tpu.memory_space<vmem>>) target_semaphore(%arg13 : memref<!tpu.dma_semaphore, #tpu.memory_space<semaphore_mem>>)
      %mul3A_25 = arith.constant 102400 : i32
      %mul3A_26 = arith.muli %arg1, %mul3A_25 : i32
      %add3A_27 = arith.constant 0 : i32
      %add3A_28 = arith.addi %mul3A_26, %add3A_27 : i32
      %dma_start3A_29 = arith.constant 0 : i32
      %dma_start3A_30 = tpu.memref_slice %arg3[%add3A_28, %dma_start3A_29] : memref<1638400x16xf32, #tpu.memory_space<hbm>> -> memref<512x16xf32, #tpu.memory_space<hbm>>
      %dma_start3A_31 = arith.constant 0 : i32
      %dma_start3A_32 = tpu.memref_slice %arg3[%add3A_28, %dma_start3A_31] : memref<1638400x16xf32, #tpu.memory_space<hbm>> -> memref<512x16xf32, #tpu.memory_space<hbm>>
      tpu.enqueue_dma source(%dma_start3A_32 : memref<512x16xf32, #tpu.memory_space<hbm>>) target(%arg10 : memref<512x16xf32, #tpu.memory_space<vmem>>) target_semaphore(%arg13 : memref<!tpu.dma_semaphore, #tpu.memory_space<semaphore_mem>>)
      %scan3A = arith.constant 0 : i32
      %scan3A_33 = arith.constant 100 : i32
      %scan3A_34 = arith.addi %scan3A, %scan3A_33 : i32
      %scan3A_35 = arith.constant 1 : i32
      scf.for %scan3A_37 = %scan3A to %scan3A_34 step %scan3A_35  : i32 {
        %mul3A_38 = arith.constant 2 : i32
        %mul3A_39 = arith.muli %scan3A_37, %mul3A_38 : i32
        %add3A_40 = arith.constant 0 : i32
        %add3A_41 = arith.addi %add3A_40, %mul3A_39 : i32
        %add3A_42 = arith.constant 1 : i32
        %add3A_43 = arith.addi %add3A_41, %add3A_42 : i32
        %mul3A_44 = arith.constant 102400 : i32
        %mul3A_45 = arith.muli %arg1, %mul3A_44 : i32
        %mul3A_46 = arith.constant 512 : i32
        %mul3A_47 = arith.muli %add3A_43, %mul3A_46 : i32
        %add3A_48 = arith.addi %mul3A_45, %mul3A_47 : i32
        %dma_start3A_49 = tpu.memref_slice %arg4[%add3A_48] : memref<1638400xi32, #tpu.memory_space<hbm>> -> memref<512xi32, #tpu.memory_space<hbm>>
        %dma_start3A_50 = tpu.memref_slice %arg4[%add3A_48] : memref<1638400xi32, #tpu.memory_space<hbm>> -> memref<512xi32, #tpu.memory_space<hbm>>
        tpu.enqueue_dma source(%dma_start3A_50 : memref<512xi32, #tpu.memory_space<hbm>>) target(%arg9 : memref<512xi32, #tpu.memory_space<vmem>>) target_semaphore(%arg14 : memref<!tpu.dma_semaphore, #tpu.memory_space<semaphore_mem>>)
        %mul3A_51 = arith.constant 102400 : i32
        %mul3A_52 = arith.muli %arg1, %mul3A_51 : i32
        %mul3A_53 = arith.constant 512 : i32
        %mul3A_54 = arith.muli %add3A_43, %mul3A_53 : i32
        %add3A_55 = arith.addi %mul3A_52, %mul3A_54 : i32
        %dma_start3A_56 = arith.constant 0 : i32
        %dma_start3A_57 = tpu.memref_slice %arg3[%add3A_55, %dma_start3A_56] : memref<1638400x16xf32, #tpu.memory_space<hbm>> -> memref<512x16xf32, #tpu.memory_space<hbm>>
        %dma_start3A_58 = arith.constant 0 : i32
        %dma_start3A_59 = tpu.memref_slice %arg3[%add3A_55, %dma_start3A_58] : memref<1638400x16xf32, #tpu.memory_space<hbm>> -> memref<512x16xf32, #tpu.memory_space<hbm>>
        tpu.enqueue_dma source(%dma_start3A_59 : memref<512x16xf32, #tpu.memory_space<hbm>>) target(%arg11 : memref<512x16xf32, #tpu.memory_space<vmem>>) target_semaphore(%arg14 : memref<!tpu.dma_semaphore, #tpu.memory_space<semaphore_mem>>)
        %mul3A_60 = arith.constant 102400 : i32
        %mul3A_61 = arith.muli %arg1, %mul3A_60 : i32
        %mul3A_62 = arith.constant 512 : i32
        %mul3A_63 = arith.muli %add3A_41, %mul3A_62 : i32
        %add3A_64 = arith.addi %mul3A_61, %mul3A_63 : i32
        %dma_wait3A = tpu.memref_slice %arg4[%add3A_64] : memref<1638400xi32, #tpu.memory_space<hbm>> -> memref<512xi32, #tpu.memory_space<hbm>>
        %dma_wait3A_65 = tpu.memref_slice %arg4[%add3A_64] : memref<1638400xi32, #tpu.memory_space<hbm>> -> memref<512xi32, #tpu.memory_space<hbm>>
        tpu.wait_dma2 semaphore(%arg13 : memref<!tpu.dma_semaphore, #tpu.memory_space<semaphore_mem>>) src(%dma_wait3A_65 : memref<512xi32, #tpu.memory_space<hbm>>) dst(%arg8 : memref<512xi32, #tpu.memory_space<vmem>>)
        %mul3A_66 = arith.constant 102400 : i32
        %mul3A_67 = arith.muli %arg1, %mul3A_66 : i32
        %mul3A_68 = arith.constant 512 : i32
        %mul3A_69 = arith.muli %add3A_41, %mul3A_68 : i32
        %add3A_70 = arith.addi %mul3A_67, %mul3A_69 : i32
        %dma_wait3A_71 = arith.constant 0 : i32
        %dma_wait3A_72 = tpu.memref_slice %arg3[%add3A_70, %dma_wait3A_71] : memref<1638400x16xf32, #tpu.memory_space<hbm>> -> memref<512x16xf32, #tpu.memory_space<hbm>>
        %dma_wait3A_73 = arith.constant 0 : i32
        %dma_wait3A_74 = tpu.memref_slice %arg3[%add3A_70, %dma_wait3A_73] : memref<1638400x16xf32, #tpu.memory_space<hbm>> -> memref<512x16xf32, #tpu.memory_space<hbm>>
        tpu.wait_dma2 semaphore(%arg13 : memref<!tpu.dma_semaphore, #tpu.memory_space<semaphore_mem>>) src(%dma_wait3A_74 : memref<512x16xf32, #tpu.memory_space<hbm>>) dst(%arg10 : memref<512x16xf32, #tpu.memory_space<vmem>>)
        "tpu.region"() ({
          %run_scoped3A = tpu.sem_alloc : memref<!tpu.dma_semaphore, #tpu.memory_space<semaphore_mem>>
          %dma_start3A_99 = arith.constant 0 : i32
          %dma_start3A_100 = arith.constant 0 : i32
          %dma_start3A_101 = tpu.memref_slice %arg12[%dma_start3A_99, %dma_start3A_100] : memref<102400x16xf32, #tpu.memory_space<vmem_shared>> -> memref<102400x16xf32, #tpu.memory_space<vmem_shared>>
          tpu.enqueue_indirect_dma source(%arg10 : memref<512x16xf32, #tpu.memory_space<vmem>>) target(%dma_start3A_101 : memref<102400x16xf32, #tpu.memory_space<vmem_shared>>) offsets(%arg8 : memref<512xi32, #tpu.memory_space<vmem>>) semaphore(%run_scoped3A : memref<!tpu.dma_semaphore, #tpu.memory_space<semaphore_mem>>) {add = true}
          %dma_wait3A_102 = arith.constant 0 : i32
          %dma_wait3A_103 = arith.constant 0 : i32
          %dma_wait3A_104 = tpu.memref_slice %arg12[%dma_wait3A_102, %dma_wait3A_103] : memref<102400x16xf32, #tpu.memory_space<vmem_shared>> -> memref<102400x16xf32, #tpu.memory_space<vmem_shared>>
          tpu.wait_indirect_dma semaphore(%run_scoped3A : memref<!tpu.dma_semaphore, #tpu.memory_space<semaphore_mem>>) src(%arg10 : memref<512x16xf32, #tpu.memory_space<vmem>>) dst(%dma_wait3A_104 : memref<102400x16xf32, #tpu.memory_space<vmem_shared>>)
          tpu.yield
        }) : () -> ()
        %add3A_75 = arith.constant 2 : i32
        %add3A_76 = arith.addi %add3A_41, %add3A_75 : i32
        %lt3A = arith.constant 200 : i32
        %lt3A_77 = arith.cmpi slt, %add3A_76, %lt3A : i32
        %convert_element_type3A_78 = arith.extui %lt3A_77 : i1 to i32
        %cond3A_79 = arith.constant 0 : i32
        %cond3A_80 = arith.cmpi ne, %convert_element_type3A_78, %cond3A_79 : i32
        scf.if %cond3A_80 {
          %add3A_99 = arith.constant 2 : i32
          %add3A_100 = arith.addi %add3A_41, %add3A_99 : i32
          %mul3A_101 = arith.constant 102400 : i32
          %mul3A_102 = arith.muli %arg1, %mul3A_101 : i32
          %mul3A_103 = arith.constant 512 : i32
          %mul3A_104 = arith.muli %add3A_100, %mul3A_103 : i32
          %add3A_105 = arith.addi %mul3A_102, %mul3A_104 : i32
          %dma_start3A_106 = tpu.memref_slice %arg4[%add3A_105] : memref<1638400xi32, #tpu.memory_space<hbm>> -> memref<512xi32, #tpu.memory_space<hbm>>
          %dma_start3A_107 = tpu.memref_slice %arg4[%add3A_105] : memref<1638400xi32, #tpu.memory_space<hbm>> -> memref<512xi32, #tpu.memory_space<hbm>>
          tpu.enqueue_dma source(%dma_start3A_107 : memref<512xi32, #tpu.memory_space<hbm>>) target(%arg8 : memref<512xi32, #tpu.memory_space<vmem>>) target_semaphore(%arg13 : memref<!tpu.dma_semaphore, #tpu.memory_space<semaphore_mem>>)
          %mul3A_108 = arith.constant 102400 : i32
          %mul3A_109 = arith.muli %arg1, %mul3A_108 : i32
          %mul3A_110 = arith.constant 512 : i32
          %mul3A_111 = arith.muli %add3A_100, %mul3A_110 : i32
          %add3A_112 = arith.addi %mul3A_109, %mul3A_111 : i32
          %dma_start3A_113 = arith.constant 0 : i32
          %dma_start3A_114 = tpu.memref_slice %arg3[%add3A_112, %dma_start3A_113] : memref<1638400x16xf32, #tpu.memory_space<hbm>> -> memref<512x16xf32, #tpu.memory_space<hbm>>
          %dma_start3A_115 = arith.constant 0 : i32
          %dma_start3A_116 = tpu.memref_slice %arg3[%add3A_112, %dma_start3A_115] : memref<1638400x16xf32, #tpu.memory_space<hbm>> -> memref<512x16xf32, #tpu.memory_space<hbm>>
          tpu.enqueue_dma source(%dma_start3A_116 : memref<512x16xf32, #tpu.memory_space<hbm>>) target(%arg10 : memref<512x16xf32, #tpu.memory_space<vmem>>) target_semaphore(%arg13 : memref<!tpu.dma_semaphore, #tpu.memory_space<semaphore_mem>>)
        } else {
        }
        %add3A_81 = arith.constant 1 : i32
        %add3A_82 = arith.addi %add3A_41, %add3A_81 : i32
        %mul3A_83 = arith.constant 102400 : i32
        %mul3A_84 = arith.muli %arg1, %mul3A_83 : i32
        %mul3A_85 = arith.constant 512 : i32
        %mul3A_86 = arith.muli %add3A_82, %mul3A_85 : i32
        %add3A_87 = arith.addi %mul3A_84, %mul3A_86 : i32
        %dma_wait3A_88 = tpu.memref_slice %arg4[%add3A_87] : memref<1638400xi32, #tpu.memory_space<hbm>> -> memref<512xi32, #tpu.memory_space<hbm>>
        %dma_wait3A_89 = tpu.memref_slice %arg4[%add3A_87] : memref<1638400xi32, #tpu.memory_space<hbm>> -> memref<512xi32, #tpu.memory_space<hbm>>
        tpu.wait_dma2 semaphore(%arg14 : memref<!tpu.dma_semaphore, #tpu.memory_space<semaphore_mem>>) src(%dma_wait3A_89 : memref<512xi32, #tpu.memory_space<hbm>>) dst(%arg9 : memref<512xi32, #tpu.memory_space<vmem>>)
        %mul3A_90 = arith.constant 102400 : i32
        %mul3A_91 = arith.muli %arg1, %mul3A_90 : i32
        %mul3A_92 = arith.constant 512 : i32
        %mul3A_93 = arith.muli %add3A_82, %mul3A_92 : i32
        %add3A_94 = arith.addi %mul3A_91, %mul3A_93 : i32
        %dma_wait3A_95 = arith.constant 0 : i32
        %dma_wait3A_96 = tpu.memref_slice %arg3[%add3A_94, %dma_wait3A_95] : memref<1638400x16xf32, #tpu.memory_space<hbm>> -> memref<512x16xf32, #tpu.memory_space<hbm>>
        %dma_wait3A_97 = arith.constant 0 : i32
        %dma_wait3A_98 = tpu.memref_slice %arg3[%add3A_94, %dma_wait3A_97] : memref<1638400x16xf32, #tpu.memory_space<hbm>> -> memref<512x16xf32, #tpu.memory_space<hbm>>
        tpu.wait_dma2 semaphore(%arg14 : memref<!tpu.dma_semaphore, #tpu.memory_space<semaphore_mem>>) src(%dma_wait3A_98 : memref<512x16xf32, #tpu.memory_space<hbm>>) dst(%arg11 : memref<512x16xf32, #tpu.memory_space<vmem>>)
        "tpu.region"() ({
          %run_scoped3A = tpu.sem_alloc : memref<!tpu.dma_semaphore, #tpu.memory_space<semaphore_mem>>
          %dma_start3A_99 = arith.constant 0 : i32
          %dma_start3A_100 = arith.constant 0 : i32
          %dma_start3A_101 = tpu.memref_slice %arg12[%dma_start3A_99, %dma_start3A_100] : memref<102400x16xf32, #tpu.memory_space<vmem_shared>> -> memref<102400x16xf32, #tpu.memory_space<vmem_shared>>
          tpu.enqueue_indirect_dma source(%arg11 : memref<512x16xf32, #tpu.memory_space<vmem>>) target(%dma_start3A_101 : memref<102400x16xf32, #tpu.memory_space<vmem_shared>>) offsets(%arg9 : memref<512xi32, #tpu.memory_space<vmem>>) semaphore(%run_scoped3A : memref<!tpu.dma_semaphore, #tpu.memory_space<semaphore_mem>>) {add = true}
          %dma_wait3A_102 = arith.constant 0 : i32
          %dma_wait3A_103 = arith.constant 0 : i32
          %dma_wait3A_104 = tpu.memref_slice %arg12[%dma_wait3A_102, %dma_wait3A_103] : memref<102400x16xf32, #tpu.memory_space<vmem_shared>> -> memref<102400x16xf32, #tpu.memory_space<vmem_shared>>
          tpu.wait_indirect_dma semaphore(%run_scoped3A : memref<!tpu.dma_semaphore, #tpu.memory_space<semaphore_mem>>) src(%arg11 : memref<512x16xf32, #tpu.memory_space<vmem>>) dst(%dma_wait3A_104 : memref<102400x16xf32, #tpu.memory_space<vmem_shared>>)
          tpu.yield
        }) : () -> ()
      }
      %scan3A_36 = arith.constant 100 : i32
    } else {
    }
    %barrier3A_10 = arith.constant 0 : index
    tpu.barrier barrier_id(%barrier3A_10)
    %eq3A_11 = arith.constant 0 : i32
    %eq3A_12 = arith.cmpi eq, %arg0, %eq3A_11 : i32
    %convert_element_type3A_13 = arith.extui %eq3A_12 : i1 to i32
    %cond3A_14 = arith.constant 0 : i32
    %cond3A_15 = arith.cmpi ne, %convert_element_type3A_13, %cond3A_14 : i32
    scf.if %cond3A_15 {
      %mul3A_21 = arith.constant 102400 : i32
      %mul3A_22 = arith.muli %arg1, %mul3A_21 : i32
      %add3A = arith.constant 0 : i32
      %add3A_23 = arith.addi %mul3A_22, %add3A : i32
      %dma_start3A = tpu.memref_slice %arg4[%add3A_23] : memref<1638400xi32, #tpu.memory_space<hbm>> -> memref<512xi32, #tpu.memory_space<hbm>>
      %dma_start3A_24 = tpu.memref_slice %arg4[%add3A_23] : memref<1638400xi32, #tpu.memory_space<hbm>> -> memref<512xi32, #tpu.memory_space<hbm>>
      tpu.enqueue_dma source(%dma_start3A_24 : memref<512xi32, #tpu.memory_space<hbm>>) target(%arg8 : memref<512xi32, #tpu.memory_space<vmem>>) target_semaphore(%arg13 : memref<!tpu.dma_semaphore, #tpu.memory_space<semaphore_mem>>)
      %scan3A = arith.constant 0 : i32
      %scan3A_25 = arith.constant 100 : i32
      %scan3A_26 = arith.addi %scan3A, %scan3A_25 : i32
      %scan3A_27 = arith.constant 1 : i32
      scf.for %scan3A_44 = %scan3A to %scan3A_26 step %scan3A_27  : i32 {
        %mul3A_45 = arith.constant 2 : i32
        %mul3A_46 = arith.muli %scan3A_44, %mul3A_45 : i32
        %add3A_47 = arith.constant 0 : i32
        %add3A_48 = arith.addi %add3A_47, %mul3A_46 : i32
        %add3A_49 = arith.constant 1 : i32
        %add3A_50 = arith.addi %add3A_48, %add3A_49 : i32
        %mul3A_51 = arith.constant 102400 : i32
        %mul3A_52 = arith.muli %arg1, %mul3A_51 : i32
        %mul3A_53 = arith.constant 512 : i32
        %mul3A_54 = arith.muli %add3A_50, %mul3A_53 : i32
        %add3A_55 = arith.addi %mul3A_52, %mul3A_54 : i32
        %dma_start3A_56 = tpu.memref_slice %arg4[%add3A_55] : memref<1638400xi32, #tpu.memory_space<hbm>> -> memref<512xi32, #tpu.memory_space<hbm>>
        %dma_start3A_57 = tpu.memref_slice %arg4[%add3A_55] : memref<1638400xi32, #tpu.memory_space<hbm>> -> memref<512xi32, #tpu.memory_space<hbm>>
        tpu.enqueue_dma source(%dma_start3A_57 : memref<512xi32, #tpu.memory_space<hbm>>) target(%arg9 : memref<512xi32, #tpu.memory_space<vmem>>) target_semaphore(%arg14 : memref<!tpu.dma_semaphore, #tpu.memory_space<semaphore_mem>>)
        %mul3A_58 = arith.constant 102400 : i32
        %mul3A_59 = arith.muli %arg1, %mul3A_58 : i32
        %mul3A_60 = arith.constant 512 : i32
        %mul3A_61 = arith.muli %add3A_48, %mul3A_60 : i32
        %add3A_62 = arith.addi %mul3A_59, %mul3A_61 : i32
        %dma_wait3A_63 = tpu.memref_slice %arg4[%add3A_62] : memref<1638400xi32, #tpu.memory_space<hbm>> -> memref<512xi32, #tpu.memory_space<hbm>>
        %dma_wait3A_64 = tpu.memref_slice %arg4[%add3A_62] : memref<1638400xi32, #tpu.memory_space<hbm>> -> memref<512xi32, #tpu.memory_space<hbm>>
        tpu.wait_dma2 semaphore(%arg13 : memref<!tpu.dma_semaphore, #tpu.memory_space<semaphore_mem>>) src(%dma_wait3A_64 : memref<512xi32, #tpu.memory_space<hbm>>) dst(%arg8 : memref<512xi32, #tpu.memory_space<vmem>>)
        %ge3A = arith.constant 2 : i32
        %ge3A_65 = arith.cmpi sge, %add3A_48, %ge3A : i32
        %convert_element_type3A_66 = arith.extui %ge3A_65 : i1 to i32
        %cond3A_67 = arith.constant 0 : i32
        %cond3A_68 = arith.cmpi ne, %convert_element_type3A_66, %cond3A_67 : i32
        scf.if %cond3A_68 {
          %sub3A = arith.constant 2 : i32
          %sub3A_109 = arith.subi %add3A_48, %sub3A : i32
          %mul3A_110 = arith.constant 102400 : i32
          %mul3A_111 = arith.muli %arg1, %mul3A_110 : i32
          %mul3A_112 = arith.constant 512 : i32
          %mul3A_113 = arith.muli %sub3A_109, %mul3A_112 : i32
          %add3A_114 = arith.addi %mul3A_111, %mul3A_113 : i32
          %dma_wait3A_115 = arith.constant 0 : i32
          %dma_wait3A_116 = tpu.memref_slice %arg6[%add3A_114, %dma_wait3A_115] : memref<1638400x16xf32, #tpu.memory_space<hbm>> -> memref<512x16xf32, #tpu.memory_space<hbm>>
          %dma_wait3A_117 = arith.constant 0 : i32
          %dma_wait3A_118 = tpu.memref_slice %arg6[%add3A_114, %dma_wait3A_117] : memref<1638400x16xf32, #tpu.memory_space<hbm>> -> memref<512x16xf32, #tpu.memory_space<hbm>>
          tpu.wait_dma2 semaphore(%arg15 : memref<!tpu.dma_semaphore, #tpu.memory_space<semaphore_mem>>) src(%arg10 : memref<512x16xf32, #tpu.memory_space<vmem>>) dst(%dma_wait3A_118 : memref<512x16xf32, #tpu.memory_space<hbm>>)
        } else {
        }
        "tpu.region"() ({
          %run_scoped3A = tpu.sem_alloc : memref<!tpu.dma_semaphore, #tpu.memory_space<semaphore_mem>>
          %dma_start3A_109 = arith.constant 0 : i32
          %dma_start3A_110 = arith.constant 0 : i32
          %dma_start3A_111 = tpu.memref_slice %arg12[%dma_start3A_109, %dma_start3A_110] : memref<102400x16xf32, #tpu.memory_space<vmem_shared>> -> memref<102400x16xf32, #tpu.memory_space<vmem_shared>>
          tpu.enqueue_indirect_dma source(%dma_start3A_111 : memref<102400x16xf32, #tpu.memory_space<vmem_shared>>) target(%arg10 : memref<512x16xf32, #tpu.memory_space<vmem>>) offsets(%arg8 : memref<512xi32, #tpu.memory_space<vmem>>) semaphore(%run_scoped3A : memref<!tpu.dma_semaphore, #tpu.memory_space<semaphore_mem>>)
          %dma_wait3A_112 = arith.constant 0 : i32
          %dma_wait3A_113 = arith.constant 0 : i32
          %dma_wait3A_114 = tpu.memref_slice %arg12[%dma_wait3A_112, %dma_wait3A_113] : memref<102400x16xf32, #tpu.memory_space<vmem_shared>> -> memref<102400x16xf32, #tpu.memory_space<vmem_shared>>
          tpu.wait_indirect_dma semaphore(%run_scoped3A : memref<!tpu.dma_semaphore, #tpu.memory_space<semaphore_mem>>) src(%dma_wait3A_114 : memref<102400x16xf32, #tpu.memory_space<vmem_shared>>) dst(%arg10 : memref<512x16xf32, #tpu.memory_space<vmem>>)
          tpu.yield
        }) : () -> ()
        %mul3A_69 = arith.constant 102400 : i32
        %mul3A_70 = arith.muli %arg1, %mul3A_69 : i32
        %mul3A_71 = arith.constant 512 : i32
        %mul3A_72 = arith.muli %add3A_48, %mul3A_71 : i32
        %add3A_73 = arith.addi %mul3A_70, %mul3A_72 : i32
        %dma_start3A_74 = arith.constant 0 : i32
        %dma_start3A_75 = tpu.memref_slice %arg6[%add3A_73, %dma_start3A_74] : memref<1638400x16xf32, #tpu.memory_space<hbm>> -> memref<512x16xf32, #tpu.memory_space<hbm>>
        %dma_start3A_76 = arith.constant 0 : i32
        %dma_start3A_77 = tpu.memref_slice %arg6[%add3A_73, %dma_start3A_76] : memref<1638400x16xf32, #tpu.memory_space<hbm>> -> memref<512x16xf32, #tpu.memory_space<hbm>>
        tpu.enqueue_dma source(%arg10 : memref<512x16xf32, #tpu.memory_space<vmem>>) target(%dma_start3A_77 : memref<512x16xf32, #tpu.memory_space<hbm>>) target_semaphore(%arg15 : memref<!tpu.dma_semaphore, #tpu.memory_space<semaphore_mem>>)
        %add3A_78 = arith.constant 2 : i32
        %add3A_79 = arith.addi %add3A_48, %add3A_78 : i32
        %lt3A = arith.constant 200 : i32
        %lt3A_80 = arith.cmpi slt, %add3A_79, %lt3A : i32
        %convert_element_type3A_81 = arith.extui %lt3A_80 : i1 to i32
        %cond3A_82 = arith.constant 0 : i32
        %cond3A_83 = arith.cmpi ne, %convert_element_type3A_81, %cond3A_82 : i32
        scf.if %cond3A_83 {
          %add3A_109 = arith.constant 2 : i32
          %add3A_110 = arith.addi %add3A_48, %add3A_109 : i32
          %mul3A_111 = arith.constant 102400 : i32
          %mul3A_112 = arith.muli %arg1, %mul3A_111 : i32
          %mul3A_113 = arith.constant 512 : i32
          %mul3A_114 = arith.muli %add3A_110, %mul3A_113 : i32
          %add3A_115 = arith.addi %mul3A_112, %mul3A_114 : i32
          %dma_start3A_116 = tpu.memref_slice %arg4[%add3A_115] : memref<1638400xi32, #tpu.memory_space<hbm>> -> memref<512xi32, #tpu.memory_space<hbm>>
          %dma_start3A_117 = tpu.memref_slice %arg4[%add3A_115] : memref<1638400xi32, #tpu.memory_space<hbm>> -> memref<512xi32, #tpu.memory_space<hbm>>
          tpu.enqueue_dma source(%dma_start3A_117 : memref<512xi32, #tpu.memory_space<hbm>>) target(%arg8 : memref<512xi32, #tpu.memory_space<vmem>>) target_semaphore(%arg13 : memref<!tpu.dma_semaphore, #tpu.memory_space<semaphore_mem>>)
        } else {
        }
        %add3A_84 = arith.constant 1 : i32
        %add3A_85 = arith.addi %add3A_48, %add3A_84 : i32
        %mul3A_86 = arith.constant 102400 : i32
        %mul3A_87 = arith.muli %arg1, %mul3A_86 : i32
        %mul3A_88 = arith.constant 512 : i32
        %mul3A_89 = arith.muli %add3A_85, %mul3A_88 : i32
        %add3A_90 = arith.addi %mul3A_87, %mul3A_89 : i32
        %dma_wait3A_91 = tpu.memref_slice %arg4[%add3A_90] : memref<1638400xi32, #tpu.memory_space<hbm>> -> memref<512xi32, #tpu.memory_space<hbm>>
        %dma_wait3A_92 = tpu.memref_slice %arg4[%add3A_90] : memref<1638400xi32, #tpu.memory_space<hbm>> -> memref<512xi32, #tpu.memory_space<hbm>>
        tpu.wait_dma2 semaphore(%arg14 : memref<!tpu.dma_semaphore, #tpu.memory_space<semaphore_mem>>) src(%dma_wait3A_92 : memref<512xi32, #tpu.memory_space<hbm>>) dst(%arg9 : memref<512xi32, #tpu.memory_space<vmem>>)
        %ge3A_93 = arith.constant 2 : i32
        %ge3A_94 = arith.cmpi sge, %add3A_48, %ge3A_93 : i32
        %convert_element_type3A_95 = arith.extui %ge3A_94 : i1 to i32
        %cond3A_96 = arith.constant 0 : i32
        %cond3A_97 = arith.cmpi ne, %convert_element_type3A_95, %cond3A_96 : i32
        scf.if %cond3A_97 {
          %sub3A = arith.constant 1 : i32
          %sub3A_109 = arith.subi %add3A_48, %sub3A : i32
          %mul3A_110 = arith.constant 102400 : i32
          %mul3A_111 = arith.muli %arg1, %mul3A_110 : i32
          %mul3A_112 = arith.constant 512 : i32
          %mul3A_113 = arith.muli %sub3A_109, %mul3A_112 : i32
          %add3A_114 = arith.addi %mul3A_111, %mul3A_113 : i32
          %dma_wait3A_115 = arith.constant 0 : i32
          %dma_wait3A_116 = tpu.memref_slice %arg6[%add3A_114, %dma_wait3A_115] : memref<1638400x16xf32, #tpu.memory_space<hbm>> -> memref<512x16xf32, #tpu.memory_space<hbm>>
          %dma_wait3A_117 = arith.constant 0 : i32
          %dma_wait3A_118 = tpu.memref_slice %arg6[%add3A_114, %dma_wait3A_117] : memref<1638400x16xf32, #tpu.memory_space<hbm>> -> memref<512x16xf32, #tpu.memory_space<hbm>>
          tpu.wait_dma2 semaphore(%arg16 : memref<!tpu.dma_semaphore, #tpu.memory_space<semaphore_mem>>) src(%arg11 : memref<512x16xf32, #tpu.memory_space<vmem>>) dst(%dma_wait3A_118 : memref<512x16xf32, #tpu.memory_space<hbm>>)
        } else {
        }
        "tpu.region"() ({
          %run_scoped3A = tpu.sem_alloc : memref<!tpu.dma_semaphore, #tpu.memory_space<semaphore_mem>>
          %dma_start3A_109 = arith.constant 0 : i32
          %dma_start3A_110 = arith.constant 0 : i32
          %dma_start3A_111 = tpu.memref_slice %arg12[%dma_start3A_109, %dma_start3A_110] : memref<102400x16xf32, #tpu.memory_space<vmem_shared>> -> memref<102400x16xf32, #tpu.memory_space<vmem_shared>>
          tpu.enqueue_indirect_dma source(%dma_start3A_111 : memref<102400x16xf32, #tpu.memory_space<vmem_shared>>) target(%arg11 : memref<512x16xf32, #tpu.memory_space<vmem>>) offsets(%arg9 : memref<512xi32, #tpu.memory_space<vmem>>) semaphore(%run_scoped3A : memref<!tpu.dma_semaphore, #tpu.memory_space<semaphore_mem>>)
          %dma_wait3A_112 = arith.constant 0 : i32
          %dma_wait3A_113 = arith.constant 0 : i32
          %dma_wait3A_114 = tpu.memref_slice %arg12[%dma_wait3A_112, %dma_wait3A_113] : memref<102400x16xf32, #tpu.memory_space<vmem_shared>> -> memref<102400x16xf32, #tpu.memory_space<vmem_shared>>
          tpu.wait_indirect_dma semaphore(%run_scoped3A : memref<!tpu.dma_semaphore, #tpu.memory_space<semaphore_mem>>) src(%dma_wait3A_114 : memref<102400x16xf32, #tpu.memory_space<vmem_shared>>) dst(%arg11 : memref<512x16xf32, #tpu.memory_space<vmem>>)
          tpu.yield
        }) : () -> ()
        %add3A_98 = arith.constant 1 : i32
        %add3A_99 = arith.addi %add3A_48, %add3A_98 : i32
        %mul3A_100 = arith.constant 102400 : i32
        %mul3A_101 = arith.muli %arg1, %mul3A_100 : i32
        %mul3A_102 = arith.constant 512 : i32
        %mul3A_103 = arith.muli %add3A_99, %mul3A_102 : i32
        %add3A_104 = arith.addi %mul3A_101, %mul3A_103 : i32
        %dma_start3A_105 = arith.constant 0 : i32
        %dma_start3A_106 = tpu.memref_slice %arg6[%add3A_104, %dma_start3A_105] : memref<1638400x16xf32, #tpu.memory_space<hbm>> -> memref<512x16xf32, #tpu.memory_space<hbm>>
        %dma_start3A_107 = arith.constant 0 : i32
        %dma_start3A_108 = tpu.memref_slice %arg6[%add3A_104, %dma_start3A_107] : memref<1638400x16xf32, #tpu.memory_space<hbm>> -> memref<512x16xf32, #tpu.memory_space<hbm>>
        tpu.enqueue_dma source(%arg11 : memref<512x16xf32, #tpu.memory_space<vmem>>) target(%dma_start3A_108 : memref<512x16xf32, #tpu.memory_space<hbm>>) target_semaphore(%arg16 : memref<!tpu.dma_semaphore, #tpu.memory_space<semaphore_mem>>)
      }
      %scan3A_28 = arith.constant 100 : i32
      %mul3A_29 = arith.constant 102400 : i32
      %mul3A_30 = arith.muli %arg1, %mul3A_29 : i32
      %add3A_31 = arith.constant 101376 : i32
      %add3A_32 = arith.addi %mul3A_30, %add3A_31 : i32
      %dma_wait3A = arith.constant 0 : i32
      %dma_wait3A_33 = tpu.memref_slice %arg6[%add3A_32, %dma_wait3A] : memref<1638400x16xf32, #tpu.memory_space<hbm>> -> memref<512x16xf32, #tpu.memory_space<hbm>>
      %dma_wait3A_34 = arith.constant 0 : i32
      %dma_wait3A_35 = tpu.memref_slice %arg6[%add3A_32, %dma_wait3A_34] : memref<1638400x16xf32, #tpu.memory_space<hbm>> -> memref<512x16xf32, #tpu.memory_space<hbm>>
      tpu.wait_dma2 semaphore(%arg15 : memref<!tpu.dma_semaphore, #tpu.memory_space<semaphore_mem>>) src(%arg10 : memref<512x16xf32, #tpu.memory_space<vmem>>) dst(%dma_wait3A_35 : memref<512x16xf32, #tpu.memory_space<hbm>>)
      %mul3A_36 = arith.constant 102400 : i32
      %mul3A_37 = arith.muli %arg1, %mul3A_36 : i32
      %add3A_38 = arith.constant 101888 : i32
      %add3A_39 = arith.addi %mul3A_37, %add3A_38 : i32
      %dma_wait3A_40 = arith.constant 0 : i32
      %dma_wait3A_41 = tpu.memref_slice %arg6[%add3A_39, %dma_wait3A_40] : memref<1638400x16xf32, #tpu.memory_space<hbm>> -> memref<512x16xf32, #tpu.memory_space<hbm>>
      %dma_wait3A_42 = arith.constant 0 : i32
      %dma_wait3A_43 = tpu.memref_slice %arg6[%add3A_39, %dma_wait3A_42] : memref<1638400x16xf32, #tpu.memory_space<hbm>> -> memref<512x16xf32, #tpu.memory_space<hbm>>
      tpu.wait_dma2 semaphore(%arg16 : memref<!tpu.dma_semaphore, #tpu.memory_space<semaphore_mem>>) src(%arg11 : memref<512x16xf32, #tpu.memory_space<vmem>>) dst(%dma_wait3A_43 : memref<512x16xf32, #tpu.memory_space<hbm>>)
    } else {
    }
    %eq3A_16 = arith.constant 1 : i32
    %eq3A_17 = arith.cmpi eq, %arg0, %eq3A_16 : i32
    %convert_element_type3A_18 = arith.extui %eq3A_17 : i1 to i32
    %cond3A_19 = arith.constant 0 : i32
    %cond3A_20 = arith.cmpi ne, %convert_element_type3A_18, %cond3A_19 : i32
    scf.if %cond3A_20 {
      %mul3A_21 = arith.constant 102400 : i32
      %mul3A_22 = arith.muli %arg1, %mul3A_21 : i32
      %add3A = arith.constant 0 : i32
      %add3A_23 = arith.addi %mul3A_22, %add3A : i32
      %dma_start3A = tpu.memref_slice %arg4[%add3A_23] : memref<1638400xi32, #tpu.memory_space<hbm>> -> memref<512xi32, #tpu.memory_space<hbm>>
      %dma_start3A_24 = tpu.memref_slice %arg4[%add3A_23] : memref<1638400xi32, #tpu.memory_space<hbm>> -> memref<512xi32, #tpu.memory_space<hbm>>
      tpu.enqueue_dma source(%dma_start3A_24 : memref<512xi32, #tpu.memory_space<hbm>>) target(%arg8 : memref<512xi32, #tpu.memory_space<vmem>>) target_semaphore(%arg13 : memref<!tpu.dma_semaphore, #tpu.memory_space<semaphore_mem>>)
      %scan3A = arith.constant 0 : i32
      %scan3A_25 = arith.constant 100 : i32
      %scan3A_26 = arith.addi %scan3A, %scan3A_25 : i32
      %scan3A_27 = arith.constant 1 : i32
      scf.for %scan3A_44 = %scan3A to %scan3A_26 step %scan3A_27  : i32 {
        %mul3A_45 = arith.constant 2 : i32
        %mul3A_46 = arith.muli %scan3A_44, %mul3A_45 : i32
        %add3A_47 = arith.constant 0 : i32
        %add3A_48 = arith.addi %add3A_47, %mul3A_46 : i32
        %add3A_49 = arith.constant 1 : i32
        %add3A_50 = arith.addi %add3A_48, %add3A_49 : i32
        %mul3A_51 = arith.constant 102400 : i32
        %mul3A_52 = arith.muli %arg1, %mul3A_51 : i32
        %mul3A_53 = arith.constant 512 : i32
        %mul3A_54 = arith.muli %add3A_50, %mul3A_53 : i32
        %add3A_55 = arith.addi %mul3A_52, %mul3A_54 : i32
        %dma_start3A_56 = tpu.memref_slice %arg4[%add3A_55] : memref<1638400xi32, #tpu.memory_space<hbm>> -> memref<512xi32, #tpu.memory_space<hbm>>
        %dma_start3A_57 = tpu.memref_slice %arg4[%add3A_55] : memref<1638400xi32, #tpu.memory_space<hbm>> -> memref<512xi32, #tpu.memory_space<hbm>>
        tpu.enqueue_dma source(%dma_start3A_57 : memref<512xi32, #tpu.memory_space<hbm>>) target(%arg9 : memref<512xi32, #tpu.memory_space<vmem>>) target_semaphore(%arg14 : memref<!tpu.dma_semaphore, #tpu.memory_space<semaphore_mem>>)
        %mul3A_58 = arith.constant 102400 : i32
        %mul3A_59 = arith.muli %arg1, %mul3A_58 : i32
        %mul3A_60 = arith.constant 512 : i32
        %mul3A_61 = arith.muli %add3A_48, %mul3A_60 : i32
        %add3A_62 = arith.addi %mul3A_59, %mul3A_61 : i32
        %dma_wait3A_63 = tpu.memref_slice %arg4[%add3A_62] : memref<1638400xi32, #tpu.memory_space<hbm>> -> memref<512xi32, #tpu.memory_space<hbm>>
        %dma_wait3A_64 = tpu.memref_slice %arg4[%add3A_62] : memref<1638400xi32, #tpu.memory_space<hbm>> -> memref<512xi32, #tpu.memory_space<hbm>>
        tpu.wait_dma2 semaphore(%arg13 : memref<!tpu.dma_semaphore, #tpu.memory_space<semaphore_mem>>) src(%dma_wait3A_64 : memref<512xi32, #tpu.memory_space<hbm>>) dst(%arg8 : memref<512xi32, #tpu.memory_space<vmem>>)
        %ge3A = arith.constant 2 : i32
        %ge3A_65 = arith.cmpi sge, %add3A_48, %ge3A : i32
        %convert_element_type3A_66 = arith.extui %ge3A_65 : i1 to i32
        %cond3A_67 = arith.constant 0 : i32
        %cond3A_68 = arith.cmpi ne, %convert_element_type3A_66, %cond3A_67 : i32
        scf.if %cond3A_68 {
          %sub3A = arith.constant 2 : i32
          %sub3A_109 = arith.subi %add3A_48, %sub3A : i32
          %mul3A_110 = arith.constant 102400 : i32
          %mul3A_111 = arith.muli %arg1, %mul3A_110 : i32
          %mul3A_112 = arith.constant 512 : i32
          %mul3A_113 = arith.muli %sub3A_109, %mul3A_112 : i32
          %add3A_114 = arith.addi %mul3A_111, %mul3A_113 : i32
          %dma_wait3A_115 = arith.constant 0 : i32
          %dma_wait3A_116 = tpu.memref_slice %arg7[%add3A_114, %dma_wait3A_115] : memref<1638400x16xf32, #tpu.memory_space<hbm>> -> memref<512x16xf32, #tpu.memory_space<hbm>>
          %dma_wait3A_117 = arith.constant 0 : i32
          %dma_wait3A_118 = tpu.memref_slice %arg7[%add3A_114, %dma_wait3A_117] : memref<1638400x16xf32, #tpu.memory_space<hbm>> -> memref<512x16xf32, #tpu.memory_space<hbm>>
          tpu.wait_dma2 semaphore(%arg15 : memref<!tpu.dma_semaphore, #tpu.memory_space<semaphore_mem>>) src(%arg10 : memref<512x16xf32, #tpu.memory_space<vmem>>) dst(%dma_wait3A_118 : memref<512x16xf32, #tpu.memory_space<hbm>>)
        } else {
        }
        "tpu.region"() ({
          %run_scoped3A = tpu.sem_alloc : memref<!tpu.dma_semaphore, #tpu.memory_space<semaphore_mem>>
          %dma_start3A_109 = arith.constant 0 : i32
          %dma_start3A_110 = arith.constant 0 : i32
          %dma_start3A_111 = tpu.memref_slice %arg12[%dma_start3A_109, %dma_start3A_110] : memref<102400x16xf32, #tpu.memory_space<vmem_shared>> -> memref<102400x16xf32, #tpu.memory_space<vmem_shared>>
          tpu.enqueue_indirect_dma source(%dma_start3A_111 : memref<102400x16xf32, #tpu.memory_space<vmem_shared>>) target(%arg10 : memref<512x16xf32, #tpu.memory_space<vmem>>) offsets(%arg8 : memref<512xi32, #tpu.memory_space<vmem>>) semaphore(%run_scoped3A : memref<!tpu.dma_semaphore, #tpu.memory_space<semaphore_mem>>)
          %dma_wait3A_112 = arith.constant 0 : i32
          %dma_wait3A_113 = arith.constant 0 : i32
          %dma_wait3A_114 = tpu.memref_slice %arg12[%dma_wait3A_112, %dma_wait3A_113] : memref<102400x16xf32, #tpu.memory_space<vmem_shared>> -> memref<102400x16xf32, #tpu.memory_space<vmem_shared>>
          tpu.wait_indirect_dma semaphore(%run_scoped3A : memref<!tpu.dma_semaphore, #tpu.memory_space<semaphore_mem>>) src(%dma_wait3A_114 : memref<102400x16xf32, #tpu.memory_space<vmem_shared>>) dst(%arg10 : memref<512x16xf32, #tpu.memory_space<vmem>>)
          tpu.yield
        }) : () -> ()
        %mul3A_69 = arith.constant 102400 : i32
        %mul3A_70 = arith.muli %arg1, %mul3A_69 : i32
        %mul3A_71 = arith.constant 512 : i32
        %mul3A_72 = arith.muli %add3A_48, %mul3A_71 : i32
        %add3A_73 = arith.addi %mul3A_70, %mul3A_72 : i32
        %dma_start3A_74 = arith.constant 0 : i32
        %dma_start3A_75 = tpu.memref_slice %arg7[%add3A_73, %dma_start3A_74] : memref<1638400x16xf32, #tpu.memory_space<hbm>> -> memref<512x16xf32, #tpu.memory_space<hbm>>
        %dma_start3A_76 = arith.constant 0 : i32
        %dma_start3A_77 = tpu.memref_slice %arg7[%add3A_73, %dma_start3A_76] : memref<1638400x16xf32, #tpu.memory_space<hbm>> -> memref<512x16xf32, #tpu.memory_space<hbm>>
        tpu.enqueue_dma source(%arg10 : memref<512x16xf32, #tpu.memory_space<vmem>>) target(%dma_start3A_77 : memref<512x16xf32, #tpu.memory_space<hbm>>) target_semaphore(%arg15 : memref<!tpu.dma_semaphore, #tpu.memory_space<semaphore_mem>>)
        %add3A_78 = arith.constant 2 : i32
        %add3A_79 = arith.addi %add3A_48, %add3A_78 : i32
        %lt3A = arith.constant 200 : i32
        %lt3A_80 = arith.cmpi slt, %add3A_79, %lt3A : i32
        %convert_element_type3A_81 = arith.extui %lt3A_80 : i1 to i32
        %cond3A_82 = arith.constant 0 : i32
        %cond3A_83 = arith.cmpi ne, %convert_element_type3A_81, %cond3A_82 : i32
        scf.if %cond3A_83 {
          %add3A_109 = arith.constant 2 : i32
          %add3A_110 = arith.addi %add3A_48, %add3A_109 : i32
          %mul3A_111 = arith.constant 102400 : i32
          %mul3A_112 = arith.muli %arg1, %mul3A_111 : i32
          %mul3A_113 = arith.constant 512 : i32
          %mul3A_114 = arith.muli %add3A_110, %mul3A_113 : i32
          %add3A_115 = arith.addi %mul3A_112, %mul3A_114 : i32
          %dma_start3A_116 = tpu.memref_slice %arg4[%add3A_115] : memref<1638400xi32, #tpu.memory_space<hbm>> -> memref<512xi32, #tpu.memory_space<hbm>>
          %dma_start3A_117 = tpu.memref_slice %arg4[%add3A_115] : memref<1638400xi32, #tpu.memory_space<hbm>> -> memref<512xi32, #tpu.memory_space<hbm>>
          tpu.enqueue_dma source(%dma_start3A_117 : memref<512xi32, #tpu.memory_space<hbm>>) target(%arg8 : memref<512xi32, #tpu.memory_space<vmem>>) target_semaphore(%arg13 : memref<!tpu.dma_semaphore, #tpu.memory_space<semaphore_mem>>)
        } else {
        }
        %add3A_84 = arith.constant 1 : i32
        %add3A_85 = arith.addi %add3A_48, %add3A_84 : i32
        %mul3A_86 = arith.constant 102400 : i32
        %mul3A_87 = arith.muli %arg1, %mul3A_86 : i32
        %mul3A_88 = arith.constant 512 : i32
        %mul3A_89 = arith.muli %add3A_85, %mul3A_88 : i32
        %add3A_90 = arith.addi %mul3A_87, %mul3A_89 : i32
        %dma_wait3A_91 = tpu.memref_slice %arg4[%add3A_90] : memref<1638400xi32, #tpu.memory_space<hbm>> -> memref<512xi32, #tpu.memory_space<hbm>>
        %dma_wait3A_92 = tpu.memref_slice %arg4[%add3A_90] : memref<1638400xi32, #tpu.memory_space<hbm>> -> memref<512xi32, #tpu.memory_space<hbm>>
        tpu.wait_dma2 semaphore(%arg14 : memref<!tpu.dma_semaphore, #tpu.memory_space<semaphore_mem>>) src(%dma_wait3A_92 : memref<512xi32, #tpu.memory_space<hbm>>) dst(%arg9 : memref<512xi32, #tpu.memory_space<vmem>>)
        %ge3A_93 = arith.constant 2 : i32
        %ge3A_94 = arith.cmpi sge, %add3A_48, %ge3A_93 : i32
        %convert_element_type3A_95 = arith.extui %ge3A_94 : i1 to i32
        %cond3A_96 = arith.constant 0 : i32
        %cond3A_97 = arith.cmpi ne, %convert_element_type3A_95, %cond3A_96 : i32
        scf.if %cond3A_97 {
          %sub3A = arith.constant 1 : i32
          %sub3A_109 = arith.subi %add3A_48, %sub3A : i32
          %mul3A_110 = arith.constant 102400 : i32
          %mul3A_111 = arith.muli %arg1, %mul3A_110 : i32
          %mul3A_112 = arith.constant 512 : i32
          %mul3A_113 = arith.muli %sub3A_109, %mul3A_112 : i32
          %add3A_114 = arith.addi %mul3A_111, %mul3A_113 : i32
          %dma_wait3A_115 = arith.constant 0 : i32
          %dma_wait3A_116 = tpu.memref_slice %arg7[%add3A_114, %dma_wait3A_115] : memref<1638400x16xf32, #tpu.memory_space<hbm>> -> memref<512x16xf32, #tpu.memory_space<hbm>>
          %dma_wait3A_117 = arith.constant 0 : i32
          %dma_wait3A_118 = tpu.memref_slice %arg7[%add3A_114, %dma_wait3A_117] : memref<1638400x16xf32, #tpu.memory_space<hbm>> -> memref<512x16xf32, #tpu.memory_space<hbm>>
          tpu.wait_dma2 semaphore(%arg16 : memref<!tpu.dma_semaphore, #tpu.memory_space<semaphore_mem>>) src(%arg11 : memref<512x16xf32, #tpu.memory_space<vmem>>) dst(%dma_wait3A_118 : memref<512x16xf32, #tpu.memory_space<hbm>>)
        } else {
        }
        "tpu.region"() ({
          %run_scoped3A = tpu.sem_alloc : memref<!tpu.dma_semaphore, #tpu.memory_space<semaphore_mem>>
          %dma_start3A_109 = arith.constant 0 : i32
          %dma_start3A_110 = arith.constant 0 : i32
          %dma_start3A_111 = tpu.memref_slice %arg12[%dma_start3A_109, %dma_start3A_110] : memref<102400x16xf32, #tpu.memory_space<vmem_shared>> -> memref<102400x16xf32, #tpu.memory_space<vmem_shared>>
          tpu.enqueue_indirect_dma source(%dma_start3A_111 : memref<102400x16xf32, #tpu.memory_space<vmem_shared>>) target(%arg11 : memref<512x16xf32, #tpu.memory_space<vmem>>) offsets(%arg9 : memref<512xi32, #tpu.memory_space<vmem>>) semaphore(%run_scoped3A : memref<!tpu.dma_semaphore, #tpu.memory_space<semaphore_mem>>)
          %dma_wait3A_112 = arith.constant 0 : i32
          %dma_wait3A_113 = arith.constant 0 : i32
          %dma_wait3A_114 = tpu.memref_slice %arg12[%dma_wait3A_112, %dma_wait3A_113] : memref<102400x16xf32, #tpu.memory_space<vmem_shared>> -> memref<102400x16xf32, #tpu.memory_space<vmem_shared>>
          tpu.wait_indirect_dma semaphore(%run_scoped3A : memref<!tpu.dma_semaphore, #tpu.memory_space<semaphore_mem>>) src(%dma_wait3A_114 : memref<102400x16xf32, #tpu.memory_space<vmem_shared>>) dst(%arg11 : memref<512x16xf32, #tpu.memory_space<vmem>>)
          tpu.yield
        }) : () -> ()
        %add3A_98 = arith.constant 1 : i32
        %add3A_99 = arith.addi %add3A_48, %add3A_98 : i32
        %mul3A_100 = arith.constant 102400 : i32
        %mul3A_101 = arith.muli %arg1, %mul3A_100 : i32
        %mul3A_102 = arith.constant 512 : i32
        %mul3A_103 = arith.muli %add3A_99, %mul3A_102 : i32
        %add3A_104 = arith.addi %mul3A_101, %mul3A_103 : i32
        %dma_start3A_105 = arith.constant 0 : i32
        %dma_start3A_106 = tpu.memref_slice %arg7[%add3A_104, %dma_start3A_105] : memref<1638400x16xf32, #tpu.memory_space<hbm>> -> memref<512x16xf32, #tpu.memory_space<hbm>>
        %dma_start3A_107 = arith.constant 0 : i32
        %dma_start3A_108 = tpu.memref_slice %arg7[%add3A_104, %dma_start3A_107] : memref<1638400x16xf32, #tpu.memory_space<hbm>> -> memref<512x16xf32, #tpu.memory_space<hbm>>
        tpu.enqueue_dma source(%arg11 : memref<512x16xf32, #tpu.memory_space<vmem>>) target(%dma_start3A_108 : memref<512x16xf32, #tpu.memory_space<hbm>>) target_semaphore(%arg16 : memref<!tpu.dma_semaphore, #tpu.memory_space<semaphore_mem>>)
      }
      %scan3A_28 = arith.constant 100 : i32
      %mul3A_29 = arith.constant 102400 : i32
      %mul3A_30 = arith.muli %arg1, %mul3A_29 : i32
      %add3A_31 = arith.constant 101376 : i32
      %add3A_32 = arith.addi %mul3A_30, %add3A_31 : i32
      %dma_wait3A = arith.constant 0 : i32
      %dma_wait3A_33 = tpu.memref_slice %arg7[%add3A_32, %dma_wait3A] : memref<1638400x16xf32, #tpu.memory_space<hbm>> -> memref<512x16xf32, #tpu.memory_space<hbm>>
      %dma_wait3A_34 = arith.constant 0 : i32
      %dma_wait3A_35 = tpu.memref_slice %arg7[%add3A_32, %dma_wait3A_34] : memref<1638400x16xf32, #tpu.memory_space<hbm>> -> memref<512x16xf32, #tpu.memory_space<hbm>>
      tpu.wait_dma2 semaphore(%arg15 : memref<!tpu.dma_semaphore, #tpu.memory_space<semaphore_mem>>) src(%arg10 : memref<512x16xf32, #tpu.memory_space<vmem>>) dst(%dma_wait3A_35 : memref<512x16xf32, #tpu.memory_space<hbm>>)
      %mul3A_36 = arith.constant 102400 : i32
      %mul3A_37 = arith.muli %arg1, %mul3A_36 : i32
      %add3A_38 = arith.constant 101888 : i32
      %add3A_39 = arith.addi %mul3A_37, %add3A_38 : i32
      %dma_wait3A_40 = arith.constant 0 : i32
      %dma_wait3A_41 = tpu.memref_slice %arg7[%add3A_39, %dma_wait3A_40] : memref<1638400x16xf32, #tpu.memory_space<hbm>> -> memref<512x16xf32, #tpu.memory_space<hbm>>
      %dma_wait3A_42 = arith.constant 0 : i32
      %dma_wait3A_43 = tpu.memref_slice %arg7[%add3A_39, %dma_wait3A_42] : memref<1638400x16xf32, #tpu.memory_space<hbm>> -> memref<512x16xf32, #tpu.memory_space<hbm>>
      tpu.wait_dma2 semaphore(%arg16 : memref<!tpu.dma_semaphore, #tpu.memory_space<semaphore_mem>>) src(%arg11 : memref<512x16xf32, #tpu.memory_space<vmem>>) dst(%dma_wait3A_43 : memref<512x16xf32, #tpu.memory_space<hbm>>)
    } else {
    }
    return
  }
}

#map = affine_map<(d0, d1) -> (0)>
module attributes {stable_mosaic.version = 14 : i64} {
  func.func @k(%arg0: i32, %arg1: i32, %arg2: memref<1638400xf32, #tpu.memory_space<hbm>>, %arg3: memref<1638400xi32, #tpu.memory_space<hbm>>, %arg4: memref<102400xf32, #tpu.memory_space<hbm>>, %arg5: memref<1638400xf32, #tpu.memory_space<hbm>>, %arg6: memref<2048xf32, #tpu.memory_space<vmem>>, %arg7: memref<2048xf32, #tpu.memory_space<vmem>>, %arg8: memref<2048xi32, #tpu.memory_space<vmem>>, %arg9: memref<2048xi32, #tpu.memory_space<vmem>>, %arg10: memref<2048xf32, #tpu.memory_space<vmem>>, %arg11: memref<2048xf32, #tpu.memory_space<vmem>>, %arg12: memref<2048xf32, #tpu.memory_space<vmem>>, %arg13: memref<2048xf32, #tpu.memory_space<vmem>>, %arg14: memref<6400xf32, #tpu.memory_space<vmem>>, %arg15: memref<6400xf32, #tpu.memory_space<vmem>>, %arg16: memref<102400xf32, #tpu.memory_space<vmem_shared>>, %arg17: memref<102400xf32, #tpu.memory_space<vmem_shared>>, %arg18: memref<102400xf32, #tpu.memory_space<vmem_shared>>, %arg19: memref<!tpu.dma_semaphore, #tpu.memory_space<semaphore_mem>>, %arg20: memref<!tpu.dma_semaphore, #tpu.memory_space<semaphore_mem>>, %arg21: memref<!tpu.dma_semaphore, #tpu.memory_space<semaphore_mem>>, %arg22: memref<!tpu.dma_semaphore, #tpu.memory_space<semaphore_mem>>) attributes {dimension_semantics = [#tpu.dimension_semantics<core_parallel>, #tpu.dimension_semantics<subcore_parallel>], iteration_bounds = array<i64: 2, 16>, scalar_prefetch = 0 : i64, scratch_operands = 17 : i64, tpu.core_type = #tpu.core_type<sc_vector_subcore>, window_params = [{transform_indices = #map}, {transform_indices = #map}, {transform_indices = #map}, {transform_indices = #map}]} {
    %lt3A = arith.constant 8 : i32
    %lt3A_0 = arith.cmpi slt, %arg1, %lt3A : i32
    %eq3A = arith.constant 0 : i32
    %eq3A_1 = arith.cmpi eq, %arg0, %eq3A : i32
    %eq3A_2 = arith.xori %lt3A_0, %eq3A_1 : i1
    %eq3A_3 = arith.constant true
    %eq3A_4 = arith.xori %eq3A_2, %eq3A_3 : i1
    %mul3A = arith.constant 6400 : i32
    %mul3A_5 = arith.muli %arg1, %mul3A : i32
    "tpu.region"() ({
      %run_scoped3A = tpu.sem_alloc : memref<!tpu.dma_semaphore, #tpu.memory_space<semaphore_mem>>
      %dma_start3A_135 = tpu.memref_slice %arg16[%mul3A_5] : memref<102400xf32, #tpu.memory_space<vmem_shared>> -> memref<6400xf32, #tpu.memory_space<vmem_shared>>
      %dma_start3A_136 = tpu.memref_slice %arg4[%mul3A_5] : memref<102400xf32, #tpu.memory_space<hbm>> -> memref<6400xf32, #tpu.memory_space<hbm>>
      tpu.enqueue_dma source(%dma_start3A_136 : memref<6400xf32, #tpu.memory_space<hbm>>) target(%dma_start3A_135 : memref<6400xf32, #tpu.memory_space<vmem_shared>>) target_semaphore(%run_scoped3A : memref<!tpu.dma_semaphore, #tpu.memory_space<semaphore_mem>>)
      %dma_wait3A_137 = tpu.memref_slice %arg16[%mul3A_5] : memref<102400xf32, #tpu.memory_space<vmem_shared>> -> memref<6400xf32, #tpu.memory_space<vmem_shared>>
      %dma_wait3A_138 = tpu.memref_slice %arg4[%mul3A_5] : memref<102400xf32, #tpu.memory_space<hbm>> -> memref<6400xf32, #tpu.memory_space<hbm>>
      tpu.wait_dma2 semaphore(%run_scoped3A : memref<!tpu.dma_semaphore, #tpu.memory_space<semaphore_mem>>) src(%dma_wait3A_138 : memref<6400xf32, #tpu.memory_space<hbm>>) dst(%dma_wait3A_137 : memref<6400xf32, #tpu.memory_space<vmem_shared>>)
      tpu.yield
    }) : () -> ()
    "tpu.region"() ({
      %run_scoped3A = tpu.sem_alloc : memref<!tpu.dma_semaphore, #tpu.memory_space<semaphore_mem>>
      %dma_start3A_135 = tpu.memref_slice %arg17[%mul3A_5] : memref<102400xf32, #tpu.memory_space<vmem_shared>> -> memref<6400xf32, #tpu.memory_space<vmem_shared>>
      %dma_start3A_136 = tpu.memref_slice %arg4[%mul3A_5] : memref<102400xf32, #tpu.memory_space<hbm>> -> memref<6400xf32, #tpu.memory_space<hbm>>
      tpu.enqueue_dma source(%dma_start3A_136 : memref<6400xf32, #tpu.memory_space<hbm>>) target(%dma_start3A_135 : memref<6400xf32, #tpu.memory_space<vmem_shared>>) target_semaphore(%run_scoped3A : memref<!tpu.dma_semaphore, #tpu.memory_space<semaphore_mem>>)
      %dma_wait3A_137 = tpu.memref_slice %arg17[%mul3A_5] : memref<102400xf32, #tpu.memory_space<vmem_shared>> -> memref<6400xf32, #tpu.memory_space<vmem_shared>>
      %dma_wait3A_138 = tpu.memref_slice %arg4[%mul3A_5] : memref<102400xf32, #tpu.memory_space<hbm>> -> memref<6400xf32, #tpu.memory_space<hbm>>
      tpu.wait_dma2 semaphore(%run_scoped3A : memref<!tpu.dma_semaphore, #tpu.memory_space<semaphore_mem>>) src(%dma_wait3A_138 : memref<6400xf32, #tpu.memory_space<hbm>>) dst(%dma_wait3A_137 : memref<6400xf32, #tpu.memory_space<vmem_shared>>)
      tpu.yield
    }) : () -> ()
    "tpu.region"() ({
      %run_scoped3A = tpu.sem_alloc : memref<!tpu.dma_semaphore, #tpu.memory_space<semaphore_mem>>
      %dma_start3A_135 = tpu.memref_slice %arg18[%mul3A_5] : memref<102400xf32, #tpu.memory_space<vmem_shared>> -> memref<6400xf32, #tpu.memory_space<vmem_shared>>
      %dma_start3A_136 = tpu.memref_slice %arg4[%mul3A_5] : memref<102400xf32, #tpu.memory_space<hbm>> -> memref<6400xf32, #tpu.memory_space<hbm>>
      tpu.enqueue_dma source(%dma_start3A_136 : memref<6400xf32, #tpu.memory_space<hbm>>) target(%dma_start3A_135 : memref<6400xf32, #tpu.memory_space<vmem_shared>>) target_semaphore(%run_scoped3A : memref<!tpu.dma_semaphore, #tpu.memory_space<semaphore_mem>>)
      %dma_wait3A_137 = tpu.memref_slice %arg18[%mul3A_5] : memref<102400xf32, #tpu.memory_space<vmem_shared>> -> memref<6400xf32, #tpu.memory_space<vmem_shared>>
      %dma_wait3A_138 = tpu.memref_slice %arg4[%mul3A_5] : memref<102400xf32, #tpu.memory_space<hbm>> -> memref<6400xf32, #tpu.memory_space<hbm>>
      tpu.wait_dma2 semaphore(%run_scoped3A : memref<!tpu.dma_semaphore, #tpu.memory_space<semaphore_mem>>) src(%dma_wait3A_138 : memref<6400xf32, #tpu.memory_space<hbm>>) dst(%dma_wait3A_137 : memref<6400xf32, #tpu.memory_space<vmem_shared>>)
      tpu.yield
    }) : () -> ()
    %scan3A = arith.constant 0 : i32
    %scan3A_6 = arith.constant 128 : i32
    %scan3A_7 = arith.addi %scan3A, %scan3A_6 : i32
    %scan3A_8 = arith.constant 1 : i32
    scf.for %scan3A_135 = %scan3A to %scan3A_7 step %scan3A_8  : i32 {
      %mul3A_136 = arith.constant 16 : i32
      %mul3A_137 = arith.muli %scan3A_135, %mul3A_136 : i32
      %add3A_138 = arith.constant 0 : i32
      %add3A_139 = arith.addi %add3A_138, %mul3A_137 : i32
      %broadcast_in_dim3A = arith.constant 1.000000e+00 : f32
      %broadcast_in_dim3A_140 = vector.broadcast %broadcast_in_dim3A : f32 to vector<16xf32>
      %swap3A = arith.index_cast %add3A_139 : i32 to index
      %swap3A_141 = tpu.vector_load %arg13[%swap3A] {strides = array<i32>} : memref<2048xf32, #tpu.memory_space<vmem>>, vector<16xf32>,
      %swap3A_142 = vector.shape_cast %swap3A_141 : vector<16xf32> to vector<16xf32>
      %swap3A_143 = vector.shape_cast %broadcast_in_dim3A_140 : vector<16xf32> to vector<16xf32>
      tpu.vector_store %arg13[%swap3A], %swap3A_143 {strides = array<i32>} : memref<2048xf32, #tpu.memory_space<vmem>>, vector<16xf32>,
    }
    %scan3A_9 = arith.constant 128 : i32
    %barrier3A = arith.constant 0 : index
    tpu.barrier barrier_id(%barrier3A)
    %mul3A_10 = arith.constant 102400 : i32
    %mul3A_11 = arith.muli %arg1, %mul3A_10 : i32
    %add3A = arith.constant 0 : i32
    %add3A_12 = arith.addi %mul3A_11, %add3A : i32
    %dma_start3A = tpu.memref_slice %arg2[%add3A_12] : memref<1638400xf32, #tpu.memory_space<hbm>> -> memref<2048xf32, #tpu.memory_space<hbm>>
    %dma_start3A_13 = tpu.memref_slice %arg2[%add3A_12] : memref<1638400xf32, #tpu.memory_space<hbm>> -> memref<2048xf32, #tpu.memory_space<hbm>>
    tpu.enqueue_dma source(%dma_start3A_13 : memref<2048xf32, #tpu.memory_space<hbm>>) target(%arg6 : memref<2048xf32, #tpu.memory_space<vmem>>) target_semaphore(%arg19 : memref<!tpu.dma_semaphore, #tpu.memory_space<semaphore_mem>>)
    %mul3A_14 = arith.constant 102400 : i32
    %mul3A_15 = arith.muli %arg1, %mul3A_14 : i32
    %add3A_16 = arith.constant 0 : i32
    %add3A_17 = arith.addi %mul3A_15, %add3A_16 : i32
    %dma_start3A_18 = tpu.memref_slice %arg3[%add3A_17] : memref<1638400xi32, #tpu.memory_space<hbm>> -> memref<2048xi32, #tpu.memory_space<hbm>>
    %dma_start3A_19 = tpu.memref_slice %arg3[%add3A_17] : memref<1638400xi32, #tpu.memory_space<hbm>> -> memref<2048xi32, #tpu.memory_space<hbm>>
    tpu.enqueue_dma source(%dma_start3A_19 : memref<2048xi32, #tpu.memory_space<hbm>>) target(%arg8 : memref<2048xi32, #tpu.memory_space<vmem>>) target_semaphore(%arg19 : memref<!tpu.dma_semaphore, #tpu.memory_space<semaphore_mem>>)
    %scan3A_20 = arith.constant 0 : i32
    %scan3A_21 = arith.constant 25 : i32
    %scan3A_22 = arith.addi %scan3A_20, %scan3A_21 : i32
    %scan3A_23 = arith.constant 1 : i32
    scf.for %scan3A_135 = %scan3A_20 to %scan3A_22 step %scan3A_23  : i32 {
      %mul3A_136 = arith.constant 2 : i32
      %mul3A_137 = arith.muli %scan3A_135, %mul3A_136 : i32
      %add3A_138 = arith.constant 0 : i32
      %add3A_139 = arith.addi %add3A_138, %mul3A_137 : i32
      %add3A_140 = arith.constant 1 : i32
      %add3A_141 = arith.addi %add3A_139, %add3A_140 : i32
      %mul3A_142 = arith.constant 102400 : i32
      %mul3A_143 = arith.muli %arg1, %mul3A_142 : i32
      %mul3A_144 = arith.constant 2048 : i32
      %mul3A_145 = arith.muli %add3A_141, %mul3A_144 : i32
      %add3A_146 = arith.addi %mul3A_143, %mul3A_145 : i32
      %dma_start3A_147 = tpu.memref_slice %arg2[%add3A_146] : memref<1638400xf32, #tpu.memory_space<hbm>> -> memref<2048xf32, #tpu.memory_space<hbm>>
      %dma_start3A_148 = tpu.memref_slice %arg2[%add3A_146] : memref<1638400xf32, #tpu.memory_space<hbm>> -> memref<2048xf32, #tpu.memory_space<hbm>>
      tpu.enqueue_dma source(%dma_start3A_148 : memref<2048xf32, #tpu.memory_space<hbm>>) target(%arg7 : memref<2048xf32, #tpu.memory_space<vmem>>) target_semaphore(%arg20 : memref<!tpu.dma_semaphore, #tpu.memory_space<semaphore_mem>>)
      %mul3A_149 = arith.constant 102400 : i32
      %mul3A_150 = arith.muli %arg1, %mul3A_149 : i32
      %mul3A_151 = arith.constant 2048 : i32
      %mul3A_152 = arith.muli %add3A_141, %mul3A_151 : i32
      %add3A_153 = arith.addi %mul3A_150, %mul3A_152 : i32
      %dma_start3A_154 = tpu.memref_slice %arg3[%add3A_153] : memref<1638400xi32, #tpu.memory_space<hbm>> -> memref<2048xi32, #tpu.memory_space<hbm>>
      %dma_start3A_155 = tpu.memref_slice %arg3[%add3A_153] : memref<1638400xi32, #tpu.memory_space<hbm>> -> memref<2048xi32, #tpu.memory_space<hbm>>
      tpu.enqueue_dma source(%dma_start3A_155 : memref<2048xi32, #tpu.memory_space<hbm>>) target(%arg9 : memref<2048xi32, #tpu.memory_space<vmem>>) target_semaphore(%arg20 : memref<!tpu.dma_semaphore, #tpu.memory_space<semaphore_mem>>)
      %mul3A_156 = arith.constant 102400 : i32
      %mul3A_157 = arith.muli %arg1, %mul3A_156 : i32
      %mul3A_158 = arith.constant 2048 : i32
      %mul3A_159 = arith.muli %add3A_139, %mul3A_158 : i32
      %add3A_160 = arith.addi %mul3A_157, %mul3A_159 : i32
      %dma_wait3A_161 = tpu.memref_slice %arg2[%add3A_160] : memref<1638400xf32, #tpu.memory_space<hbm>> -> memref<2048xf32, #tpu.memory_space<hbm>>
      %dma_wait3A_162 = tpu.memref_slice %arg2[%add3A_160] : memref<1638400xf32, #tpu.memory_space<hbm>> -> memref<2048xf32, #tpu.memory_space<hbm>>
      tpu.wait_dma2 semaphore(%arg19 : memref<!tpu.dma_semaphore, #tpu.memory_space<semaphore_mem>>) src(%dma_wait3A_162 : memref<2048xf32, #tpu.memory_space<hbm>>) dst(%arg6 : memref<2048xf32, #tpu.memory_space<vmem>>)
      %mul3A_163 = arith.constant 102400 : i32
      %mul3A_164 = arith.muli %arg1, %mul3A_163 : i32
      %mul3A_165 = arith.constant 2048 : i32
      %mul3A_166 = arith.muli %add3A_139, %mul3A_165 : i32
      %add3A_167 = arith.addi %mul3A_164, %mul3A_166 : i32
      %dma_wait3A_168 = tpu.memref_slice %arg3[%add3A_167] : memref<1638400xi32, #tpu.memory_space<hbm>> -> memref<2048xi32, #tpu.memory_space<hbm>>
      %dma_wait3A_169 = tpu.memref_slice %arg3[%add3A_167] : memref<1638400xi32, #tpu.memory_space<hbm>> -> memref<2048xi32, #tpu.memory_space<hbm>>
      tpu.wait_dma2 semaphore(%arg19 : memref<!tpu.dma_semaphore, #tpu.memory_space<semaphore_mem>>) src(%dma_wait3A_169 : memref<2048xi32, #tpu.memory_space<hbm>>) dst(%arg8 : memref<2048xi32, #tpu.memory_space<vmem>>)
      "tpu.region"() ({
        %run_scoped3A = tpu.sem_alloc : memref<!tpu.dma_semaphore, #tpu.memory_space<semaphore_mem>>
        %dma_start3A_193 = arith.constant 0 : i32
        %dma_start3A_194 = tpu.memref_slice %arg16[%dma_start3A_193] : memref<102400xf32, #tpu.memory_space<vmem_shared>> -> memref<102400xf32, #tpu.memory_space<vmem_shared>>
        tpu.enqueue_indirect_dma source(%arg6 : memref<2048xf32, #tpu.memory_space<vmem>>) target(%dma_start3A_194 : memref<102400xf32, #tpu.memory_space<vmem_shared>>) offsets(%arg8 : memref<2048xi32, #tpu.memory_space<vmem>>) semaphore(%run_scoped3A : memref<!tpu.dma_semaphore, #tpu.memory_space<semaphore_mem>>) {add = true}
        %dma_wait3A_195 = arith.constant 0 : i32
        %dma_wait3A_196 = tpu.memref_slice %arg16[%dma_wait3A_195] : memref<102400xf32, #tpu.memory_space<vmem_shared>> -> memref<102400xf32, #tpu.memory_space<vmem_shared>>
        tpu.wait_indirect_dma semaphore(%run_scoped3A : memref<!tpu.dma_semaphore, #tpu.memory_space<semaphore_mem>>) src(%arg6 : memref<2048xf32, #tpu.memory_space<vmem>>) dst(%dma_wait3A_196 : memref<102400xf32, #tpu.memory_space<vmem_shared>>)
        tpu.yield
      }) : () -> ()
      "tpu.region"() ({
        %run_scoped3A = tpu.sem_alloc : memref<!tpu.dma_semaphore, #tpu.memory_space<semaphore_mem>>
        %dma_start3A_193 = arith.constant 0 : i32
        %dma_start3A_194 = tpu.memref_slice %arg17[%dma_start3A_193] : memref<102400xf32, #tpu.memory_space<vmem_shared>> -> memref<102400xf32, #tpu.memory_space<vmem_shared>>
        tpu.enqueue_indirect_dma source(%arg13 : memref<2048xf32, #tpu.memory_space<vmem>>) target(%dma_start3A_194 : memref<102400xf32, #tpu.memory_space<vmem_shared>>) offsets(%arg8 : memref<2048xi32, #tpu.memory_space<vmem>>) semaphore(%run_scoped3A : memref<!tpu.dma_semaphore, #tpu.memory_space<semaphore_mem>>) {add = true}
        %dma_wait3A_195 = arith.constant 0 : i32
        %dma_wait3A_196 = tpu.memref_slice %arg17[%dma_wait3A_195] : memref<102400xf32, #tpu.memory_space<vmem_shared>> -> memref<102400xf32, #tpu.memory_space<vmem_shared>>
        tpu.wait_indirect_dma semaphore(%run_scoped3A : memref<!tpu.dma_semaphore, #tpu.memory_space<semaphore_mem>>) src(%arg13 : memref<2048xf32, #tpu.memory_space<vmem>>) dst(%dma_wait3A_196 : memref<102400xf32, #tpu.memory_space<vmem_shared>>)
        tpu.yield
      }) : () -> ()
      %add3A_170 = arith.constant 2 : i32
      %add3A_171 = arith.addi %add3A_139, %add3A_170 : i32
      %lt3A_172 = arith.constant 50 : i32
      %lt3A_173 = arith.cmpi slt, %add3A_171, %lt3A_172 : i32
      %convert_element_type3A_174 = arith.extui %lt3A_173 : i1 to i32
      %cond3A_175 = arith.constant 0 : i32
      %cond3A_176 = arith.cmpi ne, %convert_element_type3A_174, %cond3A_175 : i32
      scf.if %cond3A_176 {
        %add3A_193 = arith.constant 2 : i32
        %add3A_194 = arith.addi %add3A_139, %add3A_193 : i32
        %mul3A_195 = arith.constant 102400 : i32
        %mul3A_196 = arith.muli %arg1, %mul3A_195 : i32
        %mul3A_197 = arith.constant 2048 : i32
        %mul3A_198 = arith.muli %add3A_194, %mul3A_197 : i32
        %add3A_199 = arith.addi %mul3A_196, %mul3A_198 : i32
        %dma_start3A_200 = tpu.memref_slice %arg2[%add3A_199] : memref<1638400xf32, #tpu.memory_space<hbm>> -> memref<2048xf32, #tpu.memory_space<hbm>>
        %dma_start3A_201 = tpu.memref_slice %arg2[%add3A_199] : memref<1638400xf32, #tpu.memory_space<hbm>> -> memref<2048xf32, #tpu.memory_space<hbm>>
        tpu.enqueue_dma source(%dma_start3A_201 : memref<2048xf32, #tpu.memory_space<hbm>>) target(%arg6 : memref<2048xf32, #tpu.memory_space<vmem>>) target_semaphore(%arg19 : memref<!tpu.dma_semaphore, #tpu.memory_space<semaphore_mem>>)
        %mul3A_202 = arith.constant 102400 : i32
        %mul3A_203 = arith.muli %arg1, %mul3A_202 : i32
        %mul3A_204 = arith.constant 2048 : i32
        %mul3A_205 = arith.muli %add3A_194, %mul3A_204 : i32
        %add3A_206 = arith.addi %mul3A_203, %mul3A_205 : i32
        %dma_start3A_207 = tpu.memref_slice %arg3[%add3A_206] : memref<1638400xi32, #tpu.memory_space<hbm>> -> memref<2048xi32, #tpu.memory_space<hbm>>
        %dma_start3A_208 = tpu.memref_slice %arg3[%add3A_206] : memref<1638400xi32, #tpu.memory_space<hbm>> -> memref<2048xi32, #tpu.memory_space<hbm>>
        tpu.enqueue_dma source(%dma_start3A_208 : memref<2048xi32, #tpu.memory_space<hbm>>) target(%arg8 : memref<2048xi32, #tpu.memory_space<vmem>>) target_semaphore(%arg19 : memref<!tpu.dma_semaphore, #tpu.memory_space<semaphore_mem>>)
      } else {
      }
      %add3A_177 = arith.constant 1 : i32
      %add3A_178 = arith.addi %add3A_139, %add3A_177 : i32
      %mul3A_179 = arith.constant 102400 : i32
      %mul3A_180 = arith.muli %arg1, %mul3A_179 : i32
      %mul3A_181 = arith.constant 2048 : i32
      %mul3A_182 = arith.muli %add3A_178, %mul3A_181 : i32
      %add3A_183 = arith.addi %mul3A_180, %mul3A_182 : i32
      %dma_wait3A_184 = tpu.memref_slice %arg2[%add3A_183] : memref<1638400xf32, #tpu.memory_space<hbm>> -> memref<2048xf32, #tpu.memory_space<hbm>>
      %dma_wait3A_185 = tpu.memref_slice %arg2[%add3A_183] : memref<1638400xf32, #tpu.memory_space<hbm>> -> memref<2048xf32, #tpu.memory_space<hbm>>
      tpu.wait_dma2 semaphore(%arg20 : memref<!tpu.dma_semaphore, #tpu.memory_space<semaphore_mem>>) src(%dma_wait3A_185 : memref<2048xf32, #tpu.memory_space<hbm>>) dst(%arg7 : memref<2048xf32, #tpu.memory_space<vmem>>)
      %mul3A_186 = arith.constant 102400 : i32
      %mul3A_187 = arith.muli %arg1, %mul3A_186 : i32
      %mul3A_188 = arith.constant 2048 : i32
      %mul3A_189 = arith.muli %add3A_178, %mul3A_188 : i32
      %add3A_190 = arith.addi %mul3A_187, %mul3A_189 : i32
      %dma_wait3A_191 = tpu.memref_slice %arg3[%add3A_190] : memref<1638400xi32, #tpu.memory_space<hbm>> -> memref<2048xi32, #tpu.memory_space<hbm>>
      %dma_wait3A_192 = tpu.memref_slice %arg3[%add3A_190] : memref<1638400xi32, #tpu.memory_space<hbm>> -> memref<2048xi32, #tpu.memory_space<hbm>>
      tpu.wait_dma2 semaphore(%arg20 : memref<!tpu.dma_semaphore, #tpu.memory_space<semaphore_mem>>) src(%dma_wait3A_192 : memref<2048xi32, #tpu.memory_space<hbm>>) dst(%arg9 : memref<2048xi32, #tpu.memory_space<vmem>>)
      "tpu.region"() ({
        %run_scoped3A = tpu.sem_alloc : memref<!tpu.dma_semaphore, #tpu.memory_space<semaphore_mem>>
        %dma_start3A_193 = arith.constant 0 : i32
        %dma_start3A_194 = tpu.memref_slice %arg16[%dma_start3A_193] : memref<102400xf32, #tpu.memory_space<vmem_shared>> -> memref<102400xf32, #tpu.memory_space<vmem_shared>>
        tpu.enqueue_indirect_dma source(%arg7 : memref<2048xf32, #tpu.memory_space<vmem>>) target(%dma_start3A_194 : memref<102400xf32, #tpu.memory_space<vmem_shared>>) offsets(%arg9 : memref<2048xi32, #tpu.memory_space<vmem>>) semaphore(%run_scoped3A : memref<!tpu.dma_semaphore, #tpu.memory_space<semaphore_mem>>) {add = true}
        %dma_wait3A_195 = arith.constant 0 : i32
        %dma_wait3A_196 = tpu.memref_slice %arg16[%dma_wait3A_195] : memref<102400xf32, #tpu.memory_space<vmem_shared>> -> memref<102400xf32, #tpu.memory_space<vmem_shared>>
        tpu.wait_indirect_dma semaphore(%run_scoped3A : memref<!tpu.dma_semaphore, #tpu.memory_space<semaphore_mem>>) src(%arg7 : memref<2048xf32, #tpu.memory_space<vmem>>) dst(%dma_wait3A_196 : memref<102400xf32, #tpu.memory_space<vmem_shared>>)
        tpu.yield
      }) : () -> ()
      "tpu.region"() ({
        %run_scoped3A = tpu.sem_alloc : memref<!tpu.dma_semaphore, #tpu.memory_space<semaphore_mem>>
        %dma_start3A_193 = arith.constant 0 : i32
        %dma_start3A_194 = tpu.memref_slice %arg17[%dma_start3A_193] : memref<102400xf32, #tpu.memory_space<vmem_shared>> -> memref<102400xf32, #tpu.memory_space<vmem_shared>>
        tpu.enqueue_indirect_dma source(%arg13 : memref<2048xf32, #tpu.memory_space<vmem>>) target(%dma_start3A_194 : memref<102400xf32, #tpu.memory_space<vmem_shared>>) offsets(%arg9 : memref<2048xi32, #tpu.memory_space<vmem>>) semaphore(%run_scoped3A : memref<!tpu.dma_semaphore, #tpu.memory_space<semaphore_mem>>) {add = true}
        %dma_wait3A_195 = arith.constant 0 : i32
        %dma_wait3A_196 = tpu.memref_slice %arg17[%dma_wait3A_195] : memref<102400xf32, #tpu.memory_space<vmem_shared>> -> memref<102400xf32, #tpu.memory_space<vmem_shared>>
        tpu.wait_indirect_dma semaphore(%run_scoped3A : memref<!tpu.dma_semaphore, #tpu.memory_space<semaphore_mem>>) src(%arg13 : memref<2048xf32, #tpu.memory_space<vmem>>) dst(%dma_wait3A_196 : memref<102400xf32, #tpu.memory_space<vmem_shared>>)
        tpu.yield
      }) : () -> ()
    }
    %scan3A_24 = arith.constant 25 : i32
    %barrier3A_25 = arith.constant 0 : index
    tpu.barrier barrier_id(%barrier3A_25)
    "tpu.region"() ({
      %run_scoped3A = tpu.sem_alloc : memref<!tpu.dma_semaphore, #tpu.memory_space<semaphore_mem>>
      %dma_start3A_135 = tpu.memref_slice %arg16[%mul3A_5] : memref<102400xf32, #tpu.memory_space<vmem_shared>> -> memref<6400xf32, #tpu.memory_space<vmem_shared>>
      %dma_start3A_136 = tpu.memref_slice %arg16[%mul3A_5] : memref<102400xf32, #tpu.memory_space<vmem_shared>> -> memref<6400xf32, #tpu.memory_space<vmem_shared>>
      tpu.enqueue_dma source(%dma_start3A_136 : memref<6400xf32, #tpu.memory_space<vmem_shared>>) target(%arg14 : memref<6400xf32, #tpu.memory_space<vmem>>) target_semaphore(%run_scoped3A : memref<!tpu.dma_semaphore, #tpu.memory_space<semaphore_mem>>)
      %dma_wait3A_137 = tpu.memref_slice %arg16[%mul3A_5] : memref<102400xf32, #tpu.memory_space<vmem_shared>> -> memref<6400xf32, #tpu.memory_space<vmem_shared>>
      %dma_wait3A_138 = tpu.memref_slice %arg16[%mul3A_5] : memref<102400xf32, #tpu.memory_space<vmem_shared>> -> memref<6400xf32, #tpu.memory_space<vmem_shared>>
      tpu.wait_dma2 semaphore(%run_scoped3A : memref<!tpu.dma_semaphore, #tpu.memory_space<semaphore_mem>>) src(%dma_wait3A_138 : memref<6400xf32, #tpu.memory_space<vmem_shared>>) dst(%arg14 : memref<6400xf32, #tpu.memory_space<vmem>>)
      tpu.yield
    }) : () -> ()
    "tpu.region"() ({
      %run_scoped3A = tpu.sem_alloc : memref<!tpu.dma_semaphore, #tpu.memory_space<semaphore_mem>>
      %dma_start3A_135 = tpu.memref_slice %arg17[%mul3A_5] : memref<102400xf32, #tpu.memory_space<vmem_shared>> -> memref<6400xf32, #tpu.memory_space<vmem_shared>>
      %dma_start3A_136 = tpu.memref_slice %arg17[%mul3A_5] : memref<102400xf32, #tpu.memory_space<vmem_shared>> -> memref<6400xf32, #tpu.memory_space<vmem_shared>>
      tpu.enqueue_dma source(%dma_start3A_136 : memref<6400xf32, #tpu.memory_space<vmem_shared>>) target(%arg15 : memref<6400xf32, #tpu.memory_space<vmem>>) target_semaphore(%run_scoped3A : memref<!tpu.dma_semaphore, #tpu.memory_space<semaphore_mem>>)
      %dma_wait3A_137 = tpu.memref_slice %arg17[%mul3A_5] : memref<102400xf32, #tpu.memory_space<vmem_shared>> -> memref<6400xf32, #tpu.memory_space<vmem_shared>>
      %dma_wait3A_138 = tpu.memref_slice %arg17[%mul3A_5] : memref<102400xf32, #tpu.memory_space<vmem_shared>> -> memref<6400xf32, #tpu.memory_space<vmem_shared>>
      tpu.wait_dma2 semaphore(%run_scoped3A : memref<!tpu.dma_semaphore, #tpu.memory_space<semaphore_mem>>) src(%dma_wait3A_138 : memref<6400xf32, #tpu.memory_space<vmem_shared>>) dst(%arg15 : memref<6400xf32, #tpu.memory_space<vmem>>)
      tpu.yield
    }) : () -> ()
    %scan3A_26 = arith.constant 0 : i32
    %scan3A_27 = arith.constant 400 : i32
    %scan3A_28 = arith.addi %scan3A_26, %scan3A_27 : i32
    %scan3A_29 = arith.constant 1 : i32
    scf.for %scan3A_135 = %scan3A_26 to %scan3A_28 step %scan3A_29  : i32 {
      %mul3A_136 = arith.constant 16 : i32
      %mul3A_137 = arith.muli %scan3A_135, %mul3A_136 : i32
      %add3A_138 = arith.constant 0 : i32
      %add3A_139 = arith.addi %add3A_138, %mul3A_137 : i32
      %get3A = arith.index_cast %add3A_139 : i32 to index
      %get3A_140 = tpu.vector_load %arg14[%get3A] {strides = array<i32>} : memref<6400xf32, #tpu.memory_space<vmem>>, vector<16xf32>,
      %get3A_141 = vector.shape_cast %get3A_140 : vector<16xf32> to vector<16xf32>
      %get3A_142 = arith.index_cast %add3A_139 : i32 to index
      %get3A_143 = tpu.vector_load %arg15[%get3A_142] {strides = array<i32>} : memref<6400xf32, #tpu.memory_space<vmem>>, vector<16xf32>,
      %get3A_144 = vector.shape_cast %get3A_143 : vector<16xf32> to vector<16xf32>
      %max3A = arith.constant 1.000000e+00 : f32
      %max3A_145 = vector.broadcast %max3A : f32 to vector<16xf32>
      %max3A_146 = arith.maximumf %get3A_144, %max3A_145 : vector<16xf32>
      %div3A = arith.divf %get3A_141, %max3A_146 : vector<16xf32>
      %swap3A = arith.index_cast %add3A_139 : i32 to index
      %swap3A_147 = tpu.vector_load %arg14[%swap3A] {strides = array<i32>} : memref<6400xf32, #tpu.memory_space<vmem>>, vector<16xf32>,
      %swap3A_148 = vector.shape_cast %swap3A_147 : vector<16xf32> to vector<16xf32>
      %swap3A_149 = vector.shape_cast %div3A : vector<16xf32> to vector<16xf32>
      tpu.vector_store %arg14[%swap3A], %swap3A_149 {strides = array<i32>} : memref<6400xf32, #tpu.memory_space<vmem>>, vector<16xf32>,
    }
    %scan3A_30 = arith.constant 400 : i32
    "tpu.region"() ({
      %run_scoped3A = tpu.sem_alloc : memref<!tpu.dma_semaphore, #tpu.memory_space<semaphore_mem>>
      %dma_start3A_135 = tpu.memref_slice %arg16[%mul3A_5] : memref<102400xf32, #tpu.memory_space<vmem_shared>> -> memref<6400xf32, #tpu.memory_space<vmem_shared>>
      %dma_start3A_136 = tpu.memref_slice %arg16[%mul3A_5] : memref<102400xf32, #tpu.memory_space<vmem_shared>> -> memref<6400xf32, #tpu.memory_space<vmem_shared>>
      tpu.enqueue_dma source(%arg14 : memref<6400xf32, #tpu.memory_space<vmem>>) target(%dma_start3A_136 : memref<6400xf32, #tpu.memory_space<vmem_shared>>) target_semaphore(%run_scoped3A : memref<!tpu.dma_semaphore, #tpu.memory_space<semaphore_mem>>)
      %dma_wait3A_137 = tpu.memref_slice %arg16[%mul3A_5] : memref<102400xf32, #tpu.memory_space<vmem_shared>> -> memref<6400xf32, #tpu.memory_space<vmem_shared>>
      %dma_wait3A_138 = tpu.memref_slice %arg16[%mul3A_5] : memref<102400xf32, #tpu.memory_space<vmem_shared>> -> memref<6400xf32, #tpu.memory_space<vmem_shared>>
      tpu.wait_dma2 semaphore(%run_scoped3A : memref<!tpu.dma_semaphore, #tpu.memory_space<semaphore_mem>>) src(%arg14 : memref<6400xf32, #tpu.memory_space<vmem>>) dst(%dma_wait3A_138 : memref<6400xf32, #tpu.memory_space<vmem_shared>>)
      tpu.yield
    }) : () -> ()
    %barrier3A_31 = arith.constant 0 : index
    tpu.barrier barrier_id(%barrier3A_31)
    %mul3A_32 = arith.constant 102400 : i32
    %mul3A_33 = arith.muli %arg1, %mul3A_32 : i32
    %add3A_34 = arith.constant 0 : i32
    %add3A_35 = arith.addi %mul3A_33, %add3A_34 : i32
    %dma_start3A_36 = tpu.memref_slice %arg2[%add3A_35] : memref<1638400xf32, #tpu.memory_space<hbm>> -> memref<2048xf32, #tpu.memory_space<hbm>>
    %dma_start3A_37 = tpu.memref_slice %arg2[%add3A_35] : memref<1638400xf32, #tpu.memory_space<hbm>> -> memref<2048xf32, #tpu.memory_space<hbm>>
    tpu.enqueue_dma source(%dma_start3A_37 : memref<2048xf32, #tpu.memory_space<hbm>>) target(%arg6 : memref<2048xf32, #tpu.memory_space<vmem>>) target_semaphore(%arg19 : memref<!tpu.dma_semaphore, #tpu.memory_space<semaphore_mem>>)
    %mul3A_38 = arith.constant 102400 : i32
    %mul3A_39 = arith.muli %arg1, %mul3A_38 : i32
    %add3A_40 = arith.constant 0 : i32
    %add3A_41 = arith.addi %mul3A_39, %add3A_40 : i32
    %dma_start3A_42 = tpu.memref_slice %arg3[%add3A_41] : memref<1638400xi32, #tpu.memory_space<hbm>> -> memref<2048xi32, #tpu.memory_space<hbm>>
    %dma_start3A_43 = tpu.memref_slice %arg3[%add3A_41] : memref<1638400xi32, #tpu.memory_space<hbm>> -> memref<2048xi32, #tpu.memory_space<hbm>>
    tpu.enqueue_dma source(%dma_start3A_43 : memref<2048xi32, #tpu.memory_space<hbm>>) target(%arg8 : memref<2048xi32, #tpu.memory_space<vmem>>) target_semaphore(%arg19 : memref<!tpu.dma_semaphore, #tpu.memory_space<semaphore_mem>>)
    %scan3A_44 = arith.constant 0 : i32
    %scan3A_45 = arith.constant 25 : i32
    %scan3A_46 = arith.addi %scan3A_44, %scan3A_45 : i32
    %scan3A_47 = arith.constant 1 : i32
    scf.for %scan3A_135 = %scan3A_44 to %scan3A_46 step %scan3A_47  : i32 {
      %mul3A_136 = arith.constant 2 : i32
      %mul3A_137 = arith.muli %scan3A_135, %mul3A_136 : i32
      %add3A_138 = arith.constant 0 : i32
      %add3A_139 = arith.addi %add3A_138, %mul3A_137 : i32
      %add3A_140 = arith.constant 1 : i32
      %add3A_141 = arith.addi %add3A_139, %add3A_140 : i32
      %mul3A_142 = arith.constant 102400 : i32
      %mul3A_143 = arith.muli %arg1, %mul3A_142 : i32
      %mul3A_144 = arith.constant 2048 : i32
      %mul3A_145 = arith.muli %add3A_141, %mul3A_144 : i32
      %add3A_146 = arith.addi %mul3A_143, %mul3A_145 : i32
      %dma_start3A_147 = tpu.memref_slice %arg2[%add3A_146] : memref<1638400xf32, #tpu.memory_space<hbm>> -> memref<2048xf32, #tpu.memory_space<hbm>>
      %dma_start3A_148 = tpu.memref_slice %arg2[%add3A_146] : memref<1638400xf32, #tpu.memory_space<hbm>> -> memref<2048xf32, #tpu.memory_space<hbm>>
      tpu.enqueue_dma source(%dma_start3A_148 : memref<2048xf32, #tpu.memory_space<hbm>>) target(%arg7 : memref<2048xf32, #tpu.memory_space<vmem>>) target_semaphore(%arg20 : memref<!tpu.dma_semaphore, #tpu.memory_space<semaphore_mem>>)
      %mul3A_149 = arith.constant 102400 : i32
      %mul3A_150 = arith.muli %arg1, %mul3A_149 : i32
      %mul3A_151 = arith.constant 2048 : i32
      %mul3A_152 = arith.muli %add3A_141, %mul3A_151 : i32
      %add3A_153 = arith.addi %mul3A_150, %mul3A_152 : i32
      %dma_start3A_154 = tpu.memref_slice %arg3[%add3A_153] : memref<1638400xi32, #tpu.memory_space<hbm>> -> memref<2048xi32, #tpu.memory_space<hbm>>
      %dma_start3A_155 = tpu.memref_slice %arg3[%add3A_153] : memref<1638400xi32, #tpu.memory_space<hbm>> -> memref<2048xi32, #tpu.memory_space<hbm>>
      tpu.enqueue_dma source(%dma_start3A_155 : memref<2048xi32, #tpu.memory_space<hbm>>) target(%arg9 : memref<2048xi32, #tpu.memory_space<vmem>>) target_semaphore(%arg20 : memref<!tpu.dma_semaphore, #tpu.memory_space<semaphore_mem>>)
      %mul3A_156 = arith.constant 102400 : i32
      %mul3A_157 = arith.muli %arg1, %mul3A_156 : i32
      %mul3A_158 = arith.constant 2048 : i32
      %mul3A_159 = arith.muli %add3A_139, %mul3A_158 : i32
      %add3A_160 = arith.addi %mul3A_157, %mul3A_159 : i32
      %dma_wait3A_161 = tpu.memref_slice %arg2[%add3A_160] : memref<1638400xf32, #tpu.memory_space<hbm>> -> memref<2048xf32, #tpu.memory_space<hbm>>
      %dma_wait3A_162 = tpu.memref_slice %arg2[%add3A_160] : memref<1638400xf32, #tpu.memory_space<hbm>> -> memref<2048xf32, #tpu.memory_space<hbm>>
      tpu.wait_dma2 semaphore(%arg19 : memref<!tpu.dma_semaphore, #tpu.memory_space<semaphore_mem>>) src(%dma_wait3A_162 : memref<2048xf32, #tpu.memory_space<hbm>>) dst(%arg6 : memref<2048xf32, #tpu.memory_space<vmem>>)
      %mul3A_163 = arith.constant 102400 : i32
      %mul3A_164 = arith.muli %arg1, %mul3A_163 : i32
      %mul3A_165 = arith.constant 2048 : i32
      %mul3A_166 = arith.muli %add3A_139, %mul3A_165 : i32
      %add3A_167 = arith.addi %mul3A_164, %mul3A_166 : i32
      %dma_wait3A_168 = tpu.memref_slice %arg3[%add3A_167] : memref<1638400xi32, #tpu.memory_space<hbm>> -> memref<2048xi32, #tpu.memory_space<hbm>>
      %dma_wait3A_169 = tpu.memref_slice %arg3[%add3A_167] : memref<1638400xi32, #tpu.memory_space<hbm>> -> memref<2048xi32, #tpu.memory_space<hbm>>
      tpu.wait_dma2 semaphore(%arg19 : memref<!tpu.dma_semaphore, #tpu.memory_space<semaphore_mem>>) src(%dma_wait3A_169 : memref<2048xi32, #tpu.memory_space<hbm>>) dst(%arg8 : memref<2048xi32, #tpu.memory_space<vmem>>)
      %ge3A = arith.constant 2 : i32
      %ge3A_170 = arith.cmpi sge, %add3A_139, %ge3A : i32
      %convert_element_type3A_171 = arith.extui %ge3A_170 : i1 to i32
      %cond3A_172 = arith.constant 0 : i32
      %cond3A_173 = arith.cmpi ne, %convert_element_type3A_171, %cond3A_172 : i32
      scf.if %cond3A_173 {
        %sub3A = arith.constant 2 : i32
        %sub3A_220 = arith.subi %add3A_139, %sub3A : i32
        %convert_element_type3A_221 = arith.extui %eq3A_4 : i1 to i32
        %cond3A_222 = arith.constant 0 : i32
        %cond3A_223 = arith.cmpi ne, %convert_element_type3A_221, %cond3A_222 : i32
        scf.if %cond3A_223 {
          %mul3A_224 = arith.constant 102400 : i32
          %mul3A_225 = arith.muli %arg1, %mul3A_224 : i32
          %mul3A_226 = arith.constant 2048 : i32
          %mul3A_227 = arith.muli %sub3A_220, %mul3A_226 : i32
          %add3A_228 = arith.addi %mul3A_225, %mul3A_227 : i32
          %dma_wait3A_229 = tpu.memref_slice %arg5[%add3A_228] : memref<1638400xf32, #tpu.memory_space<hbm>> -> memref<2048xf32, #tpu.memory_space<hbm>>
          %dma_wait3A_230 = tpu.memref_slice %arg5[%add3A_228] : memref<1638400xf32, #tpu.memory_space<hbm>> -> memref<2048xf32, #tpu.memory_space<hbm>>
          tpu.wait_dma2 semaphore(%arg21 : memref<!tpu.dma_semaphore, #tpu.memory_space<semaphore_mem>>) src(%arg10 : memref<2048xf32, #tpu.memory_space<vmem>>) dst(%dma_wait3A_230 : memref<2048xf32, #tpu.memory_space<hbm>>)
        } else {
        }
      } else {
      }
      "tpu.region"() ({
        %run_scoped3A = tpu.sem_alloc : memref<!tpu.dma_semaphore, #tpu.memory_space<semaphore_mem>>
        %dma_start3A_220 = arith.constant 0 : i32
        %dma_start3A_221 = tpu.memref_slice %arg16[%dma_start3A_220] : memref<102400xf32, #tpu.memory_space<vmem_shared>> -> memref<102400xf32, #tpu.memory_space<vmem_shared>>
        tpu.enqueue_indirect_dma source(%dma_start3A_221 : memref<102400xf32, #tpu.memory_space<vmem_shared>>) target(%arg12 : memref<2048xf32, #tpu.memory_space<vmem>>) offsets(%arg8 : memref<2048xi32, #tpu.memory_space<vmem>>) semaphore(%run_scoped3A : memref<!tpu.dma_semaphore, #tpu.memory_space<semaphore_mem>>)
        %dma_wait3A_222 = arith.constant 0 : i32
        %dma_wait3A_223 = tpu.memref_slice %arg16[%dma_wait3A_222] : memref<102400xf32, #tpu.memory_space<vmem_shared>> -> memref<102400xf32, #tpu.memory_space<vmem_shared>>
        tpu.wait_indirect_dma semaphore(%run_scoped3A : memref<!tpu.dma_semaphore, #tpu.memory_space<semaphore_mem>>) src(%dma_wait3A_223 : memref<102400xf32, #tpu.memory_space<vmem_shared>>) dst(%arg12 : memref<2048xf32, #tpu.memory_space<vmem>>)
        tpu.yield
      }) : () -> ()
      %scan3A_174 = arith.constant 0 : i32
      %scan3A_175 = arith.constant 128 : i32
      %scan3A_176 = arith.addi %scan3A_174, %scan3A_175 : i32
      %scan3A_177 = arith.constant 1 : i32
      scf.for %scan3A_220 = %scan3A_174 to %scan3A_176 step %scan3A_177  : i32 {
        %mul3A_221 = arith.constant 16 : i32
        %mul3A_222 = arith.muli %scan3A_220, %mul3A_221 : i32
        %add3A_223 = arith.constant 0 : i32
        %add3A_224 = arith.addi %add3A_223, %mul3A_222 : i32
        %get3A = arith.index_cast %add3A_224 : i32 to index
        %get3A_225 = tpu.vector_load %arg6[%get3A] {strides = array<i32>} : memref<2048xf32, #tpu.memory_space<vmem>>, vector<16xf32>,
        %get3A_226 = vector.shape_cast %get3A_225 : vector<16xf32> to vector<16xf32>
        %get3A_227 = arith.index_cast %add3A_224 : i32 to index
        %get3A_228 = tpu.vector_load %arg12[%get3A_227] {strides = array<i32>} : memref<2048xf32, #tpu.memory_space<vmem>>, vector<16xf32>,
        %get3A_229 = vector.shape_cast %get3A_228 : vector<16xf32> to vector<16xf32>
        %sub3A = arith.subf %get3A_226, %get3A_229 : vector<16xf32>
        %exp3A = math.exp %sub3A : vector<16xf32>
        %swap3A = arith.index_cast %add3A_224 : i32 to index
        %swap3A_230 = tpu.vector_load %arg10[%swap3A] {strides = array<i32>} : memref<2048xf32, #tpu.memory_space<vmem>>, vector<16xf32>,
        %swap3A_231 = vector.shape_cast %swap3A_230 : vector<16xf32> to vector<16xf32>
        %swap3A_232 = vector.shape_cast %exp3A : vector<16xf32> to vector<16xf32>
        tpu.vector_store %arg10[%swap3A], %swap3A_232 {strides = array<i32>} : memref<2048xf32, #tpu.memory_space<vmem>>, vector<16xf32>,
      }
      %scan3A_178 = arith.constant 128 : i32
      "tpu.region"() ({
        %run_scoped3A = tpu.sem_alloc : memref<!tpu.dma_semaphore, #tpu.memory_space<semaphore_mem>>
        %dma_start3A_220 = arith.constant 0 : i32
        %dma_start3A_221 = tpu.memref_slice %arg18[%dma_start3A_220] : memref<102400xf32, #tpu.memory_space<vmem_shared>> -> memref<102400xf32, #tpu.memory_space<vmem_shared>>
        tpu.enqueue_indirect_dma source(%arg10 : memref<2048xf32, #tpu.memory_space<vmem>>) target(%dma_start3A_221 : memref<102400xf32, #tpu.memory_space<vmem_shared>>) offsets(%arg8 : memref<2048xi32, #tpu.memory_space<vmem>>) semaphore(%run_scoped3A : memref<!tpu.dma_semaphore, #tpu.memory_space<semaphore_mem>>) {add = true}
        %dma_wait3A_222 = arith.constant 0 : i32
        %dma_wait3A_223 = tpu.memref_slice %arg18[%dma_wait3A_222] : memref<102400xf32, #tpu.memory_space<vmem_shared>> -> memref<102400xf32, #tpu.memory_space<vmem_shared>>
        tpu.wait_indirect_dma semaphore(%run_scoped3A : memref<!tpu.dma_semaphore, #tpu.memory_space<semaphore_mem>>) src(%arg10 : memref<2048xf32, #tpu.memory_space<vmem>>) dst(%dma_wait3A_223 : memref<102400xf32, #tpu.memory_space<vmem_shared>>)
        tpu.yield
      }) : () -> ()
      %convert_element_type3A_179 = arith.extui %eq3A_4 : i1 to i32
      %cond3A_180 = arith.constant 0 : i32
      %cond3A_181 = arith.cmpi ne, %convert_element_type3A_179, %cond3A_180 : i32
      scf.if %cond3A_181 {
        %mul3A_220 = arith.constant 102400 : i32
        %mul3A_221 = arith.muli %arg1, %mul3A_220 : i32
        %mul3A_222 = arith.constant 2048 : i32
        %mul3A_223 = arith.muli %add3A_139, %mul3A_222 : i32
        %add3A_224 = arith.addi %mul3A_221, %mul3A_223 : i32
        %dma_start3A_225 = tpu.memref_slice %arg5[%add3A_224] : memref<1638400xf32, #tpu.memory_space<hbm>> -> memref<2048xf32, #tpu.memory_space<hbm>>
        %dma_start3A_226 = tpu.memref_slice %arg5[%add3A_224] : memref<1638400xf32, #tpu.memory_space<hbm>> -> memref<2048xf32, #tpu.memory_space<hbm>>
        tpu.enqueue_dma source(%arg10 : memref<2048xf32, #tpu.memory_space<vmem>>) target(%dma_start3A_226 : memref<2048xf32, #tpu.memory_space<hbm>>) target_semaphore(%arg21 : memref<!tpu.dma_semaphore, #tpu.memory_space<semaphore_mem>>)
      } else {
      }
      %add3A_182 = arith.constant 2 : i32
      %add3A_183 = arith.addi %add3A_139, %add3A_182 : i32
      %lt3A_184 = arith.constant 50 : i32
      %lt3A_185 = arith.cmpi slt, %add3A_183, %lt3A_184 : i32
      %convert_element_type3A_186 = arith.extui %lt3A_185 : i1 to i32
      %cond3A_187 = arith.constant 0 : i32
      %cond3A_188 = arith.cmpi ne, %convert_element_type3A_186, %cond3A_187 : i32
      scf.if %cond3A_188 {
        %add3A_220 = arith.constant 2 : i32
        %add3A_221 = arith.addi %add3A_139, %add3A_220 : i32
        %mul3A_222 = arith.constant 102400 : i32
        %mul3A_223 = arith.muli %arg1, %mul3A_222 : i32
        %mul3A_224 = arith.constant 2048 : i32
        %mul3A_225 = arith.muli %add3A_221, %mul3A_224 : i32
        %add3A_226 = arith.addi %mul3A_223, %mul3A_225 : i32
        %dma_start3A_227 = tpu.memref_slice %arg2[%add3A_226] : memref<1638400xf32, #tpu.memory_space<hbm>> -> memref<2048xf32, #tpu.memory_space<hbm>>
        %dma_start3A_228 = tpu.memref_slice %arg2[%add3A_226] : memref<1638400xf32, #tpu.memory_space<hbm>> -> memref<2048xf32, #tpu.memory_space<hbm>>
        tpu.enqueue_dma source(%dma_start3A_228 : memref<2048xf32, #tpu.memory_space<hbm>>) target(%arg6 : memref<2048xf32, #tpu.memory_space<vmem>>) target_semaphore(%arg19 : memref<!tpu.dma_semaphore, #tpu.memory_space<semaphore_mem>>)
        %mul3A_229 = arith.constant 102400 : i32
        %mul3A_230 = arith.muli %arg1, %mul3A_229 : i32
        %mul3A_231 = arith.constant 2048 : i32
        %mul3A_232 = arith.muli %add3A_221, %mul3A_231 : i32
        %add3A_233 = arith.addi %mul3A_230, %mul3A_232 : i32
        %dma_start3A_234 = tpu.memref_slice %arg3[%add3A_233] : memref<1638400xi32, #tpu.memory_space<hbm>> -> memref<2048xi32, #tpu.memory_space<hbm>>
        %dma_start3A_235 = tpu.memref_slice %arg3[%add3A_233] : memref<1638400xi32, #tpu.memory_space<hbm>> -> memref<2048xi32, #tpu.memory_space<hbm>>
        tpu.enqueue_dma source(%dma_start3A_235 : memref<2048xi32, #tpu.memory_space<hbm>>) target(%arg8 : memref<2048xi32, #tpu.memory_space<vmem>>) target_semaphore(%arg19 : memref<!tpu.dma_semaphore, #tpu.memory_space<semaphore_mem>>)
      } else {
      }
      %add3A_189 = arith.constant 1 : i32
      %add3A_190 = arith.addi %add3A_139, %add3A_189 : i32
      %mul3A_191 = arith.constant 102400 : i32
      %mul3A_192 = arith.muli %arg1, %mul3A_191 : i32
      %mul3A_193 = arith.constant 2048 : i32
      %mul3A_194 = arith.muli %add3A_190, %mul3A_193 : i32
      %add3A_195 = arith.addi %mul3A_192, %mul3A_194 : i32
      %dma_wait3A_196 = tpu.memref_slice %arg2[%add3A_195] : memref<1638400xf32, #tpu.memory_space<hbm>> -> memref<2048xf32, #tpu.memory_space<hbm>>
      %dma_wait3A_197 = tpu.memref_slice %arg2[%add3A_195] : memref<1638400xf32, #tpu.memory_space<hbm>> -> memref<2048xf32, #tpu.memory_space<hbm>>
      tpu.wait_dma2 semaphore(%arg20 : memref<!tpu.dma_semaphore, #tpu.memory_space<semaphore_mem>>) src(%dma_wait3A_197 : memref<2048xf32, #tpu.memory_space<hbm>>) dst(%arg7 : memref<2048xf32, #tpu.memory_space<vmem>>)
      %mul3A_198 = arith.constant 102400 : i32
      %mul3A_199 = arith.muli %arg1, %mul3A_198 : i32
      %mul3A_200 = arith.constant 2048 : i32
      %mul3A_201 = arith.muli %add3A_190, %mul3A_200 : i32
      %add3A_202 = arith.addi %mul3A_199, %mul3A_201 : i32
      %dma_wait3A_203 = tpu.memref_slice %arg3[%add3A_202] : memref<1638400xi32, #tpu.memory_space<hbm>> -> memref<2048xi32, #tpu.memory_space<hbm>>
      %dma_wait3A_204 = tpu.memref_slice %arg3[%add3A_202] : memref<1638400xi32, #tpu.memory_space<hbm>> -> memref<2048xi32, #tpu.memory_space<hbm>>
      tpu.wait_dma2 semaphore(%arg20 : memref<!tpu.dma_semaphore, #tpu.memory_space<semaphore_mem>>) src(%dma_wait3A_204 : memref<2048xi32, #tpu.memory_space<hbm>>) dst(%arg9 : memref<2048xi32, #tpu.memory_space<vmem>>)
      %ge3A_205 = arith.constant 2 : i32
      %ge3A_206 = arith.cmpi sge, %add3A_139, %ge3A_205 : i32
      %convert_element_type3A_207 = arith.extui %ge3A_206 : i1 to i32
      %cond3A_208 = arith.constant 0 : i32
      %cond3A_209 = arith.cmpi ne, %convert_element_type3A_207, %cond3A_208 : i32
      scf.if %cond3A_209 {
        %sub3A = arith.constant 1 : i32
        %sub3A_220 = arith.subi %add3A_139, %sub3A : i32
        %convert_element_type3A_221 = arith.extui %eq3A_4 : i1 to i32
        %cond3A_222 = arith.constant 0 : i32
        %cond3A_223 = arith.cmpi ne, %convert_element_type3A_221, %cond3A_222 : i32
        scf.if %cond3A_223 {
          %mul3A_224 = arith.constant 102400 : i32
          %mul3A_225 = arith.muli %arg1, %mul3A_224 : i32
          %mul3A_226 = arith.constant 2048 : i32
          %mul3A_227 = arith.muli %sub3A_220, %mul3A_226 : i32
          %add3A_228 = arith.addi %mul3A_225, %mul3A_227 : i32
          %dma_wait3A_229 = tpu.memref_slice %arg5[%add3A_228] : memref<1638400xf32, #tpu.memory_space<hbm>> -> memref<2048xf32, #tpu.memory_space<hbm>>
          %dma_wait3A_230 = tpu.memref_slice %arg5[%add3A_228] : memref<1638400xf32, #tpu.memory_space<hbm>> -> memref<2048xf32, #tpu.memory_space<hbm>>
          tpu.wait_dma2 semaphore(%arg22 : memref<!tpu.dma_semaphore, #tpu.memory_space<semaphore_mem>>) src(%arg11 : memref<2048xf32, #tpu.memory_space<vmem>>) dst(%dma_wait3A_230 : memref<2048xf32, #tpu.memory_space<hbm>>)
        } else {
        }
      } else {
      }
      %add3A_210 = arith.constant 1 : i32
      %add3A_211 = arith.addi %add3A_139, %add3A_210 : i32
      "tpu.region"() ({
        %run_scoped3A = tpu.sem_alloc : memref<!tpu.dma_semaphore, #tpu.memory_space<semaphore_mem>>
        %dma_start3A_220 = arith.constant 0 : i32
        %dma_start3A_221 = tpu.memref_slice %arg16[%dma_start3A_220] : memref<102400xf32, #tpu.memory_space<vmem_shared>> -> memref<102400xf32, #tpu.memory_space<vmem_shared>>
        tpu.enqueue_indirect_dma source(%dma_start3A_221 : memref<102400xf32, #tpu.memory_space<vmem_shared>>) target(%arg12 : memref<2048xf32, #tpu.memory_space<vmem>>) offsets(%arg9 : memref<2048xi32, #tpu.memory_space<vmem>>) semaphore(%run_scoped3A : memref<!tpu.dma_semaphore, #tpu.memory_space<semaphore_mem>>)
        %dma_wait3A_222 = arith.constant 0 : i32
        %dma_wait3A_223 = tpu.memref_slice %arg16[%dma_wait3A_222] : memref<102400xf32, #tpu.memory_space<vmem_shared>> -> memref<102400xf32, #tpu.memory_space<vmem_shared>>
        tpu.wait_indirect_dma semaphore(%run_scoped3A : memref<!tpu.dma_semaphore, #tpu.memory_space<semaphore_mem>>) src(%dma_wait3A_223 : memref<102400xf32, #tpu.memory_space<vmem_shared>>) dst(%arg12 : memref<2048xf32, #tpu.memory_space<vmem>>)
        tpu.yield
      }) : () -> ()
      %scan3A_212 = arith.constant 0 : i32
      %scan3A_213 = arith.constant 128 : i32
      %scan3A_214 = arith.addi %scan3A_212, %scan3A_213 : i32
      %scan3A_215 = arith.constant 1 : i32
      scf.for %scan3A_220 = %scan3A_212 to %scan3A_214 step %scan3A_215  : i32 {
        %mul3A_221 = arith.constant 16 : i32
        %mul3A_222 = arith.muli %scan3A_220, %mul3A_221 : i32
        %add3A_223 = arith.constant 0 : i32
        %add3A_224 = arith.addi %add3A_223, %mul3A_222 : i32
        %get3A = arith.index_cast %add3A_224 : i32 to index
        %get3A_225 = tpu.vector_load %arg7[%get3A] {strides = array<i32>} : memref<2048xf32, #tpu.memory_space<vmem>>, vector<16xf32>,
        %get3A_226 = vector.shape_cast %get3A_225 : vector<16xf32> to vector<16xf32>
        %get3A_227 = arith.index_cast %add3A_224 : i32 to index
        %get3A_228 = tpu.vector_load %arg12[%get3A_227] {strides = array<i32>} : memref<2048xf32, #tpu.memory_space<vmem>>, vector<16xf32>,
        %get3A_229 = vector.shape_cast %get3A_228 : vector<16xf32> to vector<16xf32>
        %sub3A = arith.subf %get3A_226, %get3A_229 : vector<16xf32>
        %exp3A = math.exp %sub3A : vector<16xf32>
        %swap3A = arith.index_cast %add3A_224 : i32 to index
        %swap3A_230 = tpu.vector_load %arg11[%swap3A] {strides = array<i32>} : memref<2048xf32, #tpu.memory_space<vmem>>, vector<16xf32>,
        %swap3A_231 = vector.shape_cast %swap3A_230 : vector<16xf32> to vector<16xf32>
        %swap3A_232 = vector.shape_cast %exp3A : vector<16xf32> to vector<16xf32>
        tpu.vector_store %arg11[%swap3A], %swap3A_232 {strides = array<i32>} : memref<2048xf32, #tpu.memory_space<vmem>>, vector<16xf32>,
      }
      %scan3A_216 = arith.constant 128 : i32
      "tpu.region"() ({
        %run_scoped3A = tpu.sem_alloc : memref<!tpu.dma_semaphore, #tpu.memory_space<semaphore_mem>>
        %dma_start3A_220 = arith.constant 0 : i32
        %dma_start3A_221 = tpu.memref_slice %arg18[%dma_start3A_220] : memref<102400xf32, #tpu.memory_space<vmem_shared>> -> memref<102400xf32, #tpu.memory_space<vmem_shared>>
        tpu.enqueue_indirect_dma source(%arg11 : memref<2048xf32, #tpu.memory_space<vmem>>) target(%dma_start3A_221 : memref<102400xf32, #tpu.memory_space<vmem_shared>>) offsets(%arg9 : memref<2048xi32, #tpu.memory_space<vmem>>) semaphore(%run_scoped3A : memref<!tpu.dma_semaphore, #tpu.memory_space<semaphore_mem>>) {add = true}
        %dma_wait3A_222 = arith.constant 0 : i32
        %dma_wait3A_223 = tpu.memref_slice %arg18[%dma_wait3A_222] : memref<102400xf32, #tpu.memory_space<vmem_shared>> -> memref<102400xf32, #tpu.memory_space<vmem_shared>>
        tpu.wait_indirect_dma semaphore(%run_scoped3A : memref<!tpu.dma_semaphore, #tpu.memory_space<semaphore_mem>>) src(%arg11 : memref<2048xf32, #tpu.memory_space<vmem>>) dst(%dma_wait3A_223 : memref<102400xf32, #tpu.memory_space<vmem_shared>>)
        tpu.yield
      }) : () -> ()
      %convert_element_type3A_217 = arith.extui %eq3A_4 : i1 to i32
      %cond3A_218 = arith.constant 0 : i32
      %cond3A_219 = arith.cmpi ne, %convert_element_type3A_217, %cond3A_218 : i32
      scf.if %cond3A_219 {
        %mul3A_220 = arith.constant 102400 : i32
        %mul3A_221 = arith.muli %arg1, %mul3A_220 : i32
        %mul3A_222 = arith.constant 2048 : i32
        %mul3A_223 = arith.muli %add3A_211, %mul3A_222 : i32
        %add3A_224 = arith.addi %mul3A_221, %mul3A_223 : i32
        %dma_start3A_225 = tpu.memref_slice %arg5[%add3A_224] : memref<1638400xf32, #tpu.memory_space<hbm>> -> memref<2048xf32, #tpu.memory_space<hbm>>
        %dma_start3A_226 = tpu.memref_slice %arg5[%add3A_224] : memref<1638400xf32, #tpu.memory_space<hbm>> -> memref<2048xf32, #tpu.memory_space<hbm>>
        tpu.enqueue_dma source(%arg11 : memref<2048xf32, #tpu.memory_space<vmem>>) target(%dma_start3A_226 : memref<2048xf32, #tpu.memory_space<hbm>>) target_semaphore(%arg22 : memref<!tpu.dma_semaphore, #tpu.memory_space<semaphore_mem>>)
      } else {
      }
    }
    %scan3A_48 = arith.constant 25 : i32
    %convert_element_type3A = arith.extui %eq3A_4 : i1 to i32
    %cond3A = arith.constant 0 : i32
    %cond3A_49 = arith.cmpi ne, %convert_element_type3A, %cond3A : i32
    scf.if %cond3A_49 {
      %mul3A_135 = arith.constant 102400 : i32
      %mul3A_136 = arith.muli %arg1, %mul3A_135 : i32
      %add3A_137 = arith.constant 98304 : i32
      %add3A_138 = arith.addi %mul3A_136, %add3A_137 : i32
      %dma_wait3A_139 = tpu.memref_slice %arg5[%add3A_138] : memref<1638400xf32, #tpu.memory_space<hbm>> -> memref<2048xf32, #tpu.memory_space<hbm>>
      %dma_wait3A_140 = tpu.memref_slice %arg5[%add3A_138] : memref<1638400xf32, #tpu.memory_space<hbm>> -> memref<2048xf32, #tpu.memory_space<hbm>>
      tpu.wait_dma2 semaphore(%arg21 : memref<!tpu.dma_semaphore, #tpu.memory_space<semaphore_mem>>) src(%arg10 : memref<2048xf32, #tpu.memory_space<vmem>>) dst(%dma_wait3A_140 : memref<2048xf32, #tpu.memory_space<hbm>>)
    } else {
    }
    %convert_element_type3A_50 = arith.extui %eq3A_4 : i1 to i32
    %cond3A_51 = arith.constant 0 : i32
    %cond3A_52 = arith.cmpi ne, %convert_element_type3A_50, %cond3A_51 : i32
    scf.if %cond3A_52 {
      %mul3A_135 = arith.constant 102400 : i32
      %mul3A_136 = arith.muli %arg1, %mul3A_135 : i32
      %add3A_137 = arith.constant 100352 : i32
      %add3A_138 = arith.addi %mul3A_136, %add3A_137 : i32
      %dma_wait3A_139 = tpu.memref_slice %arg5[%add3A_138] : memref<1638400xf32, #tpu.memory_space<hbm>> -> memref<2048xf32, #tpu.memory_space<hbm>>
      %dma_wait3A_140 = tpu.memref_slice %arg5[%add3A_138] : memref<1638400xf32, #tpu.memory_space<hbm>> -> memref<2048xf32, #tpu.memory_space<hbm>>
      tpu.wait_dma2 semaphore(%arg22 : memref<!tpu.dma_semaphore, #tpu.memory_space<semaphore_mem>>) src(%arg11 : memref<2048xf32, #tpu.memory_space<vmem>>) dst(%dma_wait3A_140 : memref<2048xf32, #tpu.memory_space<hbm>>)
    } else {
    }
    %barrier3A_53 = arith.constant 0 : index
    tpu.barrier barrier_id(%barrier3A_53)
    %mul3A_54 = arith.constant 819200 : i32
    %mul3A_55 = arith.muli %arg0, %mul3A_54 : i32
    %mul3A_56 = arith.constant 51200 : i32
    %mul3A_57 = arith.muli %arg1, %mul3A_56 : i32
    %add3A_58 = arith.addi %mul3A_55, %mul3A_57 : i32
    %add3A_59 = arith.constant 0 : i32
    %add3A_60 = arith.addi %add3A_58, %add3A_59 : i32
    %dma_start3A_61 = tpu.memref_slice %arg5[%add3A_60] : memref<1638400xf32, #tpu.memory_space<hbm>> -> memref<2048xf32, #tpu.memory_space<hbm>>
    %dma_start3A_62 = tpu.memref_slice %arg5[%add3A_60] : memref<1638400xf32, #tpu.memory_space<hbm>> -> memref<2048xf32, #tpu.memory_space<hbm>>
    tpu.enqueue_dma source(%dma_start3A_62 : memref<2048xf32, #tpu.memory_space<hbm>>) target(%arg6 : memref<2048xf32, #tpu.memory_space<vmem>>) target_semaphore(%arg19 : memref<!tpu.dma_semaphore, #tpu.memory_space<semaphore_mem>>)
    %mul3A_63 = arith.constant 819200 : i32
    %mul3A_64 = arith.muli %arg0, %mul3A_63 : i32
    %mul3A_65 = arith.constant 51200 : i32
    %mul3A_66 = arith.muli %arg1, %mul3A_65 : i32
    %add3A_67 = arith.addi %mul3A_64, %mul3A_66 : i32
    %add3A_68 = arith.constant 0 : i32
    %add3A_69 = arith.addi %add3A_67, %add3A_68 : i32
    %dma_start3A_70 = tpu.memref_slice %arg3[%add3A_69] : memref<1638400xi32, #tpu.memory_space<hbm>> -> memref<2048xi32, #tpu.memory_space<hbm>>
    %dma_start3A_71 = tpu.memref_slice %arg3[%add3A_69] : memref<1638400xi32, #tpu.memory_space<hbm>> -> memref<2048xi32, #tpu.memory_space<hbm>>
    tpu.enqueue_dma source(%dma_start3A_71 : memref<2048xi32, #tpu.memory_space<hbm>>) target(%arg8 : memref<2048xi32, #tpu.memory_space<vmem>>) target_semaphore(%arg19 : memref<!tpu.dma_semaphore, #tpu.memory_space<semaphore_mem>>)
    %scan3A_72 = arith.constant 0 : i32
    %scan3A_73 = arith.constant 12 : i32
    %scan3A_74 = arith.addi %scan3A_72, %scan3A_73 : i32
    %scan3A_75 = arith.constant 1 : i32
    scf.for %scan3A_135 = %scan3A_72 to %scan3A_74 step %scan3A_75  : i32 {
      %mul3A_136 = arith.constant 2 : i32
      %mul3A_137 = arith.muli %scan3A_135, %mul3A_136 : i32
      %add3A_138 = arith.constant 0 : i32
      %add3A_139 = arith.addi %add3A_138, %mul3A_137 : i32
      %add3A_140 = arith.constant 1 : i32
      %add3A_141 = arith.addi %add3A_139, %add3A_140 : i32
      %mul3A_142 = arith.constant 819200 : i32
      %mul3A_143 = arith.muli %arg0, %mul3A_142 : i32
      %mul3A_144 = arith.constant 51200 : i32
      %mul3A_145 = arith.muli %arg1, %mul3A_144 : i32
      %add3A_146 = arith.addi %mul3A_143, %mul3A_145 : i32
      %mul3A_147 = arith.constant 2048 : i32
      %mul3A_148 = arith.muli %add3A_141, %mul3A_147 : i32
      %add3A_149 = arith.addi %add3A_146, %mul3A_148 : i32
      %dma_start3A_150 = tpu.memref_slice %arg5[%add3A_149] : memref<1638400xf32, #tpu.memory_space<hbm>> -> memref<2048xf32, #tpu.memory_space<hbm>>
      %dma_start3A_151 = tpu.memref_slice %arg5[%add3A_149] : memref<1638400xf32, #tpu.memory_space<hbm>> -> memref<2048xf32, #tpu.memory_space<hbm>>
      tpu.enqueue_dma source(%dma_start3A_151 : memref<2048xf32, #tpu.memory_space<hbm>>) target(%arg7 : memref<2048xf32, #tpu.memory_space<vmem>>) target_semaphore(%arg20 : memref<!tpu.dma_semaphore, #tpu.memory_space<semaphore_mem>>)
      %mul3A_152 = arith.constant 819200 : i32
      %mul3A_153 = arith.muli %arg0, %mul3A_152 : i32
      %mul3A_154 = arith.constant 51200 : i32
      %mul3A_155 = arith.muli %arg1, %mul3A_154 : i32
      %add3A_156 = arith.addi %mul3A_153, %mul3A_155 : i32
      %mul3A_157 = arith.constant 2048 : i32
      %mul3A_158 = arith.muli %add3A_141, %mul3A_157 : i32
      %add3A_159 = arith.addi %add3A_156, %mul3A_158 : i32
      %dma_start3A_160 = tpu.memref_slice %arg3[%add3A_159] : memref<1638400xi32, #tpu.memory_space<hbm>> -> memref<2048xi32, #tpu.memory_space<hbm>>
      %dma_start3A_161 = tpu.memref_slice %arg3[%add3A_159] : memref<1638400xi32, #tpu.memory_space<hbm>> -> memref<2048xi32, #tpu.memory_space<hbm>>
      tpu.enqueue_dma source(%dma_start3A_161 : memref<2048xi32, #tpu.memory_space<hbm>>) target(%arg9 : memref<2048xi32, #tpu.memory_space<vmem>>) target_semaphore(%arg20 : memref<!tpu.dma_semaphore, #tpu.memory_space<semaphore_mem>>)
      %mul3A_162 = arith.constant 819200 : i32
      %mul3A_163 = arith.muli %arg0, %mul3A_162 : i32
      %mul3A_164 = arith.constant 51200 : i32
      %mul3A_165 = arith.muli %arg1, %mul3A_164 : i32
      %add3A_166 = arith.addi %mul3A_163, %mul3A_165 : i32
      %mul3A_167 = arith.constant 2048 : i32
      %mul3A_168 = arith.muli %add3A_139, %mul3A_167 : i32
      %add3A_169 = arith.addi %add3A_166, %mul3A_168 : i32
      %dma_wait3A_170 = tpu.memref_slice %arg5[%add3A_169] : memref<1638400xf32, #tpu.memory_space<hbm>> -> memref<2048xf32, #tpu.memory_space<hbm>>
      %dma_wait3A_171 = tpu.memref_slice %arg5[%add3A_169] : memref<1638400xf32, #tpu.memory_space<hbm>> -> memref<2048xf32, #tpu.memory_space<hbm>>
      tpu.wait_dma2 semaphore(%arg19 : memref<!tpu.dma_semaphore, #tpu.memory_space<semaphore_mem>>) src(%dma_wait3A_171 : memref<2048xf32, #tpu.memory_space<hbm>>) dst(%arg6 : memref<2048xf32, #tpu.memory_space<vmem>>)
      %mul3A_172 = arith.constant 819200 : i32
      %mul3A_173 = arith.muli %arg0, %mul3A_172 : i32
      %mul3A_174 = arith.constant 51200 : i32
      %mul3A_175 = arith.muli %arg1, %mul3A_174 : i32
      %add3A_176 = arith.addi %mul3A_173, %mul3A_175 : i32
      %mul3A_177 = arith.constant 2048 : i32
      %mul3A_178 = arith.muli %add3A_139, %mul3A_177 : i32
      %add3A_179 = arith.addi %add3A_176, %mul3A_178 : i32
      %dma_wait3A_180 = tpu.memref_slice %arg3[%add3A_179] : memref<1638400xi32, #tpu.memory_space<hbm>> -> memref<2048xi32, #tpu.memory_space<hbm>>
      %dma_wait3A_181 = tpu.memref_slice %arg3[%add3A_179] : memref<1638400xi32, #tpu.memory_space<hbm>> -> memref<2048xi32, #tpu.memory_space<hbm>>
      tpu.wait_dma2 semaphore(%arg19 : memref<!tpu.dma_semaphore, #tpu.memory_space<semaphore_mem>>) src(%dma_wait3A_181 : memref<2048xi32, #tpu.memory_space<hbm>>) dst(%arg8 : memref<2048xi32, #tpu.memory_space<vmem>>)
      %ge3A = arith.constant 2 : i32
      %ge3A_182 = arith.cmpi sge, %add3A_139, %ge3A : i32
      %convert_element_type3A_183 = arith.extui %ge3A_182 : i1 to i32
      %cond3A_184 = arith.constant 0 : i32
      %cond3A_185 = arith.cmpi ne, %convert_element_type3A_183, %cond3A_184 : i32
      scf.if %cond3A_185 {
        %sub3A = arith.constant 2 : i32
        %sub3A_252 = arith.subi %add3A_139, %sub3A : i32
        %mul3A_253 = arith.constant 819200 : i32
        %mul3A_254 = arith.muli %arg0, %mul3A_253 : i32
        %mul3A_255 = arith.constant 51200 : i32
        %mul3A_256 = arith.muli %arg1, %mul3A_255 : i32
        %add3A_257 = arith.addi %mul3A_254, %mul3A_256 : i32
        %mul3A_258 = arith.constant 2048 : i32
        %mul3A_259 = arith.muli %sub3A_252, %mul3A_258 : i32
        %add3A_260 = arith.addi %add3A_257, %mul3A_259 : i32
        %dma_wait3A_261 = tpu.memref_slice %arg5[%add3A_260] : memref<1638400xf32, #tpu.memory_space<hbm>> -> memref<2048xf32, #tpu.memory_space<hbm>>
        %dma_wait3A_262 = tpu.memref_slice %arg5[%add3A_260] : memref<1638400xf32, #tpu.memory_space<hbm>> -> memref<2048xf32, #tpu.memory_space<hbm>>
        tpu.wait_dma2 semaphore(%arg21 : memref<!tpu.dma_semaphore, #tpu.memory_space<semaphore_mem>>) src(%arg10 : memref<2048xf32, #tpu.memory_space<vmem>>) dst(%dma_wait3A_262 : memref<2048xf32, #tpu.memory_space<hbm>>)
      } else {
      }
      "tpu.region"() ({
        %run_scoped3A = tpu.sem_alloc : memref<!tpu.dma_semaphore, #tpu.memory_space<semaphore_mem>>
        %dma_start3A_252 = arith.constant 0 : i32
        %dma_start3A_253 = tpu.memref_slice %arg18[%dma_start3A_252] : memref<102400xf32, #tpu.memory_space<vmem_shared>> -> memref<102400xf32, #tpu.memory_space<vmem_shared>>
        tpu.enqueue_indirect_dma source(%dma_start3A_253 : memref<102400xf32, #tpu.memory_space<vmem_shared>>) target(%arg12 : memref<2048xf32, #tpu.memory_space<vmem>>) offsets(%arg8 : memref<2048xi32, #tpu.memory_space<vmem>>) semaphore(%run_scoped3A : memref<!tpu.dma_semaphore, #tpu.memory_space<semaphore_mem>>)
        %dma_wait3A_254 = arith.constant 0 : i32
        %dma_wait3A_255 = tpu.memref_slice %arg18[%dma_wait3A_254] : memref<102400xf32, #tpu.memory_space<vmem_shared>> -> memref<102400xf32, #tpu.memory_space<vmem_shared>>
        tpu.wait_indirect_dma semaphore(%run_scoped3A : memref<!tpu.dma_semaphore, #tpu.memory_space<semaphore_mem>>) src(%dma_wait3A_255 : memref<102400xf32, #tpu.memory_space<vmem_shared>>) dst(%arg12 : memref<2048xf32, #tpu.memory_space<vmem>>)
        tpu.yield
      }) : () -> ()
      %scan3A_186 = arith.constant 0 : i32
      %scan3A_187 = arith.constant 128 : i32
      %scan3A_188 = arith.addi %scan3A_186, %scan3A_187 : i32
      %scan3A_189 = arith.constant 1 : i32
      scf.for %scan3A_252 = %scan3A_186 to %scan3A_188 step %scan3A_189  : i32 {
        %mul3A_253 = arith.constant 16 : i32
        %mul3A_254 = arith.muli %scan3A_252, %mul3A_253 : i32
        %add3A_255 = arith.constant 0 : i32
        %add3A_256 = arith.addi %add3A_255, %mul3A_254 : i32
        %get3A = arith.index_cast %add3A_256 : i32 to index
        %get3A_257 = tpu.vector_load %arg6[%get3A] {strides = array<i32>} : memref<2048xf32, #tpu.memory_space<vmem>>, vector<16xf32>,
        %get3A_258 = vector.shape_cast %get3A_257 : vector<16xf32> to vector<16xf32>
        %get3A_259 = arith.index_cast %add3A_256 : i32 to index
        %get3A_260 = tpu.vector_load %arg12[%get3A_259] {strides = array<i32>} : memref<2048xf32, #tpu.memory_space<vmem>>, vector<16xf32>,
        %get3A_261 = vector.shape_cast %get3A_260 : vector<16xf32> to vector<16xf32>
        %div3A = arith.divf %get3A_258, %get3A_261 : vector<16xf32>
        %swap3A = arith.index_cast %add3A_256 : i32 to index
        %swap3A_262 = tpu.vector_load %arg10[%swap3A] {strides = array<i32>} : memref<2048xf32, #tpu.memory_space<vmem>>, vector<16xf32>,
        %swap3A_263 = vector.shape_cast %swap3A_262 : vector<16xf32> to vector<16xf32>
        %swap3A_264 = vector.shape_cast %div3A : vector<16xf32> to vector<16xf32>
        tpu.vector_store %arg10[%swap3A], %swap3A_264 {strides = array<i32>} : memref<2048xf32, #tpu.memory_space<vmem>>, vector<16xf32>,
      }
      %scan3A_190 = arith.constant 128 : i32
      %mul3A_191 = arith.constant 819200 : i32
      %mul3A_192 = arith.muli %arg0, %mul3A_191 : i32
      %mul3A_193 = arith.constant 51200 : i32
      %mul3A_194 = arith.muli %arg1, %mul3A_193 : i32
      %add3A_195 = arith.addi %mul3A_192, %mul3A_194 : i32
      %mul3A_196 = arith.constant 2048 : i32
      %mul3A_197 = arith.muli %add3A_139, %mul3A_196 : i32
      %add3A_198 = arith.addi %add3A_195, %mul3A_197 : i32
      %dma_start3A_199 = tpu.memref_slice %arg5[%add3A_198] : memref<1638400xf32, #tpu.memory_space<hbm>> -> memref<2048xf32, #tpu.memory_space<hbm>>
      %dma_start3A_200 = tpu.memref_slice %arg5[%add3A_198] : memref<1638400xf32, #tpu.memory_space<hbm>> -> memref<2048xf32, #tpu.memory_space<hbm>>
      tpu.enqueue_dma source(%arg10 : memref<2048xf32, #tpu.memory_space<vmem>>) target(%dma_start3A_200 : memref<2048xf32, #tpu.memory_space<hbm>>) target_semaphore(%arg21 : memref<!tpu.dma_semaphore, #tpu.memory_space<semaphore_mem>>)
      %add3A_201 = arith.constant 2 : i32
      %add3A_202 = arith.addi %add3A_139, %add3A_201 : i32
      %lt3A_203 = arith.constant 25 : i32
      %lt3A_204 = arith.cmpi slt, %add3A_202, %lt3A_203 : i32
      %convert_element_type3A_205 = arith.extui %lt3A_204 : i1 to i32
      %cond3A_206 = arith.constant 0 : i32
      %cond3A_207 = arith.cmpi ne, %convert_element_type3A_205, %cond3A_206 : i32
      scf.if %cond3A_207 {
        %add3A_252 = arith.constant 2 : i32
        %add3A_253 = arith.addi %add3A_139, %add3A_252 : i32
        %mul3A_254 = arith.constant 819200 : i32
        %mul3A_255 = arith.muli %arg0, %mul3A_254 : i32
        %mul3A_256 = arith.constant 51200 : i32
        %mul3A_257 = arith.muli %arg1, %mul3A_256 : i32
        %add3A_258 = arith.addi %mul3A_255, %mul3A_257 : i32
        %mul3A_259 = arith.constant 2048 : i32
        %mul3A_260 = arith.muli %add3A_253, %mul3A_259 : i32
        %add3A_261 = arith.addi %add3A_258, %mul3A_260 : i32
        %dma_start3A_262 = tpu.memref_slice %arg5[%add3A_261] : memref<1638400xf32, #tpu.memory_space<hbm>> -> memref<2048xf32, #tpu.memory_space<hbm>>
        %dma_start3A_263 = tpu.memref_slice %arg5[%add3A_261] : memref<1638400xf32, #tpu.memory_space<hbm>> -> memref<2048xf32, #tpu.memory_space<hbm>>
        tpu.enqueue_dma source(%dma_start3A_263 : memref<2048xf32, #tpu.memory_space<hbm>>) target(%arg6 : memref<2048xf32, #tpu.memory_space<vmem>>) target_semaphore(%arg19 : memref<!tpu.dma_semaphore, #tpu.memory_space<semaphore_mem>>)
        %mul3A_264 = arith.constant 819200 : i32
        %mul3A_265 = arith.muli %arg0, %mul3A_264 : i32
        %mul3A_266 = arith.constant 51200 : i32
        %mul3A_267 = arith.muli %arg1, %mul3A_266 : i32
        %add3A_268 = arith.addi %mul3A_265, %mul3A_267 : i32
        %mul3A_269 = arith.constant 2048 : i32
        %mul3A_270 = arith.muli %add3A_253, %mul3A_269 : i32
        %add3A_271 = arith.addi %add3A_268, %mul3A_270 : i32
        %dma_start3A_272 = tpu.memref_slice %arg3[%add3A_271] : memref<1638400xi32, #tpu.memory_space<hbm>> -> memref<2048xi32, #tpu.memory_space<hbm>>
        %dma_start3A_273 = tpu.memref_slice %arg3[%add3A_271] : memref<1638400xi32, #tpu.memory_space<hbm>> -> memref<2048xi32, #tpu.memory_space<hbm>>
        tpu.enqueue_dma source(%dma_start3A_273 : memref<2048xi32, #tpu.memory_space<hbm>>) target(%arg8 : memref<2048xi32, #tpu.memory_space<vmem>>) target_semaphore(%arg19 : memref<!tpu.dma_semaphore, #tpu.memory_space<semaphore_mem>>)
      } else {
      }
      %add3A_208 = arith.constant 1 : i32
      %add3A_209 = arith.addi %add3A_139, %add3A_208 : i32
      %mul3A_210 = arith.constant 819200 : i32
      %mul3A_211 = arith.muli %arg0, %mul3A_210 : i32
      %mul3A_212 = arith.constant 51200 : i32
      %mul3A_213 = arith.muli %arg1, %mul3A_212 : i32
      %add3A_214 = arith.addi %mul3A_211, %mul3A_213 : i32
      %mul3A_215 = arith.constant 2048 : i32
      %mul3A_216 = arith.muli %add3A_209, %mul3A_215 : i32
      %add3A_217 = arith.addi %add3A_214, %mul3A_216 : i32
      %dma_wait3A_218 = tpu.memref_slice %arg5[%add3A_217] : memref<1638400xf32, #tpu.memory_space<hbm>> -> memref<2048xf32, #tpu.memory_space<hbm>>
      %dma_wait3A_219 = tpu.memref_slice %arg5[%add3A_217] : memref<1638400xf32, #tpu.memory_space<hbm>> -> memref<2048xf32, #tpu.memory_space<hbm>>
      tpu.wait_dma2 semaphore(%arg20 : memref<!tpu.dma_semaphore, #tpu.memory_space<semaphore_mem>>) src(%dma_wait3A_219 : memref<2048xf32, #tpu.memory_space<hbm>>) dst(%arg7 : memref<2048xf32, #tpu.memory_space<vmem>>)
      %mul3A_220 = arith.constant 819200 : i32
      %mul3A_221 = arith.muli %arg0, %mul3A_220 : i32
      %mul3A_222 = arith.constant 51200 : i32
      %mul3A_223 = arith.muli %arg1, %mul3A_222 : i32
      %add3A_224 = arith.addi %mul3A_221, %mul3A_223 : i32
      %mul3A_225 = arith.constant 2048 : i32
      %mul3A_226 = arith.muli %add3A_209, %mul3A_225 : i32
      %add3A_227 = arith.addi %add3A_224, %mul3A_226 : i32
      %dma_wait3A_228 = tpu.memref_slice %arg3[%add3A_227] : memref<1638400xi32, #tpu.memory_space<hbm>> -> memref<2048xi32, #tpu.memory_space<hbm>>
      %dma_wait3A_229 = tpu.memref_slice %arg3[%add3A_227] : memref<1638400xi32, #tpu.memory_space<hbm>> -> memref<2048xi32, #tpu.memory_space<hbm>>
      tpu.wait_dma2 semaphore(%arg20 : memref<!tpu.dma_semaphore, #tpu.memory_space<semaphore_mem>>) src(%dma_wait3A_229 : memref<2048xi32, #tpu.memory_space<hbm>>) dst(%arg9 : memref<2048xi32, #tpu.memory_space<vmem>>)
      %ge3A_230 = arith.constant 2 : i32
      %ge3A_231 = arith.cmpi sge, %add3A_139, %ge3A_230 : i32
      %convert_element_type3A_232 = arith.extui %ge3A_231 : i1 to i32
      %cond3A_233 = arith.constant 0 : i32
      %cond3A_234 = arith.cmpi ne, %convert_element_type3A_232, %cond3A_233 : i32
      scf.if %cond3A_234 {
        %sub3A = arith.constant 1 : i32
        %sub3A_252 = arith.subi %add3A_139, %sub3A : i32
        %mul3A_253 = arith.constant 819200 : i32
        %mul3A_254 = arith.muli %arg0, %mul3A_253 : i32
        %mul3A_255 = arith.constant 51200 : i32
        %mul3A_256 = arith.muli %arg1, %mul3A_255 : i32
        %add3A_257 = arith.addi %mul3A_254, %mul3A_256 : i32
        %mul3A_258 = arith.constant 2048 : i32
        %mul3A_259 = arith.muli %sub3A_252, %mul3A_258 : i32
        %add3A_260 = arith.addi %add3A_257, %mul3A_259 : i32
        %dma_wait3A_261 = tpu.memref_slice %arg5[%add3A_260] : memref<1638400xf32, #tpu.memory_space<hbm>> -> memref<2048xf32, #tpu.memory_space<hbm>>
        %dma_wait3A_262 = tpu.memref_slice %arg5[%add3A_260] : memref<1638400xf32, #tpu.memory_space<hbm>> -> memref<2048xf32, #tpu.memory_space<hbm>>
        tpu.wait_dma2 semaphore(%arg22 : memref<!tpu.dma_semaphore, #tpu.memory_space<semaphore_mem>>) src(%arg11 : memref<2048xf32, #tpu.memory_space<vmem>>) dst(%dma_wait3A_262 : memref<2048xf32, #tpu.memory_space<hbm>>)
      } else {
      }
      %add3A_235 = arith.constant 1 : i32
      %add3A_236 = arith.addi %add3A_139, %add3A_235 : i32
      "tpu.region"() ({
        %run_scoped3A = tpu.sem_alloc : memref<!tpu.dma_semaphore, #tpu.memory_space<semaphore_mem>>
        %dma_start3A_252 = arith.constant 0 : i32
        %dma_start3A_253 = tpu.memref_slice %arg18[%dma_start3A_252] : memref<102400xf32, #tpu.memory_space<vmem_shared>> -> memref<102400xf32, #tpu.memory_space<vmem_shared>>
        tpu.enqueue_indirect_dma source(%dma_start3A_253 : memref<102400xf32, #tpu.memory_space<vmem_shared>>) target(%arg12 : memref<2048xf32, #tpu.memory_space<vmem>>) offsets(%arg9 : memref<2048xi32, #tpu.memory_space<vmem>>) semaphore(%run_scoped3A : memref<!tpu.dma_semaphore, #tpu.memory_space<semaphore_mem>>)
        %dma_wait3A_254 = arith.constant 0 : i32
        %dma_wait3A_255 = tpu.memref_slice %arg18[%dma_wait3A_254] : memref<102400xf32, #tpu.memory_space<vmem_shared>> -> memref<102400xf32, #tpu.memory_space<vmem_shared>>
        tpu.wait_indirect_dma semaphore(%run_scoped3A : memref<!tpu.dma_semaphore, #tpu.memory_space<semaphore_mem>>) src(%dma_wait3A_255 : memref<102400xf32, #tpu.memory_space<vmem_shared>>) dst(%arg12 : memref<2048xf32, #tpu.memory_space<vmem>>)
        tpu.yield
      }) : () -> ()
      %scan3A_237 = arith.constant 0 : i32
      %scan3A_238 = arith.constant 128 : i32
      %scan3A_239 = arith.addi %scan3A_237, %scan3A_238 : i32
      %scan3A_240 = arith.constant 1 : i32
      scf.for %scan3A_252 = %scan3A_237 to %scan3A_239 step %scan3A_240  : i32 {
        %mul3A_253 = arith.constant 16 : i32
        %mul3A_254 = arith.muli %scan3A_252, %mul3A_253 : i32
        %add3A_255 = arith.constant 0 : i32
        %add3A_256 = arith.addi %add3A_255, %mul3A_254 : i32
        %get3A = arith.index_cast %add3A_256 : i32 to index
        %get3A_257 = tpu.vector_load %arg7[%get3A] {strides = array<i32>} : memref<2048xf32, #tpu.memory_space<vmem>>, vector<16xf32>,
        %get3A_258 = vector.shape_cast %get3A_257 : vector<16xf32> to vector<16xf32>
        %get3A_259 = arith.index_cast %add3A_256 : i32 to index
        %get3A_260 = tpu.vector_load %arg12[%get3A_259] {strides = array<i32>} : memref<2048xf32, #tpu.memory_space<vmem>>, vector<16xf32>,
        %get3A_261 = vector.shape_cast %get3A_260 : vector<16xf32> to vector<16xf32>
        %div3A = arith.divf %get3A_258, %get3A_261 : vector<16xf32>
        %swap3A = arith.index_cast %add3A_256 : i32 to index
        %swap3A_262 = tpu.vector_load %arg11[%swap3A] {strides = array<i32>} : memref<2048xf32, #tpu.memory_space<vmem>>, vector<16xf32>,
        %swap3A_263 = vector.shape_cast %swap3A_262 : vector<16xf32> to vector<16xf32>
        %swap3A_264 = vector.shape_cast %div3A : vector<16xf32> to vector<16xf32>
        tpu.vector_store %arg11[%swap3A], %swap3A_264 {strides = array<i32>} : memref<2048xf32, #tpu.memory_space<vmem>>, vector<16xf32>,
      }
      %scan3A_241 = arith.constant 128 : i32
      %mul3A_242 = arith.constant 819200 : i32
      %mul3A_243 = arith.muli %arg0, %mul3A_242 : i32
      %mul3A_244 = arith.constant 51200 : i32
      %mul3A_245 = arith.muli %arg1, %mul3A_244 : i32
      %add3A_246 = arith.addi %mul3A_243, %mul3A_245 : i32
      %mul3A_247 = arith.constant 2048 : i32
      %mul3A_248 = arith.muli %add3A_236, %mul3A_247 : i32
      %add3A_249 = arith.addi %add3A_246, %mul3A_248 : i32
      %dma_start3A_250 = tpu.memref_slice %arg5[%add3A_249] : memref<1638400xf32, #tpu.memory_space<hbm>> -> memref<2048xf32, #tpu.memory_space<hbm>>
      %dma_start3A_251 = tpu.memref_slice %arg5[%add3A_249] : memref<1638400xf32, #tpu.memory_space<hbm>> -> memref<2048xf32, #tpu.memory_space<hbm>>
      tpu.enqueue_dma source(%arg11 : memref<2048xf32, #tpu.memory_space<vmem>>) target(%dma_start3A_251 : memref<2048xf32, #tpu.memory_space<hbm>>) target_semaphore(%arg22 : memref<!tpu.dma_semaphore, #tpu.memory_space<semaphore_mem>>)
    }
    %scan3A_76 = arith.constant 12 : i32
    %mul3A_77 = arith.constant 819200 : i32
    %mul3A_78 = arith.muli %arg0, %mul3A_77 : i32
    %mul3A_79 = arith.constant 51200 : i32
    %mul3A_80 = arith.muli %arg1, %mul3A_79 : i32
    %add3A_81 = arith.addi %mul3A_78, %mul3A_80 : i32
    %add3A_82 = arith.constant 49152 : i32
    %add3A_83 = arith.addi %add3A_81, %add3A_82 : i32
    %dma_wait3A = tpu.memref_slice %arg5[%add3A_83] : memref<1638400xf32, #tpu.memory_space<hbm>> -> memref<2048xf32, #tpu.memory_space<hbm>>
    %dma_wait3A_84 = tpu.memref_slice %arg5[%add3A_83] : memref<1638400xf32, #tpu.memory_space<hbm>> -> memref<2048xf32, #tpu.memory_space<hbm>>
    tpu.wait_dma2 semaphore(%arg19 : memref<!tpu.dma_semaphore, #tpu.memory_space<semaphore_mem>>) src(%dma_wait3A_84 : memref<2048xf32, #tpu.memory_space<hbm>>) dst(%arg6 : memref<2048xf32, #tpu.memory_space<vmem>>)
    %mul3A_85 = arith.constant 819200 : i32
    %mul3A_86 = arith.muli %arg0, %mul3A_85 : i32
    %mul3A_87 = arith.constant 51200 : i32
    %mul3A_88 = arith.muli %arg1, %mul3A_87 : i32
    %add3A_89 = arith.addi %mul3A_86, %mul3A_88 : i32
    %add3A_90 = arith.constant 49152 : i32
    %add3A_91 = arith.addi %add3A_89, %add3A_90 : i32
    %dma_wait3A_92 = tpu.memref_slice %arg3[%add3A_91] : memref<1638400xi32, #tpu.memory_space<hbm>> -> memref<2048xi32, #tpu.memory_space<hbm>>
    %dma_wait3A_93 = tpu.memref_slice %arg3[%add3A_91] : memref<1638400xi32, #tpu.memory_space<hbm>> -> memref<2048xi32, #tpu.memory_space<hbm>>
    tpu.wait_dma2 semaphore(%arg19 : memref<!tpu.dma_semaphore, #tpu.memory_space<semaphore_mem>>) src(%dma_wait3A_93 : memref<2048xi32, #tpu.memory_space<hbm>>) dst(%arg8 : memref<2048xi32, #tpu.memory_space<vmem>>)
    %mul3A_94 = arith.constant 819200 : i32
    %mul3A_95 = arith.muli %arg0, %mul3A_94 : i32
    %mul3A_96 = arith.constant 51200 : i32
    %mul3A_97 = arith.muli %arg1, %mul3A_96 : i32
    %add3A_98 = arith.addi %mul3A_95, %mul3A_97 : i32
    %add3A_99 = arith.constant 45056 : i32
    %add3A_100 = arith.addi %add3A_98, %add3A_99 : i32
    %dma_wait3A_101 = tpu.memref_slice %arg5[%add3A_100] : memref<1638400xf32, #tpu.memory_space<hbm>> -> memref<2048xf32, #tpu.memory_space<hbm>>
    %dma_wait3A_102 = tpu.memref_slice %arg5[%add3A_100] : memref<1638400xf32, #tpu.memory_space<hbm>> -> memref<2048xf32, #tpu.memory_space<hbm>>
    tpu.wait_dma2 semaphore(%arg21 : memref<!tpu.dma_semaphore, #tpu.memory_space<semaphore_mem>>) src(%arg10 : memref<2048xf32, #tpu.memory_space<vmem>>) dst(%dma_wait3A_102 : memref<2048xf32, #tpu.memory_space<hbm>>)
    "tpu.region"() ({
      %run_scoped3A = tpu.sem_alloc : memref<!tpu.dma_semaphore, #tpu.memory_space<semaphore_mem>>
      %dma_start3A_135 = arith.constant 0 : i32
      %dma_start3A_136 = tpu.memref_slice %arg18[%dma_start3A_135] : memref<102400xf32, #tpu.memory_space<vmem_shared>> -> memref<102400xf32, #tpu.memory_space<vmem_shared>>
      tpu.enqueue_indirect_dma source(%dma_start3A_136 : memref<102400xf32, #tpu.memory_space<vmem_shared>>) target(%arg12 : memref<2048xf32, #tpu.memory_space<vmem>>) offsets(%arg8 : memref<2048xi32, #tpu.memory_space<vmem>>) semaphore(%run_scoped3A : memref<!tpu.dma_semaphore, #tpu.memory_space<semaphore_mem>>)
      %dma_wait3A_137 = arith.constant 0 : i32
      %dma_wait3A_138 = tpu.memref_slice %arg18[%dma_wait3A_137] : memref<102400xf32, #tpu.memory_space<vmem_shared>> -> memref<102400xf32, #tpu.memory_space<vmem_shared>>
      tpu.wait_indirect_dma semaphore(%run_scoped3A : memref<!tpu.dma_semaphore, #tpu.memory_space<semaphore_mem>>) src(%dma_wait3A_138 : memref<102400xf32, #tpu.memory_space<vmem_shared>>) dst(%arg12 : memref<2048xf32, #tpu.memory_space<vmem>>)
      tpu.yield
    }) : () -> ()
    %scan3A_103 = arith.constant 0 : i32
    %scan3A_104 = arith.constant 128 : i32
    %scan3A_105 = arith.addi %scan3A_103, %scan3A_104 : i32
    %scan3A_106 = arith.constant 1 : i32
    scf.for %scan3A_135 = %scan3A_103 to %scan3A_105 step %scan3A_106  : i32 {
      %mul3A_136 = arith.constant 16 : i32
      %mul3A_137 = arith.muli %scan3A_135, %mul3A_136 : i32
      %add3A_138 = arith.constant 0 : i32
      %add3A_139 = arith.addi %add3A_138, %mul3A_137 : i32
      %get3A = arith.index_cast %add3A_139 : i32 to index
      %get3A_140 = tpu.vector_load %arg6[%get3A] {strides = array<i32>} : memref<2048xf32, #tpu.memory_space<vmem>>, vector<16xf32>,
      %get3A_141 = vector.shape_cast %get3A_140 : vector<16xf32> to vector<16xf32>
      %get3A_142 = arith.index_cast %add3A_139 : i32 to index
      %get3A_143 = tpu.vector_load %arg12[%get3A_142] {strides = array<i32>} : memref<2048xf32, #tpu.memory_space<vmem>>, vector<16xf32>,
      %get3A_144 = vector.shape_cast %get3A_143 : vector<16xf32> to vector<16xf32>
      %div3A = arith.divf %get3A_141, %get3A_144 : vector<16xf32>
      %swap3A = arith.index_cast %add3A_139 : i32 to index
      %swap3A_145 = tpu.vector_load %arg10[%swap3A] {strides = array<i32>} : memref<2048xf32, #tpu.memory_space<vmem>>, vector<16xf32>,
      %swap3A_146 = vector.shape_cast %swap3A_145 : vector<16xf32> to vector<16xf32>
      %swap3A_147 = vector.shape_cast %div3A : vector<16xf32> to vector<16xf32>
      tpu.vector_store %arg10[%swap3A], %swap3A_147 {strides = array<i32>} : memref<2048xf32, #tpu.memory_space<vmem>>, vector<16xf32>,
    }
    %scan3A_107 = arith.constant 128 : i32
    %mul3A_108 = arith.constant 819200 : i32
    %mul3A_109 = arith.muli %arg0, %mul3A_108 : i32
    %mul3A_110 = arith.constant 51200 : i32
    %mul3A_111 = arith.muli %arg1, %mul3A_110 : i32
    %add3A_112 = arith.addi %mul3A_109, %mul3A_111 : i32
    %add3A_113 = arith.constant 49152 : i32
    %add3A_114 = arith.addi %add3A_112, %add3A_113 : i32
    %dma_start3A_115 = tpu.memref_slice %arg5[%add3A_114] : memref<1638400xf32, #tpu.memory_space<hbm>> -> memref<2048xf32, #tpu.memory_space<hbm>>
    %dma_start3A_116 = tpu.memref_slice %arg5[%add3A_114] : memref<1638400xf32, #tpu.memory_space<hbm>> -> memref<2048xf32, #tpu.memory_space<hbm>>
    tpu.enqueue_dma source(%arg10 : memref<2048xf32, #tpu.memory_space<vmem>>) target(%dma_start3A_116 : memref<2048xf32, #tpu.memory_space<hbm>>) target_semaphore(%arg21 : memref<!tpu.dma_semaphore, #tpu.memory_space<semaphore_mem>>)
    %mul3A_117 = arith.constant 819200 : i32
    %mul3A_118 = arith.muli %arg0, %mul3A_117 : i32
    %mul3A_119 = arith.constant 51200 : i32
    %mul3A_120 = arith.muli %arg1, %mul3A_119 : i32
    %add3A_121 = arith.addi %mul3A_118, %mul3A_120 : i32
    %add3A_122 = arith.constant 47104 : i32
    %add3A_123 = arith.addi %add3A_121, %add3A_122 : i32
    %dma_wait3A_124 = tpu.memref_slice %arg5[%add3A_123] : memref<1638400xf32, #tpu.memory_space<hbm>> -> memref<2048xf32, #tpu.memory_space<hbm>>
    %dma_wait3A_125 = tpu.memref_slice %arg5[%add3A_123] : memref<1638400xf32, #tpu.memory_space<hbm>> -> memref<2048xf32, #tpu.memory_space<hbm>>
    tpu.wait_dma2 semaphore(%arg22 : memref<!tpu.dma_semaphore, #tpu.memory_space<semaphore_mem>>) src(%arg11 : memref<2048xf32, #tpu.memory_space<vmem>>) dst(%dma_wait3A_125 : memref<2048xf32, #tpu.memory_space<hbm>>)
    %mul3A_126 = arith.constant 819200 : i32
    %mul3A_127 = arith.muli %arg0, %mul3A_126 : i32
    %mul3A_128 = arith.constant 51200 : i32
    %mul3A_129 = arith.muli %arg1, %mul3A_128 : i32
    %add3A_130 = arith.addi %mul3A_127, %mul3A_129 : i32
    %add3A_131 = arith.constant 49152 : i32
    %add3A_132 = arith.addi %add3A_130, %add3A_131 : i32
    %dma_wait3A_133 = tpu.memref_slice %arg5[%add3A_132] : memref<1638400xf32, #tpu.memory_space<hbm>> -> memref<2048xf32, #tpu.memory_space<hbm>>
    %dma_wait3A_134 = tpu.memref_slice %arg5[%add3A_132] : memref<1638400xf32, #tpu.memory_space<hbm>> -> memref<2048xf32, #tpu.memory_space<hbm>>
    tpu.wait_dma2 semaphore(%arg21 : memref<!tpu.dma_semaphore, #tpu.memory_space<semaphore_mem>>) src(%arg10 : memref<2048xf32, #tpu.memory_space<vmem>>) dst(%dma_wait3A_134 : memref<2048xf32, #tpu.memory_space<hbm>>)
    return
  }
}

module attributes {stable_mosaic.version = 14 : i64} {
  func.func @body(%arg0: i32, %arg1: memref<2048x8xf32, #tpu.memory_space<vmem>>, %arg2: memref<8x256xf32, #tpu.memory_space<vmem>>, %arg3: memref<1x256xf32, #tpu.memory_space<vmem>>, %arg4: memref<1x256xf32, #tpu.memory_space<vmem>>, %arg5: memref<256x256xf32, #tpu.memory_space<vmem>>, %arg6: memref<1x256xf32, #tpu.memory_space<vmem>>, %arg7: memref<256x128xf32, #tpu.memory_space<vmem>>, %arg8: memref<1x128xf32, #tpu.memory_space<vmem>>, %arg9: memref<256x128xf32, #tpu.memory_space<vmem>>, %arg10: memref<1x128xf32, #tpu.memory_space<vmem>>, %arg11: memref<2048x128xf32, #tpu.memory_space<vmem>>, %arg12: memref<2048x128xf32, #tpu.memory_space<vmem>>) attributes {dimension_semantics = [#tpu.dimension_semantics<parallel>], iteration_bounds = array<i64: 100>, scalar_prefetch = 0 : i64, scratch_operands = 0 : i64, tpu.core_type = #tpu.core_type<tc>, window_params = [{transform_indices = @transform_0, window_bounds = array<i64: 2048, 8>}, {pipeline_mode = #tpu.pipeline_mode<synchronous>, transform_indices = @transform_1, window_bounds = array<i64: 8, 256>}, {pipeline_mode = #tpu.pipeline_mode<synchronous>, transform_indices = @transform_2, window_bounds = array<i64: 1, 256>}, {pipeline_mode = #tpu.pipeline_mode<synchronous>, transform_indices = @transform_3, window_bounds = array<i64: 1, 256>}, {pipeline_mode = #tpu.pipeline_mode<synchronous>, transform_indices = @transform_4, window_bounds = array<i64: 256, 256>}, {pipeline_mode = #tpu.pipeline_mode<synchronous>, transform_indices = @transform_5, window_bounds = array<i64: 1, 256>}, {pipeline_mode = #tpu.pipeline_mode<synchronous>, transform_indices = @transform_6, window_bounds = array<i64: 256, 128>}, {pipeline_mode = #tpu.pipeline_mode<synchronous>, transform_indices = @transform_7, window_bounds = array<i64: 1, 128>}, {pipeline_mode = #tpu.pipeline_mode<synchronous>, transform_indices = @transform_8, window_bounds = array<i64: 256, 128>}, {pipeline_mode = #tpu.pipeline_mode<synchronous>, transform_indices = @transform_9, window_bounds = array<i64: 1, 128>}, {transform_indices = @transform_10, window_bounds = array<i64: 2048, 128>}, {transform_indices = @transform_11, window_bounds = array<i64: 2048, 128>}]} {
    %get3A = arith.constant 0 : index
    %get3A_0 = arith.constant 0 : index
    %get3A_1 = vector.load %arg1[%get3A, %get3A_0] : memref<2048x8xf32, #tpu.memory_space<vmem>>, vector<2048x8xf32>
    %get3A_2 = arith.constant 0 : index
    %get3A_3 = arith.constant 0 : index
    %get3A_4 = vector.load %arg2[%get3A_2, %get3A_3] : memref<8x256xf32, #tpu.memory_space<vmem>>, vector<8x256xf32>
    %dot_general3A = arith.constant dense<0.000000e+00> : vector<2048x256xf32>
    %dot_general3A_5 = tpu.matmul %get3A_1, %get3A_4, %dot_general3A {dimension_numbers = #tpu.dot_dimension_numbers<[1], [0], [0], [1], [0, 0, 1, 1], [], []>, transpose_lhs_hint = false} : vector<2048x8xf32>, vector<8x256xf32>, vector<2048x256xf32> -> vector<2048x256xf32>
    %get3A_6 = arith.constant 0 : index
    %get3A_7 = arith.constant 0 : index
    %get3A_8 = vector.load %arg3[%get3A_6, %get3A_7] : memref<1x256xf32, #tpu.memory_space<vmem>>, vector<1x256xf32>
    %mul3A = vector.broadcast %get3A_8 : vector<1x256xf32> to vector<2048x256xf32>
    %mul3A_9 = arith.mulf %dot_general3A_5, %mul3A : vector<2048x256xf32>
    %get3A_10 = arith.constant 0 : index
    %get3A_11 = arith.constant 0 : index
    %get3A_12 = vector.load %arg4[%get3A_10, %get3A_11] : memref<1x256xf32, #tpu.memory_space<vmem>>, vector<1x256xf32>
    %add3A = vector.broadcast %get3A_12 : vector<1x256xf32> to vector<2048x256xf32>
    %add3A_13 = arith.addf %mul3A_9, %add3A : vector<2048x256xf32>
    %get3A_14 = arith.constant 0 : index
    %get3A_15 = arith.constant 0 : index
    %get3A_16 = vector.load %arg5[%get3A_14, %get3A_15] : memref<256x256xf32, #tpu.memory_space<vmem>>, vector<256x256xf32>
    %dot_general3A_17 = arith.constant dense<0.000000e+00> : vector<2048x256xf32>
    %dot_general3A_18 = tpu.matmul %add3A_13, %get3A_16, %dot_general3A_17 {dimension_numbers = #tpu.dot_dimension_numbers<[1], [0], [0], [1], [0, 0, 1, 1], [], []>, transpose_lhs_hint = false} : vector<2048x256xf32>, vector<256x256xf32>, vector<2048x256xf32> -> vector<2048x256xf32>
    %get3A_19 = arith.constant 0 : index
    %get3A_20 = arith.constant 0 : index
    %get3A_21 = vector.load %arg6[%get3A_19, %get3A_20] : memref<1x256xf32, #tpu.memory_space<vmem>>, vector<1x256xf32>
    %add3A_22 = vector.broadcast %get3A_21 : vector<1x256xf32> to vector<2048x256xf32>
    %add3A_23 = arith.addf %dot_general3A_18, %add3A_22 : vector<2048x256xf32>
    %ge3A = arith.constant 0.000000e+00 : f32
    %ge3A_24 = vector.broadcast %ge3A : f32 to vector<2048x256xf32>
    %ge3A_25 = arith.cmpf oge, %add3A_23, %ge3A_24 : vector<2048x256xf32>
    %mul3A_26 = arith.constant 0.00999999977 : f32
    %mul3A_27 = vector.broadcast %mul3A_26 : f32 to vector<2048x256xf32>
    %mul3A_28 = arith.mulf %mul3A_27, %add3A_23 : vector<2048x256xf32>
    %select_n3A = arith.select %ge3A_25, %add3A_23, %mul3A_28 : vector<2048x256xi1>, vector<2048x256xf32>
    %get3A_29 = arith.constant 0 : index
    %get3A_30 = arith.constant 0 : index
    %get3A_31 = vector.load %arg7[%get3A_29, %get3A_30] : memref<256x128xf32, #tpu.memory_space<vmem>>, vector<256x128xf32>
    %dot_general3A_32 = arith.constant dense<0.000000e+00> : vector<2048x128xf32>
    %dot_general3A_33 = tpu.matmul %select_n3A, %get3A_31, %dot_general3A_32 {dimension_numbers = #tpu.dot_dimension_numbers<[1], [0], [0], [1], [0, 0, 1, 1], [], []>, transpose_lhs_hint = false} : vector<2048x256xf32>, vector<256x128xf32>, vector<2048x128xf32> -> vector<2048x128xf32>
    %get3A_34 = arith.constant 0 : index
    %get3A_35 = arith.constant 0 : index
    %get3A_36 = vector.load %arg8[%get3A_34, %get3A_35] : memref<1x128xf32, #tpu.memory_space<vmem>>, vector<1x128xf32>
    %add3A_37 = vector.broadcast %get3A_36 : vector<1x128xf32> to vector<2048x128xf32>
    %add3A_38 = arith.addf %dot_general3A_33, %add3A_37 : vector<2048x128xf32>
    %swap3A = arith.constant 0 : index
    %swap3A_39 = arith.constant 0 : index
    %swap3A_40 = vector.load %arg11[%swap3A, %swap3A_39] : memref<2048x128xf32, #tpu.memory_space<vmem>>, vector<2048x128xf32>
    tpu.vector_store %arg11[%swap3A, %swap3A_39], %add3A_38 {strides = array<i32>} : memref<2048x128xf32, #tpu.memory_space<vmem>>, vector<2048x128xf32>,
    %get3A_41 = arith.constant 0 : index
    %get3A_42 = arith.constant 0 : index
    %get3A_43 = vector.load %arg9[%get3A_41, %get3A_42] : memref<256x128xf32, #tpu.memory_space<vmem>>, vector<256x128xf32>
    %dot_general3A_44 = arith.constant dense<0.000000e+00> : vector<2048x128xf32>
    %dot_general3A_45 = tpu.matmul %select_n3A, %get3A_43, %dot_general3A_44 {dimension_numbers = #tpu.dot_dimension_numbers<[1], [0], [0], [1], [0, 0, 1, 1], [], []>, transpose_lhs_hint = false} : vector<2048x256xf32>, vector<256x128xf32>, vector<2048x128xf32> -> vector<2048x128xf32>
    %get3A_46 = arith.constant 0 : index
    %get3A_47 = arith.constant 0 : index
    %get3A_48 = vector.load %arg10[%get3A_46, %get3A_47] : memref<1x128xf32, #tpu.memory_space<vmem>>, vector<1x128xf32>
    %add3A_49 = vector.broadcast %get3A_48 : vector<1x128xf32> to vector<2048x128xf32>
    %add3A_50 = arith.addf %dot_general3A_45, %add3A_49 : vector<2048x128xf32>
    %swap3A_51 = arith.constant 0 : index
    %swap3A_52 = arith.constant 0 : index
    %swap3A_53 = vector.load %arg12[%swap3A_51, %swap3A_52] : memref<2048x128xf32, #tpu.memory_space<vmem>>, vector<2048x128xf32>
    tpu.vector_store %arg12[%swap3A_51, %swap3A_52], %add3A_50 {strides = array<i32>} : memref<2048x128xf32, #tpu.memory_space<vmem>>, vector<2048x128xf32>,
    return
  }
  func.func @transform_0(%arg0: i32) -> (i32, i32) {
    %c0_i32 = arith.constant 0 : i32
    %c0_i32_0 = arith.constant 0 : i32
    return %arg0, %c0_i32 : i32, i32
  }
  func.func @transform_1(%arg0: i32) -> (i32, i32) {
    %c0_i32 = arith.constant 0 : i32
    %c0_i32_0 = arith.constant 0 : i32
    %c0_i32_1 = arith.constant 0 : i32
    return %c0_i32, %c0_i32_0 : i32, i32
  }
  func.func @transform_2(%arg0: i32) -> (i32, i32) {
    %c0_i32 = arith.constant 0 : i32
    %c0_i32_0 = arith.constant 0 : i32
    %c0_i32_1 = arith.constant 0 : i32
    return %c0_i32, %c0_i32_0 : i32, i32
  }
  func.func @transform_3(%arg0: i32) -> (i32, i32) {
    %c0_i32 = arith.constant 0 : i32
    %c0_i32_0 = arith.constant 0 : i32
    %c0_i32_1 = arith.constant 0 : i32
    return %c0_i32, %c0_i32_0 : i32, i32
  }
  func.func @transform_4(%arg0: i32) -> (i32, i32) {
    %c0_i32 = arith.constant 0 : i32
    %c0_i32_0 = arith.constant 0 : i32
    %c0_i32_1 = arith.constant 0 : i32
    return %c0_i32, %c0_i32_0 : i32, i32
  }
  func.func @transform_5(%arg0: i32) -> (i32, i32) {
    %c0_i32 = arith.constant 0 : i32
    %c0_i32_0 = arith.constant 0 : i32
    %c0_i32_1 = arith.constant 0 : i32
    return %c0_i32, %c0_i32_0 : i32, i32
  }
  func.func @transform_6(%arg0: i32) -> (i32, i32) {
    %c0_i32 = arith.constant 0 : i32
    %c0_i32_0 = arith.constant 0 : i32
    %c0_i32_1 = arith.constant 0 : i32
    return %c0_i32, %c0_i32_0 : i32, i32
  }
  func.func @transform_7(%arg0: i32) -> (i32, i32) {
    %c0_i32 = arith.constant 0 : i32
    %c0_i32_0 = arith.constant 0 : i32
    %c0_i32_1 = arith.constant 0 : i32
    return %c0_i32, %c0_i32_0 : i32, i32
  }
  func.func @transform_8(%arg0: i32) -> (i32, i32) {
    %c0_i32 = arith.constant 0 : i32
    %c0_i32_0 = arith.constant 0 : i32
    %c0_i32_1 = arith.constant 0 : i32
    return %c0_i32, %c0_i32_0 : i32, i32
  }
  func.func @transform_9(%arg0: i32) -> (i32, i32) {
    %c0_i32 = arith.constant 0 : i32
    %c0_i32_0 = arith.constant 0 : i32
    %c0_i32_1 = arith.constant 0 : i32
    return %c0_i32, %c0_i32_0 : i32, i32
  }
  func.func @transform_10(%arg0: i32) -> (i32, i32) {
    %c0_i32 = arith.constant 0 : i32
    %c0_i32_0 = arith.constant 0 : i32
    return %arg0, %c0_i32 : i32, i32
  }
  func.func @transform_11(%arg0: i32) -> (i32, i32) {
    %c0_i32 = arith.constant 0 : i32
    %c0_i32_0 = arith.constant 0 : i32
    return %arg0, %c0_i32 : i32, i32
  }
}

module attributes {stable_mosaic.version = 14 : i64} {
  func.func @body(%arg0: i32, %arg1: memref<2048x8xf32, #tpu.memory_space<vmem>>, %arg2: memref<2048x128xf32, #tpu.memory_space<vmem>>, %arg3: memref<2048x128xf32, #tpu.memory_space<vmem>>, %arg4: memref<8x256xf32, #tpu.memory_space<vmem>>, %arg5: memref<1x256xf32, #tpu.memory_space<vmem>>, %arg6: memref<1x256xf32, #tpu.memory_space<vmem>>, %arg7: memref<256x256xf32, #tpu.memory_space<vmem>>, %arg8: memref<128x256xf32, #tpu.memory_space<vmem>>, %arg9: memref<128x256xf32, #tpu.memory_space<vmem>>, %arg10: memref<1x256xf32, #tpu.memory_space<vmem>>, %arg11: memref<256x256xf32, #tpu.memory_space<vmem>>, %arg12: memref<1x256xf32, #tpu.memory_space<vmem>>, %arg13: memref<256x256xf32, #tpu.memory_space<vmem>>, %arg14: memref<1x256xf32, #tpu.memory_space<vmem>>, %arg15: memref<256x128xf32, #tpu.memory_space<vmem>>, %arg16: memref<1x128xf32, #tpu.memory_space<vmem>>, %arg17: memref<256x128xf32, #tpu.memory_space<vmem>>, %arg18: memref<1x128xf32, #tpu.memory_space<vmem>>, %arg19: memref<2048x128xf32, #tpu.memory_space<vmem>>, %arg20: memref<2048x128xf32, #tpu.memory_space<vmem>>) attributes {dimension_semantics = [#tpu.dimension_semantics<parallel>], iteration_bounds = array<i64: 100>, scalar_prefetch = 0 : i64, scratch_operands = 0 : i64, tpu.core_type = #tpu.core_type<tc>, window_params = [{transform_indices = @transform_0, window_bounds = array<i64: 2048, 8>}, {transform_indices = @transform_1, window_bounds = array<i64: 2048, 128>}, {transform_indices = @transform_2, window_bounds = array<i64: 2048, 128>}, {pipeline_mode = #tpu.pipeline_mode<synchronous>, transform_indices = @transform_3, window_bounds = array<i64: 8, 256>}, {pipeline_mode = #tpu.pipeline_mode<synchronous>, transform_indices = @transform_4, window_bounds = array<i64: 1, 256>}, {pipeline_mode = #tpu.pipeline_mode<synchronous>, transform_indices = @transform_5, window_bounds = array<i64: 1, 256>}, {pipeline_mode = #tpu.pipeline_mode<synchronous>, transform_indices = @transform_6, window_bounds = array<i64: 256, 256>}, {pipeline_mode = #tpu.pipeline_mode<synchronous>, transform_indices = @transform_7, window_bounds = array<i64: 128, 256>}, {pipeline_mode = #tpu.pipeline_mode<synchronous>, transform_indices = @transform_8, window_bounds = array<i64: 128, 256>}, {pipeline_mode = #tpu.pipeline_mode<synchronous>, transform_indices = @transform_9, window_bounds = array<i64: 1, 256>}, {pipeline_mode = #tpu.pipeline_mode<synchronous>, transform_indices = @transform_10, window_bounds = array<i64: 256, 256>}, {pipeline_mode = #tpu.pipeline_mode<synchronous>, transform_indices = @transform_11, window_bounds = array<i64: 1, 256>}, {pipeline_mode = #tpu.pipeline_mode<synchronous>, transform_indices = @transform_12, window_bounds = array<i64: 256, 256>}, {pipeline_mode = #tpu.pipeline_mode<synchronous>, transform_indices = @transform_13, window_bounds = array<i64: 1, 256>}, {pipeline_mode = #tpu.pipeline_mode<synchronous>, transform_indices = @transform_14, window_bounds = array<i64: 256, 128>}, {pipeline_mode = #tpu.pipeline_mode<synchronous>, transform_indices = @transform_15, window_bounds = array<i64: 1, 128>}, {pipeline_mode = #tpu.pipeline_mode<synchronous>, transform_indices = @transform_16, window_bounds = array<i64: 256, 128>}, {pipeline_mode = #tpu.pipeline_mode<synchronous>, transform_indices = @transform_17, window_bounds = array<i64: 1, 128>}, {transform_indices = @transform_18, window_bounds = array<i64: 2048, 128>}, {transform_indices = @transform_19, window_bounds = array<i64: 2048, 128>}]} {
    %get3A = arith.constant 0 : index
    %get3A_0 = arith.constant 0 : index
    %get3A_1 = vector.load %arg1[%get3A, %get3A_0] : memref<2048x8xf32, #tpu.memory_space<vmem>>, vector<2048x8xf32>
    %get3A_2 = arith.constant 0 : index
    %get3A_3 = arith.constant 0 : index
    %get3A_4 = vector.load %arg4[%get3A_2, %get3A_3] : memref<8x256xf32, #tpu.memory_space<vmem>>, vector<8x256xf32>
    %dot_general3A = arith.constant dense<0.000000e+00> : vector<2048x256xf32>
    %dot_general3A_5 = tpu.matmul %get3A_1, %get3A_4, %dot_general3A {dimension_numbers = #tpu.dot_dimension_numbers<[1], [0], [0], [1], [0, 0, 1, 1], [], []>, transpose_lhs_hint = false} : vector<2048x8xf32>, vector<8x256xf32>, vector<2048x256xf32> -> vector<2048x256xf32>
    %get3A_6 = arith.constant 0 : index
    %get3A_7 = arith.constant 0 : index
    %get3A_8 = vector.load %arg5[%get3A_6, %get3A_7] : memref<1x256xf32, #tpu.memory_space<vmem>>, vector<1x256xf32>
    %mul3A = vector.broadcast %get3A_8 : vector<1x256xf32> to vector<2048x256xf32>
    %mul3A_9 = arith.mulf %dot_general3A_5, %mul3A : vector<2048x256xf32>
    %get3A_10 = arith.constant 0 : index
    %get3A_11 = arith.constant 0 : index
    %get3A_12 = vector.load %arg6[%get3A_10, %get3A_11] : memref<1x256xf32, #tpu.memory_space<vmem>>, vector<1x256xf32>
    %add3A = vector.broadcast %get3A_12 : vector<1x256xf32> to vector<2048x256xf32>
    %add3A_13 = arith.addf %mul3A_9, %add3A : vector<2048x256xf32>
    %get3A_14 = arith.constant 0 : index
    %get3A_15 = arith.constant 0 : index
    %get3A_16 = vector.load %arg7[%get3A_14, %get3A_15] : memref<256x256xf32, #tpu.memory_space<vmem>>, vector<256x256xf32>
    %dot_general3A_17 = arith.constant dense<0.000000e+00> : vector<2048x256xf32>
    %dot_general3A_18 = tpu.matmul %add3A_13, %get3A_16, %dot_general3A_17 {dimension_numbers = #tpu.dot_dimension_numbers<[1], [0], [0], [1], [0, 0, 1, 1], [], []>, transpose_lhs_hint = false} : vector<2048x256xf32>, vector<256x256xf32>, vector<2048x256xf32> -> vector<2048x256xf32>
    %get3A_19 = arith.constant 0 : index
    %get3A_20 = arith.constant 0 : index
    %get3A_21 = vector.load %arg2[%get3A_19, %get3A_20] : memref<2048x128xf32, #tpu.memory_space<vmem>>, vector<2048x128xf32>
    %get3A_22 = arith.constant 0 : index
    %get3A_23 = arith.constant 0 : index
    %get3A_24 = vector.load %arg8[%get3A_22, %get3A_23] : memref<128x256xf32, #tpu.memory_space<vmem>>, vector<128x256xf32>
    %dot_general3A_25 = arith.constant dense<0.000000e+00> : vector<2048x256xf32>
    %dot_general3A_26 = tpu.matmul %get3A_21, %get3A_24, %dot_general3A_25 {dimension_numbers = #tpu.dot_dimension_numbers<[1], [0], [0], [1], [0, 0, 1, 1], [], []>, transpose_lhs_hint = false} : vector<2048x128xf32>, vector<128x256xf32>, vector<2048x256xf32> -> vector<2048x256xf32>
    %add3A_27 = arith.addf %dot_general3A_18, %dot_general3A_26 : vector<2048x256xf32>
    %get3A_28 = arith.constant 0 : index
    %get3A_29 = arith.constant 0 : index
    %get3A_30 = vector.load %arg3[%get3A_28, %get3A_29] : memref<2048x128xf32, #tpu.memory_space<vmem>>, vector<2048x128xf32>
    %get3A_31 = arith.constant 0 : index
    %get3A_32 = arith.constant 0 : index
    %get3A_33 = vector.load %arg9[%get3A_31, %get3A_32] : memref<128x256xf32, #tpu.memory_space<vmem>>, vector<128x256xf32>
    %dot_general3A_34 = arith.constant dense<0.000000e+00> : vector<2048x256xf32>
    %dot_general3A_35 = tpu.matmul %get3A_30, %get3A_33, %dot_general3A_34 {dimension_numbers = #tpu.dot_dimension_numbers<[1], [0], [0], [1], [0, 0, 1, 1], [], []>, transpose_lhs_hint = false} : vector<2048x128xf32>, vector<128x256xf32>, vector<2048x256xf32> -> vector<2048x256xf32>
    %add3A_36 = arith.addf %add3A_27, %dot_general3A_35 : vector<2048x256xf32>
    %get3A_37 = arith.constant 0 : index
    %get3A_38 = arith.constant 0 : index
    %get3A_39 = vector.load %arg10[%get3A_37, %get3A_38] : memref<1x256xf32, #tpu.memory_space<vmem>>, vector<1x256xf32>
    %add3A_40 = vector.broadcast %get3A_39 : vector<1x256xf32> to vector<2048x256xf32>
    %add3A_41 = arith.addf %add3A_36, %add3A_40 : vector<2048x256xf32>
    %ge3A = arith.constant 0.000000e+00 : f32
    %ge3A_42 = vector.broadcast %ge3A : f32 to vector<2048x256xf32>
    %ge3A_43 = arith.cmpf oge, %add3A_41, %ge3A_42 : vector<2048x256xf32>
    %mul3A_44 = arith.constant 0.00999999977 : f32
    %mul3A_45 = vector.broadcast %mul3A_44 : f32 to vector<2048x256xf32>
    %mul3A_46 = arith.mulf %mul3A_45, %add3A_41 : vector<2048x256xf32>
    %select_n3A = arith.select %ge3A_43, %add3A_41, %mul3A_46 : vector<2048x256xi1>, vector<2048x256xf32>
    %get3A_47 = arith.constant 0 : index
    %get3A_48 = arith.constant 0 : index
    %get3A_49 = vector.load %arg11[%get3A_47, %get3A_48] : memref<256x256xf32, #tpu.memory_space<vmem>>, vector<256x256xf32>
    %dot_general3A_50 = arith.constant dense<0.000000e+00> : vector<2048x256xf32>
    %dot_general3A_51 = tpu.matmul %select_n3A, %get3A_49, %dot_general3A_50 {dimension_numbers = #tpu.dot_dimension_numbers<[1], [0], [0], [1], [0, 0, 1, 1], [], []>, transpose_lhs_hint = false} : vector<2048x256xf32>, vector<256x256xf32>, vector<2048x256xf32> -> vector<2048x256xf32>
    %get3A_52 = arith.constant 0 : index
    %get3A_53 = arith.constant 0 : index
    %get3A_54 = vector.load %arg12[%get3A_52, %get3A_53] : memref<1x256xf32, #tpu.memory_space<vmem>>, vector<1x256xf32>
    %add3A_55 = vector.broadcast %get3A_54 : vector<1x256xf32> to vector<2048x256xf32>
    %add3A_56 = arith.addf %dot_general3A_51, %add3A_55 : vector<2048x256xf32>
    %get3A_57 = arith.constant 0 : index
    %get3A_58 = arith.constant 0 : index
    %get3A_59 = vector.load %arg13[%get3A_57, %get3A_58] : memref<256x256xf32, #tpu.memory_space<vmem>>, vector<256x256xf32>
    %dot_general3A_60 = arith.constant dense<0.000000e+00> : vector<2048x256xf32>
    %dot_general3A_61 = tpu.matmul %add3A_56, %get3A_59, %dot_general3A_60 {dimension_numbers = #tpu.dot_dimension_numbers<[1], [0], [0], [1], [0, 0, 1, 1], [], []>, transpose_lhs_hint = false} : vector<2048x256xf32>, vector<256x256xf32>, vector<2048x256xf32> -> vector<2048x256xf32>
    %get3A_62 = arith.constant 0 : index
    %get3A_63 = arith.constant 0 : index
    %get3A_64 = vector.load %arg14[%get3A_62, %get3A_63] : memref<1x256xf32, #tpu.memory_space<vmem>>, vector<1x256xf32>
    %add3A_65 = vector.broadcast %get3A_64 : vector<1x256xf32> to vector<2048x256xf32>
    %add3A_66 = arith.addf %dot_general3A_61, %add3A_65 : vector<2048x256xf32>
    %ge3A_67 = arith.constant 0.000000e+00 : f32
    %ge3A_68 = vector.broadcast %ge3A_67 : f32 to vector<2048x256xf32>
    %ge3A_69 = arith.cmpf oge, %add3A_66, %ge3A_68 : vector<2048x256xf32>
    %mul3A_70 = arith.constant 0.00999999977 : f32
    %mul3A_71 = vector.broadcast %mul3A_70 : f32 to vector<2048x256xf32>
    %mul3A_72 = arith.mulf %mul3A_71, %add3A_66 : vector<2048x256xf32>
    %select_n3A_73 = arith.select %ge3A_69, %add3A_66, %mul3A_72 : vector<2048x256xi1>, vector<2048x256xf32>
    %get3A_74 = arith.constant 0 : index
    %get3A_75 = arith.constant 0 : index
    %get3A_76 = vector.load %arg15[%get3A_74, %get3A_75] : memref<256x128xf32, #tpu.memory_space<vmem>>, vector<256x128xf32>
    %dot_general3A_77 = arith.constant dense<0.000000e+00> : vector<2048x128xf32>
    %dot_general3A_78 = tpu.matmul %select_n3A_73, %get3A_76, %dot_general3A_77 {dimension_numbers = #tpu.dot_dimension_numbers<[1], [0], [0], [1], [0, 0, 1, 1], [], []>, transpose_lhs_hint = false} : vector<2048x256xf32>, vector<256x128xf32>, vector<2048x128xf32> -> vector<2048x128xf32>
    %get3A_79 = arith.constant 0 : index
    %get3A_80 = arith.constant 0 : index
    %get3A_81 = vector.load %arg16[%get3A_79, %get3A_80] : memref<1x128xf32, #tpu.memory_space<vmem>>, vector<1x128xf32>
    %add3A_82 = vector.broadcast %get3A_81 : vector<1x128xf32> to vector<2048x128xf32>
    %add3A_83 = arith.addf %dot_general3A_78, %add3A_82 : vector<2048x128xf32>
    %swap3A = arith.constant 0 : index
    %swap3A_84 = arith.constant 0 : index
    %swap3A_85 = vector.load %arg19[%swap3A, %swap3A_84] : memref<2048x128xf32, #tpu.memory_space<vmem>>, vector<2048x128xf32>
    tpu.vector_store %arg19[%swap3A, %swap3A_84], %add3A_83 {strides = array<i32>} : memref<2048x128xf32, #tpu.memory_space<vmem>>, vector<2048x128xf32>,
    %get3A_86 = arith.constant 0 : index
    %get3A_87 = arith.constant 0 : index
    %get3A_88 = vector.load %arg17[%get3A_86, %get3A_87] : memref<256x128xf32, #tpu.memory_space<vmem>>, vector<256x128xf32>
    %dot_general3A_89 = arith.constant dense<0.000000e+00> : vector<2048x128xf32>
    %dot_general3A_90 = tpu.matmul %select_n3A_73, %get3A_88, %dot_general3A_89 {dimension_numbers = #tpu.dot_dimension_numbers<[1], [0], [0], [1], [0, 0, 1, 1], [], []>, transpose_lhs_hint = false} : vector<2048x256xf32>, vector<256x128xf32>, vector<2048x128xf32> -> vector<2048x128xf32>
    %get3A_91 = arith.constant 0 : index
    %get3A_92 = arith.constant 0 : index
    %get3A_93 = vector.load %arg18[%get3A_91, %get3A_92] : memref<1x128xf32, #tpu.memory_space<vmem>>, vector<1x128xf32>
    %add3A_94 = vector.broadcast %get3A_93 : vector<1x128xf32> to vector<2048x128xf32>
    %add3A_95 = arith.addf %dot_general3A_90, %add3A_94 : vector<2048x128xf32>
    %swap3A_96 = arith.constant 0 : index
    %swap3A_97 = arith.constant 0 : index
    %swap3A_98 = vector.load %arg20[%swap3A_96, %swap3A_97] : memref<2048x128xf32, #tpu.memory_space<vmem>>, vector<2048x128xf32>
    tpu.vector_store %arg20[%swap3A_96, %swap3A_97], %add3A_95 {strides = array<i32>} : memref<2048x128xf32, #tpu.memory_space<vmem>>, vector<2048x128xf32>,
    return
  }
  func.func @transform_0(%arg0: i32) -> (i32, i32) {
    %c0_i32 = arith.constant 0 : i32
    %c0_i32_0 = arith.constant 0 : i32
    return %arg0, %c0_i32 : i32, i32
  }
  func.func @transform_1(%arg0: i32) -> (i32, i32) {
    %c0_i32 = arith.constant 0 : i32
    %c0_i32_0 = arith.constant 0 : i32
    return %arg0, %c0_i32 : i32, i32
  }
  func.func @transform_2(%arg0: i32) -> (i32, i32) {
    %c0_i32 = arith.constant 0 : i32
    %c0_i32_0 = arith.constant 0 : i32
    return %arg0, %c0_i32 : i32, i32
  }
  func.func @transform_3(%arg0: i32) -> (i32, i32) {
    %c0_i32 = arith.constant 0 : i32
    %c0_i32_0 = arith.constant 0 : i32
    %c0_i32_1 = arith.constant 0 : i32
    return %c0_i32, %c0_i32_0 : i32, i32
  }
  func.func @transform_4(%arg0: i32) -> (i32, i32) {
    %c0_i32 = arith.constant 0 : i32
    %c0_i32_0 = arith.constant 0 : i32
    %c0_i32_1 = arith.constant 0 : i32
    return %c0_i32, %c0_i32_0 : i32, i32
  }
  func.func @transform_5(%arg0: i32) -> (i32, i32) {
    %c0_i32 = arith.constant 0 : i32
    %c0_i32_0 = arith.constant 0 : i32
    %c0_i32_1 = arith.constant 0 : i32
    return %c0_i32, %c0_i32_0 : i32, i32
  }
  func.func @transform_6(%arg0: i32) -> (i32, i32) {
    %c0_i32 = arith.constant 0 : i32
    %c0_i32_0 = arith.constant 0 : i32
    %c0_i32_1 = arith.constant 0 : i32
    return %c0_i32, %c0_i32_0 : i32, i32
  }
  func.func @transform_7(%arg0: i32) -> (i32, i32) {
    %c0_i32 = arith.constant 0 : i32
    %c0_i32_0 = arith.constant 0 : i32
    %c0_i32_1 = arith.constant 0 : i32
    return %c0_i32, %c0_i32_0 : i32, i32
  }
  func.func @transform_8(%arg0: i32) -> (i32, i32) {
    %c0_i32 = arith.constant 0 : i32
    %c0_i32_0 = arith.constant 0 : i32
    %c0_i32_1 = arith.constant 0 : i32
    return %c0_i32, %c0_i32_0 : i32, i32
  }
  func.func @transform_9(%arg0: i32) -> (i32, i32) {
    %c0_i32 = arith.constant 0 : i32
    %c0_i32_0 = arith.constant 0 : i32
    %c0_i32_1 = arith.constant 0 : i32
    return %c0_i32, %c0_i32_0 : i32, i32
  }
  func.func @transform_10(%arg0: i32) -> (i32, i32) {
    %c0_i32 = arith.constant 0 : i32
    %c0_i32_0 = arith.constant 0 : i32
    %c0_i32_1 = arith.constant 0 : i32
    return %c0_i32, %c0_i32_0 : i32, i32
  }
  func.func @transform_11(%arg0: i32) -> (i32, i32) {
    %c0_i32 = arith.constant 0 : i32
    %c0_i32_0 = arith.constant 0 : i32
    %c0_i32_1 = arith.constant 0 : i32
    return %c0_i32, %c0_i32_0 : i32, i32
  }
  func.func @transform_12(%arg0: i32) -> (i32, i32) {
    %c0_i32 = arith.constant 0 : i32
    %c0_i32_0 = arith.constant 0 : i32
    %c0_i32_1 = arith.constant 0 : i32
    return %c0_i32, %c0_i32_0 : i32, i32
  }
  func.func @transform_13(%arg0: i32) -> (i32, i32) {
    %c0_i32 = arith.constant 0 : i32
    %c0_i32_0 = arith.constant 0 : i32
    %c0_i32_1 = arith.constant 0 : i32
    return %c0_i32, %c0_i32_0 : i32, i32
  }
  func.func @transform_14(%arg0: i32) -> (i32, i32) {
    %c0_i32 = arith.constant 0 : i32
    %c0_i32_0 = arith.constant 0 : i32
    %c0_i32_1 = arith.constant 0 : i32
    return %c0_i32, %c0_i32_0 : i32, i32
  }
  func.func @transform_15(%arg0: i32) -> (i32, i32) {
    %c0_i32 = arith.constant 0 : i32
    %c0_i32_0 = arith.constant 0 : i32
    %c0_i32_1 = arith.constant 0 : i32
    return %c0_i32, %c0_i32_0 : i32, i32
  }
  func.func @transform_16(%arg0: i32) -> (i32, i32) {
    %c0_i32 = arith.constant 0 : i32
    %c0_i32_0 = arith.constant 0 : i32
    %c0_i32_1 = arith.constant 0 : i32
    return %c0_i32, %c0_i32_0 : i32, i32
  }
  func.func @transform_17(%arg0: i32) -> (i32, i32) {
    %c0_i32 = arith.constant 0 : i32
    %c0_i32_0 = arith.constant 0 : i32
    %c0_i32_1 = arith.constant 0 : i32
    return %c0_i32, %c0_i32_0 : i32, i32
  }
  func.func @transform_18(%arg0: i32) -> (i32, i32) {
    %c0_i32 = arith.constant 0 : i32
    %c0_i32_0 = arith.constant 0 : i32
    return %arg0, %c0_i32 : i32, i32
  }
  func.func @transform_19(%arg0: i32) -> (i32, i32) {
    %c0_i32 = arith.constant 0 : i32
    %c0_i32_0 = arith.constant 0 : i32
    return %arg0, %c0_i32 : i32, i32
  }
}

module attributes {stable_mosaic.version = 14 : i64} {
  func.func @body(%arg0: i32, %arg1: memref<2048x8xf32, #tpu.memory_space<vmem>>, %arg2: memref<2048x128xf32, #tpu.memory_space<vmem>>, %arg3: memref<2048x128xf32, #tpu.memory_space<vmem>>, %arg4: memref<2048x128xf32, #tpu.memory_space<vmem>>, %arg5: memref<2048x128xf32, #tpu.memory_space<vmem>>, %arg6: memref<8x256xf32, #tpu.memory_space<vmem>>, %arg7: memref<1x256xf32, #tpu.memory_space<vmem>>, %arg8: memref<1x256xf32, #tpu.memory_space<vmem>>, %arg9: memref<256x256xf32, #tpu.memory_space<vmem>>, %arg10: memref<128x256xf32, #tpu.memory_space<vmem>>, %arg11: memref<128x256xf32, #tpu.memory_space<vmem>>, %arg12: memref<1x256xf32, #tpu.memory_space<vmem>>, %arg13: memref<256x256xf32, #tpu.memory_space<vmem>>, %arg14: memref<1x256xf32, #tpu.memory_space<vmem>>, %arg15: memref<256x256xf32, #tpu.memory_space<vmem>>, %arg16: memref<128x256xf32, #tpu.memory_space<vmem>>, %arg17: memref<128x256xf32, #tpu.memory_space<vmem>>, %arg18: memref<1x256xf32, #tpu.memory_space<vmem>>, %arg19: memref<256x256xf32, #tpu.memory_space<vmem>>, %arg20: memref<1x256xf32, #tpu.memory_space<vmem>>, %arg21: memref<256x256xf32, #tpu.memory_space<vmem>>, %arg22: memref<256x256xf32, #tpu.memory_space<vmem>>, %arg23: memref<1x256xf32, #tpu.memory_space<vmem>>, %arg24: memref<256x256xf32, #tpu.memory_space<vmem>>, %arg25: memref<1x256xf32, #tpu.memory_space<vmem>>, %arg26: memref<256x8xf32, #tpu.memory_space<vmem>>, %arg27: memref<1x8xf32, #tpu.memory_space<vmem>>, %arg28: memref<2048x8xf32, #tpu.memory_space<vmem>>) attributes {dimension_semantics = [#tpu.dimension_semantics<parallel>], iteration_bounds = array<i64: 100>, scalar_prefetch = 0 : i64, scratch_operands = 0 : i64, tpu.core_type = #tpu.core_type<tc>, window_params = [{transform_indices = @transform_0, window_bounds = array<i64: 2048, 8>}, {transform_indices = @transform_1, window_bounds = array<i64: 2048, 128>}, {transform_indices = @transform_2, window_bounds = array<i64: 2048, 128>}, {transform_indices = @transform_3, window_bounds = array<i64: 2048, 128>}, {transform_indices = @transform_4, window_bounds = array<i64: 2048, 128>}, {pipeline_mode = #tpu.pipeline_mode<synchronous>, transform_indices = @transform_5, window_bounds = array<i64: 8, 256>}, {pipeline_mode = #tpu.pipeline_mode<synchronous>, transform_indices = @transform_6, window_bounds = array<i64: 1, 256>}, {pipeline_mode = #tpu.pipeline_mode<synchronous>, transform_indices = @transform_7, window_bounds = array<i64: 1, 256>}, {pipeline_mode = #tpu.pipeline_mode<synchronous>, transform_indices = @transform_8, window_bounds = array<i64: 256, 256>}, {pipeline_mode = #tpu.pipeline_mode<synchronous>, transform_indices = @transform_9, window_bounds = array<i64: 128, 256>}, {pipeline_mode = #tpu.pipeline_mode<synchronous>, transform_indices = @transform_10, window_bounds = array<i64: 128, 256>}, {pipeline_mode = #tpu.pipeline_mode<synchronous>, transform_indices = @transform_11, window_bounds = array<i64: 1, 256>}, {pipeline_mode = #tpu.pipeline_mode<synchronous>, transform_indices = @transform_12, window_bounds = array<i64: 256, 256>}, {pipeline_mode = #tpu.pipeline_mode<synchronous>, transform_indices = @transform_13, window_bounds = array<i64: 1, 256>}, {pipeline_mode = #tpu.pipeline_mode<synchronous>, transform_indices = @transform_14, window_bounds = array<i64: 256, 256>}, {pipeline_mode = #tpu.pipeline_mode<synchronous>, transform_indices = @transform_15, window_bounds = array<i64: 128, 256>}, {pipeline_mode = #tpu.pipeline_mode<synchronous>, transform_indices = @transform_16, window_bounds = array<i64: 128, 256>}, {pipeline_mode = #tpu.pipeline_mode<synchronous>, transform_indices = @transform_17, window_bounds = array<i64: 1, 256>}, {pipeline_mode = #tpu.pipeline_mode<synchronous>, transform_indices = @transform_18, window_bounds = array<i64: 256, 256>}, {pipeline_mode = #tpu.pipeline_mode<synchronous>, transform_indices = @transform_19, window_bounds = array<i64: 1, 256>}, {pipeline_mode = #tpu.pipeline_mode<synchronous>, transform_indices = @transform_20, window_bounds = array<i64: 256, 256>}, {pipeline_mode = #tpu.pipeline_mode<synchronous>, transform_indices = @transform_21, window_bounds = array<i64: 256, 256>}, {pipeline_mode = #tpu.pipeline_mode<synchronous>, transform_indices = @transform_22, window_bounds = array<i64: 1, 256>}, {pipeline_mode = #tpu.pipeline_mode<synchronous>, transform_indices = @transform_23, window_bounds = array<i64: 256, 256>}, {pipeline_mode = #tpu.pipeline_mode<synchronous>, transform_indices = @transform_24, window_bounds = array<i64: 1, 256>}, {pipeline_mode = #tpu.pipeline_mode<synchronous>, transform_indices = @transform_25, window_bounds = array<i64: 256, 8>}, {pipeline_mode = #tpu.pipeline_mode<synchronous>, transform_indices = @transform_26, window_bounds = array<i64: 1, 8>}, {transform_indices = @transform_27, window_bounds = array<i64: 2048, 8>}]} {
    %get3A = arith.constant 0 : index
    %get3A_0 = arith.constant 0 : index
    %get3A_1 = vector.load %arg1[%get3A, %get3A_0] : memref<2048x8xf32, #tpu.memory_space<vmem>>, vector<2048x8xf32>
    %get3A_2 = arith.constant 0 : index
    %get3A_3 = arith.constant 0 : index
    %get3A_4 = vector.load %arg6[%get3A_2, %get3A_3] : memref<8x256xf32, #tpu.memory_space<vmem>>, vector<8x256xf32>
    %dot_general3A = arith.constant dense<0.000000e+00> : vector<2048x256xf32>
    %dot_general3A_5 = tpu.matmul %get3A_1, %get3A_4, %dot_general3A {dimension_numbers = #tpu.dot_dimension_numbers<[1], [0], [0], [1], [0, 0, 1, 1], [], []>, transpose_lhs_hint = false} : vector<2048x8xf32>, vector<8x256xf32>, vector<2048x256xf32> -> vector<2048x256xf32>
    %get3A_6 = arith.constant 0 : index
    %get3A_7 = arith.constant 0 : index
    %get3A_8 = vector.load %arg7[%get3A_6, %get3A_7] : memref<1x256xf32, #tpu.memory_space<vmem>>, vector<1x256xf32>
    %mul3A = vector.broadcast %get3A_8 : vector<1x256xf32> to vector<2048x256xf32>
    %mul3A_9 = arith.mulf %dot_general3A_5, %mul3A : vector<2048x256xf32>
    %get3A_10 = arith.constant 0 : index
    %get3A_11 = arith.constant 0 : index
    %get3A_12 = vector.load %arg8[%get3A_10, %get3A_11] : memref<1x256xf32, #tpu.memory_space<vmem>>, vector<1x256xf32>
    %add3A = vector.broadcast %get3A_12 : vector<1x256xf32> to vector<2048x256xf32>
    %add3A_13 = arith.addf %mul3A_9, %add3A : vector<2048x256xf32>
    %get3A_14 = arith.constant 0 : index
    %get3A_15 = arith.constant 0 : index
    %get3A_16 = vector.load %arg9[%get3A_14, %get3A_15] : memref<256x256xf32, #tpu.memory_space<vmem>>, vector<256x256xf32>
    %dot_general3A_17 = arith.constant dense<0.000000e+00> : vector<2048x256xf32>
    %dot_general3A_18 = tpu.matmul %add3A_13, %get3A_16, %dot_general3A_17 {dimension_numbers = #tpu.dot_dimension_numbers<[1], [0], [0], [1], [0, 0, 1, 1], [], []>, transpose_lhs_hint = false} : vector<2048x256xf32>, vector<256x256xf32>, vector<2048x256xf32> -> vector<2048x256xf32>
    %get3A_19 = arith.constant 0 : index
    %get3A_20 = arith.constant 0 : index
    %get3A_21 = vector.load %arg2[%get3A_19, %get3A_20] : memref<2048x128xf32, #tpu.memory_space<vmem>>, vector<2048x128xf32>
    %get3A_22 = arith.constant 0 : index
    %get3A_23 = arith.constant 0 : index
    %get3A_24 = vector.load %arg10[%get3A_22, %get3A_23] : memref<128x256xf32, #tpu.memory_space<vmem>>, vector<128x256xf32>
    %dot_general3A_25 = arith.constant dense<0.000000e+00> : vector<2048x256xf32>
    %dot_general3A_26 = tpu.matmul %get3A_21, %get3A_24, %dot_general3A_25 {dimension_numbers = #tpu.dot_dimension_numbers<[1], [0], [0], [1], [0, 0, 1, 1], [], []>, transpose_lhs_hint = false} : vector<2048x128xf32>, vector<128x256xf32>, vector<2048x256xf32> -> vector<2048x256xf32>
    %add3A_27 = arith.addf %dot_general3A_18, %dot_general3A_26 : vector<2048x256xf32>
    %get3A_28 = arith.constant 0 : index
    %get3A_29 = arith.constant 0 : index
    %get3A_30 = vector.load %arg3[%get3A_28, %get3A_29] : memref<2048x128xf32, #tpu.memory_space<vmem>>, vector<2048x128xf32>
    %get3A_31 = arith.constant 0 : index
    %get3A_32 = arith.constant 0 : index
    %get3A_33 = vector.load %arg11[%get3A_31, %get3A_32] : memref<128x256xf32, #tpu.memory_space<vmem>>, vector<128x256xf32>
    %dot_general3A_34 = arith.constant dense<0.000000e+00> : vector<2048x256xf32>
    %dot_general3A_35 = tpu.matmul %get3A_30, %get3A_33, %dot_general3A_34 {dimension_numbers = #tpu.dot_dimension_numbers<[1], [0], [0], [1], [0, 0, 1, 1], [], []>, transpose_lhs_hint = false} : vector<2048x128xf32>, vector<128x256xf32>, vector<2048x256xf32> -> vector<2048x256xf32>
    %add3A_36 = arith.addf %add3A_27, %dot_general3A_35 : vector<2048x256xf32>
    %get3A_37 = arith.constant 0 : index
    %get3A_38 = arith.constant 0 : index
    %get3A_39 = vector.load %arg12[%get3A_37, %get3A_38] : memref<1x256xf32, #tpu.memory_space<vmem>>, vector<1x256xf32>
    %add3A_40 = vector.broadcast %get3A_39 : vector<1x256xf32> to vector<2048x256xf32>
    %add3A_41 = arith.addf %add3A_36, %add3A_40 : vector<2048x256xf32>
    %ge3A = arith.constant 0.000000e+00 : f32
    %ge3A_42 = vector.broadcast %ge3A : f32 to vector<2048x256xf32>
    %ge3A_43 = arith.cmpf oge, %add3A_41, %ge3A_42 : vector<2048x256xf32>
    %mul3A_44 = arith.constant 0.00999999977 : f32
    %mul3A_45 = vector.broadcast %mul3A_44 : f32 to vector<2048x256xf32>
    %mul3A_46 = arith.mulf %mul3A_45, %add3A_41 : vector<2048x256xf32>
    %select_n3A = arith.select %ge3A_43, %add3A_41, %mul3A_46 : vector<2048x256xi1>, vector<2048x256xf32>
    %get3A_47 = arith.constant 0 : index
    %get3A_48 = arith.constant 0 : index
    %get3A_49 = vector.load %arg13[%get3A_47, %get3A_48] : memref<256x256xf32, #tpu.memory_space<vmem>>, vector<256x256xf32>
    %dot_general3A_50 = arith.constant dense<0.000000e+00> : vector<2048x256xf32>
    %dot_general3A_51 = tpu.matmul %select_n3A, %get3A_49, %dot_general3A_50 {dimension_numbers = #tpu.dot_dimension_numbers<[1], [0], [0], [1], [0, 0, 1, 1], [], []>, transpose_lhs_hint = false} : vector<2048x256xf32>, vector<256x256xf32>, vector<2048x256xf32> -> vector<2048x256xf32>
    %get3A_52 = arith.constant 0 : index
    %get3A_53 = arith.constant 0 : index
    %get3A_54 = vector.load %arg14[%get3A_52, %get3A_53] : memref<1x256xf32, #tpu.memory_space<vmem>>, vector<1x256xf32>
    %add3A_55 = vector.broadcast %get3A_54 : vector<1x256xf32> to vector<2048x256xf32>
    %add3A_56 = arith.addf %dot_general3A_51, %add3A_55 : vector<2048x256xf32>
    %get3A_57 = arith.constant 0 : index
    %get3A_58 = arith.constant 0 : index
    %get3A_59 = vector.load %arg15[%get3A_57, %get3A_58] : memref<256x256xf32, #tpu.memory_space<vmem>>, vector<256x256xf32>
    %dot_general3A_60 = arith.constant dense<0.000000e+00> : vector<2048x256xf32>
    %dot_general3A_61 = tpu.matmul %add3A_56, %get3A_59, %dot_general3A_60 {dimension_numbers = #tpu.dot_dimension_numbers<[1], [0], [0], [1], [0, 0, 1, 1], [], []>, transpose_lhs_hint = false} : vector<2048x256xf32>, vector<256x256xf32>, vector<2048x256xf32> -> vector<2048x256xf32>
    %get3A_62 = arith.constant 0 : index
    %get3A_63 = arith.constant 0 : index
    %get3A_64 = vector.load %arg4[%get3A_62, %get3A_63] : memref<2048x128xf32, #tpu.memory_space<vmem>>, vector<2048x128xf32>
    %get3A_65 = arith.constant 0 : index
    %get3A_66 = arith.constant 0 : index
    %get3A_67 = vector.load %arg16[%get3A_65, %get3A_66] : memref<128x256xf32, #tpu.memory_space<vmem>>, vector<128x256xf32>
    %dot_general3A_68 = arith.constant dense<0.000000e+00> : vector<2048x256xf32>
    %dot_general3A_69 = tpu.matmul %get3A_64, %get3A_67, %dot_general3A_68 {dimension_numbers = #tpu.dot_dimension_numbers<[1], [0], [0], [1], [0, 0, 1, 1], [], []>, transpose_lhs_hint = false} : vector<2048x128xf32>, vector<128x256xf32>, vector<2048x256xf32> -> vector<2048x256xf32>
    %add3A_70 = arith.addf %dot_general3A_61, %dot_general3A_69 : vector<2048x256xf32>
    %get3A_71 = arith.constant 0 : index
    %get3A_72 = arith.constant 0 : index
    %get3A_73 = vector.load %arg5[%get3A_71, %get3A_72] : memref<2048x128xf32, #tpu.memory_space<vmem>>, vector<2048x128xf32>
    %get3A_74 = arith.constant 0 : index
    %get3A_75 = arith.constant 0 : index
    %get3A_76 = vector.load %arg17[%get3A_74, %get3A_75] : memref<128x256xf32, #tpu.memory_space<vmem>>, vector<128x256xf32>
    %dot_general3A_77 = arith.constant dense<0.000000e+00> : vector<2048x256xf32>
    %dot_general3A_78 = tpu.matmul %get3A_73, %get3A_76, %dot_general3A_77 {dimension_numbers = #tpu.dot_dimension_numbers<[1], [0], [0], [1], [0, 0, 1, 1], [], []>, transpose_lhs_hint = false} : vector<2048x128xf32>, vector<128x256xf32>, vector<2048x256xf32> -> vector<2048x256xf32>
    %add3A_79 = arith.addf %add3A_70, %dot_general3A_78 : vector<2048x256xf32>
    %get3A_80 = arith.constant 0 : index
    %get3A_81 = arith.constant 0 : index
    %get3A_82 = vector.load %arg18[%get3A_80, %get3A_81] : memref<1x256xf32, #tpu.memory_space<vmem>>, vector<1x256xf32>
    %add3A_83 = vector.broadcast %get3A_82 : vector<1x256xf32> to vector<2048x256xf32>
    %add3A_84 = arith.addf %add3A_79, %add3A_83 : vector<2048x256xf32>
    %ge3A_85 = arith.constant 0.000000e+00 : f32
    %ge3A_86 = vector.broadcast %ge3A_85 : f32 to vector<2048x256xf32>
    %ge3A_87 = arith.cmpf oge, %add3A_84, %ge3A_86 : vector<2048x256xf32>
    %mul3A_88 = arith.constant 0.00999999977 : f32
    %mul3A_89 = vector.broadcast %mul3A_88 : f32 to vector<2048x256xf32>
    %mul3A_90 = arith.mulf %mul3A_89, %add3A_84 : vector<2048x256xf32>
    %select_n3A_91 = arith.select %ge3A_87, %add3A_84, %mul3A_90 : vector<2048x256xi1>, vector<2048x256xf32>
    %get3A_92 = arith.constant 0 : index
    %get3A_93 = arith.constant 0 : index
    %get3A_94 = vector.load %arg19[%get3A_92, %get3A_93] : memref<256x256xf32, #tpu.memory_space<vmem>>, vector<256x256xf32>
    %dot_general3A_95 = arith.constant dense<0.000000e+00> : vector<2048x256xf32>
    %dot_general3A_96 = tpu.matmul %select_n3A_91, %get3A_94, %dot_general3A_95 {dimension_numbers = #tpu.dot_dimension_numbers<[1], [0], [0], [1], [0, 0, 1, 1], [], []>, transpose_lhs_hint = false} : vector<2048x256xf32>, vector<256x256xf32>, vector<2048x256xf32> -> vector<2048x256xf32>
    %get3A_97 = arith.constant 0 : index
    %get3A_98 = arith.constant 0 : index
    %get3A_99 = vector.load %arg20[%get3A_97, %get3A_98] : memref<1x256xf32, #tpu.memory_space<vmem>>, vector<1x256xf32>
    %add3A_100 = vector.broadcast %get3A_99 : vector<1x256xf32> to vector<2048x256xf32>
    %add3A_101 = arith.addf %dot_general3A_96, %add3A_100 : vector<2048x256xf32>
    %get3A_102 = arith.constant 0 : index
    %get3A_103 = arith.constant 0 : index
    %get3A_104 = vector.load %arg21[%get3A_102, %get3A_103] : memref<256x256xf32, #tpu.memory_space<vmem>>, vector<256x256xf32>
    %dot_general3A_105 = arith.constant dense<0.000000e+00> : vector<2048x256xf32>
    %dot_general3A_106 = tpu.matmul %add3A_13, %get3A_104, %dot_general3A_105 {dimension_numbers = #tpu.dot_dimension_numbers<[1], [0], [0], [1], [0, 0, 1, 1], [], []>, transpose_lhs_hint = false} : vector<2048x256xf32>, vector<256x256xf32>, vector<2048x256xf32> -> vector<2048x256xf32>
    %get3A_107 = arith.constant 0 : index
    %get3A_108 = arith.constant 0 : index
    %get3A_109 = vector.load %arg22[%get3A_107, %get3A_108] : memref<256x256xf32, #tpu.memory_space<vmem>>, vector<256x256xf32>
    %dot_general3A_110 = arith.constant dense<0.000000e+00> : vector<2048x256xf32>
    %dot_general3A_111 = tpu.matmul %add3A_101, %get3A_109, %dot_general3A_110 {dimension_numbers = #tpu.dot_dimension_numbers<[1], [0], [0], [1], [0, 0, 1, 1], [], []>, transpose_lhs_hint = false} : vector<2048x256xf32>, vector<256x256xf32>, vector<2048x256xf32> -> vector<2048x256xf32>
    %add3A_112 = arith.addf %dot_general3A_106, %dot_general3A_111 : vector<2048x256xf32>
    %get3A_113 = arith.constant 0 : index
    %get3A_114 = arith.constant 0 : index
    %get3A_115 = vector.load %arg23[%get3A_113, %get3A_114] : memref<1x256xf32, #tpu.memory_space<vmem>>, vector<1x256xf32>
    %add3A_116 = vector.broadcast %get3A_115 : vector<1x256xf32> to vector<2048x256xf32>
    %add3A_117 = arith.addf %add3A_112, %add3A_116 : vector<2048x256xf32>
    %ge3A_118 = arith.constant 0.000000e+00 : f32
    %ge3A_119 = vector.broadcast %ge3A_118 : f32 to vector<2048x256xf32>
    %ge3A_120 = arith.cmpf oge, %add3A_117, %ge3A_119 : vector<2048x256xf32>
    %mul3A_121 = arith.constant 0.00999999977 : f32
    %mul3A_122 = vector.broadcast %mul3A_121 : f32 to vector<2048x256xf32>
    %mul3A_123 = arith.mulf %mul3A_122, %add3A_117 : vector<2048x256xf32>
    %select_n3A_124 = arith.select %ge3A_120, %add3A_117, %mul3A_123 : vector<2048x256xi1>, vector<2048x256xf32>
    %get3A_125 = arith.constant 0 : index
    %get3A_126 = arith.constant 0 : index
    %get3A_127 = vector.load %arg24[%get3A_125, %get3A_126] : memref<256x256xf32, #tpu.memory_space<vmem>>, vector<256x256xf32>
    %dot_general3A_128 = arith.constant dense<0.000000e+00> : vector<2048x256xf32>
    %dot_general3A_129 = tpu.matmul %select_n3A_124, %get3A_127, %dot_general3A_128 {dimension_numbers = #tpu.dot_dimension_numbers<[1], [0], [0], [1], [0, 0, 1, 1], [], []>, transpose_lhs_hint = false} : vector<2048x256xf32>, vector<256x256xf32>, vector<2048x256xf32> -> vector<2048x256xf32>
    %get3A_130 = arith.constant 0 : index
    %get3A_131 = arith.constant 0 : index
    %get3A_132 = vector.load %arg25[%get3A_130, %get3A_131] : memref<1x256xf32, #tpu.memory_space<vmem>>, vector<1x256xf32>
    %add3A_133 = vector.broadcast %get3A_132 : vector<1x256xf32> to vector<2048x256xf32>
    %add3A_134 = arith.addf %dot_general3A_129, %add3A_133 : vector<2048x256xf32>
    %ge3A_135 = arith.constant 0.000000e+00 : f32
    %ge3A_136 = vector.broadcast %ge3A_135 : f32 to vector<2048x256xf32>
    %ge3A_137 = arith.cmpf oge, %add3A_134, %ge3A_136 : vector<2048x256xf32>
    %mul3A_138 = arith.constant 0.00999999977 : f32
    %mul3A_139 = vector.broadcast %mul3A_138 : f32 to vector<2048x256xf32>
    %mul3A_140 = arith.mulf %mul3A_139, %add3A_134 : vector<2048x256xf32>
    %select_n3A_141 = arith.select %ge3A_137, %add3A_134, %mul3A_140 : vector<2048x256xi1>, vector<2048x256xf32>
    %get3A_142 = arith.constant 0 : index
    %get3A_143 = arith.constant 0 : index
    %get3A_144 = vector.load %arg26[%get3A_142, %get3A_143] : memref<256x8xf32, #tpu.memory_space<vmem>>, vector<256x8xf32>
    %dot_general3A_145 = arith.constant dense<0.000000e+00> : vector<2048x8xf32>
    %dot_general3A_146 = tpu.matmul %select_n3A_141, %get3A_144, %dot_general3A_145 {dimension_numbers = #tpu.dot_dimension_numbers<[1], [0], [0], [1], [0, 0, 1, 1], [], []>, transpose_lhs_hint = false} : vector<2048x256xf32>, vector<256x8xf32>, vector<2048x8xf32> -> vector<2048x8xf32>
    %get3A_147 = arith.constant 0 : index
    %get3A_148 = arith.constant 0 : index
    %get3A_149 = vector.load %arg27[%get3A_147, %get3A_148] : memref<1x8xf32, #tpu.memory_space<vmem>>, vector<1x8xf32>
    %add3A_150 = vector.broadcast %get3A_149 : vector<1x8xf32> to vector<2048x8xf32>
    %add3A_151 = arith.addf %dot_general3A_146, %add3A_150 : vector<2048x8xf32>
    %swap3A = arith.constant 0 : index
    %swap3A_152 = arith.constant 0 : index
    %swap3A_153 = vector.load %arg28[%swap3A, %swap3A_152] : memref<2048x8xf32, #tpu.memory_space<vmem>>, vector<2048x8xf32>
    tpu.vector_store %arg28[%swap3A, %swap3A_152], %add3A_151 {strides = array<i32>} : memref<2048x8xf32, #tpu.memory_space<vmem>>, vector<2048x8xf32>,
    return
  }
  func.func @transform_0(%arg0: i32) -> (i32, i32) {
    %c0_i32 = arith.constant 0 : i32
    %c0_i32_0 = arith.constant 0 : i32
    return %arg0, %c0_i32 : i32, i32
  }
  func.func @transform_1(%arg0: i32) -> (i32, i32) {
    %c0_i32 = arith.constant 0 : i32
    %c0_i32_0 = arith.constant 0 : i32
    return %arg0, %c0_i32 : i32, i32
  }
  func.func @transform_2(%arg0: i32) -> (i32, i32) {
    %c0_i32 = arith.constant 0 : i32
    %c0_i32_0 = arith.constant 0 : i32
    return %arg0, %c0_i32 : i32, i32
  }
  func.func @transform_3(%arg0: i32) -> (i32, i32) {
    %c0_i32 = arith.constant 0 : i32
    %c0_i32_0 = arith.constant 0 : i32
    return %arg0, %c0_i32 : i32, i32
  }
  func.func @transform_4(%arg0: i32) -> (i32, i32) {
    %c0_i32 = arith.constant 0 : i32
    %c0_i32_0 = arith.constant 0 : i32
    return %arg0, %c0_i32 : i32, i32
  }
  func.func @transform_5(%arg0: i32) -> (i32, i32) {
    %c0_i32 = arith.constant 0 : i32
    %c0_i32_0 = arith.constant 0 : i32
    %c0_i32_1 = arith.constant 0 : i32
    return %c0_i32, %c0_i32_0 : i32, i32
  }
  func.func @transform_6(%arg0: i32) -> (i32, i32) {
    %c0_i32 = arith.constant 0 : i32
    %c0_i32_0 = arith.constant 0 : i32
    %c0_i32_1 = arith.constant 0 : i32
    return %c0_i32, %c0_i32_0 : i32, i32
  }
  func.func @transform_7(%arg0: i32) -> (i32, i32) {
    %c0_i32 = arith.constant 0 : i32
    %c0_i32_0 = arith.constant 0 : i32
    %c0_i32_1 = arith.constant 0 : i32
    return %c0_i32, %c0_i32_0 : i32, i32
  }
  func.func @transform_8(%arg0: i32) -> (i32, i32) {
    %c0_i32 = arith.constant 0 : i32
    %c0_i32_0 = arith.constant 0 : i32
    %c0_i32_1 = arith.constant 0 : i32
    return %c0_i32, %c0_i32_0 : i32, i32
  }
  func.func @transform_9(%arg0: i32) -> (i32, i32) {
    %c0_i32 = arith.constant 0 : i32
    %c0_i32_0 = arith.constant 0 : i32
    %c0_i32_1 = arith.constant 0 : i32
    return %c0_i32, %c0_i32_0 : i32, i32
  }
  func.func @transform_10(%arg0: i32) -> (i32, i32) {
    %c0_i32 = arith.constant 0 : i32
    %c0_i32_0 = arith.constant 0 : i32
    %c0_i32_1 = arith.constant 0 : i32
    return %c0_i32, %c0_i32_0 : i32, i32
  }
  func.func @transform_11(%arg0: i32) -> (i32, i32) {
    %c0_i32 = arith.constant 0 : i32
    %c0_i32_0 = arith.constant 0 : i32
    %c0_i32_1 = arith.constant 0 : i32
    return %c0_i32, %c0_i32_0 : i32, i32
  }
  func.func @transform_12(%arg0: i32) -> (i32, i32) {
    %c0_i32 = arith.constant 0 : i32
    %c0_i32_0 = arith.constant 0 : i32
    %c0_i32_1 = arith.constant 0 : i32
    return %c0_i32, %c0_i32_0 : i32, i32
  }
  func.func @transform_13(%arg0: i32) -> (i32, i32) {
    %c0_i32 = arith.constant 0 : i32
    %c0_i32_0 = arith.constant 0 : i32
    %c0_i32_1 = arith.constant 0 : i32
    return %c0_i32, %c0_i32_0 : i32, i32
  }
  func.func @transform_14(%arg0: i32) -> (i32, i32) {
    %c0_i32 = arith.constant 0 : i32
    %c0_i32_0 = arith.constant 0 : i32
    %c0_i32_1 = arith.constant 0 : i32
    return %c0_i32, %c0_i32_0 : i32, i32
  }
  func.func @transform_15(%arg0: i32) -> (i32, i32) {
    %c0_i32 = arith.constant 0 : i32
    %c0_i32_0 = arith.constant 0 : i32
    %c0_i32_1 = arith.constant 0 : i32
    return %c0_i32, %c0_i32_0 : i32, i32
  }
  func.func @transform_16(%arg0: i32) -> (i32, i32) {
    %c0_i32 = arith.constant 0 : i32
    %c0_i32_0 = arith.constant 0 : i32
    %c0_i32_1 = arith.constant 0 : i32
    return %c0_i32, %c0_i32_0 : i32, i32
  }
  func.func @transform_17(%arg0: i32) -> (i32, i32) {
    %c0_i32 = arith.constant 0 : i32
    %c0_i32_0 = arith.constant 0 : i32
    %c0_i32_1 = arith.constant 0 : i32
    return %c0_i32, %c0_i32_0 : i32, i32
  }
  func.func @transform_18(%arg0: i32) -> (i32, i32) {
    %c0_i32 = arith.constant 0 : i32
    %c0_i32_0 = arith.constant 0 : i32
    %c0_i32_1 = arith.constant 0 : i32
    return %c0_i32, %c0_i32_0 : i32, i32
  }
  func.func @transform_19(%arg0: i32) -> (i32, i32) {
    %c0_i32 = arith.constant 0 : i32
    %c0_i32_0 = arith.constant 0 : i32
    %c0_i32_1 = arith.constant 0 : i32
    return %c0_i32, %c0_i32_0 : i32, i32
  }
  func.func @transform_20(%arg0: i32) -> (i32, i32) {
    %c0_i32 = arith.constant 0 : i32
    %c0_i32_0 = arith.constant 0 : i32
    %c0_i32_1 = arith.constant 0 : i32
    return %c0_i32, %c0_i32_0 : i32, i32
  }
  func.func @transform_21(%arg0: i32) -> (i32, i32) {
    %c0_i32 = arith.constant 0 : i32
    %c0_i32_0 = arith.constant 0 : i32
    %c0_i32_1 = arith.constant 0 : i32
    return %c0_i32, %c0_i32_0 : i32, i32
  }
  func.func @transform_22(%arg0: i32) -> (i32, i32) {
    %c0_i32 = arith.constant 0 : i32
    %c0_i32_0 = arith.constant 0 : i32
    %c0_i32_1 = arith.constant 0 : i32
    return %c0_i32, %c0_i32_0 : i32, i32
  }
  func.func @transform_23(%arg0: i32) -> (i32, i32) {
    %c0_i32 = arith.constant 0 : i32
    %c0_i32_0 = arith.constant 0 : i32
    %c0_i32_1 = arith.constant 0 : i32
    return %c0_i32, %c0_i32_0 : i32, i32
  }
  func.func @transform_24(%arg0: i32) -> (i32, i32) {
    %c0_i32 = arith.constant 0 : i32
    %c0_i32_0 = arith.constant 0 : i32
    %c0_i32_1 = arith.constant 0 : i32
    return %c0_i32, %c0_i32_0 : i32, i32
  }
  func.func @transform_25(%arg0: i32) -> (i32, i32) {
    %c0_i32 = arith.constant 0 : i32
    %c0_i32_0 = arith.constant 0 : i32
    %c0_i32_1 = arith.constant 0 : i32
    return %c0_i32, %c0_i32_0 : i32, i32
  }
  func.func @transform_26(%arg0: i32) -> (i32, i32) {
    %c0_i32 = arith.constant 0 : i32
    %c0_i32_0 = arith.constant 0 : i32
    %c0_i32_1 = arith.constant 0 : i32
    return %c0_i32, %c0_i32_0 : i32, i32
  }
  func.func @transform_27(%arg0: i32) -> (i32, i32) {
    %c0_i32 = arith.constant 0 : i32
    %c0_i32_0 = arith.constant 0 : i32
    return %arg0, %c0_i32 : i32, i32
  }
}

</mosaic_0001>

<sc_bundles>
// kernel: kernel.11.cloned.1.call-start
scs
__scs_entry_jumppad:
0x0: {  	(pc) =	sbr.rel $0x88, $3  }
0x1: {  	(tag) =	ssettag $0x0;
	lr =	simm.s32 $0x1  }
0x2: {  	[smem:$0x3F87] =	sst lr;
	_ =	strace $0xD0000000  }
0x3: {  	_ = 	snop  }
0x4: {  	_ = 	snop  }
0x5: {  	_ = 	snop  }
0x6: {  	_ = 	snop  }
0x7: {  	_ = 	snop  }
__scs_overlays_trampoline_lowered:
0x8: {  	[smem:$0x3F96] =	sst s0  }
0x9: {  	[smem:$0x3F97] =	sst s1  }
0xa: {  	[smem:$0x3F98] =	sst s2  }
0xb: {  	[smem:$0x3F99] =	sst s3  }
0xc: {  	[smem:$0x3F9A] =	sst s4  }
0xd: {  	[smem:$0x3F9B] =	sst s5  }
0xe: {  	[smem:$0x3F9C] =	sst s6  }
0xf: {  	[smem:$0x3F9D] =	sst s7  }
0x10: {  	[smem:$0x3F9E] =	sst s8  }
0x11: {  	[smem:$0x3F9F] =	sst s9;
	s0 =	simm.s32 @!p0 $0x0  }
0x12: {  	s1 =	sld [smem:$0x3F85];
	s0 =	simm.s32 @p0 $0x1  }
0x13: {  	[smem:$0x3FA0] =	sst s0;
	s0 =	simm.s32 @!p1 $0x0  }
0x14: {  	s2 =	sld [smem:$0x3F84];
	s0 =	simm.s32 @p1 $0x1  }
0x15: {  	[smem:$0x3FA1] =	sst s0;
	s0 =	simm.s32 @!p2 $0x0  }
0x16: {  	s3 =	sld [smem:$0x3FDB];
	s0 =	simm.s32 @p2 $0x1  }
0x17: {  	s4 =	simm.s32 $0x1BF5;
	[smem:$0x3FA3] =	sst s0  }
0x18: {  	s0 =	sld [smem:$0x3F86];
	_ =	swait.ge [sflag:s4], $0x0  }
0x19: {  	s7 =	sld [smem:$0x3F87]  }
0x1a: {  	s8 =	sadd.s32 $0xFFFFE003, lr  }
0x1b: {  	s9 =	sadd.s32 $0xFFFFFEF7, lr;
	s5 =	simm.s32 $0xFFFFFFFF;
	p2 =	slt.u32 s8, $0xFFFFF086  }
0x1c: {  	p1 =	slt.u32 s9, $0xF7A;
	s5 =	simm.s32 @!p2 $0x0  }
0x1d: {  	s5 =	simm.s32 @p1 $0x1;
	p0 =	seq.s32 s7, s2  }
0x1e: {  	s7 =	smul.u32 @!p0 $0xF7A, s2;
	p2 =	seq.s32 @!p0 s5, $0x0  }
0x1f: {  	s9 =	smul.u32 $0xF7A, s1;
	s8 =	simm.s32 @!p0 $0x1BF5;
	p2 =	por !p2, p0  }
0x20: {  	[sflag:s8] =	ssyncset.s32 @!p0 $0xFFFFF086;
	s6 =	sadd.s32 @!p0 s3, s7;
	s7 =	simm.s32 @!p0 $0x108  }
0x21: {  	s3 =	sadd.s32 s3, s9;
	s6 =	sadd.s32 @!p0 $0x88, s6;
	s7 =	simm.s32 @p2 $0x1082  }
0x22: {  	[simem:s7], [sflag:s8] =	dma.local @!p0 [hbm:s6], $0xF7A  }
0x23: {  	s9 =	sor.u32 $0xD0000000, s2;
	s6 =	simm.s32 $0x108;
	_ =	swait.ge @!p0 [sflag:s8], $0x0  }
0x24: {  	s3 =	sadd.s32 $0x88, s3;
	s6 =	simm.s32 @!p1 $0x1082;
	[sflag:s4] =	ssyncset.s32 $0xFFFFF086  }
0x25: {  	[simem:s6], [sflag:s4] =	dma.local [hbm:s3], $0xF7A  }
0x26: {  	[smem:$0x3F87] =	sst s1;
	(tag) =	ssettag s2;
	_ =	strace s9  }
0x27: {  	s1 =	sld [smem:$0x3F97]  }
0x28: {  	s2 =	sld [smem:$0x3F98]  }
0x29: {  	s4 =	sld [smem:$0x3F9A]  }
0x2a: {  	p0 =	seq.s32 s5, $0x0;
	s5 =	sld [smem:$0x3F9B]  }
0x2b: {  	s6 =	sld [smem:$0x3F9C]  }
0x2c: {  	s7 =	sld [smem:$0x3F9D]  }
0x2d: {  	s3 =	simm.s32 $0x108;
	s8 =	sld [smem:$0x3F9E]  }
0x2e: {  	s3 =	simm.s32 @!p0 $0x1082;
	s9 =	sld [smem:$0x3F9F]  }
0x2f: {  	lr =	sadd.s32 s0, s3;
	s0 =	sld [smem:$0x3F96]  }
0x30: {  	s3 =	sld [smem:$0x3F99]  }
0x31: {  	[smem:$0x3FA2] =	sst s10  }
0x32: {  	s10 =	sld [smem:$0x3FA0];
	_ =	sdelay $0x3  }
0x33: {  	p0 =	seq.s32 s10, $0x1;
	s10 =	sld [smem:$0x3FA2];
	_ =	sdelay $0x3  }
0x34: {  	[smem:$0x3FA2] =	sst s10  }
0x35: {  	s10 =	sld [smem:$0x3FA1];
	_ =	sdelay $0x3  }
0x36: {  	p1 =	seq.s32 s10, $0x1;
	s10 =	sld [smem:$0x3FA2];
	_ =	sdelay $0x3  }
0x37: {  	[smem:$0x3FA2] =	sst s10  }
0x38: {  	s10 =	sld [smem:$0x3FA3]  }
0x39: {  	_ = 	snop;
	(pc) =	sbr.ind lr, $3  }
0x3a: {  	_ = 	snop  }
0x3b: {  	_ = 	snop  }
0x3c: {  	p2 =	seq.s32 s10, $0x1;
	s10 =	sld [smem:$0x3FA2]  }
0x3d: {  	_ =	shalt  }
0x3e: {  	_ =	shalt  }
0x3f: {  	_ =	shalt  }
0x40: {  	_ =	shalt  }
0x41: {  	_ =	shalt  }
0x42: {  	_ =	shalt  }
0x43: {  	_ =	shalt  }
0x44: {  	_ =	shalt  }
0x45: {  	_ =	shalt  }
0x46: {  	_ =	shalt  }
0x47: {  	_ =	shalt  }
0x48: {  	_ =	shalt  }
0x49: {  	_ =	shalt  }
0x4a: {  	_ =	shalt  }
0x4b: {  	_ =	shalt  }
0x4c: {  	_ =	shalt  }
0x4d: {  	_ =	shalt  }
0x4e: {  	_ =	shalt  }
0x4f: {  	_ =	shalt  }
0x50: {  	_ =	shalt  }
0x51: {  	_ =	shalt  }
0x52: {  	_ =	shalt  }
0x53: {  	_ =	shalt  }
0x54: {  	_ =	shalt  }
0x55: {  	_ =	shalt  }
0x56: {  	_ =	shalt  }
0x57: {  	_ =	shalt  }
0x58: {  	_ =	shalt  }
0x59: {  	_ =	shalt  }
0x5a: {  	_ =	shalt  }
0x5b: {  	_ =	shalt  }
0x5c: {  	_ =	shalt  }
0x5d: {  	_ =	shalt  }
0x5e: {  	_ =	shalt  }
0x5f: {  	_ =	shalt  }
0x60: {  	_ =	shalt  }
0x61: {  	_ =	shalt  }
0x62: {  	_ =	shalt  }
0x63: {  	_ =	shalt  }
0x64: {  	_ =	shalt  }
0x65: {  	_ =	shalt  }
0x66: {  	_ =	shalt  }
0x67: {  	_ =	shalt  }
0x68: {  	_ =	shalt  }
0x69: {  	_ =	shalt  }
0x6a: {  	_ =	shalt  }
0x6b: {  	_ =	shalt  }
0x6c: {  	_ =	shalt  }
0x6d: {  	_ =	shalt  }
0x6e: {  	_ =	shalt  }
0x6f: {  	_ =	shalt  }
0x70: {  	_ =	shalt  }
0x71: {  	_ =	shalt  }
0x72: {  	_ =	shalt  }
0x73: {  	_ =	shalt  }
0x74: {  	_ =	shalt  }
0x75: {  	_ =	shalt  }
0x76: {  	_ =	shalt  }
0x77: {  	_ =	shalt  }
0x78: {  	_ =	shalt  }
0x79: {  	_ =	shalt  }
0x7a: {  	_ =	shalt  }
0x7b: {  	_ =	shalt  }
0x7c: {  	_ =	shalt  }
0x7d: {  	_ =	shalt  }
0x7e: {  	_ =	shalt  }
0x7f: {  	_ =	shalt  }
0x80: {  	_ =	shalt  }
0x81: {  	_ =	shalt  }
0x82: {  	_ =	shalt  }
0x83: {  	_ =	shalt  }
0x84: {  	_ =	shalt  }
0x85: {  	_ =	shalt  }
0x86: {  	_ =	shalt  }
0x87: {  	_ =	shalt  }
.Lfunc_end0:
.L_simem_size_0:
called_computation.1_lowered:
.L_overlay_start_0:
0x88: {  	s2 =	sld [smem:$0x3FD9]  }
0x89: {  	s3 =	sld [smem:$0x3FFE];
	_ =	sdelay $0x1  }
0x8a: {  	s1 =	srdreg.scid  }
0x8b: {  	s0 =	sand.u32 $0x1, s1  }
0x8c: {  	s16 =	sshll.u32 s0, $0xA;
	s2 =	sadd.s32 s3, s2  }
0x8d: {  	s2 =	sadd.s32 s2, s16  }
0x8e: {  	[smem:$0x3FAE] =	sst s2  }
0x8f: {  	_ = 	snop  }
0x90: {  	(tm) =	ssettm $0x1  }
0x91: {  	s17 =	sld [smem:$0x3FFB];
	_ =	sdelay $0x3  }
0x92: {  	_ =	strace s17  }
0x93: {  	s2 =	sld [smem:$0x3FFC];
	_ =	sdelay $0x3  }
0x94: {  	_ =	strace s2  }
0x95: {  	s2 =	sld [smem:$0x3FFD];
	_ =	sdelay $0x3  }
0x96: {  	_ =	strace s2  }
0x97: {  	_ =	strace $0x8FFFFFFF  }
0x98: {  	s18 =	sld [smem:$0x3FDB];
	_ =	sdelay $0x1  }
0x99: {  	s19 =	simm.s32 $_scs_section_size  }
0x9a: {  	s4 =	simm.s32 $_size__tile_overlayer_lowered;
	s5 =	simm.s32 $_tile_overlayer_lowered  }
0x9b: {  	s22 =	simm.s32 $0x1BFF;
	s21 =	sshll.u32 s5, $0x1;
	s2 =	sadd.s32 s19, s18  }
0x9c: {  	s6 =	simm.s32 $0x0;
	s20 =	sshll.u32 s4, $0x1;
	s4 =	sadd.s32 s21, s2  }
0x9d: {  	[timem:s6], [sflag:s22] =	dma.local [hbm:s4], s20  }
0x9e: {  	_ =	swait.ge [sflag:s22], s20  }
0x9f: {  	s3 =	ssub.s32 $0x0, s20;
	[sflag:s22] =	ssyncset.done $0x0  }
0xa0: {  	[sflag:s22] =	ssyncadd.s32 s3;
	_ =	sdelay $0x1  }
0xa1: {  	s23 =	simm.s32 $0x1B8B  }
0xa2: {  	_ =	swait.ge [sflag:s23], $0x1  }
0xa3: {  	[sflag:s23] =	ssyncset.done $0x0  }
0xa4: {  	s25 =	simm.s32 $0x1B8E;
	s24 =	sld [smem:$0x3FFE];
	[sflag:s23] =	ssyncadd.s32 $0xFFFFFFFF  }
0xa5: {  	s26 =	simm.s32 $execute0_lowered;
	[smem:$0x3FD2] =	sst s25  }
0xa6: {  	s4 =	sshll.u32 s26, $0x1;
	_ =	strace $0x80000049;
	[dreg:$0x1] =	wrdreg $0xFFFFFFFF  }
0xa7: {  	s28 =	simm.s32 $_size_execute0_lowered;
	s2 =	sadd.s32 s2, s4;
	[dreg:$0x0] =	wrdreg $0x0  }
0xa8: {  	s4 =	sshll.u32 s28, $0x1;
	[dreg:$0x2] =	wrdreg s2  }
0xa9: {  	[dreg:$0x3] =	wrdreg s4  }
0xaa: {  	[dreg:$0x4] =	wrdreg $0xC0  }
0xab: {  	_ =	task [dreg:s6], $0x5FFFF  }
0xac: {  	[dreg:$0x1] =	wrdreg $0xFFFFFFFF  }
0xad: {  	[dreg:$0x0] =	wrdreg $0x60  }
0xae: {  	[dreg:$0x2] =	wrdreg s24  }
0xaf: {  	[dreg:$0x3] =	wrdreg $0x44000  }
0xb0: {  	[dreg:$0x4] =	wrdreg $0x9  }
0xb1: {  	_ =	task.clear_ibuf [dreg:s6], $0x5FFFF;
	_ =	strace $0x90000049  }
0xb2: {  	s29 =	simm.s32 $0x9;
	_ =	strace $0x8000004B  }
0xb3: {  	_ =	swait.ge [sflag:s29], $0x1  }
0xb4: {  	[sflag:s29] =	ssyncadd.s32 $0xFFFFFFFF  }
0xb5: {  	_ =	strace $0x9000004B  }
0xb6: {  	_ =	sfence  }
0xb7: {  	s30 =	sld [smem:$0x0];
	_ =	sdelay $0x2  }
0xb8: {  	s31 =	sshll.u32 s1, $0xD;
	s1 =	sshrl.u32 s1, $0x2  }
0xb9: {  	s3 =	sand.u32 $0x4000, s31;
	s1 =	sadd.s32 s1, s30  }
0xba: {  	s0 =	sor.u32 s3, s0;
	s1 =	sshll.u32 s1, $0x11  }
0xbb: {  	s0 =	sor.u32 s1, s0  }
0xbc: {  	s0 =	sadd.s32 $0x8F2B, s0  }
0xbd: {  	[sflag:s0] =	ssyncadd.remote.s32 $0x1  }
0xbe: {  	_ =	sfence.sel $0xFFFF  }
0xbf: {  	[dreg:$0x0] =	wrdreg $0xFFFFFFFF;
	(pc) =	sbr.abs _section_cstart, $3  }
0xc0: {  	[dreg:$0x1] =	wrdreg $0xFFFFFFFF  }
0xc1: {  	_ =	task.clear_ibuf [dreg:s6], $0x2FFFF;
	_ =	strace $0x9FFFFFFF  }
0xc2: {  	(tm) =	ssettm $0x7FFFFFFF  }
0xc3: {  	_ =	shalt  }
tec
execute0_lowered:
.L_overlay_start_1:
0x0: {  	(tag) =	ssettag $0x1  }
0x1: {  	s0 =	rddreg [dreg:$0x0];
	s22 =	stileid.u32  }
0x2: {  	s1 =	rddreg [dreg:$0x1];
	s2 =	srdreg.scid  }
0x3: {  	s29 =	simm.s32 $0x5;
	s6 =	smul.u32 $0x19000, s22;
	s8 =	sadd.s32 $0x35B800, s0  }
0x4: {  	s30 =	simm.s32 $0x400;
	s7 =	sadd.s32 $0x67B800, s0;
	s13 =	smul.u32 $0x32000, s22  }
0x5: {  	s31 =	simm.s32 $0x200;
	s10 =	sadd.s32 $0x329800, s0;
	s17 =	smul.u32 $0x190000, s22  }
0x6: {  	s11 =	sand.u32 $0x1, s2;
	s14 =	sadd.s32 $0x1011C00, s0;
	s20 =	smul.u32 $0x3200, s22  }
0x7: {  	s2 =	ssub.s32 $0x2, s11;
	p0 =	sne.s32 s11, $0x0;
	s11 =	simm.s32 $0x0  }
0x8: {  	s3 =	sshrl.u32 s6, $0x3;
	s4 =	sshrl.u32 s2, $0x1;
	s9 =	sor.u32 $0x400, s6  }
0x9: {  	s16 =	sadd.s32 $0x18E00, s6;
	s18 =	sor.u32 $0x200, s6;
	s25 =	sshrl.u32 s17, $0x3  }
0xa: {  	s12 =	sadd.s32 s3, s0;
	s0 =	sadd.s32 $0x1331C00, s0;
	s15 =	ssub.s32 s2, s4  }
0xb: {  	s2 =	sadd.s32 s10, s3;
	s3 =	sadd.s32 s7, s13;
	s4 =	sadd.s32 s8, s13  }
0xc: {  	s5 =	sshrl.u32 s16, $0x3;
	s19 =	sshll.u32 s16, $0x1;
	s24 =	sshrl.u32 s18, $0x3  }
0xd: {  	s9 =	sshrl.u32 s9, $0x3;
	s26 =	sshll.u32 s18, $0x1;
	s21 =	sadd.s32 s14, s25  }
0xe: {  	s23 =	sadd.s32 $0x31800, s25;
	s7 =	sadd.s32 s7, s19;
	[dreg:$0x7] =	wrdreg s21  }
0xf: {  	s5 =	sadd.s32 s10, s5;
	s17 =	sadd.s32 s0, s25;
	[dreg:$0x3] =	wrdreg s7  }
0x10: {  	s9 =	sadd.s32 s10, s9;
	s18 =	sadd.s32 s0, s26;
	[dreg:$0x4] =	wrdreg s17  }
0x11: {  	s8 =	sadd.s32 s8, s19;
	s25 =	sadd.s32 s0, s23;
	[dreg:$0x5] =	wrdreg s18  }
0x12: {  	s21 =	sadd.s32 s13, s14;
	s7 =	sadd.s32 s10, s24;
	[dreg:$0x6] =	wrdreg s8  }
0x13: {  	s24 =	sadd.s32 s14, s26;
	[dreg:$0x9] =	wrdreg s25;
	s10 =	sadd.s32 s20, s10  }
0x14: {  	s26 =	sadd.s32 s0, s19;
	s8 =	sadd.s32 s14, s23;
	s18 =	sadd.s32 s14, s19  }
0x15: {  	s19 =	sadd.s32 s13, s0;
	s20 =	simm.s32 $0x0;
	[dreg:$0x8] =	wrdreg s24  }
0x16: {  	s17 =	sadd.s32 s6, s1;
	s14 =	simm.s32 $0x2400;
	[dreg:$0xa] =	wrdreg s26  }
.Ltmp0:
0x17: {  	s0 =	simm.s32 $0x1;
	[dreg:$0xb] =	wrdreg s8;
	(pc) =	sbr.rel .LBB2_1-.Ltmp0, $4  }
0x18: {  	s6 =	simm.s32 $0x2;
	[smem:$0x7FF] =	sst s20;
	s26 =	sshll.u32 s22, $0x6  }
0x19: {  	s22 =	sadd.s32 $0x99B800, s12;
	s24 =	smax.u32 s15, $0x1;
	s25 =	sadd.s32 $0x80, s10  }
0x1a: {  	s28 =	sshrl.u32 s17, $0x3;
	s8 =	simm.s32 $0x3;
	_ =	strace $0x8000004A  }
0x1b: {  	s23 =	sor.u32 $0x1C05, s26;
	s26 =	sadd.s32 $0x100, s10;
	s10 =	simm.s32 $0x4  }
.LBB2_11:
0x1c: {  	[hbm4b:s15+s20] =	stream.linear.scatter [tilespmem:s14], [sflag:$0x4], $0x2000, $0x38;
	[tilespmem:$0x1D400] =	vst v63  }
0x1d: {  	_ = 	snop  }
0x1e: {  	[tilespmem:s31], [sflag:$0x2] =	stream.linear.gather [hbm4b:s5+s20], $0x200, $0x38;
	[tilespmem:$0x1D400] =	vst v63  }
0x1f: {  	_ =	swait.ge [sflag:s0], $0x200  }
0x20: {  	[sflag:s0] =	ssyncset.done $0x0  }
0x21: {  	[sflag:s0] =	ssyncadd.s32 $0xFFFFFE00  }
0x22: {  	_ =	swait.ge [sflag:s8], $0x2000  }
0x23: {  	[sflag:s8] =	ssyncset.done $0x0  }
0x24: {  	[sflag:s8] =	ssyncadd.s32 $0xFFFFE000  }
0x25: {  	[tilespmem:s30], [sflag:$0x5] =	stream.indirect.gather [spmem:s1], $0x10, s20, s31, $0xb8;
	[tilespmem:$0x1D400] =	vst v63  }
0x26: {  	_ =	swait.ge [sflag:s29], $0x2000  }
0x27: {  	[sflag:s29] =	ssyncset.done $0x0  }
0x28: {  	s12 =	rddreg [dreg:$0x9];
	[sflag:s29] =	ssyncadd.s32 $0xFFFFE000  }
0x29: {  	[hbm4b:s12+s20] =	stream.linear.scatter [tilespmem:s30], [sflag:$0x3], $0x2000, $0x38;
	[tilespmem:$0x1D400] =	vst v63  }
0x2a: {  	_ =	swait.ge [sflag:s6], $0x200  }
0x2b: {  	[sflag:s6] =	ssyncset.done $0x0  }
0x2c: {  	[sflag:s6] =	ssyncadd.s32 $0xFFFFFE00  }
0x2d: {  	_ =	swait.ge [sflag:s10], $0x2000  }
0x2e: {  	[sflag:s10] =	ssyncset.done $0x0  }
0x2f: {  	[sflag:s10] =	ssyncadd.s32 $0xFFFFE000  }
0x30: {  	[tilespmem:s14], [sflag:$0x5] =	stream.indirect.gather [spmem:s1], $0x10, s31, s31, $0xb8;
	[tilespmem:$0x1D400] =	vst v63  }
0x31: {  	_ =	swait.ge [sflag:s29], $0x2000  }
0x32: {  	[sflag:s29] =	ssyncset.done $0x0  }
0x33: {  	s17 =	rddreg [dreg:$0xa];
	[sflag:s29] =	ssyncadd.s32 $0xFFFFE000  }
0x34: {  	[hbm4b:s17+s20] =	stream.linear.scatter [tilespmem:s14], [sflag:$0x4], $0x2000, $0x38;
	[tilespmem:$0x1D400] =	vst v63  }
.LBB2_12:
0x35: {  	s11 =	sadd.s32 $0x1, s11  }
0x36: {  	_ =	swait.ge [sflag:s8], $0x2000;
	p1 =	sne.s32 s11, s24  }
.Ltmp1:
0x37: {  	[sflag:s8] =	ssyncset.done $0x0;
	(pc) =	sbr.rel @!p1 .LBB2_13-.Ltmp1, $4  }
0x38: {  	[sflag:s8] =	ssyncadd.s32 $0xFFFFE000  }
0x39: {  	_ =	swait.ge [sflag:s10], $0x2000  }
0x3a: {  	[sflag:s10] =	ssyncset.done $0x0  }
0x3b: {  	[sflag:s10] =	ssyncadd.s32 $0xFFFFE000  }
.LBB2_1:
0x3c: {  	[spmem:s28], [sflag:s23] =	dma.local [hbm:s22], $0x3200  }
.Ltmp2:
0x3d: {  	_ =	swait.ge [sflag:s29], $0x3200;
	(pc) =	sbr.rel @p0 .LBB2_7-.Ltmp2, $4  }
0x3e: {  	[sflag:s29] =	ssyncset.done $0x0  }
0x3f: {  	[sflag:s29] =	ssyncadd.s32 $0xFFFFCE00  }
0x40: {  	s12 =	simm.s32 $0x0;
	[bflag:$0x0] =	sbarrier.arrive $0xFFFF  }
0x41: {  	[tilespmem:s20], [sflag:$0x1] =	stream.linear.gather [hbm4b:s2+s20], $0x200, $0x38;
	[tilespmem:$0x1D400] =	vst v63  }
0x42: {  	[tilespmem:s30], [sflag:$0x1] =	stream.linear.gather [hbm4b:s4+s12], $0x2000, $0x38;
	[tilespmem:$0x1D400] =	vst v63  }
0x43: {  	s15 =	sadd.s32 $0xFFFFFFC0, s25;
	s13 =	sadd.s32 $0x0, s4  }
0x44: {  	[tilespmem:s31], [sflag:$0x2] =	stream.linear.gather [hbm4b:s15+s20], $0x200, $0x38;
	[tilespmem:$0x1D400] =	vst v63  }
0x45: {  	s16 =	sadd.s32 $0x400, s13  }
0x46: {  	[tilespmem:s14], [sflag:$0x2] =	stream.linear.gather [hbm4b:s16+s20], $0x2000, $0x38;
	[tilespmem:$0x1D400] =	vst v63  }
0x47: {  	_ =	swait.ge [sflag:s0], $0x200  }
0x48: {  	[sflag:s0] =	ssyncset.done $0x0  }
0x49: {  	[sflag:s0] =	ssyncadd.s32 $0xFFFFFE00  }
0x4a: {  	_ =	swait.ge [sflag:s0], $0x2000  }
0x4b: {  	[sflag:s0] =	ssyncset.done $0x0  }
0x4c: {  	[sflag:s0] =	ssyncadd.s32 $0xFFFFE000  }
0x4d: {  	[spmem:s1] =	stream.indirect.scatter.add.f32 [tilespmem:s30], [sflag:$0x5], $0x10, s20, s31, $0xb8;
	[tilespmem:$0x1D400] =	vst v63  }
0x4e: {  	_ =	swait.ge [sflag:s29], $0x2000  }
0x4f: {  	[sflag:s29] =	ssyncset.done $0x0  }
0x50: {  	[sflag:s29] =	ssyncadd.s32 $0xFFFFE000  }
0x51: {  	[tilespmem:s20], [sflag:$0x1] =	stream.linear.gather [hbm4b:s25+s20], $0x200, $0x38;
	[tilespmem:$0x1D400] =	vst v63  }
0x52: {  	s17 =	sadd.s32 $0x800, s13  }
0x53: {  	[tilespmem:s30], [sflag:$0x1] =	stream.linear.gather [hbm4b:s17+s20], $0x2000, $0x38;
	[tilespmem:$0x1D400] =	vst v63  }
0x54: {  	_ =	swait.ge [sflag:s6], $0x200  }
0x55: {  	[sflag:s6] =	ssyncset.done $0x0  }
0x56: {  	[sflag:s6] =	ssyncadd.s32 $0xFFFFFE00  }
0x57: {  	_ =	swait.ge [sflag:s6], $0x2000  }
0x58: {  	[sflag:s6] =	ssyncset.done $0x0  }
0x59: {  	[sflag:s6] =	ssyncadd.s32 $0xFFFFE000  }
0x5a: {  	[spmem:s1] =	stream.indirect.scatter.add.f32 [tilespmem:s14], [sflag:$0x5], $0x10, s31, s31, $0xb8;
	[tilespmem:$0x1D400] =	vst v63  }
0x5b: {  	s12 =	sadd.s32 $0x80, s25;
	_ =	swait.ge [sflag:s29], $0x2000  }
0x5c: {  	s13 =	simm.s32 $0x800;
	s15 =	simm.s32 $0x1000;
	[sflag:s29] =	ssyncset.done $0x0  }
.LBB2_3:
0x5d: {  	s16 =	sadd.s32 $0xFFFFFFC0, s12  }
0x5e: {  	s17 =	sadd.s32 s13, s4;
	[sflag:s29] =	ssyncadd.s32 $0xFFFFE000;
	s13 =	smov.u32 s15  }
0x5f: {  	[tilespmem:s31], [sflag:$0x2] =	stream.linear.gather [hbm4b:s16+s20], $0x200, $0x38;
	[tilespmem:$0x1D400] =	vst v63  }
0x60: {  	p1 =	sne.s32 s15, $0x31000;
	s15 =	sadd.s32 $0x800, s15;
	s16 =	sadd.s32 $0x400, s17  }
0x61: {  	[tilespmem:s14], [sflag:$0x2] =	stream.linear.gather [hbm4b:s16+s20], $0x2000, $0x38;
	[tilespmem:$0x1D400] =	vst v63  }
0x62: {  	_ =	swait.ge [sflag:s0], $0x200  }
0x63: {  	[sflag:s0] =	ssyncset.done $0x0  }
0x64: {  	[sflag:s0] =	ssyncadd.s32 $0xFFFFFE00  }
0x65: {  	_ =	swait.ge [sflag:s0], $0x2000  }
0x66: {  	[sflag:s0] =	ssyncset.done $0x0  }
0x67: {  	[sflag:s0] =	ssyncadd.s32 $0xFFFFE000  }
0x68: {  	[spmem:s1] =	stream.indirect.scatter.add.f32 [tilespmem:s30], [sflag:$0x5], $0x10, s20, s31, $0xb8;
	[tilespmem:$0x1D400] =	vst v63  }
0x69: {  	_ =	swait.ge [sflag:s29], $0x2000  }
0x6a: {  	[sflag:s29] =	ssyncset.done $0x0  }
0x6b: {  	[sflag:s29] =	ssyncadd.s32 $0xFFFFE000  }
0x6c: {  	[tilespmem:s20], [sflag:$0x1] =	stream.linear.gather [hbm4b:s12+s20], $0x200, $0x38;
	[tilespmem:$0x1D400] =	vst v63  }
0x6d: {  	s16 =	sadd.s32 $0x800, s17  }
0x6e: {  	[tilespmem:s30], [sflag:$0x1] =	stream.linear.gather [hbm4b:s16+s20], $0x2000, $0x38;
	[tilespmem:$0x1D400] =	vst v63  }
0x6f: {  	_ =	swait.ge [sflag:s6], $0x200  }
0x70: {  	[sflag:s6] =	ssyncset.done $0x0  }
0x71: {  	[sflag:s6] =	ssyncadd.s32 $0xFFFFFE00  }
0x72: {  	_ =	swait.ge [sflag:s6], $0x2000  }
.Ltmp3:
0x73: {  	[sflag:s6] =	ssyncset.done $0x0;
	(pc) =	sbr.rel @p1 .LBB2_3-.Ltmp3, $4  }
0x74: {  	[sflag:s6] =	ssyncadd.s32 $0xFFFFE000  }
0x75: {  	[spmem:s1] =	stream.indirect.scatter.add.f32 [tilespmem:s14], [sflag:$0x5], $0x10, s31, s31, $0xb8;
	[tilespmem:$0x1D400] =	vst v63  }
0x76: {  	_ =	swait.ge [sflag:s29], $0x2000  }
0x77: {  	s12 =	sadd.s32 $0x80, s12;
	[sflag:s29] =	ssyncset.done $0x0  }
0x78: {  	s15 =	sadd.s32 $0xFFFFFFC0, s12;
	s13 =	sadd.s32 s13, s4;
	[sflag:s29] =	ssyncadd.s32 $0xFFFFE000  }
0x79: {  	[tilespmem:s31], [sflag:$0x2] =	stream.linear.gather [hbm4b:s15+s20], $0x200, $0x38;
	[tilespmem:$0x1D400] =	vst v63  }
0x7a: {  	s17 =	sadd.s32 $0x400, s13  }
0x7b: {  	[tilespmem:s14], [sflag:$0x2] =	stream.linear.gather [hbm4b:s17+s20], $0x2000, $0x38;
	[tilespmem:$0x1D400] =	vst v63  }
0x7c: {  	_ =	swait.ge [sflag:s0], $0x200  }
0x7d: {  	[sflag:s0] =	ssyncset.done $0x0  }
0x7e: {  	[sflag:s0] =	ssyncadd.s32 $0xFFFFFE00  }
0x7f: {  	_ =	swait.ge [sflag:s0], $0x2000  }
0x80: {  	[sflag:s0] =	ssyncset.done $0x0  }
0x81: {  	[sflag:s0] =	ssyncadd.s32 $0xFFFFE000  }
0x82: {  	[spmem:s1] =	stream.indirect.scatter.add.f32 [tilespmem:s30], [sflag:$0x5], $0x10, s20, s31, $0xb8;
	[tilespmem:$0x1D400] =	vst v63  }
0x83: {  	_ =	swait.ge [sflag:s29], $0x2000  }
0x84: {  	[sflag:s29] =	ssyncset.done $0x0  }
0x85: {  	[sflag:s29] =	ssyncadd.s32 $0xFFFFE000  }
0x86: {  	[tilespmem:s20], [sflag:$0x1] =	stream.linear.gather [hbm4b:s12+s20], $0x200, $0x38;
	[tilespmem:$0x1D400] =	vst v63  }
0x87: {  	s13 =	sadd.s32 $0x800, s13  }
0x88: {  	[tilespmem:s30], [sflag:$0x1] =	stream.linear.gather [hbm4b:s13+s20], $0x2000, $0x38;
	[tilespmem:$0x1D400] =	vst v63  }
0x89: {  	_ =	swait.ge [sflag:s6], $0x200  }
0x8a: {  	[sflag:s6] =	ssyncset.done $0x0  }
0x8b: {  	[sflag:s6] =	ssyncadd.s32 $0xFFFFFE00  }
0x8c: {  	_ =	swait.ge [sflag:s6], $0x2000  }
0x8d: {  	[sflag:s6] =	ssyncset.done $0x0  }
0x8e: {  	[sflag:s6] =	ssyncadd.s32 $0xFFFFE000  }
0x8f: {  	[spmem:s1] =	stream.indirect.scatter.add.f32 [tilespmem:s14], [sflag:$0x5], $0x10, s31, s31, $0xb8;
	[tilespmem:$0x1D400] =	vst v63  }
0x90: {  	_ =	swait.ge [sflag:s29], $0x2000  }
0x91: {  	[sflag:s29] =	ssyncset.done $0x0  }
0x92: {  	s12 =	simm.s32 $0x0;
	[sflag:s29] =	ssyncadd.s32 $0xFFFFE000  }
0x93: {  	[tilespmem:s31], [sflag:$0x2] =	stream.linear.gather [hbm4b:s5+s12], $0x200, $0x38;
	[tilespmem:$0x1D400] =	vst v63  }
0x94: {  	s15 =	rddreg [dreg:$0x6]  }
0x95: {  	[tilespmem:s14], [sflag:$0x2] =	stream.linear.gather [hbm4b:s15+s12], $0x2000, $0x38;
	[tilespmem:$0x1D400] =	vst v63  }
0x96: {  	_ =	swait.ge [sflag:s0], $0x200  }
0x97: {  	[sflag:s0] =	ssyncset.done $0x0  }
0x98: {  	[sflag:s0] =	ssyncadd.s32 $0xFFFFFE00  }
0x99: {  	_ =	swait.ge [sflag:s0], $0x2000  }
0x9a: {  	[sflag:s0] =	ssyncset.done $0x0  }
0x9b: {  	[sflag:s0] =	ssyncadd.s32 $0xFFFFE000  }
0x9c: {  	[spmem:s1] =	stream.indirect.scatter.add.f32 [tilespmem:s30], [sflag:$0x5], $0x10, s12, s31, $0xb8;
	[tilespmem:$0x1D400] =	vst v63  }
0x9d: {  	_ =	swait.ge [sflag:s29], $0x2000  }
0x9e: {  	[sflag:s29] =	ssyncset.done $0x0  }
0x9f: {  	[sflag:s29] =	ssyncadd.s32 $0xFFFFE000  }
0xa0: {  	_ =	swait.ge [sflag:s6], $0x200  }
0xa1: {  	[sflag:s6] =	ssyncset.done $0x0  }
0xa2: {  	[sflag:s6] =	ssyncadd.s32 $0xFFFFFE00  }
0xa3: {  	_ =	swait.ge [sflag:s6], $0x2000  }
0xa4: {  	[sflag:s6] =	ssyncset.done $0x0  }
0xa5: {  	[sflag:s6] =	ssyncadd.s32 $0xFFFFE000  }
0xa6: {  	[spmem:s1] =	stream.indirect.scatter.add.f32 [tilespmem:s14], [sflag:$0x5], $0x10, s31, s31, $0xb8;
	[tilespmem:$0x1D400] =	vst v63  }
0xa7: {  	_ =	swait.ge [sflag:s29], $0x2000  }
0xa8: {  	[sflag:s29] =	ssyncset.done $0x0  }
0xa9: {  	[sflag:s29] =	ssyncadd.s32 $0xFFFFE000  }
0xaa: {  	[bflag:$0x0] =	sbarrier.arrive $0xFFFF  }
0xab: {  	[tilespmem:s12], [sflag:$0x1] =	stream.linear.gather [hbm4b:s2+s12], $0x200, $0x38;
	[tilespmem:$0x1D400] =	vst v63  }
0xac: {  	_ = 	snop  }
0xad: {  	[tilespmem:s31], [sflag:$0x2] =	stream.linear.gather [hbm4b:s7+s12], $0x200, $0x38;
	[tilespmem:$0x1D400] =	vst v63  }
0xae: {  	_ =	swait.ge [sflag:s0], $0x200  }
0xaf: {  	[sflag:s0] =	ssyncset.done $0x0  }
0xb0: {  	[sflag:s0] =	ssyncadd.s32 $0xFFFFFE00  }
0xb1: {  	[tilespmem:s30], [sflag:$0x5] =	stream.indirect.gather [spmem:s1], $0x10, s12, s31, $0xb8;
	[tilespmem:$0x1D400] =	vst v63  }
0xb2: {  	_ =	swait.ge [sflag:s29], $0x2000  }
0xb3: {  	[sflag:s29] =	ssyncset.done $0x0  }
0xb4: {  	s16 =	rddreg [dreg:$0x7];
	[sflag:s29] =	ssyncadd.s32 $0xFFFFE000  }
0xb5: {  	[hbm4b:s16+s12] =	stream.linear.scatter [tilespmem:s30], [sflag:$0x3], $0x2000, $0x38;
	[tilespmem:$0x1D400] =	vst v63  }
0xb6: {  	_ = 	snop  }
0xb7: {  	[tilespmem:s12], [sflag:$0x1] =	stream.linear.gather [hbm4b:s9+s12], $0x200, $0x38;
	[tilespmem:$0x1D400] =	vst v63  }
0xb8: {  	_ =	swait.ge [sflag:s6], $0x200  }
0xb9: {  	[sflag:s6] =	ssyncset.done $0x0  }
0xba: {  	[sflag:s6] =	ssyncadd.s32 $0xFFFFFE00  }
0xbb: {  	[tilespmem:s14], [sflag:$0x5] =	stream.indirect.gather [spmem:s1], $0x10, s31, s31, $0xb8;
	[tilespmem:$0x1D400] =	vst v63  }
0xbc: {  	_ =	swait.ge [sflag:s29], $0x2000  }
0xbd: {  	[sflag:s29] =	ssyncset.done $0x0  }
0xbe: {  	s17 =	rddreg [dreg:$0x8];
	[sflag:s29] =	ssyncadd.s32 $0xFFFFE000  }
0xbf: {  	[hbm4b:s17+s12] =	stream.linear.scatter [tilespmem:s14], [sflag:$0x4], $0x2000, $0x38;
	[tilespmem:$0x1D400] =	vst v63  }
0xc0: {  	s15 =	sadd.s32 $0xFFFFFFC0, s26  }
0xc1: {  	[tilespmem:s31], [sflag:$0x2] =	stream.linear.gather [hbm4b:s15+s20], $0x200, $0x38;
	[tilespmem:$0x1D400] =	vst v63  }
0xc2: {  	_ =	swait.ge [sflag:s0], $0x200  }
0xc3: {  	[sflag:s0] =	ssyncset.done $0x0  }
0xc4: {  	[sflag:s0] =	ssyncadd.s32 $0xFFFFFE00  }
0xc5: {  	_ =	swait.ge [sflag:s8], $0x2000  }
0xc6: {  	[sflag:s8] =	ssyncset.done $0x0  }
0xc7: {  	[sflag:s8] =	ssyncadd.s32 $0xFFFFE000  }
0xc8: {  	[tilespmem:s30], [sflag:$0x5] =	stream.indirect.gather [spmem:s1], $0x10, s20, s31, $0xb8;
	[tilespmem:$0x1D400] =	vst v63  }
0xc9: {  	_ =	swait.ge [sflag:s29], $0x2000  }
0xca: {  	s16 =	sadd.s32 $0x0, s21;
	[sflag:s29] =	ssyncset.done $0x0  }
0xcb: {  	s17 =	sadd.s32 $0x800, s16;
	[sflag:s29] =	ssyncadd.s32 $0xFFFFE000  }
0xcc: {  	[hbm4b:s17+s20] =	stream.linear.scatter [tilespmem:s30], [sflag:$0x3], $0x2000, $0x38;
	[tilespmem:$0x1D400] =	vst v63  }
0xcd: {  	_ = 	snop  }
0xce: {  	[tilespmem:s20], [sflag:$0x1] =	stream.linear.gather [hbm4b:s26+s20], $0x200, $0x38;
	[tilespmem:$0x1D400] =	vst v63  }
0xcf: {  	_ =	swait.ge [sflag:s6], $0x200  }
0xd0: {  	[sflag:s6] =	ssyncset.done $0x0  }
0xd1: {  	[sflag:s6] =	ssyncadd.s32 $0xFFFFFE00  }
0xd2: {  	_ =	swait.ge [sflag:s10], $0x2000  }
0xd3: {  	[sflag:s10] =	ssyncset.done $0x0  }
0xd4: {  	[sflag:s10] =	ssyncadd.s32 $0xFFFFE000  }
0xd5: {  	[tilespmem:s14], [sflag:$0x5] =	stream.indirect.gather [spmem:s1], $0x10, s31, s31, $0xb8;
	[tilespmem:$0x1D400] =	vst v63  }
0xd6: {  	_ =	swait.ge [sflag:s29], $0x2000  }
0xd7: {  	s13 =	sadd.s32 $0x80, s26;
	[sflag:s29] =	ssyncset.done $0x0  }
0xd8: {  	s12 =	simm.s32 $0x800;
	s15 =	sadd.s32 $0xC00, s16;
	[sflag:s29] =	ssyncadd.s32 $0xFFFFE000  }
.LBB2_5:
0xd9: {  	[hbm4b:s15+s20] =	stream.linear.scatter [tilespmem:s14], [sflag:$0x4], $0x2000, $0x38;
	[tilespmem:$0x1D400] =	vst v63  }
0xda: {  	s15 =	smov.u32 s12  }
0xdb: {  	s16 =	sadd.s32 $0xFFFFFFC0, s13;
	p1 =	seq.s32 s12, $0x30800;
	s12 =	sadd.s32 $0x800, s12  }
0xdc: {  	[tilespmem:s31], [sflag:$0x2] =	stream.linear.gather [hbm4b:s16+s20], $0x200, $0x38;
	[tilespmem:$0x1D400] =	vst v63  }
0xdd: {  	_ =	swait.ge [sflag:s0], $0x200  }
0xde: {  	[sflag:s0] =	ssyncset.done $0x0  }
0xdf: {  	[sflag:s0] =	ssyncadd.s32 $0xFFFFFE00  }
0xe0: {  	_ =	swait.ge [sflag:s8], $0x2000  }
0xe1: {  	[sflag:s8] =	ssyncset.done $0x0  }
0xe2: {  	[sflag:s8] =	ssyncadd.s32 $0xFFFFE000  }
0xe3: {  	[tilespmem:s30], [sflag:$0x5] =	stream.indirect.gather [spmem:s1], $0x10, s20, s31, $0xb8;
	[tilespmem:$0x1D400] =	vst v63  }
0xe4: {  	_ =	swait.ge [sflag:s29], $0x2000  }
0xe5: {  	s15 =	sadd.s32 s15, s21;
	[sflag:s29] =	ssyncset.done $0x0  }
0xe6: {  	s16 =	sadd.s32 $0x800, s15;
	[sflag:s29] =	ssyncadd.s32 $0xFFFFE000  }
0xe7: {  	[hbm4b:s16+s20] =	stream.linear.scatter [tilespmem:s30], [sflag:$0x3], $0x2000, $0x38;
	[tilespmem:$0x1D400] =	vst v63  }
0xe8: {  	_ = 	snop  }
0xe9: {  	[tilespmem:s20], [sflag:$0x1] =	stream.linear.gather [hbm4b:s13+s20], $0x200, $0x38;
	[tilespmem:$0x1D400] =	vst v63  }
0xea: {  	_ =	swait.ge [sflag:s6], $0x200  }
0xeb: {  	[sflag:s6] =	ssyncset.done $0x0  }
0xec: {  	[sflag:s6] =	ssyncadd.s32 $0xFFFFFE00  }
0xed: {  	_ =	swait.ge [sflag:s10], $0x2000  }
0xee: {  	[sflag:s10] =	ssyncset.done $0x0  }
.Ltmp4:
0xef: {  	[sflag:s10] =	ssyncadd.s32 $0xFFFFE000;
	(pc) =	sbr.rel @!p1 .LBB2_5-.Ltmp4, $4  }
0xf0: {  	[tilespmem:s14], [sflag:$0x5] =	stream.indirect.gather [spmem:s1], $0x10, s31, s31, $0xb8;
	[tilespmem:$0x1D400] =	vst v63  }
0xf1: {  	_ =	swait.ge [sflag:s29], $0x2000  }
0xf2: {  	[sflag:s29] =	ssyncset.done $0x0  }
0xf3: {  	s15 =	sadd.s32 $0xC00, s15;
	s13 =	sadd.s32 $0x80, s13;
	[sflag:s29] =	ssyncadd.s32 $0xFFFFE000  }
0xf4: {  	[hbm4b:s15+s20] =	stream.linear.scatter [tilespmem:s14], [sflag:$0x4], $0x2000, $0x38;
	[tilespmem:$0x1D400] =	vst v63  }
0xf5: {  	_ = 	snop  }
0xf6: {  	[tilespmem:s31], [sflag:$0x2] =	stream.linear.gather [hbm4b:s5+s20], $0x200, $0x38;
	[tilespmem:$0x1D400] =	vst v63  }
0xf7: {  	_ =	swait.ge [sflag:s0], $0x200  }
0xf8: {  	[sflag:s0] =	ssyncset.done $0x0  }
0xf9: {  	[sflag:s0] =	ssyncadd.s32 $0xFFFFFE00  }
0xfa: {  	_ =	swait.ge [sflag:s8], $0x2000  }
0xfb: {  	[sflag:s8] =	ssyncset.done $0x0  }
0xfc: {  	[sflag:s8] =	ssyncadd.s32 $0xFFFFE000  }
0xfd: {  	[tilespmem:s30], [sflag:$0x5] =	stream.indirect.gather [spmem:s1], $0x10, s20, s31, $0xb8;
	[tilespmem:$0x1D400] =	vst v63  }
0xfe: {  	_ =	swait.ge [sflag:s29], $0x2000  }
0xff: {  	[sflag:s29] =	ssyncset.done $0x0  }
0x100: {  	s12 =	rddreg [dreg:$0xb];
	[sflag:s29] =	ssyncadd.s32 $0xFFFFE000  }
0x101: {  	[hbm4b:s12+s20] =	stream.linear.scatter [tilespmem:s30], [sflag:$0x3], $0x2000, $0x38;
	[tilespmem:$0x1D400] =	vst v63  }
0x102: {  	_ =	swait.ge [sflag:s6], $0x200  }
0x103: {  	[sflag:s6] =	ssyncset.done $0x0  }
0x104: {  	[sflag:s6] =	ssyncadd.s32 $0xFFFFFE00  }
0x105: {  	_ =	swait.ge [sflag:s10], $0x2000  }
0x106: {  	[sflag:s10] =	ssyncset.done $0x0  }
0x107: {  	[sflag:s10] =	ssyncadd.s32 $0xFFFFE000  }
0x108: {  	[tilespmem:s14], [sflag:$0x5] =	stream.indirect.gather [spmem:s1], $0x10, s31, s31, $0xb8;
	[tilespmem:$0x1D400] =	vst v63  }
.Ltmp5:
0x109: {  	_ = 	snop;
	(pc) =	sbr.rel .LBB2_12-.Ltmp5, $4  }
0x10a: {  	_ =	swait.ge [sflag:s29], $0x2000  }
0x10b: {  	[sflag:s29] =	ssyncset.done $0x0  }
0x10c: {  	[sflag:s29] =	ssyncadd.s32 $0xFFFFE000  }
0x10d: {  	[hbm4b:s18+s20] =	stream.linear.scatter [tilespmem:s14], [sflag:$0x4], $0x2000, $0x38;
	[tilespmem:$0x1D400] =	vst v63  }
.LBB2_7:
0x10e: {  	[tilespmem:s30], [sflag:$0x1] =	stream.linear.gather [hbm4b:s3+s12], $0x2000, $0x38;
	[tilespmem:$0x1D400] =	vst v63  }
0x10f: {  	s15 =	sadd.s32 $0xFFFFFFC0, s25;
	s13 =	sadd.s32 $0x0, s3  }
0x110: {  	[tilespmem:s31], [sflag:$0x2] =	stream.linear.gather [hbm4b:s15+s20], $0x200, $0x38;
	[tilespmem:$0x1D400] =	vst v63  }
0x111: {  	s16 =	sadd.s32 $0x400, s13  }
0x112: {  	[tilespmem:s14], [sflag:$0x2] =	stream.linear.gather [hbm4b:s16+s20], $0x2000, $0x38;
	[tilespmem:$0x1D400] =	vst v63  }
0x113: {  	_ =	swait.ge [sflag:s0], $0x200  }
0x114: {  	[sflag:s0] =	ssyncset.done $0x0  }
0x115: {  	[sflag:s0] =	ssyncadd.s32 $0xFFFFFE00  }
0x116: {  	_ =	swait.ge [sflag:s0], $0x2000  }
0x117: {  	[sflag:s0] =	ssyncset.done $0x0  }
0x118: {  	[sflag:s0] =	ssyncadd.s32 $0xFFFFE000  }
0x119: {  	[spmem:s1] =	stream.indirect.scatter.add.f32 [tilespmem:s30], [sflag:$0x5], $0x10, s20, s31, $0xb8;
	[tilespmem:$0x1D400] =	vst v63  }
0x11a: {  	_ =	swait.ge [sflag:s29], $0x2000  }
0x11b: {  	[sflag:s29] =	ssyncset.done $0x0  }
0x11c: {  	[sflag:s29] =	ssyncadd.s32 $0xFFFFE000  }
0x11d: {  	[tilespmem:s20], [sflag:$0x1] =	stream.linear.gather [hbm4b:s25+s20], $0x200, $0x38;
	[tilespmem:$0x1D400] =	vst v63  }
0x11e: {  	s17 =	sadd.s32 $0x800, s13  }
0x11f: {  	[tilespmem:s30], [sflag:$0x1] =	stream.linear.gather [hbm4b:s17+s20], $0x2000, $0x38;
	[tilespmem:$0x1D400] =	vst v63  }
0x120: {  	_ =	swait.ge [sflag:s6], $0x200  }
0x121: {  	[sflag:s6] =	ssyncset.done $0x0  }
0x122: {  	[sflag:s6] =	ssyncadd.s32 $0xFFFFFE00  }
0x123: {  	_ =	swait.ge [sflag:s6], $0x2000  }
0x124: {  	[sflag:s6] =	ssyncset.done $0x0  }
0x125: {  	[sflag:s6] =	ssyncadd.s32 $0xFFFFE000  }
0x126: {  	[spmem:s1] =	stream.indirect.scatter.add.f32 [tilespmem:s14], [sflag:$0x5], $0x10, s31, s31, $0xb8;
	[tilespmem:$0x1D400] =	vst v63  }
0x127: {  	s12 =	sadd.s32 $0x80, s25;
	_ =	swait.ge [sflag:s29], $0x2000  }
0x128: {  	s13 =	simm.s32 $0x800;
	s15 =	simm.s32 $0x1000;
	[sflag:s29] =	ssyncset.done $0x0  }
.LBB2_8:
0x129: {  	s16 =	sadd.s32 $0xFFFFFFC0, s12  }
0x12a: {  	s17 =	sadd.s32 s13, s3;
	[sflag:s29] =	ssyncadd.s32 $0xFFFFE000;
	s13 =	smov.u32 s15  }
0x12b: {  	[tilespmem:s31], [sflag:$0x2] =	stream.linear.gather [hbm4b:s16+s20], $0x200, $0x38;
	[tilespmem:$0x1D400] =	vst v63  }
0x12c: {  	p1 =	seq.s32 s15, $0x31000;
	s15 =	sadd.s32 $0x800, s15;
	s16 =	sadd.s32 $0x400, s17  }
0x12d: {  	[tilespmem:s14], [sflag:$0x2] =	stream.linear.gather [hbm4b:s16+s20], $0x2000, $0x38;
	[tilespmem:$0x1D400] =	vst v63  }
0x12e: {  	_ =	swait.ge [sflag:s0], $0x200  }
0x12f: {  	[sflag:s0] =	ssyncset.done $0x0  }
0x130: {  	[sflag:s0] =	ssyncadd.s32 $0xFFFFFE00  }
0x131: {  	_ =	swait.ge [sflag:s0], $0x2000  }
0x132: {  	[sflag:s0] =	ssyncset.done $0x0  }
0x133: {  	[sflag:s0] =	ssyncadd.s32 $0xFFFFE000  }
0x134: {  	[spmem:s1] =	stream.indirect.scatter.add.f32 [tilespmem:s30], [sflag:$0x5], $0x10, s20, s31, $0xb8;
	[tilespmem:$0x1D400] =	vst v63  }
0x135: {  	_ =	swait.ge [sflag:s29], $0x2000  }
0x136: {  	[sflag:s29] =	ssyncset.done $0x0  }
0x137: {  	[sflag:s29] =	ssyncadd.s32 $0xFFFFE000  }
0x138: {  	[tilespmem:s20], [sflag:$0x1] =	stream.linear.gather [hbm4b:s12+s20], $0x200, $0x38;
	[tilespmem:$0x1D400] =	vst v63  }
0x139: {  	s16 =	sadd.s32 $0x800, s17  }
0x13a: {  	[tilespmem:s30], [sflag:$0x1] =	stream.linear.gather [hbm4b:s16+s20], $0x2000, $0x38;
	[tilespmem:$0x1D400] =	vst v63  }
0x13b: {  	_ =	swait.ge [sflag:s6], $0x200  }
0x13c: {  	[sflag:s6] =	ssyncset.done $0x0  }
0x13d: {  	[sflag:s6] =	ssyncadd.s32 $0xFFFFFE00  }
0x13e: {  	_ =	swait.ge [sflag:s6], $0x2000  }
.Ltmp6:
0x13f: {  	[sflag:s6] =	ssyncset.done $0x0;
	(pc) =	sbr.rel @!p1 .LBB2_8-.Ltmp6, $4  }
0x140: {  	[sflag:s6] =	ssyncadd.s32 $0xFFFFE000  }
0x141: {  	[spmem:s1] =	stream.indirect.scatter.add.f32 [tilespmem:s14], [sflag:$0x5], $0x10, s31, s31, $0xb8;
	[tilespmem:$0x1D400] =	vst v63  }
0x142: {  	_ =	swait.ge [sflag:s29], $0x2000  }
0x143: {  	s12 =	sadd.s32 $0x80, s12;
	[sflag:s29] =	ssyncset.done $0x0  }
0x144: {  	s15 =	sadd.s32 $0xFFFFFFC0, s12;
	s13 =	sadd.s32 s13, s3;
	[sflag:s29] =	ssyncadd.s32 $0xFFFFE000  }
0x145: {  	[tilespmem:s31], [sflag:$0x2] =	stream.linear.gather [hbm4b:s15+s20], $0x200, $0x38;
	[tilespmem:$0x1D400] =	vst v63  }
0x146: {  	s17 =	sadd.s32 $0x400, s13  }
0x147: {  	[tilespmem:s14], [sflag:$0x2] =	stream.linear.gather [hbm4b:s17+s20], $0x2000, $0x38;
	[tilespmem:$0x1D400] =	vst v63  }
0x148: {  	_ =	swait.ge [sflag:s0], $0x200  }
0x149: {  	[sflag:s0] =	ssyncset.done $0x0  }
0x14a: {  	[sflag:s0] =	ssyncadd.s32 $0xFFFFFE00  }
0x14b: {  	_ =	swait.ge [sflag:s0], $0x2000  }
0x14c: {  	[sflag:s0] =	ssyncset.done $0x0  }
0x14d: {  	[sflag:s0] =	ssyncadd.s32 $0xFFFFE000  }
0x14e: {  	[spmem:s1] =	stream.indirect.scatter.add.f32 [tilespmem:s30], [sflag:$0x5], $0x10, s20, s31, $0xb8;
	[tilespmem:$0x1D400] =	vst v63  }
0x14f: {  	_ =	swait.ge [sflag:s29], $0x2000  }
0x150: {  	[sflag:s29] =	ssyncset.done $0x0  }
0x151: {  	[sflag:s29] =	ssyncadd.s32 $0xFFFFE000  }
0x152: {  	[tilespmem:s20], [sflag:$0x1] =	stream.linear.gather [hbm4b:s12+s20], $0x200, $0x38;
	[tilespmem:$0x1D400] =	vst v63  }
0x153: {  	s13 =	sadd.s32 $0x800, s13  }
0x154: {  	[tilespmem:s30], [sflag:$0x1] =	stream.linear.gather [hbm4b:s13+s20], $0x2000, $0x38;
	[tilespmem:$0x1D400] =	vst v63  }
0x155: {  	_ =	swait.ge [sflag:s6], $0x200  }
0x156: {  	[sflag:s6] =	ssyncset.done $0x0  }
0x157: {  	[sflag:s6] =	ssyncadd.s32 $0xFFFFFE00  }
0x158: {  	_ =	swait.ge [sflag:s6], $0x2000  }
0x159: {  	[sflag:s6] =	ssyncset.done $0x0  }
0x15a: {  	[sflag:s6] =	ssyncadd.s32 $0xFFFFE000  }
0x15b: {  	[spmem:s1] =	stream.indirect.scatter.add.f32 [tilespmem:s14], [sflag:$0x5], $0x10, s31, s31, $0xb8;
	[tilespmem:$0x1D400] =	vst v63  }
0x15c: {  	_ =	swait.ge [sflag:s29], $0x2000  }
0x15d: {  	[sflag:s29] =	ssyncset.done $0x0  }
0x15e: {  	s12 =	simm.s32 $0x0;
	[sflag:s29] =	ssyncadd.s32 $0xFFFFE000  }
0x15f: {  	[tilespmem:s31], [sflag:$0x2] =	stream.linear.gather [hbm4b:s5+s12], $0x200, $0x38;
	[tilespmem:$0x1D400] =	vst v63  }
0x160: {  	s15 =	rddreg [dreg:$0x3]  }
0x161: {  	[tilespmem:s14], [sflag:$0x2] =	stream.linear.gather [hbm4b:s15+s12], $0x2000, $0x38;
	[tilespmem:$0x1D400] =	vst v63  }
0x162: {  	_ =	swait.ge [sflag:s0], $0x200  }
0x163: {  	[sflag:s0] =	ssyncset.done $0x0  }
0x164: {  	[sflag:s0] =	ssyncadd.s32 $0xFFFFFE00  }
0x165: {  	_ =	swait.ge [sflag:s0], $0x2000  }
0x166: {  	[sflag:s0] =	ssyncset.done $0x0  }
0x167: {  	[sflag:s0] =	ssyncadd.s32 $0xFFFFE000  }
0x168: {  	[spmem:s1] =	stream.indirect.scatter.add.f32 [tilespmem:s30], [sflag:$0x5], $0x10, s12, s31, $0xb8;
	[tilespmem:$0x1D400] =	vst v63  }
0x169: {  	_ =	swait.ge [sflag:s29], $0x2000  }
0x16a: {  	[sflag:s29] =	ssyncset.done $0x0  }
0x16b: {  	[sflag:s29] =	ssyncadd.s32 $0xFFFFE000  }
0x16c: {  	_ =	swait.ge [sflag:s6], $0x200  }
0x16d: {  	[sflag:s6] =	ssyncset.done $0x0  }
0x16e: {  	[sflag:s6] =	ssyncadd.s32 $0xFFFFFE00  }
0x16f: {  	_ =	swait.ge [sflag:s6], $0x2000  }
0x170: {  	[sflag:s6] =	ssyncset.done $0x0  }
0x171: {  	[sflag:s6] =	ssyncadd.s32 $0xFFFFE000  }
0x172: {  	[spmem:s1] =	stream.indirect.scatter.add.f32 [tilespmem:s14], [sflag:$0x5], $0x10, s31, s31, $0xb8;
	[tilespmem:$0x1D400] =	vst v63  }
0x173: {  	_ =	swait.ge [sflag:s29], $0x2000  }
0x174: {  	[sflag:s29] =	ssyncset.done $0x0  }
0x175: {  	[sflag:s29] =	ssyncadd.s32 $0xFFFFE000  }
0x176: {  	[bflag:$0x0] =	sbarrier.arrive $0xFFFF  }
0x177: {  	[tilespmem:s12], [sflag:$0x1] =	stream.linear.gather [hbm4b:s2+s12], $0x200, $0x38;
	[tilespmem:$0x1D400] =	vst v63  }
0x178: {  	_ = 	snop  }
0x179: {  	[tilespmem:s31], [sflag:$0x2] =	stream.linear.gather [hbm4b:s7+s12], $0x200, $0x38;
	[tilespmem:$0x1D400] =	vst v63  }
0x17a: {  	_ =	swait.ge [sflag:s0], $0x200  }
0x17b: {  	[sflag:s0] =	ssyncset.done $0x0  }
0x17c: {  	[sflag:s0] =	ssyncadd.s32 $0xFFFFFE00  }
0x17d: {  	[tilespmem:s30], [sflag:$0x5] =	stream.indirect.gather [spmem:s1], $0x10, s12, s31, $0xb8;
	[tilespmem:$0x1D400] =	vst v63  }
0x17e: {  	_ =	swait.ge [sflag:s29], $0x2000  }
0x17f: {  	[sflag:s29] =	ssyncset.done $0x0  }
0x180: {  	s16 =	rddreg [dreg:$0x4];
	[sflag:s29] =	ssyncadd.s32 $0xFFFFE000  }
0x181: {  	[hbm4b:s16+s12] =	stream.linear.scatter [tilespmem:s30], [sflag:$0x3], $0x2000, $0x38;
	[tilespmem:$0x1D400] =	vst v63  }
0x182: {  	_ = 	snop  }
0x183: {  	[tilespmem:s12], [sflag:$0x1] =	stream.linear.gather [hbm4b:s9+s12], $0x200, $0x38;
	[tilespmem:$0x1D400] =	vst v63  }
0x184: {  	_ =	swait.ge [sflag:s6], $0x200  }
0x185: {  	[sflag:s6] =	ssyncset.done $0x0  }
0x186: {  	[sflag:s6] =	ssyncadd.s32 $0xFFFFFE00  }
0x187: {  	[tilespmem:s14], [sflag:$0x5] =	stream.indirect.gather [spmem:s1], $0x10, s31, s31, $0xb8;
	[tilespmem:$0x1D400] =	vst v63  }
0x188: {  	_ =	swait.ge [sflag:s29], $0x2000  }
0x189: {  	[sflag:s29] =	ssyncset.done $0x0  }
0x18a: {  	s17 =	rddreg [dreg:$0x5];
	[sflag:s29] =	ssyncadd.s32 $0xFFFFE000  }
0x18b: {  	[hbm4b:s17+s12] =	stream.linear.scatter [tilespmem:s14], [sflag:$0x4], $0x2000, $0x38;
	[tilespmem:$0x1D400] =	vst v63  }
0x18c: {  	s15 =	sadd.s32 $0xFFFFFFC0, s26  }
0x18d: {  	[tilespmem:s31], [sflag:$0x2] =	stream.linear.gather [hbm4b:s15+s20], $0x200, $0x38;
	[tilespmem:$0x1D400] =	vst v63  }
0x18e: {  	_ =	swait.ge [sflag:s0], $0x200  }
0x18f: {  	[sflag:s0] =	ssyncset.done $0x0  }
0x190: {  	[sflag:s0] =	ssyncadd.s32 $0xFFFFFE00  }
0x191: {  	_ =	swait.ge [sflag:s8], $0x2000  }
0x192: {  	[sflag:s8] =	ssyncset.done $0x0  }
0x193: {  	[sflag:s8] =	ssyncadd.s32 $0xFFFFE000  }
0x194: {  	[tilespmem:s30], [sflag:$0x5] =	stream.indirect.gather [spmem:s1], $0x10, s20, s31, $0xb8;
	[tilespmem:$0x1D400] =	vst v63  }
0x195: {  	_ =	swait.ge [sflag:s29], $0x2000  }
0x196: {  	s16 =	sadd.s32 $0x0, s19;
	[sflag:s29] =	ssyncset.done $0x0  }
0x197: {  	s17 =	sadd.s32 $0x800, s16;
	[sflag:s29] =	ssyncadd.s32 $0xFFFFE000  }
0x198: {  	[hbm4b:s17+s20] =	stream.linear.scatter [tilespmem:s30], [sflag:$0x3], $0x2000, $0x38;
	[tilespmem:$0x1D400] =	vst v63  }
0x199: {  	_ = 	snop  }
0x19a: {  	[tilespmem:s20], [sflag:$0x1] =	stream.linear.gather [hbm4b:s26+s20], $0x200, $0x38;
	[tilespmem:$0x1D400] =	vst v63  }
0x19b: {  	_ =	swait.ge [sflag:s6], $0x200  }
0x19c: {  	[sflag:s6] =	ssyncset.done $0x0  }
0x19d: {  	[sflag:s6] =	ssyncadd.s32 $0xFFFFFE00  }
0x19e: {  	_ =	swait.ge [sflag:s10], $0x2000  }
0x19f: {  	[sflag:s10] =	ssyncset.done $0x0  }
0x1a0: {  	[sflag:s10] =	ssyncadd.s32 $0xFFFFE000  }
0x1a1: {  	[tilespmem:s14], [sflag:$0x5] =	stream.indirect.gather [spmem:s1], $0x10, s31, s31, $0xb8;
	[tilespmem:$0x1D400] =	vst v63  }
0x1a2: {  	_ =	swait.ge [sflag:s29], $0x2000  }
0x1a3: {  	s13 =	sadd.s32 $0x80, s26;
	[sflag:s29] =	ssyncset.done $0x0  }
0x1a4: {  	s12 =	simm.s32 $0x800;
	s15 =	sadd.s32 $0xC00, s16;
	[sflag:s29] =	ssyncadd.s32 $0xFFFFE000  }
.LBB2_10:
0x1a5: {  	[hbm4b:s15+s20] =	stream.linear.scatter [tilespmem:s14], [sflag:$0x4], $0x2000, $0x38;
	[tilespmem:$0x1D400] =	vst v63  }
0x1a6: {  	s15 =	smov.u32 s12  }
0x1a7: {  	s16 =	sadd.s32 $0xFFFFFFC0, s13;
	p1 =	seq.s32 s12, $0x30800;
	s12 =	sadd.s32 $0x800, s12  }
0x1a8: {  	[tilespmem:s31], [sflag:$0x2] =	stream.linear.gather [hbm4b:s16+s20], $0x200, $0x38;
	[tilespmem:$0x1D400] =	vst v63  }
0x1a9: {  	_ =	swait.ge [sflag:s0], $0x200  }
0x1aa: {  	[sflag:s0] =	ssyncset.done $0x0  }
0x1ab: {  	[sflag:s0] =	ssyncadd.s32 $0xFFFFFE00  }
0x1ac: {  	_ =	swait.ge [sflag:s8], $0x2000  }
0x1ad: {  	[sflag:s8] =	ssyncset.done $0x0  }
0x1ae: {  	[sflag:s8] =	ssyncadd.s32 $0xFFFFE000  }
0x1af: {  	[tilespmem:s30], [sflag:$0x5] =	stream.indirect.gather [spmem:s1], $0x10, s20, s31, $0xb8;
	[tilespmem:$0x1D400] =	vst v63  }
0x1b0: {  	_ =	swait.ge [sflag:s29], $0x2000  }
0x1b1: {  	s15 =	sadd.s32 s15, s19;
	[sflag:s29] =	ssyncset.done $0x0  }
0x1b2: {  	s16 =	sadd.s32 $0x800, s15;
	[sflag:s29] =	ssyncadd.s32 $0xFFFFE000  }
0x1b3: {  	[hbm4b:s16+s20] =	stream.linear.scatter [tilespmem:s30], [sflag:$0x3], $0x2000, $0x38;
	[tilespmem:$0x1D400] =	vst v63  }
0x1b4: {  	_ = 	snop  }
0x1b5: {  	[tilespmem:s20], [sflag:$0x1] =	stream.linear.gather [hbm4b:s13+s20], $0x200, $0x38;
	[tilespmem:$0x1D400] =	vst v63  }
0x1b6: {  	_ =	swait.ge [sflag:s6], $0x200  }
0x1b7: {  	[sflag:s6] =	ssyncset.done $0x0  }
0x1b8: {  	[sflag:s6] =	ssyncadd.s32 $0xFFFFFE00  }
0x1b9: {  	_ =	swait.ge [sflag:s10], $0x2000  }
0x1ba: {  	[sflag:s10] =	ssyncset.done $0x0  }
.Ltmp7:
0x1bb: {  	[sflag:s10] =	ssyncadd.s32 $0xFFFFE000;
	(pc) =	sbr.rel @!p1 .LBB2_10-.Ltmp7, $4  }
0x1bc: {  	[tilespmem:s14], [sflag:$0x5] =	stream.indirect.gather [spmem:s1], $0x10, s31, s31, $0xb8;
	[tilespmem:$0x1D400] =	vst v63  }
0x1bd: {  	_ =	swait.ge [sflag:s29], $0x2000  }
0x1be: {  	[sflag:s29] =	ssyncset.done $0x0  }
0x1bf: {  	s15 =	sadd.s32 $0xC00, s15;
	s13 =	sadd.s32 $0x80, s13;
	[sflag:s29] =	ssyncadd.s32 $0xFFFFE000  }
.Ltmp8:
0x1c0: {  	_ = 	snop;
	(pc) =	sbr.rel .LBB2_11-.Ltmp8, $1  }
0x1c1: {  	_ =	sdelay $0x3  }
.LBB2_13:
0x1c2: {  	_ =	sfence.sel $0x180000  }
0x1c3: {  	[bflag:$0x0] =	sbarrier.arrive $0xFFFF  }
0x1c4: {  	_ =	strace $0x9000004A  }
0x1c5: {  	s0 =	stileid.u32;
	[bflag:$0x2] =	sbarrier.arrive $0xFFFF  }
0x1c6: {  	p0 =	sne.s32 s0, $0x0;
	s0 =	rddreg [dreg:$0x2]  }
0x1c7: {  	s0 =	sadd.s32 @!p0 $0x100000, s0  }
0x1c8: {  	[sflag:s0] =	ssyncadd.tile.s32 @!p0 $0x1;
	_ =	shalt  }
.Lfunc_end2:
_tile_overlayer_lowered:
.L_overlay_start_2:
0x1c9: {  	(tag) =	ssettag $0x2  }
0x1ca: {  	s0 =	rddreg [dreg:$0x0];
	s2 =	stileid.u32  }
0x1cb: {  	s1 =	rddreg [dreg:$0x1];
	p0 =	sne.s32 s2, $0x0  }
0x1cc: {  	s3 =	rddreg [dreg:$0x2];
	[bflag:$0x3] =	sbarrier.arrive $0xFFFF;
	s2 =	simm.s32 @!p0 $0x1C05  }
0x1cd: {  	[timem:s3], [sflag:s2] =	dma.local @!p0 [hbm:s0], s1  }
0x1ce: {  	s0 =	simm.s32 @!p0 $0x5  }
0x1cf: {  	_ =	swait.ge @!p0 [sflag:s0], s1  }
0x1d0: {  	s1 =	ssub.s32 @!p0 $0x0, s1;
	[sflag:s0] =	ssyncset.done @!p0 $0x0  }
0x1d1: {  	[sflag:s0] =	ssyncadd.s32 @!p0 s1  }
0x1d2: {  	[bflag:$0x3] =	sbarrier.arrive $0xFFFF  }
0x1d3: {  	_ =	shalt  }

// kernel: kernel.14.cloned.1.call-start
scs
__scs_entry_jumppad:
0x0: {  	(pc) =	sbr.rel $0x88, $3  }
0x1: {  	(tag) =	ssettag $0x0;
	lr =	simm.s32 $0x1  }
0x2: {  	[smem:$0x3F87] =	sst lr;
	_ =	strace $0xD0000000  }
0x3: {  	_ = 	snop  }
0x4: {  	_ = 	snop  }
0x5: {  	_ = 	snop  }
0x6: {  	_ = 	snop  }
0x7: {  	_ = 	snop  }
__scs_overlays_trampoline_lowered:
0x8: {  	[smem:$0x3F96] =	sst s0  }
0x9: {  	[smem:$0x3F97] =	sst s1  }
0xa: {  	[smem:$0x3F98] =	sst s2  }
0xb: {  	[smem:$0x3F99] =	sst s3  }
0xc: {  	[smem:$0x3F9A] =	sst s4  }
0xd: {  	[smem:$0x3F9B] =	sst s5  }
0xe: {  	[smem:$0x3F9C] =	sst s6  }
0xf: {  	[smem:$0x3F9D] =	sst s7  }
0x10: {  	[smem:$0x3F9E] =	sst s8  }
0x11: {  	[smem:$0x3F9F] =	sst s9;
	s0 =	simm.s32 @!p0 $0x0  }
0x12: {  	s1 =	sld [smem:$0x3F85];
	s0 =	simm.s32 @p0 $0x1  }
0x13: {  	[smem:$0x3FA0] =	sst s0;
	s0 =	simm.s32 @!p1 $0x0  }
0x14: {  	s2 =	sld [smem:$0x3F84];
	s0 =	simm.s32 @p1 $0x1  }
0x15: {  	[smem:$0x3FA1] =	sst s0;
	s0 =	simm.s32 @!p2 $0x0  }
0x16: {  	s3 =	sld [smem:$0x3FDB];
	s0 =	simm.s32 @p2 $0x1  }
0x17: {  	s4 =	simm.s32 $0x1BF5;
	[smem:$0x3FA3] =	sst s0  }
0x18: {  	s0 =	sld [smem:$0x3F86];
	_ =	swait.ge [sflag:s4], $0x0  }
0x19: {  	s7 =	sld [smem:$0x3F87]  }
0x1a: {  	s8 =	sadd.s32 $0xFFFFE003, lr  }
0x1b: {  	s9 =	sadd.s32 $0xFFFFFEF7, lr;
	s5 =	simm.s32 $0xFFFFFFFF;
	p2 =	slt.u32 s8, $0xFFFFF086  }
0x1c: {  	p1 =	slt.u32 s9, $0xF7A;
	s5 =	simm.s32 @!p2 $0x0  }
0x1d: {  	s5 =	simm.s32 @p1 $0x1;
	p0 =	seq.s32 s7, s2  }
0x1e: {  	s7 =	smul.u32 @!p0 $0xF7A, s2;
	p2 =	seq.s32 @!p0 s5, $0x0  }
0x1f: {  	s9 =	smul.u32 $0xF7A, s1;
	s8 =	simm.s32 @!p0 $0x1BF5;
	p2 =	por !p2, p0  }
0x20: {  	[sflag:s8] =	ssyncset.s32 @!p0 $0xFFFFF086;
	s6 =	sadd.s32 @!p0 s3, s7;
	s7 =	simm.s32 @!p0 $0x108  }
0x21: {  	s3 =	sadd.s32 s3, s9;
	s6 =	sadd.s32 @!p0 $0x88, s6;
	s7 =	simm.s32 @p2 $0x1082  }
0x22: {  	[simem:s7], [sflag:s8] =	dma.local @!p0 [hbm:s6], $0xF7A  }
0x23: {  	s9 =	sor.u32 $0xD0000000, s2;
	s6 =	simm.s32 $0x108;
	_ =	swait.ge @!p0 [sflag:s8], $0x0  }
0x24: {  	s3 =	sadd.s32 $0x88, s3;
	s6 =	simm.s32 @!p1 $0x1082;
	[sflag:s4] =	ssyncset.s32 $0xFFFFF086  }
0x25: {  	[simem:s6], [sflag:s4] =	dma.local [hbm:s3], $0xF7A  }
0x26: {  	[smem:$0x3F87] =	sst s1;
	(tag) =	ssettag s2;
	_ =	strace s9  }
0x27: {  	s1 =	sld [smem:$0x3F97]  }
0x28: {  	s2 =	sld [smem:$0x3F98]  }
0x29: {  	s4 =	sld [smem:$0x3F9A]  }
0x2a: {  	p0 =	seq.s32 s5, $0x0;
	s5 =	sld [smem:$0x3F9B]  }
0x2b: {  	s6 =	sld [smem:$0x3F9C]  }
0x2c: {  	s7 =	sld [smem:$0x3F9D]  }
0x2d: {  	s3 =	simm.s32 $0x108;
	s8 =	sld [smem:$0x3F9E]  }
0x2e: {  	s3 =	simm.s32 @!p0 $0x1082;
	s9 =	sld [smem:$0x3F9F]  }
0x2f: {  	lr =	sadd.s32 s0, s3;
	s0 =	sld [smem:$0x3F96]  }
0x30: {  	s3 =	sld [smem:$0x3F99]  }
0x31: {  	[smem:$0x3FA2] =	sst s10  }
0x32: {  	s10 =	sld [smem:$0x3FA0];
	_ =	sdelay $0x3  }
0x33: {  	p0 =	seq.s32 s10, $0x1;
	s10 =	sld [smem:$0x3FA2];
	_ =	sdelay $0x3  }
0x34: {  	[smem:$0x3FA2] =	sst s10  }
0x35: {  	s10 =	sld [smem:$0x3FA1];
	_ =	sdelay $0x3  }
0x36: {  	p1 =	seq.s32 s10, $0x1;
	s10 =	sld [smem:$0x3FA2];
	_ =	sdelay $0x3  }
0x37: {  	[smem:$0x3FA2] =	sst s10  }
0x38: {  	s10 =	sld [smem:$0x3FA3]  }
0x39: {  	_ = 	snop;
	(pc) =	sbr.ind lr, $3  }
0x3a: {  	_ = 	snop  }
0x3b: {  	_ = 	snop  }
0x3c: {  	p2 =	seq.s32 s10, $0x1;
	s10 =	sld [smem:$0x3FA2]  }
0x3d: {  	_ =	shalt  }
0x3e: {  	_ =	shalt  }
0x3f: {  	_ =	shalt  }
0x40: {  	_ =	shalt  }
0x41: {  	_ =	shalt  }
0x42: {  	_ =	shalt  }
0x43: {  	_ =	shalt  }
0x44: {  	_ =	shalt  }
0x45: {  	_ =	shalt  }
0x46: {  	_ =	shalt  }
0x47: {  	_ =	shalt  }
0x48: {  	_ =	shalt  }
0x49: {  	_ =	shalt  }
0x4a: {  	_ =	shalt  }
0x4b: {  	_ =	shalt  }
0x4c: {  	_ =	shalt  }
0x4d: {  	_ =	shalt  }
0x4e: {  	_ =	shalt  }
0x4f: {  	_ =	shalt  }
0x50: {  	_ =	shalt  }
0x51: {  	_ =	shalt  }
0x52: {  	_ =	shalt  }
0x53: {  	_ =	shalt  }
0x54: {  	_ =	shalt  }
0x55: {  	_ =	shalt  }
0x56: {  	_ =	shalt  }
0x57: {  	_ =	shalt  }
0x58: {  	_ =	shalt  }
0x59: {  	_ =	shalt  }
0x5a: {  	_ =	shalt  }
0x5b: {  	_ =	shalt  }
0x5c: {  	_ =	shalt  }
0x5d: {  	_ =	shalt  }
0x5e: {  	_ =	shalt  }
0x5f: {  	_ =	shalt  }
0x60: {  	_ =	shalt  }
0x61: {  	_ =	shalt  }
0x62: {  	_ =	shalt  }
0x63: {  	_ =	shalt  }
0x64: {  	_ =	shalt  }
0x65: {  	_ =	shalt  }
0x66: {  	_ =	shalt  }
0x67: {  	_ =	shalt  }
0x68: {  	_ =	shalt  }
0x69: {  	_ =	shalt  }
0x6a: {  	_ =	shalt  }
0x6b: {  	_ =	shalt  }
0x6c: {  	_ =	shalt  }
0x6d: {  	_ =	shalt  }
0x6e: {  	_ =	shalt  }
0x6f: {  	_ =	shalt  }
0x70: {  	_ =	shalt  }
0x71: {  	_ =	shalt  }
0x72: {  	_ =	shalt  }
0x73: {  	_ =	shalt  }
0x74: {  	_ =	shalt  }
0x75: {  	_ =	shalt  }
0x76: {  	_ =	shalt  }
0x77: {  	_ =	shalt  }
0x78: {  	_ =	shalt  }
0x79: {  	_ =	shalt  }
0x7a: {  	_ =	shalt  }
0x7b: {  	_ =	shalt  }
0x7c: {  	_ =	shalt  }
0x7d: {  	_ =	shalt  }
0x7e: {  	_ =	shalt  }
0x7f: {  	_ =	shalt  }
0x80: {  	_ =	shalt  }
0x81: {  	_ =	shalt  }
0x82: {  	_ =	shalt  }
0x83: {  	_ =	shalt  }
0x84: {  	_ =	shalt  }
0x85: {  	_ =	shalt  }
0x86: {  	_ =	shalt  }
0x87: {  	_ =	shalt  }
.Lfunc_end0:
.L_simem_size_0:
called_computation.2_lowered:
.L_overlay_start_0:
0x88: {  	s2 =	sld [smem:$0x3FD9]  }
0x89: {  	s3 =	sld [smem:$0x3FFE];
	_ =	sdelay $0x1  }
0x8a: {  	s1 =	srdreg.scid  }
0x8b: {  	s0 =	sand.u32 $0x1, s1  }
0x8c: {  	s17 =	sshll.u32 s0, $0xA;
	s2 =	sadd.s32 s3, s2  }
0x8d: {  	s2 =	sadd.s32 s2, s17  }
0x8e: {  	[smem:$0x3FAE] =	sst s2  }
0x8f: {  	_ = 	snop  }
0x90: {  	s2 =	sld [smem:$0x3FD0];
	(tm) =	ssettm $0x1  }
0x91: {  	s18 =	sld [smem:$0x3FFB];
	_ =	sdelay $0x3  }
0x92: {  	_ =	strace s18  }
0x93: {  	s3 =	sld [smem:$0x3FFC];
	_ =	sdelay $0x3  }
0x94: {  	_ =	strace s3  }
0x95: {  	s3 =	sld [smem:$0x3FFD];
	_ =	sdelay $0x3  }
0x96: {  	_ =	strace s3  }
0x97: {  	_ =	strace $0x8FFFFFFF  }
0x98: {  	s19 =	sld [smem:$0x3FDB];
	_ =	sdelay $0x1  }
0x99: {  	s4 =	simm.s32 $_scs_section_size  }
0x9a: {  	s5 =	simm.s32 $_size__tile_overlayer_lowered;
	s6 =	simm.s32 $_tile_overlayer_lowered  }
0x9b: {  	s22 =	simm.s32 $0x1BFF;
	s21 =	sshll.u32 s6, $0x1;
	s3 =	sadd.s32 s4, s19  }
0x9c: {  	s7 =	simm.s32 $0x0;
	s20 =	sshll.u32 s5, $0x1;
	s5 =	sadd.s32 s21, s3  }
0x9d: {  	[timem:s7], [sflag:s22] =	dma.local [hbm:s5], s20  }
0x9e: {  	_ =	swait.ge [sflag:s22], s20  }
0x9f: {  	s4 =	ssub.s32 $0x0, s20;
	[sflag:s22] =	ssyncset.done $0x0  }
0xa0: {  	[sflag:s22] =	ssyncadd.s32 s4;
	_ =	sdelay $0x1  }
0xa1: {  	s23 =	simm.s32 $0x1B8B  }
0xa2: {  	_ =	swait.ge [sflag:s23], $0x1  }
0xa3: {  	[sflag:s23] =	ssyncset.done $0x0  }
0xa4: {  	s25 =	simm.s32 $0x1B8E;
	s24 =	sld [smem:$0x3FFE];
	[sflag:s23] =	ssyncadd.s32 $0xFFFFFFFF  }
0xa5: {  	s26 =	simm.s32 $execute0_lowered;
	[smem:$0x3FD2] =	sst s25  }
0xa6: {  	s5 =	sshll.u32 s26, $0x1;
	_ =	strace $0x8000004C;
	[dreg:$0x1] =	wrdreg $0xFFFFFFFF  }
0xa7: {  	s28 =	simm.s32 $_size_execute0_lowered;
	s3 =	sadd.s32 s3, s5;
	[dreg:$0x0] =	wrdreg $0x0  }
0xa8: {  	s5 =	sshll.u32 s28, $0x1;
	[dreg:$0x2] =	wrdreg s3  }
0xa9: {  	[dreg:$0x3] =	wrdreg s5  }
0xaa: {  	[dreg:$0x4] =	wrdreg $0xC0  }
0xab: {  	_ =	task [dreg:s7], $0x5FFFF  }
0xac: {  	[dreg:$0x1] =	wrdreg $0xFFFFFFFF  }
0xad: {  	[dreg:$0x0] =	wrdreg $0x60  }
0xae: {  	[dreg:$0x2] =	wrdreg s24  }
0xaf: {  	[dreg:$0x3] =	wrdreg s2  }
0xb0: {  	[dreg:$0x4] =	wrdreg $0x72000  }
0xb1: {  	[dreg:$0x5] =	wrdreg $0x8B000  }
0xb2: {  	[dreg:$0x6] =	wrdreg $0xA4000  }
0xb3: {  	[dreg:$0x7] =	wrdreg $0x9  }
0xb4: {  	_ =	task.clear_ibuf [dreg:s7], $0x8FFFF;
	_ =	strace $0x9000004C  }
0xb5: {  	s29 =	simm.s32 $0x9;
	_ =	strace $0x8000004E  }
0xb6: {  	_ =	swait.ge [sflag:s29], $0x1  }
0xb7: {  	[sflag:s29] =	ssyncadd.s32 $0xFFFFFFFF  }
0xb8: {  	_ =	strace $0x9000004E  }
0xb9: {  	_ =	sfence  }
0xba: {  	s30 =	sld [smem:$0x0];
	_ =	sdelay $0x2  }
0xbb: {  	s31 =	sshll.u32 s1, $0xD;
	s1 =	sshrl.u32 s1, $0x2  }
0xbc: {  	s3 =	sand.u32 $0x4000, s31;
	s1 =	sadd.s32 s1, s30  }
0xbd: {  	s0 =	sor.u32 s3, s0;
	s1 =	sshll.u32 s1, $0x11  }
0xbe: {  	s0 =	sor.u32 s1, s0  }
0xbf: {  	s0 =	sadd.s32 $0x8F2B, s0  }
0xc0: {  	[sflag:s0] =	ssyncadd.remote.s32 $0x1  }
0xc1: {  	_ =	sfence.sel $0xFFFF  }
0xc2: {  	[dreg:$0x0] =	wrdreg $0xFFFFFFFF;
	(pc) =	sbr.abs _section_cstart, $3  }
0xc3: {  	[dreg:$0x1] =	wrdreg $0xFFFFFFFF  }
0xc4: {  	_ =	task.clear_ibuf [dreg:s7], $0x2FFFF;
	_ =	strace $0x9FFFFFFF  }
0xc5: {  	(tm) =	ssettm $0x7FFFFFFF  }
tec
execute0_lowered:
.L_overlay_start_1:
0x0: {  	(tag) =	ssettag $0x1  }
0x1: {  	s0 =	rddreg [dreg:$0x0]  }
0x2: {  	s5 =	rddreg [dreg:$0x1]  }
0x3: {  	s1 =	rddreg [dreg:$0x2]  }
0x4: {  	s2 =	rddreg [dreg:$0x3]  }
0x5: {  	s3 =	rddreg [dreg:$0x4];
	s4 =	simm.s32 $0x0;
	s6 =	srdreg.scid  }
0x6: {  	s14 =	stileid.u32;
	s31 =	simm.s32 $0x5;
	s30 =	simm.s32 $0x2000  }
0x7: {  	[smem:$0x7FF] =	sst s4;
	s9 =	sand.u32 $0x1, s6;
	s19 =	smul.u32 $0x1900, s14  }
0x8: {  	s6 =	sadd.s32 $0x9200, s0;
	s7 =	sadd.s32 $0x329800, s0;
	s15 =	smul.u32 $0x19000, s14  }
0x9: {  	s8 =	sadd.s32 $0x3B200, s0;
	p2 =	slt.u32 s14, $0x8;
	s13 =	smul.u32 $0xC800, s14  }
0xa: {  	s12 =	sshll.u32 s14, $0x6;
	s26 =	smul.u32 $0x3200, s14;
	_ =	strace $0x8000004D  }
0xb: {  	s10 =	ssub.s32 $0x2, s9;
	p1 =	seq.s32 s9, $0x0;
	s9 =	smul.u32 $0xC8000, s9  }
0xc: {  	s20 =	sor.u32 $0x1C05, s12;
	s18 =	sshrl.u32 s10, $0x1;
	p0 =	por !p1, !p1  }
0xd: {  	s16 =	sadd.s32 s19, s1;
	s11 =	sshrl.u32 s19, $0x3;
	[dreg:$0x8] =	wrdreg s20  }
0xe: {  	s17 =	sadd.s32 s19, s2;
	s21 =	sadd.s32 s19, s3;
	s22 =	sshrl.u32 s15, $0x3  }
0xf: {  	s25 =	sor.u32 $0x800, s15;
	s0 =	ssub.s32 s10, s18;
	p0 =	por @!p2 p1, p1  }
0x10: {  	s5 =	sadd.s32 s5, s11;
	s12 =	sadd.s32 s13, s9;
	[dreg:$0xc] =	wrdreg s25  }
0x11: {  	s13 =	sadd.s32 s6, s22;
	s23 =	sadd.s32 s7, s22;
	[dreg:$0x6] =	wrdreg s16  }
0x12: {  	s14 =	sadd.s32 $0x3100, s22;
	s20 =	sshrl.u32 s21, $0x3;
	[dreg:$0x9] =	wrdreg s17  }
0x13: {  	s21 =	sadd.s32 $0x1000, s15;
	s11 =	simm.s32 $0x0;
	[dreg:$0x7] =	wrdreg s5  }
0x14: {  	[dreg:$0xb] =	wrdreg s23;
	s24 =	sshrl.u32 s12, $0x3;
	s0 =	smax.u32 s0, $0x1  }
0x15: {  	s19 =	sadd.s32 s6, s14;
	s23 =	sadd.s32 s26, s7;
	[dreg:$0x12] =	wrdreg s20  }
0x16: {  	[dreg:$0x13] =	wrdreg s21;
	s22 =	sadd.s32 $0x800, s12;
	s28 =	smov.u32 s12  }
0x17: {  	s29 =	sadd.s32 $0x1000, s12;
	s5 =	simm.s32 $0x800;
	[dreg:$0xa] =	wrdreg s13  }
0x18: {  	s20 =	simm.s32 $0x1;
	s21 =	simm.s32 $0x3800;
	[dreg:$0xf] =	wrdreg s0  }
0x19: {  	s18 =	sadd.s32 s8, s24;
	s9 =	sadd.s32 s7, s24;
	[dreg:$0x10] =	wrdreg s19  }
0x1a: {  	s0 =	sadd.s32 s7, s14;
	s24 =	sadd.s32 s26, s6;
	[dreg:$0x14] =	wrdreg s22  }
0x1b: {  	s26 =	smov.u32 s15;
	s19 =	simm.s32 $0x1800;
	[dreg:$0xe] =	wrdreg s9  }
0x1c: {  	s22 =	simm.s32 $0x2;
	s14 =	simm.s32 $0x4000;
	[dreg:$0x11] =	wrdreg s0  }
0x1d: {  	[dreg:$0xd] =	wrdreg s18;
	s25 =	sadd.s32 $0x1800, s18;
	s0 =	simm.s32 $0x1000  }
0x1e: {  	v0 =	vimm.f32 $1.000000000e+00;
	s18 =	simm.s32 $0x2800;
	[dreg:$0x15] =	wrdreg s25;
	s25 =	simm.s32 $0x3000  }
.LBB2_1:
0x1f: {  	[dreg:$0x16] =	wrdreg s11  }
0x20: {  	s10 =	rddreg [dreg:$0x7]  }
0x21: {  	s9 =	sshrl.u32 s16, $0x3;
	s11 =	rddreg [dreg:$0x8]  }
0x22: {  	[spmem:s9], [sflag:s11] =	dma.local [hbm:s10], $0x320  }
0x23: {  	_ =	swait.ge [sflag:s31], $0x320  }
0x24: {  	[sflag:s31] =	ssyncset.done $0x0  }
0x25: {  	s12 =	sshrl.u32 s17, $0x3;
	[sflag:s31] =	ssyncadd.s32 $0xFFFFFCE0  }
0x26: {  	[spmem:s12], [sflag:s11] =	dma.local [hbm:s10], $0x320  }
0x27: {  	_ =	swait.ge [sflag:s31], $0x320  }
0x28: {  	[sflag:s31] =	ssyncset.done $0x0  }
0x29: {  	s15 =	rddreg [dreg:$0x12];
	[sflag:s31] =	ssyncadd.s32 $0xFFFFFCE0  }
0x2a: {  	[spmem:s15], [sflag:s11] =	dma.local [hbm:s10], $0x320  }
0x2b: {  	_ =	swait.ge [sflag:s31], $0x320  }
0x2c: {  	[sflag:s31] =	ssyncset.done $0x0  }
0x2d: {  	s9 =	simm.s32 $0x40;
	s10 =	simm.s32 $0x0;
	[sflag:s31] =	ssyncadd.s32 $0xFFFFFCE0  }
.LBB2_2:
0x2e: {  	p1 =	sne.s32 s9, $0x1FC0;
	[tilespmem:s10+$0x3800] =	vst v0;
	s10 =	smov.u32 s9;
	s9 =	sadd.s32 $0x40, s9  }
.Ltmp0:
0x2f: {  	(pc) =	sbr.rel @p1 .LBB2_2-.Ltmp0, $2  }
0x30: {  	_ =	sdelay $0x2  }
0x31: {  	s10 =	sshra.s32 s10, $0x2  }
0x32: {  	[tilespmem:s10+$0x3800] =	vst v0  }
0x33: {  	[bflag:$0x0] =	sbarrier.arrive $0xFFFF  }
0x34: {  	[tilespmem:s4], [sflag:$0x1] =	stream.linear.gather [hbm4b:s13+s4], $0x800, $0x38;
	[tilespmem:$0xBD00] =	vst v63  }
0x35: {  	s9 =	rddreg [dreg:$0xb]  }
0x36: {  	[tilespmem:s0], [sflag:$0x1] =	stream.linear.gather [hbm4b:s9+s4], $0x800, $0x38;
	[tilespmem:$0xBD00] =	vst v63  }
0x37: {  	s9 =	sadd.s32 $0xFFFFD000, s24  }
0x38: {  	s11 =	sadd.s32 $0xFFFFD000, s23;
	s15 =	sadd.s32 $0x3100, s9  }
0x39: {  	[tilespmem:s5], [sflag:$0x2] =	stream.linear.gather [hbm4b:s15+s4], $0x800, $0x38;
	[tilespmem:$0xBD00] =	vst v63  }
0x3a: {  	s12 =	sadd.s32 $0x3100, s11  }
0x3b: {  	[tilespmem:s19], [sflag:$0x2] =	stream.linear.gather [hbm4b:s12+s4], $0x800, $0x38;
	[tilespmem:$0xBD00] =	vst v63  }
0x3c: {  	_ =	swait.ge [sflag:s20], $0x800  }
0x3d: {  	[sflag:s20] =	ssyncset.done $0x0  }
0x3e: {  	[sflag:s20] =	ssyncadd.s32 $0xFFFFF800  }
0x3f: {  	_ =	swait.ge [sflag:s20], $0x800  }
0x40: {  	[sflag:s20] =	ssyncset.done $0x0  }
0x41: {  	[sflag:s20] =	ssyncadd.s32 $0xFFFFF800  }
0x42: {  	[spmem:s1] =	stream.indirect.scatter.add.f32 [tilespmem:s4], [sflag:$0x5], $0x1, s0, s5, $0xb8;
	[tilespmem:$0xBD00] =	vst v63  }
0x43: {  	_ =	swait.ge [sflag:s31], $0x800  }
0x44: {  	[sflag:s31] =	ssyncset.done $0x0  }
0x45: {  	[sflag:s31] =	ssyncadd.s32 $0xFFFFF800  }
0x46: {  	[spmem:s2] =	stream.indirect.scatter.add.f32 [tilespmem:s21], [sflag:$0x5], $0x1, s0, s5, $0xb8;
	[tilespmem:$0xBD00] =	vst v63  }
0x47: {  	_ =	swait.ge [sflag:s31], $0x800  }
0x48: {  	[sflag:s31] =	ssyncset.done $0x0  }
0x49: {  	s9 =	sadd.s32 $0x3200, s9;
	[sflag:s31] =	ssyncadd.s32 $0xFFFFF800  }
0x4a: {  	[tilespmem:s4], [sflag:$0x1] =	stream.linear.gather [hbm4b:s9+s4], $0x800, $0x38;
	[tilespmem:$0xBD00] =	vst v63  }
0x4b: {  	s15 =	sadd.s32 $0x3200, s11  }
0x4c: {  	[tilespmem:s0], [sflag:$0x1] =	stream.linear.gather [hbm4b:s15+s4], $0x800, $0x38;
	[tilespmem:$0xBD00] =	vst v63  }
0x4d: {  	_ =	swait.ge [sflag:s22], $0x800  }
0x4e: {  	[sflag:s22] =	ssyncset.done $0x0  }
0x4f: {  	[sflag:s22] =	ssyncadd.s32 $0xFFFFF800  }
0x50: {  	_ =	swait.ge [sflag:s22], $0x800  }
0x51: {  	[sflag:s22] =	ssyncset.done $0x0  }
0x52: {  	[sflag:s22] =	ssyncadd.s32 $0xFFFFF800  }
0x53: {  	[spmem:s1] =	stream.indirect.scatter.add.f32 [tilespmem:s5], [sflag:$0x5], $0x1, s19, s5, $0xb8;
	[tilespmem:$0xBD00] =	vst v63  }
0x54: {  	_ =	swait.ge [sflag:s31], $0x800  }
0x55: {  	[sflag:s31] =	ssyncset.done $0x0  }
0x56: {  	[sflag:s31] =	ssyncadd.s32 $0xFFFFF800  }
0x57: {  	[spmem:s2] =	stream.indirect.scatter.add.f32 [tilespmem:s21], [sflag:$0x5], $0x1, s19, s5, $0xb8;
	[tilespmem:$0xBD00] =	vst v63  }
0x58: {  	s10 =	simm.s32 $0xFFFFD200;
	_ =	swait.ge [sflag:s31], $0x800  }
0x59: {  	s11 =	simm.s32 $0xFFFFD400;
	s15 =	sadd.s32 $0xFFFFD200, s24;
	[sflag:s31] =	ssyncset.done $0x0  }
.LBB2_4:
0x5a: {  	s9 =	sadd.s32 $0x3100, s15  }
0x5b: {  	s12 =	sadd.s32 s10, s23;
	[sflag:s31] =	ssyncadd.s32 $0xFFFFF800;
	s10 =	smov.u32 s11  }
0x5c: {  	[tilespmem:s5], [sflag:$0x2] =	stream.linear.gather [hbm4b:s9+s4], $0x800, $0x38;
	[tilespmem:$0xBD00] =	vst v63  }
0x5d: {  	p1 =	sne.s32 s11, $0xFFFFFE00;
	s11 =	sadd.s32 $0x200, s11;
	s9 =	sadd.s32 $0x3100, s12  }
0x5e: {  	[tilespmem:s19], [sflag:$0x2] =	stream.linear.gather [hbm4b:s9+s4], $0x800, $0x38;
	[tilespmem:$0xBD00] =	vst v63  }
0x5f: {  	_ =	swait.ge [sflag:s20], $0x800  }
0x60: {  	[sflag:s20] =	ssyncset.done $0x0  }
0x61: {  	[sflag:s20] =	ssyncadd.s32 $0xFFFFF800  }
0x62: {  	_ =	swait.ge [sflag:s20], $0x800  }
0x63: {  	[sflag:s20] =	ssyncset.done $0x0  }
0x64: {  	[sflag:s20] =	ssyncadd.s32 $0xFFFFF800  }
0x65: {  	[spmem:s1] =	stream.indirect.scatter.add.f32 [tilespmem:s4], [sflag:$0x5], $0x1, s0, s5, $0xb8;
	[tilespmem:$0xBD00] =	vst v63  }
0x66: {  	_ =	swait.ge [sflag:s31], $0x800  }
0x67: {  	[sflag:s31] =	ssyncset.done $0x0  }
0x68: {  	[sflag:s31] =	ssyncadd.s32 $0xFFFFF800  }
0x69: {  	[spmem:s2] =	stream.indirect.scatter.add.f32 [tilespmem:s21], [sflag:$0x5], $0x1, s0, s5, $0xb8;
	[tilespmem:$0xBD00] =	vst v63  }
0x6a: {  	_ =	swait.ge [sflag:s31], $0x800  }
0x6b: {  	[sflag:s31] =	ssyncset.done $0x0  }
0x6c: {  	s9 =	sadd.s32 $0x3200, s15;
	[sflag:s31] =	ssyncadd.s32 $0xFFFFF800  }
0x6d: {  	[tilespmem:s4], [sflag:$0x1] =	stream.linear.gather [hbm4b:s9+s4], $0x800, $0x38;
	[tilespmem:$0xBD00] =	vst v63  }
0x6e: {  	s9 =	sadd.s32 $0x3200, s12  }
0x6f: {  	[tilespmem:s0], [sflag:$0x1] =	stream.linear.gather [hbm4b:s9+s4], $0x800, $0x38;
	[tilespmem:$0xBD00] =	vst v63  }
0x70: {  	_ =	swait.ge [sflag:s22], $0x800  }
0x71: {  	[sflag:s22] =	ssyncset.done $0x0  }
0x72: {  	[sflag:s22] =	ssyncadd.s32 $0xFFFFF800  }
0x73: {  	_ =	swait.ge [sflag:s22], $0x800  }
0x74: {  	[sflag:s22] =	ssyncset.done $0x0  }
0x75: {  	[sflag:s22] =	ssyncadd.s32 $0xFFFFF800  }
0x76: {  	[spmem:s1] =	stream.indirect.scatter.add.f32 [tilespmem:s5], [sflag:$0x5], $0x1, s19, s5, $0xb8;
	[tilespmem:$0xBD00] =	vst v63  }
0x77: {  	_ =	swait.ge [sflag:s31], $0x800  }
.Ltmp1:
0x78: {  	[sflag:s31] =	ssyncset.done $0x0;
	(pc) =	sbr.rel @p1 .LBB2_4-.Ltmp1, $4  }
0x79: {  	[sflag:s31] =	ssyncadd.s32 $0xFFFFF800  }
0x7a: {  	[spmem:s2] =	stream.indirect.scatter.add.f32 [tilespmem:s21], [sflag:$0x5], $0x1, s19, s5, $0xb8;
	[tilespmem:$0xBD00] =	vst v63  }
0x7b: {  	_ =	swait.ge [sflag:s31], $0x800  }
0x7c: {  	s15 =	sadd.s32 s10, s24;
	[sflag:s31] =	ssyncset.done $0x0  }
0x7d: {  	s9 =	sadd.s32 $0x3100, s15;
	s10 =	sadd.s32 s10, s23;
	[sflag:s31] =	ssyncadd.s32 $0xFFFFF800  }
0x7e: {  	[tilespmem:s5], [sflag:$0x2] =	stream.linear.gather [hbm4b:s9+s4], $0x800, $0x38;
	[tilespmem:$0xBD00] =	vst v63  }
0x7f: {  	s12 =	sadd.s32 $0x3100, s10  }
0x80: {  	[tilespmem:s19], [sflag:$0x2] =	stream.linear.gather [hbm4b:s12+s4], $0x800, $0x38;
	[tilespmem:$0xBD00] =	vst v63  }
0x81: {  	_ =	swait.ge [sflag:s20], $0x800  }
0x82: {  	[sflag:s20] =	ssyncset.done $0x0  }
0x83: {  	[sflag:s20] =	ssyncadd.s32 $0xFFFFF800  }
0x84: {  	_ =	swait.ge [sflag:s20], $0x800  }
0x85: {  	[sflag:s20] =	ssyncset.done $0x0  }
0x86: {  	[sflag:s20] =	ssyncadd.s32 $0xFFFFF800  }
0x87: {  	[spmem:s1] =	stream.indirect.scatter.add.f32 [tilespmem:s4], [sflag:$0x5], $0x1, s0, s5, $0xb8;
	[tilespmem:$0xBD00] =	vst v63  }
0x88: {  	_ =	swait.ge [sflag:s31], $0x800  }
0x89: {  	[sflag:s31] =	ssyncset.done $0x0  }
0x8a: {  	[sflag:s31] =	ssyncadd.s32 $0xFFFFF800  }
0x8b: {  	[spmem:s2] =	stream.indirect.scatter.add.f32 [tilespmem:s21], [sflag:$0x5], $0x1, s0, s5, $0xb8;
	[tilespmem:$0xBD00] =	vst v63  }
0x8c: {  	_ =	swait.ge [sflag:s31], $0x800  }
0x8d: {  	[sflag:s31] =	ssyncset.done $0x0  }
0x8e: {  	s11 =	sadd.s32 $0x3200, s15;
	[sflag:s31] =	ssyncadd.s32 $0xFFFFF800  }
0x8f: {  	[tilespmem:s4], [sflag:$0x1] =	stream.linear.gather [hbm4b:s11+s4], $0x800, $0x38;
	[tilespmem:$0xBD00] =	vst v63  }
0x90: {  	s12 =	sadd.s32 $0x3200, s10  }
0x91: {  	[tilespmem:s0], [sflag:$0x1] =	stream.linear.gather [hbm4b:s12+s4], $0x800, $0x38;
	[tilespmem:$0xBD00] =	vst v63  }
0x92: {  	_ =	swait.ge [sflag:s22], $0x800  }
0x93: {  	[sflag:s22] =	ssyncset.done $0x0  }
0x94: {  	[sflag:s22] =	ssyncadd.s32 $0xFFFFF800  }
0x95: {  	_ =	swait.ge [sflag:s22], $0x800  }
0x96: {  	[sflag:s22] =	ssyncset.done $0x0  }
0x97: {  	[sflag:s22] =	ssyncadd.s32 $0xFFFFF800  }
0x98: {  	[spmem:s1] =	stream.indirect.scatter.add.f32 [tilespmem:s5], [sflag:$0x5], $0x1, s19, s5, $0xb8;
	[tilespmem:$0xBD00] =	vst v63  }
0x99: {  	_ =	swait.ge [sflag:s31], $0x800  }
0x9a: {  	[sflag:s31] =	ssyncset.done $0x0  }
0x9b: {  	[sflag:s31] =	ssyncadd.s32 $0xFFFFF800  }
0x9c: {  	[spmem:s2] =	stream.indirect.scatter.add.f32 [tilespmem:s21], [sflag:$0x5], $0x1, s19, s5, $0xb8;
	[tilespmem:$0xBD00] =	vst v63  }
0x9d: {  	_ =	swait.ge [sflag:s31], $0x800  }
0x9e: {  	[sflag:s31] =	ssyncset.done $0x0  }
0x9f: {  	s15 =	simm.s32 $0x0;
	s11 =	rddreg [dreg:$0x10];
	[sflag:s31] =	ssyncadd.s32 $0xFFFFF800  }
0xa0: {  	[tilespmem:s5], [sflag:$0x2] =	stream.linear.gather [hbm4b:s11+s15], $0x800, $0x38;
	[tilespmem:$0xBD00] =	vst v63  }
0xa1: {  	s12 =	rddreg [dreg:$0x11]  }
0xa2: {  	[tilespmem:s19], [sflag:$0x2] =	stream.linear.gather [hbm4b:s12+s15], $0x800, $0x38;
	[tilespmem:$0xBD00] =	vst v63  }
0xa3: {  	_ =	swait.ge [sflag:s20], $0x800  }
0xa4: {  	[sflag:s20] =	ssyncset.done $0x0  }
0xa5: {  	[sflag:s20] =	ssyncadd.s32 $0xFFFFF800  }
0xa6: {  	_ =	swait.ge [sflag:s20], $0x800  }
0xa7: {  	[sflag:s20] =	ssyncset.done $0x0  }
0xa8: {  	[sflag:s20] =	ssyncadd.s32 $0xFFFFF800  }
0xa9: {  	[spmem:s1] =	stream.indirect.scatter.add.f32 [tilespmem:s15], [sflag:$0x5], $0x1, s0, s5, $0xb8;
	[tilespmem:$0xBD00] =	vst v63  }
0xaa: {  	_ =	swait.ge [sflag:s31], $0x800  }
0xab: {  	[sflag:s31] =	ssyncset.done $0x0  }
0xac: {  	[sflag:s31] =	ssyncadd.s32 $0xFFFFF800  }
0xad: {  	[spmem:s2] =	stream.indirect.scatter.add.f32 [tilespmem:s21], [sflag:$0x5], $0x1, s0, s5, $0xb8;
	[tilespmem:$0xBD00] =	vst v63  }
0xae: {  	_ =	swait.ge [sflag:s31], $0x800  }
0xaf: {  	[sflag:s31] =	ssyncset.done $0x0  }
0xb0: {  	[sflag:s31] =	ssyncadd.s32 $0xFFFFF800  }
0xb1: {  	_ =	swait.ge [sflag:s22], $0x800  }
0xb2: {  	[sflag:s22] =	ssyncset.done $0x0  }
0xb3: {  	[sflag:s22] =	ssyncadd.s32 $0xFFFFF800  }
0xb4: {  	_ =	swait.ge [sflag:s22], $0x800  }
0xb5: {  	[sflag:s22] =	ssyncset.done $0x0  }
0xb6: {  	[sflag:s22] =	ssyncadd.s32 $0xFFFFF800  }
0xb7: {  	[spmem:s1] =	stream.indirect.scatter.add.f32 [tilespmem:s5], [sflag:$0x5], $0x1, s19, s5, $0xb8;
	[tilespmem:$0xBD00] =	vst v63  }
0xb8: {  	_ =	swait.ge [sflag:s31], $0x800  }
0xb9: {  	[sflag:s31] =	ssyncset.done $0x0  }
0xba: {  	[sflag:s31] =	ssyncadd.s32 $0xFFFFF800  }
0xbb: {  	[spmem:s2] =	stream.indirect.scatter.add.f32 [tilespmem:s21], [sflag:$0x5], $0x1, s19, s5, $0xb8;
	[tilespmem:$0xBD00] =	vst v63  }
0xbc: {  	_ =	swait.ge [sflag:s31], $0x800  }
0xbd: {  	[sflag:s31] =	ssyncset.done $0x0  }
0xbe: {  	[sflag:s31] =	ssyncadd.s32 $0xFFFFF800  }
0xbf: {  	[bflag:$0x0] =	sbarrier.arrive $0xFFFF  }
0xc0: {  	[tilespmem:s14], [sflag:$0x5] =	stream.linear.gather [spmem:s16], $0x1900, $0x38;
	[tilespmem:$0xBD00] =	vst v63  }
0xc1: {  	_ =	swait.ge [sflag:s31], $0x1900  }
0xc2: {  	[sflag:s31] =	ssyncset.done $0x0  }
0xc3: {  	s15 =	simm.s32 $0x5900;
	[sflag:s31] =	ssyncadd.s32 $0xFFFFE700  }
0xc4: {  	[tilespmem:s15], [sflag:$0x5] =	stream.linear.gather [spmem:s17], $0x1900, $0x38;
	[tilespmem:$0xBD00] =	vst v63  }
0xc5: {  	_ =	swait.ge [sflag:s31], $0x1900  }
0xc6: {  	[sflag:s31] =	ssyncset.done $0x0  }
0xc7: {  	s9 =	simm.s32 $0x0;
	[sflag:s31] =	ssyncadd.s32 $0xFFFFE700  }
0xc8: {  	v1 =	vld [tilespmem:s9+$0x5900];
	_ =	sdelay $0x4  }
0xc9: {  	s10 =	simm.s32 $0x10;
	v1 =	vmax.f32 v1, $1.000000000e+00  }
0xca: {  	(erf) = vrcp.f32 v1;
	v1 =	vld [tilespmem:s10+$0x5900];
	_ =	sdelay $0x4  }
0xcb: {  	v2 =	vmax.f32 v1, $1.000000000e+00;
	v1 =	vld [tilespmem:s9+$0x4000];
	_ =	sdelay $0x2  }
0xcc: {  	(erf) = vrcp.f32 v2  }
0xcd: {  	s11 =	simm.s32 $0x20;
	s12 =	simm.s32 $0xC0;
	v2 =	vpop (erf)  }
.LBB2_6:
0xce: {  	p1 =	sne.s32 s12, $0x63C0;
	v3 =	vld [tilespmem:s11+$0x5900];
	v1 =	vmul.f32 v2, v1;
	_ =	sdelay $0x1  }
0xcf: {  	[tilespmem:s9+$0x4000] =	vst v1;
	s9 =	smov.u32 s10;
	s10 =	smov.u32 s11  }
.Ltmp2:
0xd0: {  	v1 =	vld [tilespmem:s9+$0x4000];
	(pc) =	sbr.rel @p1 .LBB2_6-.Ltmp2, $4  }
0xd1: {  	_ = 	snop  }
0xd2: {  	v3 =	vmax.f32 v3, $1.000000000e+00  }
0xd3: {  	(erf) = vrcp.f32 v3  }
0xd4: {  	s11 =	sshra.s32 s12, $0x2;
	s12 =	sadd.s32 $0x40, s12;
	v2 =	vpop (erf)  }
0xd5: {  	v3 =	vld [tilespmem:s11+$0x5900]  }
0xd6: {  	v1 =	vmul.f32 v2, v1;
	_ =	sdelay $0x1  }
0xd7: {  	[tilespmem:s9+$0x4000] =	vst v1  }
0xd8: {  	v1 =	vld [tilespmem:s10+$0x4000]  }
0xd9: {  	v2 =	vmax.f32 v3, $1.000000000e+00;
	_ =	sdelay $0x1  }
0xda: {  	(erf) = vrcp.f32 v2  }
0xdb: {  	v2 =	vpop (erf)  }
0xdc: {  	v1 =	vmul.f32 v2, v1;
	_ =	sdelay $0x1  }
0xdd: {  	[tilespmem:s10+$0x4000] =	vst v1  }
0xde: {  	v1 =	vld [tilespmem:s11+$0x4000];
	_ =	sdelay $0x3  }
0xdf: {  	v2 =	vpop (erf)  }
0xe0: {  	v1 =	vmul.f32 v2, v1;
	_ =	sdelay $0x1  }
0xe1: {  	[tilespmem:s11+$0x4000] =	vst v1  }
0xe2: {  	[spmem:s16] =	stream.linear.scatter [tilespmem:s14], [sflag:$0x5], $0x1900, $0x38;
	[tilespmem:$0xBD00] =	vst v63  }
0xe3: {  	_ =	swait.ge [sflag:s31], $0x1900  }
0xe4: {  	[sflag:s31] =	ssyncset.done $0x0  }
.Ltmp3:
0xe5: {  	[sflag:s31] =	ssyncadd.s32 $0xFFFFE700;
	(pc) =	sbr.rel .LBB2_8-.Ltmp3, $4  }
0xe6: {  	s15 =	simm.s32 $0x0;
	[bflag:$0x0] =	sbarrier.arrive $0xFFFF  }
0xe7: {  	[tilespmem:s15], [sflag:$0x1] =	stream.linear.gather [hbm4b:s13+s15], $0x800, $0x38;
	[tilespmem:$0xBD00] =	vst v63  }
0xe8: {  	s17 =	rddreg [dreg:$0xb]  }
0xe9: {  	[tilespmem:s0], [sflag:$0x1] =	stream.linear.gather [hbm4b:s17+s15], $0x800, $0x38;
	[tilespmem:$0xBD00] =	vst v63  }
.LBB2_14:
0xea: {  	p1 =	sne.s32 s9, $0x19  }
.Ltmp4:
0xeb: {  	_ = 	snop;
	(pc) =	sbr.rel @!p1 .LBB2_15-.Ltmp4, $3  }
0xec: {  	_ =	sdelay $0x1  }
0xed: {  	s10 =	sadd.s32 s8, s10;
	s15 =	smov.u32 s9  }
0xee: {  	[hbm4b:s10+s4] =	stream.linear.scatter [tilespmem:s18], [sflag:$0x4], $0x800, $0x38;
	[tilespmem:$0xBD00] =	vst v63  }
.LBB2_8:
0xef: {  	s11 =	sshll.u32 s15, $0xC;
	s9 =	rddreg [dreg:$0xc]  }
0xf0: {  	s9 =	sadd.s32 s11, s9  }
0xf1: {  	s10 =	sshrl.u32 s9, $0x3  }
0xf2: {  	s9 =	sadd.s32 s6, s10  }
0xf3: {  	[tilespmem:s5], [sflag:$0x2] =	stream.linear.gather [hbm4b:s9+s4], $0x800, $0x38;
	[tilespmem:$0xBD00] =	vst v63  }
0xf4: {  	s17 =	sadd.s32 s7, s10  }
0xf5: {  	[tilespmem:s19], [sflag:$0x2] =	stream.linear.gather [hbm4b:s17+s4], $0x800, $0x38;
	[tilespmem:$0xBD00] =	vst v63  }
0xf6: {  	_ =	swait.ge [sflag:s20], $0x800  }
0xf7: {  	[sflag:s20] =	ssyncset.done $0x0  }
0xf8: {  	[sflag:s20] =	ssyncadd.s32 $0xFFFFF800  }
0xf9: {  	p1 =	seq.s32 s15, $0x0;
	_ =	swait.ge [sflag:s20], $0x800  }
0xfa: {  	p1 =	por p1, p0;
	[sflag:s20] =	ssyncset.done $0x0  }
0xfb: {  	s9 =	simm.s32 @!p1 $0x3;
	[sflag:s20] =	ssyncadd.s32 $0xFFFFF800  }
0xfc: {  	_ =	swait.ge @!p1 [sflag:s9], $0x800  }
0xfd: {  	[sflag:s9] =	ssyncset.done @!p1 $0x0  }
0xfe: {  	[sflag:s9] =	ssyncadd.s32 @!p1 $0xFFFFF800  }
0xff: {  	[tilespmem:s25], [sflag:$0x5] =	stream.indirect.gather [spmem:s1], $0x1, s0, s5, $0xb8;
	[tilespmem:$0xBD00] =	vst v63  }
0x100: {  	_ =	swait.ge [sflag:s31], $0x800  }
0x101: {  	[sflag:s31] =	ssyncset.done $0x0  }
0x102: {  	s12 =	simm.s32 $0x0;
	[sflag:s31] =	ssyncadd.s32 $0xFFFFF800  }
0x103: {  	v1 =	vld [tilespmem:s12+$0x0]  }
0x104: {  	v2 =	vld [tilespmem:s12+$0x3000]  }
0x105: {  	s13 =	simm.s32 $0x10  }
0x106: {  	v3 =	vld [tilespmem:s13+$0x0]  }
0x107: {  	v4 =	vld [tilespmem:s13+$0x3000];
	_ =	sdelay $0x1  }
0x108: {  	v1 =	vsub.f32 v1, v2;
	_ =	sdelay $0x1  }
0x109: {  	v1 =	vmul.f32 $1.442695020e+00, v1  }
0x10a: {  	v2 =	vsub.f32 v3, v4  }
0x10b: {  	(erf) = vpow2.f32 v1  }
0x10c: {  	s9 =	simm.s32 $0x20;
	v3 =	vmul.f32 $1.442695020e+00, v2  }
0x10d: {  	v2 =	vld [tilespmem:s9+$0x3000]  }
0x10e: {  	v1 =	vld [tilespmem:s9+$0x0];
	(erf) = vpow2.f32 v3;
	_ =	sdelay $0x2  }
0x10f: {  	s14 =	simm.s32 $0xC0;
	s16 =	sadd.s32 s26, s11  }
.LBB2_9:
0x110: {  	s17 =	sshra.s32 s14, $0x2;
	p2 =	sne.s32 s14, $0x1FC0  }
.Ltmp5:
0x111: {  	s14 =	sadd.s32 $0x40, s14;
	v3 =	vsub.f32 v1, v2;
	v1 =	vld [tilespmem:s17+$0x0];
	(pc) =	sbr.rel @p2 .LBB2_9-.Ltmp5, $4  }
0x112: {  	v2 =	vld [tilespmem:s17+$0x3000];
	v4 =	vpop (erf)  }
0x113: {  	v3 =	vmul.f32 $1.442695020e+00, v3;
	[tilespmem:s12+$0x2000] =	vst v4;
	s12 =	smov.u32 s13;
	s13 =	smov.u32 s9;
	s9 =	smov.u32 s17  }
0x114: {  	_ = 	snop  }
0x115: {  	(erf) = vpow2.f32 v3  }
0x116: {  	_ = 	snop  }
0x117: {  	v1 =	vsub.f32 v1, v2;
	_ =	sdelay $0x1  }
0x118: {  	v1 =	vmul.f32 $1.442695020e+00, v1;
	_ =	sdelay $0x1  }
0x119: {  	(erf) = vpow2.f32 v1;
	_ =	sdelay $0x6  }
0x11a: {  	v1 =	vpop (erf)  }
0x11b: {  	[tilespmem:s12+$0x2000] =	vst v1;
	v1 =	vpop (erf)  }
0x11c: {  	[tilespmem:s13+$0x2000] =	vst v1;
	v1 =	vpop (erf)  }
0x11d: {  	[tilespmem:s9+$0x2000] =	vst v1  }
0x11e: {  	[spmem:s3] =	stream.indirect.scatter.add.f32 [tilespmem:s30], [sflag:$0x5], $0x1, s0, s5, $0xb8;
	[tilespmem:$0xBD00] =	vst v63  }
0x11f: {  	_ =	swait.ge [sflag:s31], $0x800  }
0x120: {  	s12 =	simm.s32 @!p0 $0x0;
	s9 =	sshrl.u32 @!p0 s16, $0x3;
	[sflag:s31] =	ssyncset.done $0x0  }
0x121: {  	s13 =	simm.s32 @!p0 $0x2000;
	s9 =	sadd.s32 @!p0 s8, s9;
	[sflag:s31] =	ssyncadd.s32 $0xFFFFF800  }
0x122: {  	[hbm4b:s9+s12] =	stream.linear.scatter @!p0 [tilespmem:s13], [sflag:$0x3], $0x800, $0x38;
	[tilespmem:$0xBD00] =	vst v63  }
0x123: {  	p2 =	seq.s32 s15, $0x18;
	s9 =	rddreg [dreg:$0x13]  }
0x124: {  	s9 =	sadd.s32 @!p2 s11, s9  }
0x125: {  	s9 =	sshrl.u32 @!p2 s9, $0x3  }
0x126: {  	s12 =	simm.s32 @!p2 $0x0;
	s11 =	sadd.s32 @!p2 s6, s9  }
0x127: {  	[tilespmem:s12], [sflag:$0x1] =	stream.linear.gather @!p2 [hbm4b:s11+s12], $0x800, $0x38;
	[tilespmem:$0xBD00] =	vst v63  }
0x128: {  	s9 =	sadd.s32 @!p2 s7, s9;
	s11 =	simm.s32 @!p2 $0x1000  }
0x129: {  	[tilespmem:s11], [sflag:$0x1] =	stream.linear.gather @!p2 [hbm4b:s9+s12], $0x800, $0x38;
	[tilespmem:$0xBD00] =	vst v63  }
0x12a: {  	_ =	swait.ge [sflag:s22], $0x800  }
0x12b: {  	[sflag:s22] =	ssyncset.done $0x0  }
0x12c: {  	[sflag:s22] =	ssyncadd.s32 $0xFFFFF800  }
0x12d: {  	_ =	swait.ge [sflag:s22], $0x800  }
0x12e: {  	[sflag:s22] =	ssyncset.done $0x0  }
0x12f: {  	s9 =	simm.s32 @!p1 $0x4;
	[sflag:s22] =	ssyncadd.s32 $0xFFFFF800  }
0x130: {  	_ =	swait.ge @!p1 [sflag:s9], $0x800  }
0x131: {  	[sflag:s9] =	ssyncset.done @!p1 $0x0  }
0x132: {  	[sflag:s9] =	ssyncadd.s32 @!p1 $0xFFFFF800  }
0x133: {  	[tilespmem:s25], [sflag:$0x5] =	stream.indirect.gather [spmem:s1], $0x1, s19, s5, $0xb8;
	[tilespmem:$0xBD00] =	vst v63  }
0x134: {  	_ =	swait.ge [sflag:s31], $0x800  }
0x135: {  	[sflag:s31] =	ssyncset.done $0x0  }
0x136: {  	s11 =	simm.s32 $0x0;
	[sflag:s31] =	ssyncadd.s32 $0xFFFFF800  }
0x137: {  	v1 =	vld [tilespmem:s11+$0x800]  }
0x138: {  	v2 =	vld [tilespmem:s11+$0x3000]  }
0x139: {  	s12 =	simm.s32 $0x10  }
0x13a: {  	v3 =	vld [tilespmem:s12+$0x800]  }
0x13b: {  	v4 =	vld [tilespmem:s12+$0x3000];
	_ =	sdelay $0x1  }
0x13c: {  	v1 =	vsub.f32 v1, v2;
	_ =	sdelay $0x1  }
0x13d: {  	v1 =	vmul.f32 $1.442695020e+00, v1  }
0x13e: {  	v2 =	vsub.f32 v3, v4  }
0x13f: {  	(erf) = vpow2.f32 v1  }
0x140: {  	s9 =	simm.s32 $0x20;
	v3 =	vmul.f32 $1.442695020e+00, v2  }
0x141: {  	v2 =	vld [tilespmem:s9+$0x3000]  }
0x142: {  	v1 =	vld [tilespmem:s9+$0x800];
	(erf) = vpow2.f32 v3;
	_ =	sdelay $0x2  }
0x143: {  	s13 =	simm.s32 $0xC0  }
.LBB2_11:
0x144: {  	s14 =	sshra.s32 s13, $0x2;
	p1 =	sne.s32 s13, $0x1FC0  }
.Ltmp6:
0x145: {  	s13 =	sadd.s32 $0x40, s13;
	v3 =	vsub.f32 v1, v2;
	v1 =	vld [tilespmem:s14+$0x800];
	(pc) =	sbr.rel @p1 .LBB2_11-.Ltmp6, $4  }
0x146: {  	v2 =	vld [tilespmem:s14+$0x3000];
	v4 =	vpop (erf)  }
0x147: {  	v3 =	vmul.f32 $1.442695020e+00, v3;
	[tilespmem:s11+$0x2800] =	vst v4;
	s11 =	smov.u32 s12;
	s12 =	smov.u32 s9;
	s9 =	smov.u32 s14  }
0x148: {  	_ = 	snop  }
0x149: {  	(erf) = vpow2.f32 v3  }
0x14a: {  	_ = 	snop  }
0x14b: {  	v1 =	vsub.f32 v1, v2;
	_ =	sdelay $0x1  }
0x14c: {  	v1 =	vmul.f32 $1.442695020e+00, v1;
	_ =	sdelay $0x1  }
0x14d: {  	(erf) = vpow2.f32 v1;
	_ =	sdelay $0x6  }
0x14e: {  	v1 =	vpop (erf)  }
0x14f: {  	[tilespmem:s11+$0x2800] =	vst v1;
	v1 =	vpop (erf)  }
0x150: {  	[tilespmem:s12+$0x2800] =	vst v1;
	v1 =	vpop (erf)  }
.Ltmp7:
0x151: {  	[tilespmem:s9+$0x2800] =	vst v1;
	(pc) =	sbr.rel @!p0 .LBB2_14-.Ltmp7, $4  }
0x152: {  	[spmem:s3] =	stream.indirect.scatter.add.f32 [tilespmem:s18], [sflag:$0x5], $0x1, s19, s5, $0xb8;
	[tilespmem:$0xBD00] =	vst v63  }
0x153: {  	_ =	swait.ge [sflag:s31], $0x800  }
0x154: {  	[sflag:s31] =	ssyncset.done $0x0  }
0x155: {  	s9 =	sadd.s32 $0x1, s15;
	[sflag:s31] =	ssyncadd.s32 $0xFFFFF800  }
0x156: {  	s15 =	sadd.s32 $0x1, s15  }
0x157: {  	p1 =	seq.s32 s15, $0x19  }
.Ltmp8:
0x158: {  	_ = 	snop;
	(pc) =	sbr.rel @!p1 .LBB2_8-.Ltmp8, $4  }
.Ltmp9:
0x159: {  	_ = 	snop;
	(pc) =	sbr.rel @p1 .LBB2_16-.Ltmp9, $4  }
0x15a: {  	_ = 	snop  }
0x15b: {  	_ = 	snop  }
0x15c: {  	_ = 	snop  }
0x15d: {  	_ = 	snop  }
.LBB2_15:
0x15e: {  	s9 =	simm.s32 $0x3  }
0x15f: {  	_ =	swait.ge [sflag:s9], $0x800  }
0x160: {  	[sflag:s9] =	ssyncset.done $0x0  }
0x161: {  	s17 =	simm.s32 $0x4;
	[sflag:s9] =	ssyncadd.s32 $0xFFFFF800  }
0x162: {  	_ =	swait.ge [sflag:s17], $0x800  }
0x163: {  	[sflag:s17] =	ssyncset.done $0x0  }
0x164: {  	[sflag:s17] =	ssyncadd.s32 $0xFFFFF800  }
.LBB2_16:
0x165: {  	[bflag:$0x0] =	sbarrier.arrive $0xFFFF  }
0x166: {  	s10 =	simm.s32 $0x0;
	s9 =	rddreg [dreg:$0xd]  }
0x167: {  	[tilespmem:s10], [sflag:$0x1] =	stream.linear.gather [hbm4b:s9+s10], $0x800, $0x38;
	[tilespmem:$0xBD00] =	vst v63  }
0x168: {  	s17 =	rddreg [dreg:$0xe]  }
0x169: {  	[tilespmem:s0], [sflag:$0x1] =	stream.linear.gather [hbm4b:s17+s10], $0x800, $0x38;
	[tilespmem:$0xBD00] =	vst v63  }
.LBB2_17:
0x16a: {  	s11 =	sshll.u32 s10, $0xC;
	s9 =	rddreg [dreg:$0x14]  }
0x16b: {  	s9 =	sadd.s32 s11, s9  }
0x16c: {  	s9 =	sshrl.u32 s9, $0x3  }
0x16d: {  	s15 =	sadd.s32 s8, s9  }
0x16e: {  	[tilespmem:s5], [sflag:$0x2] =	stream.linear.gather [hbm4b:s15+s4], $0x800, $0x38;
	[tilespmem:$0xBD00] =	vst v63  }
0x16f: {  	s9 =	sadd.s32 s7, s9  }
0x170: {  	[tilespmem:s19], [sflag:$0x2] =	stream.linear.gather [hbm4b:s9+s4], $0x800, $0x38;
	[tilespmem:$0xBD00] =	vst v63  }
0x171: {  	_ =	swait.ge [sflag:s20], $0x800  }
0x172: {  	[sflag:s20] =	ssyncset.done $0x0  }
0x173: {  	[sflag:s20] =	ssyncadd.s32 $0xFFFFF800  }
0x174: {  	_ =	swait.ge [sflag:s20], $0x800  }
0x175: {  	p1 =	seq.s32 s10, $0x0;
	[sflag:s20] =	ssyncset.done $0x0  }
0x176: {  	s9 =	simm.s32 @!p1 $0x3;
	[sflag:s20] =	ssyncadd.s32 $0xFFFFF800  }
0x177: {  	_ =	swait.ge @!p1 [sflag:s9], $0x800  }
0x178: {  	[sflag:s9] =	ssyncset.done @!p1 $0x0  }
0x179: {  	[sflag:s9] =	ssyncadd.s32 @!p1 $0xFFFFF800  }
0x17a: {  	[tilespmem:s25], [sflag:$0x5] =	stream.indirect.gather [spmem:s3], $0x1, s0, s5, $0xb8;
	[tilespmem:$0xBD00] =	vst v63  }
0x17b: {  	_ =	swait.ge [sflag:s31], $0x800  }
0x17c: {  	[sflag:s31] =	ssyncset.done $0x0  }
0x17d: {  	s13 =	simm.s32 $0x0;
	[sflag:s31] =	ssyncadd.s32 $0xFFFFF800  }
0x17e: {  	v1 =	vld [tilespmem:s13+$0x3000];
	_ =	sdelay $0x4  }
0x17f: {  	(erf) = vrcp.f32 v1;
	_ =	sdelay $0x2  }
0x180: {  	s12 =	simm.s32 $0x10  }
0x181: {  	v2 =	vld [tilespmem:s12+$0x3000];
	_ =	sdelay $0x3  }
0x182: {  	v3 =	vld [tilespmem:s13+$0x0]  }
0x183: {  	s9 =	simm.s32 $0x20;
	v4 =	vpop (erf);
	(erf) = vrcp.f32 v2  }
0x184: {  	v1 =	vld [tilespmem:s9+$0x3000];
	_ =	sdelay $0x1  }
0x185: {  	s14 =	sadd.s32 s28, s11  }
0x186: {  	s14 =	sshrl.u32 s14, $0x3;
	v3 =	vmul.f32 v4, v3  }
0x187: {  	s16 =	sadd.s32 s8, s14;
	s14 =	simm.s32 $0xC0;
	v2 =	vld [tilespmem:s12+$0x0]  }
.LBB2_18:
0x188: {  	s17 =	sshra.s32 s14, $0x2;
	p2 =	sne.s32 s14, $0x1FC0;
	s14 =	sadd.s32 $0x40, s14;
	(erf) = vrcp.f32 v1;
	[tilespmem:s13+$0x2000] =	vst v3  }
.Ltmp10:
0x189: {  	s13 =	smov.u32 s12;
	s12 =	smov.u32 s9;
	v1 =	vld [tilespmem:s17+$0x3000];
	(pc) =	sbr.rel @p2 .LBB2_18-.Ltmp10, $4  }
0x18a: {  	s9 =	smov.u32 s17  }
0x18b: {  	v3 =	vpop (erf)  }
0x18c: {  	v3 =	vmul.f32 v3, v2  }
0x18d: {  	v2 =	vld [tilespmem:s12+$0x0]  }
0x18e: {  	(erf) = vrcp.f32 v1;
	_ =	sdelay $0x3  }
0x18f: {  	[tilespmem:s13+$0x2000] =	vst v3  }
0x190: {  	v1 =	vld [tilespmem:s9+$0x0];
	_ =	sdelay $0x2  }
0x191: {  	v3 =	vpop (erf)  }
0x192: {  	v2 =	vmul.f32 v3, v2;
	v3 =	vpop (erf)  }
0x193: {  	v1 =	vmul.f32 v3, v1  }
0x194: {  	[tilespmem:s12+$0x2000] =	vst v2  }
0x195: {  	[tilespmem:s9+$0x2000] =	vst v1  }
0x196: {  	[hbm4b:s16+s4] =	stream.linear.scatter [tilespmem:s30], [sflag:$0x3], $0x800, $0x38;
	[tilespmem:$0xBD00] =	vst v63  }
0x197: {  	s16 =	sadd.s32 s11, s29  }
0x198: {  	s9 =	sshrl.u32 s16, $0x3  }
0x199: {  	s17 =	sadd.s32 s8, s9  }
0x19a: {  	[tilespmem:s4], [sflag:$0x1] =	stream.linear.gather [hbm4b:s17+s4], $0x800, $0x38;
	[tilespmem:$0xBD00] =	vst v63  }
0x19b: {  	s9 =	sadd.s32 s7, s9  }
0x19c: {  	[tilespmem:s0], [sflag:$0x1] =	stream.linear.gather [hbm4b:s9+s4], $0x800, $0x38;
	[tilespmem:$0xBD00] =	vst v63  }
0x19d: {  	_ =	swait.ge [sflag:s22], $0x800  }
0x19e: {  	[sflag:s22] =	ssyncset.done $0x0  }
0x19f: {  	[sflag:s22] =	ssyncadd.s32 $0xFFFFF800  }
0x1a0: {  	_ =	swait.ge [sflag:s22], $0x800  }
0x1a1: {  	[sflag:s22] =	ssyncset.done $0x0  }
0x1a2: {  	s9 =	simm.s32 @!p1 $0x4;
	[sflag:s22] =	ssyncadd.s32 $0xFFFFF800  }
0x1a3: {  	_ =	swait.ge @!p1 [sflag:s9], $0x800  }
0x1a4: {  	[sflag:s9] =	ssyncset.done @!p1 $0x0  }
0x1a5: {  	[sflag:s9] =	ssyncadd.s32 @!p1 $0xFFFFF800  }
0x1a6: {  	[tilespmem:s25], [sflag:$0x5] =	stream.indirect.gather [spmem:s3], $0x1, s19, s5, $0xb8;
	[tilespmem:$0xBD00] =	vst v63  }
0x1a7: {  	_ =	swait.ge [sflag:s31], $0x800  }
0x1a8: {  	[sflag:s31] =	ssyncset.done $0x0  }
0x1a9: {  	s12 =	simm.s32 $0x0;
	[sflag:s31] =	ssyncadd.s32 $0xFFFFF800  }
0x1aa: {  	v1 =	vld [tilespmem:s12+$0x3000];
	_ =	sdelay $0x4  }
0x1ab: {  	(erf) = vrcp.f32 v1;
	_ =	sdelay $0x2  }
0x1ac: {  	s9 =	simm.s32 $0x10  }
0x1ad: {  	v2 =	vld [tilespmem:s9+$0x3000];
	_ =	sdelay $0x3  }
0x1ae: {  	v3 =	vld [tilespmem:s12+$0x800]  }
0x1af: {  	s11 =	simm.s32 $0x20;
	v4 =	vpop (erf);
	(erf) = vrcp.f32 v2  }
0x1b0: {  	v1 =	vld [tilespmem:s11+$0x3000];
	_ =	sdelay $0x2  }
0x1b1: {  	v3 =	vmul.f32 v4, v3  }
0x1b2: {  	s13 =	simm.s32 $0xC0;
	v2 =	vld [tilespmem:s9+$0x800]  }
.LBB2_20:
0x1b3: {  	s14 =	sshra.s32 s13, $0x2;
	p1 =	sne.s32 s13, $0x1FC0;
	s13 =	sadd.s32 $0x40, s13;
	(erf) = vrcp.f32 v1;
	[tilespmem:s12+$0x2800] =	vst v3  }
.Ltmp11:
0x1b4: {  	s12 =	smov.u32 s9;
	s9 =	smov.u32 s11;
	v1 =	vld [tilespmem:s14+$0x3000];
	(pc) =	sbr.rel @p1 .LBB2_20-.Ltmp11, $4  }
0x1b5: {  	s11 =	smov.u32 s14  }
0x1b6: {  	v3 =	vpop (erf)  }
0x1b7: {  	v3 =	vmul.f32 v3, v2  }
0x1b8: {  	v2 =	vld [tilespmem:s9+$0x800]  }
0x1b9: {  	(erf) = vrcp.f32 v1;
	_ =	sdelay $0x3  }
0x1ba: {  	[tilespmem:s12+$0x2800] =	vst v3  }
0x1bb: {  	v1 =	vld [tilespmem:s11+$0x800];
	_ =	sdelay $0x1  }
0x1bc: {  	s10 =	sadd.s32 $0x1, s10  }
0x1bd: {  	p1 =	sne.s32 s10, $0xC;
	v3 =	vpop (erf)  }
.Ltmp12:
0x1be: {  	v2 =	vmul.f32 v3, v2;
	v3 =	vpop (erf);
	(pc) =	sbr.rel @p1 .LBB2_17-.Ltmp12, $4  }
0x1bf: {  	v1 =	vmul.f32 v3, v1  }
0x1c0: {  	[tilespmem:s9+$0x2800] =	vst v2  }
0x1c1: {  	[tilespmem:s11+$0x2800] =	vst v1  }
0x1c2: {  	[hbm4b:s15+s4] =	stream.linear.scatter [tilespmem:s18], [sflag:$0x4], $0x800, $0x38;
	[tilespmem:$0xBD00] =	vst v63  }
0x1c3: {  	_ =	swait.ge [sflag:s20], $0x800  }
0x1c4: {  	[sflag:s20] =	ssyncset.done $0x0  }
0x1c5: {  	[sflag:s20] =	ssyncadd.s32 $0xFFFFF800  }
0x1c6: {  	_ =	swait.ge [sflag:s20], $0x800  }
0x1c7: {  	[sflag:s20] =	ssyncset.done $0x0  }
0x1c8: {  	s9 =	simm.s32 $0x3;
	[sflag:s20] =	ssyncadd.s32 $0xFFFFF800  }
0x1c9: {  	_ =	swait.ge [sflag:s9], $0x800  }
0x1ca: {  	[sflag:s9] =	ssyncset.done $0x0  }
0x1cb: {  	[sflag:s9] =	ssyncadd.s32 $0xFFFFF800  }
0x1cc: {  	[tilespmem:s25], [sflag:$0x5] =	stream.indirect.gather [spmem:s3], $0x1, s0, s5, $0xb8;
	[tilespmem:$0xBD00] =	vst v63  }
0x1cd: {  	_ =	swait.ge [sflag:s31], $0x800  }
0x1ce: {  	[sflag:s31] =	ssyncset.done $0x0  }
0x1cf: {  	s11 =	simm.s32 $0x0;
	[sflag:s31] =	ssyncadd.s32 $0xFFFFF800  }
0x1d0: {  	v1 =	vld [tilespmem:s11+$0x3000];
	_ =	sdelay $0x4  }
0x1d1: {  	(erf) = vrcp.f32 v1;
	_ =	sdelay $0x2  }
0x1d2: {  	s9 =	simm.s32 $0x10  }
0x1d3: {  	v2 =	vld [tilespmem:s9+$0x3000];
	_ =	sdelay $0x3  }
0x1d4: {  	v3 =	vld [tilespmem:s11+$0x0]  }
0x1d5: {  	s10 =	simm.s32 $0x20;
	v4 =	vpop (erf);
	(erf) = vrcp.f32 v2  }
0x1d6: {  	v1 =	vld [tilespmem:s10+$0x3000];
	_ =	sdelay $0x2  }
0x1d7: {  	v3 =	vmul.f32 v4, v3  }
0x1d8: {  	s12 =	simm.s32 $0xC0;
	v2 =	vld [tilespmem:s9+$0x0]  }
.LBB2_23:
0x1d9: {  	s13 =	sshra.s32 s12, $0x2;
	p1 =	sne.s32 s12, $0x1FC0;
	s12 =	sadd.s32 $0x40, s12;
	(erf) = vrcp.f32 v1;
	[tilespmem:s11+$0x2000] =	vst v3  }
.Ltmp13:
0x1da: {  	s11 =	smov.u32 s9;
	s9 =	smov.u32 s10;
	v1 =	vld [tilespmem:s13+$0x3000];
	(pc) =	sbr.rel @p1 .LBB2_23-.Ltmp13, $4  }
0x1db: {  	s10 =	smov.u32 s13  }
0x1dc: {  	v3 =	vpop (erf)  }
0x1dd: {  	v3 =	vmul.f32 v3, v2  }
0x1de: {  	v2 =	vld [tilespmem:s9+$0x0]  }
0x1df: {  	(erf) = vrcp.f32 v1;
	_ =	sdelay $0x3  }
0x1e0: {  	[tilespmem:s11+$0x2000] =	vst v3  }
0x1e1: {  	v1 =	vld [tilespmem:s10+$0x0];
	_ =	sdelay $0x2  }
0x1e2: {  	v3 =	vpop (erf)  }
0x1e3: {  	v2 =	vmul.f32 v3, v2;
	v3 =	vpop (erf)  }
0x1e4: {  	v1 =	vmul.f32 v3, v1  }
0x1e5: {  	[tilespmem:s9+$0x2000] =	vst v2  }
0x1e6: {  	s13 =	rddreg [dreg:$0x15];
	s14 =	simm.s32 $0x4;
	[tilespmem:s10+$0x2000] =	vst v1  }
0x1e7: {  	[hbm4b:s13+s4] =	stream.linear.scatter [tilespmem:s30], [sflag:$0x3], $0x800, $0x38;
	[tilespmem:$0xBD00] =	vst v63  }
0x1e8: {  	_ =	swait.ge [sflag:s14], $0x800  }
0x1e9: {  	[sflag:s14] =	ssyncset.done $0x0  }
0x1ea: {  	s15 =	simm.s32 $0x3;
	[sflag:s14] =	ssyncadd.s32 $0xFFFFF800  }
0x1eb: {  	_ =	swait.ge [sflag:s15], $0x800  }
0x1ec: {  	s16 =	rddreg [dreg:$0x16]  }
0x1ed: {  	s17 =	rddreg [dreg:$0xf];
	s11 =	sadd.s32 $0x1, s16  }
0x1ee: {  	p1 =	sne.s32 s11, s17  }
.Ltmp14:
0x1ef: {  	_ = 	snop;
	(pc) =	sbr.rel @p1 .LBB2_1-.Ltmp14, $4  }
0x1f0: {  	_ = 	snop  }
0x1f1: {  	s13 =	rddreg [dreg:$0xa]  }
0x1f2: {  	[sflag:s15] =	ssyncset.done $0x0;
	s16 =	rddreg [dreg:$0x6]  }
0x1f3: {  	s14 =	simm.s32 $0x4000;
	[sflag:s15] =	ssyncadd.s32 $0xFFFFF800;
	s17 =	rddreg [dreg:$0x9]  }
0x1f4: {  	_ =	sfence.sel $0x180000  }
0x1f5: {  	[bflag:$0x0] =	sbarrier.arrive $0xFFFF  }
0x1f6: {  	_ =	strace $0x9000004D  }
0x1f7: {  	s0 =	stileid.u32;
	[bflag:$0x2] =	sbarrier.arrive $0xFFFF  }
0x1f8: {  	p0 =	sne.s32 s0, $0x0;
	s0 =	rddreg [dreg:$0x5]  }
0x1f9: {  	s0 =	sadd.s32 @!p0 $0x100000, s0  }
0x1fa: {  	[sflag:s0] =	ssyncadd.tile.s32 @!p0 $0x1;
	_ =	shalt  }
.Lfunc_end2:
_tile_overlayer_lowered:
.L_overlay_start_2:
0x1fb: {  	(tag) =	ssettag $0x2  }
0x1fc: {  	s0 =	rddreg [dreg:$0x0];
	s2 =	stileid.u32  }
0x1fd: {  	s1 =	rddreg [dreg:$0x1];
	p0 =	sne.s32 s2, $0x0  }
0x1fe: {  	s3 =	rddreg [dreg:$0x2];
	[bflag:$0x3] =	sbarrier.arrive $0xFFFF;
	s2 =	simm.s32 @!p0 $0x1C05  }
0x1ff: {  	[timem:s3], [sflag:s2] =	dma.local @!p0 [hbm:s0], s1  }
0x200: {  	s0 =	simm.s32 @!p0 $0x5  }
0x201: {  	_ =	swait.ge @!p0 [sflag:s0], s1  }
0x202: {  	s1 =	ssub.s32 @!p0 $0x0, s1;
	[sflag:s0] =	ssyncset.done @!p0 $0x0  }
0x203: {  	[sflag:s0] =	ssyncadd.s32 @!p0 s1  }
0x204: {  	[bflag:$0x3] =	sbarrier.arrive $0xFFFF  }
0x205: {  	_ =	shalt  }

// kernel: kernel.8.cloned.1.call-start
scs
__scs_entry_jumppad:
0x0: {  	(pc) =	sbr.rel $0x88, $3  }
0x1: {  	(tag) =	ssettag $0x0;
	lr =	simm.s32 $0x1  }
0x2: {  	[smem:$0x3F87] =	sst lr;
	_ =	strace $0xD0000000  }
0x3: {  	_ = 	snop  }
0x4: {  	_ = 	snop  }
0x5: {  	_ = 	snop  }
0x6: {  	_ = 	snop  }
0x7: {  	_ = 	snop  }
__scs_overlays_trampoline_lowered:
0x8: {  	[smem:$0x3F96] =	sst s0  }
0x9: {  	[smem:$0x3F97] =	sst s1  }
0xa: {  	[smem:$0x3F98] =	sst s2  }
0xb: {  	[smem:$0x3F99] =	sst s3  }
0xc: {  	[smem:$0x3F9A] =	sst s4  }
0xd: {  	[smem:$0x3F9B] =	sst s5  }
0xe: {  	[smem:$0x3F9C] =	sst s6  }
0xf: {  	[smem:$0x3F9D] =	sst s7  }
0x10: {  	[smem:$0x3F9E] =	sst s8  }
0x11: {  	[smem:$0x3F9F] =	sst s9;
	s0 =	simm.s32 @!p0 $0x0  }
0x12: {  	s1 =	sld [smem:$0x3F85];
	s0 =	simm.s32 @p0 $0x1  }
0x13: {  	[smem:$0x3FA0] =	sst s0;
	s0 =	simm.s32 @!p1 $0x0  }
0x14: {  	s2 =	sld [smem:$0x3F84];
	s0 =	simm.s32 @p1 $0x1  }
0x15: {  	[smem:$0x3FA1] =	sst s0;
	s0 =	simm.s32 @!p2 $0x0  }
0x16: {  	s3 =	sld [smem:$0x3FDB];
	s0 =	simm.s32 @p2 $0x1  }
0x17: {  	s4 =	simm.s32 $0x1BF5;
	[smem:$0x3FA3] =	sst s0  }
0x18: {  	s0 =	sld [smem:$0x3F86];
	_ =	swait.ge [sflag:s4], $0x0  }
0x19: {  	s7 =	sld [smem:$0x3F87]  }
0x1a: {  	s8 =	sadd.s32 $0xFFFFE003, lr  }
0x1b: {  	s9 =	sadd.s32 $0xFFFFFEF7, lr;
	s5 =	simm.s32 $0xFFFFFFFF;
	p2 =	slt.u32 s8, $0xFFFFF086  }
0x1c: {  	p1 =	slt.u32 s9, $0xF7A;
	s5 =	simm.s32 @!p2 $0x0  }
0x1d: {  	s5 =	simm.s32 @p1 $0x1;
	p0 =	seq.s32 s7, s2  }
0x1e: {  	s7 =	smul.u32 @!p0 $0xF7A, s2;
	p2 =	seq.s32 @!p0 s5, $0x0  }
0x1f: {  	s9 =	smul.u32 $0xF7A, s1;
	s8 =	simm.s32 @!p0 $0x1BF5;
	p2 =	por !p2, p0  }
0x20: {  	[sflag:s8] =	ssyncset.s32 @!p0 $0xFFFFF086;
	s6 =	sadd.s32 @!p0 s3, s7;
	s7 =	simm.s32 @!p0 $0x108  }
0x21: {  	s3 =	sadd.s32 s3, s9;
	s6 =	sadd.s32 @!p0 $0x88, s6;
	s7 =	simm.s32 @p2 $0x1082  }
0x22: {  	[simem:s7], [sflag:s8] =	dma.local @!p0 [hbm:s6], $0xF7A  }
0x23: {  	s9 =	sor.u32 $0xD0000000, s2;
	s6 =	simm.s32 $0x108;
	_ =	swait.ge @!p0 [sflag:s8], $0x0  }
0x24: {  	s3 =	sadd.s32 $0x88, s3;
	s6 =	simm.s32 @!p1 $0x1082;
	[sflag:s4] =	ssyncset.s32 $0xFFFFF086  }
0x25: {  	[simem:s6], [sflag:s4] =	dma.local [hbm:s3], $0xF7A  }
0x26: {  	[smem:$0x3F87] =	sst s1;
	(tag) =	ssettag s2;
	_ =	strace s9  }
0x27: {  	s1 =	sld [smem:$0x3F97]  }
0x28: {  	s2 =	sld [smem:$0x3F98]  }
0x29: {  	s4 =	sld [smem:$0x3F9A]  }
0x2a: {  	p0 =	seq.s32 s5, $0x0;
	s5 =	sld [smem:$0x3F9B]  }
0x2b: {  	s6 =	sld [smem:$0x3F9C]  }
0x2c: {  	s7 =	sld [smem:$0x3F9D]  }
0x2d: {  	s3 =	simm.s32 $0x108;
	s8 =	sld [smem:$0x3F9E]  }
0x2e: {  	s3 =	simm.s32 @!p0 $0x1082;
	s9 =	sld [smem:$0x3F9F]  }
0x2f: {  	lr =	sadd.s32 s0, s3;
	s0 =	sld [smem:$0x3F96]  }
0x30: {  	s3 =	sld [smem:$0x3F99]  }
0x31: {  	[smem:$0x3FA2] =	sst s10  }
0x32: {  	s10 =	sld [smem:$0x3FA0];
	_ =	sdelay $0x3  }
0x33: {  	p0 =	seq.s32 s10, $0x1;
	s10 =	sld [smem:$0x3FA2];
	_ =	sdelay $0x3  }
0x34: {  	[smem:$0x3FA2] =	sst s10  }
0x35: {  	s10 =	sld [smem:$0x3FA1];
	_ =	sdelay $0x3  }
0x36: {  	p1 =	seq.s32 s10, $0x1;
	s10 =	sld [smem:$0x3FA2];
	_ =	sdelay $0x3  }
0x37: {  	[smem:$0x3FA2] =	sst s10  }
0x38: {  	s10 =	sld [smem:$0x3FA3]  }
0x39: {  	_ = 	snop;
	(pc) =	sbr.ind lr, $3  }
0x3a: {  	_ = 	snop  }
0x3b: {  	_ = 	snop  }
0x3c: {  	p2 =	seq.s32 s10, $0x1;
	s10 =	sld [smem:$0x3FA2]  }
0x3d: {  	_ =	shalt  }
0x3e: {  	_ =	shalt  }
0x3f: {  	_ =	shalt  }
0x40: {  	_ =	shalt  }
0x41: {  	_ =	shalt  }
0x42: {  	_ =	shalt  }
0x43: {  	_ =	shalt  }
0x44: {  	_ =	shalt  }
0x45: {  	_ =	shalt  }
0x46: {  	_ =	shalt  }
0x47: {  	_ =	shalt  }
0x48: {  	_ =	shalt  }
0x49: {  	_ =	shalt  }
0x4a: {  	_ =	shalt  }
0x4b: {  	_ =	shalt  }
0x4c: {  	_ =	shalt  }
0x4d: {  	_ =	shalt  }
0x4e: {  	_ =	shalt  }
0x4f: {  	_ =	shalt  }
0x50: {  	_ =	shalt  }
0x51: {  	_ =	shalt  }
0x52: {  	_ =	shalt  }
0x53: {  	_ =	shalt  }
0x54: {  	_ =	shalt  }
0x55: {  	_ =	shalt  }
0x56: {  	_ =	shalt  }
0x57: {  	_ =	shalt  }
0x58: {  	_ =	shalt  }
0x59: {  	_ =	shalt  }
0x5a: {  	_ =	shalt  }
0x5b: {  	_ =	shalt  }
0x5c: {  	_ =	shalt  }
0x5d: {  	_ =	shalt  }
0x5e: {  	_ =	shalt  }
0x5f: {  	_ =	shalt  }
0x60: {  	_ =	shalt  }
0x61: {  	_ =	shalt  }
0x62: {  	_ =	shalt  }
0x63: {  	_ =	shalt  }
0x64: {  	_ =	shalt  }
0x65: {  	_ =	shalt  }
0x66: {  	_ =	shalt  }
0x67: {  	_ =	shalt  }
0x68: {  	_ =	shalt  }
0x69: {  	_ =	shalt  }
0x6a: {  	_ =	shalt  }
0x6b: {  	_ =	shalt  }
0x6c: {  	_ =	shalt  }
0x6d: {  	_ =	shalt  }
0x6e: {  	_ =	shalt  }
0x6f: {  	_ =	shalt  }
0x70: {  	_ =	shalt  }
0x71: {  	_ =	shalt  }
0x72: {  	_ =	shalt  }
0x73: {  	_ =	shalt  }
0x74: {  	_ =	shalt  }
0x75: {  	_ =	shalt  }
0x76: {  	_ =	shalt  }
0x77: {  	_ =	shalt  }
0x78: {  	_ =	shalt  }
0x79: {  	_ =	shalt  }
0x7a: {  	_ =	shalt  }
0x7b: {  	_ =	shalt  }
0x7c: {  	_ =	shalt  }
0x7d: {  	_ =	shalt  }
0x7e: {  	_ =	shalt  }
0x7f: {  	_ =	shalt  }
0x80: {  	_ =	shalt  }
0x81: {  	_ =	shalt  }
0x82: {  	_ =	shalt  }
0x83: {  	_ =	shalt  }
0x84: {  	_ =	shalt  }
0x85: {  	_ =	shalt  }
0x86: {  	_ =	shalt  }
0x87: {  	_ =	shalt  }
.Lfunc_end0:
.L_simem_size_0:
called_computation_lowered:
.L_overlay_start_0:
0x88: {  	s2 =	sld [smem:$0x3FD9]  }
0x89: {  	s3 =	sld [smem:$0x3FFE];
	_ =	sdelay $0x1  }
0x8a: {  	s1 =	srdreg.scid  }
0x8b: {  	s0 =	sand.u32 $0x1, s1  }
0x8c: {  	s16 =	sshll.u32 s0, $0xA;
	s2 =	sadd.s32 s3, s2  }
0x8d: {  	s2 =	sadd.s32 s2, s16  }
0x8e: {  	[smem:$0x3FAE] =	sst s2  }
0x8f: {  	_ = 	snop  }
0x90: {  	(tm) =	ssettm $0x1  }
0x91: {  	s17 =	sld [smem:$0x3FFB];
	_ =	sdelay $0x3  }
0x92: {  	_ =	strace s17  }
0x93: {  	s2 =	sld [smem:$0x3FFC];
	_ =	sdelay $0x3  }
0x94: {  	_ =	strace s2  }
0x95: {  	s2 =	sld [smem:$0x3FFD];
	_ =	sdelay $0x3  }
0x96: {  	_ =	strace s2  }
0x97: {  	_ =	strace $0x8FFFFFFF  }
0x98: {  	s18 =	sld [smem:$0x3FDB];
	_ =	sdelay $0x1  }
0x99: {  	s19 =	simm.s32 $_scs_section_size  }
0x9a: {  	s4 =	simm.s32 $_size__tile_overlayer_lowered;
	s5 =	simm.s32 $_tile_overlayer_lowered  }
0x9b: {  	s22 =	simm.s32 $0x1BFF;
	s21 =	sshll.u32 s5, $0x1;
	s2 =	sadd.s32 s19, s18  }
0x9c: {  	s6 =	simm.s32 $0x0;
	s20 =	sshll.u32 s4, $0x1;
	s4 =	sadd.s32 s21, s2  }
0x9d: {  	[timem:s6], [sflag:s22] =	dma.local [hbm:s4], s20  }
0x9e: {  	_ =	swait.ge [sflag:s22], s20  }
0x9f: {  	s3 =	ssub.s32 $0x0, s20;
	[sflag:s22] =	ssyncset.done $0x0  }
0xa0: {  	[sflag:s22] =	ssyncadd.s32 s3;
	_ =	sdelay $0x1  }
0xa1: {  	s23 =	simm.s32 $0x1B8B  }
0xa2: {  	_ =	swait.ge [sflag:s23], $0x1  }
0xa3: {  	[sflag:s23] =	ssyncset.done $0x0  }
0xa4: {  	s25 =	simm.s32 $0x1B8E;
	s24 =	sld [smem:$0x3FFE];
	[sflag:s23] =	ssyncadd.s32 $0xFFFFFFFF  }
0xa5: {  	s26 =	simm.s32 $execute0_lowered;
	[smem:$0x3FD2] =	sst s25  }
0xa6: {  	s4 =	sshll.u32 s26, $0x1;
	_ =	strace $0x80000046;
	[dreg:$0x1] =	wrdreg $0xFFFFFFFF  }
0xa7: {  	s28 =	simm.s32 $_size_execute0_lowered;
	s2 =	sadd.s32 s2, s4;
	[dreg:$0x0] =	wrdreg $0x0  }
0xa8: {  	s4 =	sshll.u32 s28, $0x1;
	[dreg:$0x2] =	wrdreg s2  }
0xa9: {  	[dreg:$0x3] =	wrdreg s4  }
0xaa: {  	[dreg:$0x4] =	wrdreg $0xC0  }
0xab: {  	_ =	task [dreg:s6], $0x5FFFF  }
0xac: {  	[dreg:$0x1] =	wrdreg $0xFFFFFFFF  }
0xad: {  	[dreg:$0x0] =	wrdreg $0x60  }
0xae: {  	[dreg:$0x2] =	wrdreg s24  }
0xaf: {  	[dreg:$0x3] =	wrdreg $0x44000  }
0xb0: {  	[dreg:$0x4] =	wrdreg $0x9  }
0xb1: {  	_ =	task.clear_ibuf [dreg:s6], $0x5FFFF;
	_ =	strace $0x90000046  }
0xb2: {  	s29 =	simm.s32 $0x9;
	_ =	strace $0x80000048  }
0xb3: {  	_ =	swait.ge [sflag:s29], $0x1  }
0xb4: {  	[sflag:s29] =	ssyncadd.s32 $0xFFFFFFFF  }
0xb5: {  	_ =	strace $0x90000048  }
0xb6: {  	_ =	sfence  }
0xb7: {  	s30 =	sld [smem:$0x0];
	_ =	sdelay $0x2  }
0xb8: {  	s31 =	sshll.u32 s1, $0xD;
	s1 =	sshrl.u32 s1, $0x2  }
0xb9: {  	s3 =	sand.u32 $0x4000, s31;
	s1 =	sadd.s32 s1, s30  }
0xba: {  	s0 =	sor.u32 s3, s0;
	s1 =	sshll.u32 s1, $0x11  }
0xbb: {  	s0 =	sor.u32 s1, s0  }
0xbc: {  	s0 =	sadd.s32 $0x8F2B, s0  }
0xbd: {  	[sflag:s0] =	ssyncadd.remote.s32 $0x1  }
0xbe: {  	_ =	sfence.sel $0xFFFF  }
0xbf: {  	[dreg:$0x0] =	wrdreg $0xFFFFFFFF;
	(pc) =	sbr.abs _section_cstart, $3  }
0xc0: {  	[dreg:$0x1] =	wrdreg $0xFFFFFFFF  }
0xc1: {  	_ =	task.clear_ibuf [dreg:s6], $0x2FFFF;
	_ =	strace $0x9FFFFFFF  }
0xc2: {  	(tm) =	ssettm $0x7FFFFFFF  }
0xc3: {  	_ =	shalt  }
tec
execute0_lowered:
.L_overlay_start_1:
0x0: {  	(tag) =	ssettag $0x1  }
0x1: {  	s0 =	rddreg [dreg:$0x0];
	s22 =	stileid.u32  }
0x2: {  	s1 =	rddreg [dreg:$0x1];
	s2 =	srdreg.scid  }
0x3: {  	s29 =	simm.s32 $0x5;
	s6 =	smul.u32 $0x19000, s22;
	s8 =	sadd.s32 $0x35B800, s0  }
0x4: {  	s30 =	simm.s32 $0x400;
	s7 =	sadd.s32 $0x67B800, s0;
	s13 =	smul.u32 $0x32000, s22  }
0x5: {  	s31 =	simm.s32 $0x200;
	s10 =	sadd.s32 $0x329800, s0;
	s17 =	smul.u32 $0x190000, s22  }
0x6: {  	s11 =	sand.u32 $0x1, s2;
	s14 =	sadd.s32 $0x9CD800, s0;
	s20 =	smul.u32 $0x3200, s22  }
0x7: {  	s2 =	ssub.s32 $0x2, s11;
	p0 =	sne.s32 s11, $0x0;
	s11 =	simm.s32 $0x0  }
0x8: {  	s3 =	sshrl.u32 s6, $0x3;
	s4 =	sshrl.u32 s2, $0x1;
	s9 =	sor.u32 $0x400, s6  }
0x9: {  	s16 =	sadd.s32 $0x18E00, s6;
	s18 =	sor.u32 $0x200, s6;
	s25 =	sshrl.u32 s17, $0x3  }
0xa: {  	s12 =	sadd.s32 s3, s0;
	s0 =	sadd.s32 $0xCED800, s0;
	s15 =	ssub.s32 s2, s4  }
0xb: {  	s2 =	sadd.s32 s10, s3;
	s3 =	sadd.s32 s7, s13;
	s4 =	sadd.s32 s8, s13  }
0xc: {  	s5 =	sshrl.u32 s16, $0x3;
	s19 =	sshll.u32 s16, $0x1;
	s24 =	sshrl.u32 s18, $0x3  }
0xd: {  	s9 =	sshrl.u32 s9, $0x3;
	s26 =	sshll.u32 s18, $0x1;
	s21 =	sadd.s32 s14, s25  }
0xe: {  	s23 =	sadd.s32 $0x31800, s25;
	s7 =	sadd.s32 s7, s19;
	[dreg:$0x7] =	wrdreg s21  }
0xf: {  	s5 =	sadd.s32 s10, s5;
	s17 =	sadd.s32 s0, s25;
	[dreg:$0x3] =	wrdreg s7  }
0x10: {  	s9 =	sadd.s32 s10, s9;
	s18 =	sadd.s32 s0, s26;
	[dreg:$0x4] =	wrdreg s17  }
0x11: {  	s8 =	sadd.s32 s8, s19;
	s25 =	sadd.s32 s0, s23;
	[dreg:$0x5] =	wrdreg s18  }
0x12: {  	s21 =	sadd.s32 s13, s14;
	s7 =	sadd.s32 s10, s24;
	[dreg:$0x6] =	wrdreg s8  }
0x13: {  	s24 =	sadd.s32 s14, s26;
	[dreg:$0x9] =	wrdreg s25;
	s10 =	sadd.s32 s20, s10  }
0x14: {  	s26 =	sadd.s32 s0, s19;
	s8 =	sadd.s32 s14, s23;
	s18 =	sadd.s32 s14, s19  }
0x15: {  	s19 =	sadd.s32 s13, s0;
	s20 =	simm.s32 $0x0;
	[dreg:$0x8] =	wrdreg s24  }
0x16: {  	s17 =	sadd.s32 s6, s1;
	s14 =	simm.s32 $0x2400;
	[dreg:$0xa] =	wrdreg s26  }
.Ltmp0:
0x17: {  	s0 =	simm.s32 $0x1;
	[dreg:$0xb] =	wrdreg s8;
	(pc) =	sbr.rel .LBB2_1-.Ltmp0, $4  }
0x18: {  	s6 =	simm.s32 $0x2;
	[smem:$0x7FF] =	sst s20;
	s26 =	sshll.u32 s22, $0x6  }
0x19: {  	s22 =	sadd.s32 $0x99B800, s12;
	s24 =	smax.u32 s15, $0x1;
	s25 =	sadd.s32 $0x80, s10  }
0x1a: {  	s28 =	sshrl.u32 s17, $0x3;
	s8 =	simm.s32 $0x3;
	_ =	strace $0x80000047  }
0x1b: {  	s23 =	sor.u32 $0x1C05, s26;
	s26 =	sadd.s32 $0x100, s10;
	s10 =	simm.s32 $0x4  }
.LBB2_11:
0x1c: {  	[hbm4b:s15+s20] =	stream.linear.scatter [tilespmem:s14], [sflag:$0x4], $0x2000, $0x38;
	[tilespmem:$0x1D400] =	vst v63  }
0x1d: {  	_ = 	snop  }
0x1e: {  	[tilespmem:s31], [sflag:$0x2] =	stream.linear.gather [hbm4b:s5+s20], $0x200, $0x38;
	[tilespmem:$0x1D400] =	vst v63  }
0x1f: {  	_ =	swait.ge [sflag:s0], $0x200  }
0x20: {  	[sflag:s0] =	ssyncset.done $0x0  }
0x21: {  	[sflag:s0] =	ssyncadd.s32 $0xFFFFFE00  }
0x22: {  	_ =	swait.ge [sflag:s8], $0x2000  }
0x23: {  	[sflag:s8] =	ssyncset.done $0x0  }
0x24: {  	[sflag:s8] =	ssyncadd.s32 $0xFFFFE000  }
0x25: {  	[tilespmem:s30], [sflag:$0x5] =	stream.indirect.gather [spmem:s1], $0x10, s20, s31, $0xb8;
	[tilespmem:$0x1D400] =	vst v63  }
0x26: {  	_ =	swait.ge [sflag:s29], $0x2000  }
0x27: {  	[sflag:s29] =	ssyncset.done $0x0  }
0x28: {  	s12 =	rddreg [dreg:$0x9];
	[sflag:s29] =	ssyncadd.s32 $0xFFFFE000  }
0x29: {  	[hbm4b:s12+s20] =	stream.linear.scatter [tilespmem:s30], [sflag:$0x3], $0x2000, $0x38;
	[tilespmem:$0x1D400] =	vst v63  }
0x2a: {  	_ =	swait.ge [sflag:s6], $0x200  }
0x2b: {  	[sflag:s6] =	ssyncset.done $0x0  }
0x2c: {  	[sflag:s6] =	ssyncadd.s32 $0xFFFFFE00  }
0x2d: {  	_ =	swait.ge [sflag:s10], $0x2000  }
0x2e: {  	[sflag:s10] =	ssyncset.done $0x0  }
0x2f: {  	[sflag:s10] =	ssyncadd.s32 $0xFFFFE000  }
0x30: {  	[tilespmem:s14], [sflag:$0x5] =	stream.indirect.gather [spmem:s1], $0x10, s31, s31, $0xb8;
	[tilespmem:$0x1D400] =	vst v63  }
0x31: {  	_ =	swait.ge [sflag:s29], $0x2000  }
0x32: {  	[sflag:s29] =	ssyncset.done $0x0  }
0x33: {  	s17 =	rddreg [dreg:$0xa];
	[sflag:s29] =	ssyncadd.s32 $0xFFFFE000  }
0x34: {  	[hbm4b:s17+s20] =	stream.linear.scatter [tilespmem:s14], [sflag:$0x4], $0x2000, $0x38;
	[tilespmem:$0x1D400] =	vst v63  }
.LBB2_12:
0x35: {  	s11 =	sadd.s32 $0x1, s11  }
0x36: {  	_ =	swait.ge [sflag:s8], $0x2000;
	p1 =	sne.s32 s11, s24  }
.Ltmp1:
0x37: {  	[sflag:s8] =	ssyncset.done $0x0;
	(pc) =	sbr.rel @!p1 .LBB2_13-.Ltmp1, $4  }
0x38: {  	[sflag:s8] =	ssyncadd.s32 $0xFFFFE000  }
0x39: {  	_ =	swait.ge [sflag:s10], $0x2000  }
0x3a: {  	[sflag:s10] =	ssyncset.done $0x0  }
0x3b: {  	[sflag:s10] =	ssyncadd.s32 $0xFFFFE000  }
.LBB2_1:
0x3c: {  	[spmem:s28], [sflag:s23] =	dma.local [hbm:s22], $0x3200  }
.Ltmp2:
0x3d: {  	_ =	swait.ge [sflag:s29], $0x3200;
	(pc) =	sbr.rel @p0 .LBB2_7-.Ltmp2, $4  }
0x3e: {  	[sflag:s29] =	ssyncset.done $0x0  }
0x3f: {  	[sflag:s29] =	ssyncadd.s32 $0xFFFFCE00  }
0x40: {  	s12 =	simm.s32 $0x0;
	[bflag:$0x0] =	sbarrier.arrive $0xFFFF  }
0x41: {  	[tilespmem:s20], [sflag:$0x1] =	stream.linear.gather [hbm4b:s2+s20], $0x200, $0x38;
	[tilespmem:$0x1D400] =	vst v63  }
0x42: {  	[tilespmem:s30], [sflag:$0x1] =	stream.linear.gather [hbm4b:s4+s12], $0x2000, $0x38;
	[tilespmem:$0x1D400] =	vst v63  }
0x43: {  	s15 =	sadd.s32 $0xFFFFFFC0, s25;
	s13 =	sadd.s32 $0x0, s4  }
0x44: {  	[tilespmem:s31], [sflag:$0x2] =	stream.linear.gather [hbm4b:s15+s20], $0x200, $0x38;
	[tilespmem:$0x1D400] =	vst v63  }
0x45: {  	s16 =	sadd.s32 $0x400, s13  }
0x46: {  	[tilespmem:s14], [sflag:$0x2] =	stream.linear.gather [hbm4b:s16+s20], $0x2000, $0x38;
	[tilespmem:$0x1D400] =	vst v63  }
0x47: {  	_ =	swait.ge [sflag:s0], $0x200  }
0x48: {  	[sflag:s0] =	ssyncset.done $0x0  }
0x49: {  	[sflag:s0] =	ssyncadd.s32 $0xFFFFFE00  }
0x4a: {  	_ =	swait.ge [sflag:s0], $0x2000  }
0x4b: {  	[sflag:s0] =	ssyncset.done $0x0  }
0x4c: {  	[sflag:s0] =	ssyncadd.s32 $0xFFFFE000  }
0x4d: {  	[spmem:s1] =	stream.indirect.scatter.add.f32 [tilespmem:s30], [sflag:$0x5], $0x10, s20, s31, $0xb8;
	[tilespmem:$0x1D400] =	vst v63  }
0x4e: {  	_ =	swait.ge [sflag:s29], $0x2000  }
0x4f: {  	[sflag:s29] =	ssyncset.done $0x0  }
0x50: {  	[sflag:s29] =	ssyncadd.s32 $0xFFFFE000  }
0x51: {  	[tilespmem:s20], [sflag:$0x1] =	stream.linear.gather [hbm4b:s25+s20], $0x200, $0x38;
	[tilespmem:$0x1D400] =	vst v63  }
0x52: {  	s17 =	sadd.s32 $0x800, s13  }
0x53: {  	[tilespmem:s30], [sflag:$0x1] =	stream.linear.gather [hbm4b:s17+s20], $0x2000, $0x38;
	[tilespmem:$0x1D400] =	vst v63  }
0x54: {  	_ =	swait.ge [sflag:s6], $0x200  }
0x55: {  	[sflag:s6] =	ssyncset.done $0x0  }
0x56: {  	[sflag:s6] =	ssyncadd.s32 $0xFFFFFE00  }
0x57: {  	_ =	swait.ge [sflag:s6], $0x2000  }
0x58: {  	[sflag:s6] =	ssyncset.done $0x0  }
0x59: {  	[sflag:s6] =	ssyncadd.s32 $0xFFFFE000  }
0x5a: {  	[spmem:s1] =	stream.indirect.scatter.add.f32 [tilespmem:s14], [sflag:$0x5], $0x10, s31, s31, $0xb8;
	[tilespmem:$0x1D400] =	vst v63  }
0x5b: {  	s12 =	sadd.s32 $0x80, s25;
	_ =	swait.ge [sflag:s29], $0x2000  }
0x5c: {  	s13 =	simm.s32 $0x800;
	s15 =	simm.s32 $0x1000;
	[sflag:s29] =	ssyncset.done $0x0  }
.LBB2_3:
0x5d: {  	s16 =	sadd.s32 $0xFFFFFFC0, s12  }
0x5e: {  	s17 =	sadd.s32 s13, s4;
	[sflag:s29] =	ssyncadd.s32 $0xFFFFE000;
	s13 =	smov.u32 s15  }
0x5f: {  	[tilespmem:s31], [sflag:$0x2] =	stream.linear.gather [hbm4b:s16+s20], $0x200, $0x38;
	[tilespmem:$0x1D400] =	vst v63  }
0x60: {  	p1 =	sne.s32 s15, $0x31000;
	s15 =	sadd.s32 $0x800, s15;
	s16 =	sadd.s32 $0x400, s17  }
0x61: {  	[tilespmem:s14], [sflag:$0x2] =	stream.linear.gather [hbm4b:s16+s20], $0x2000, $0x38;
	[tilespmem:$0x1D400] =	vst v63  }
0x62: {  	_ =	swait.ge [sflag:s0], $0x200  }
0x63: {  	[sflag:s0] =	ssyncset.done $0x0  }
0x64: {  	[sflag:s0] =	ssyncadd.s32 $0xFFFFFE00  }
0x65: {  	_ =	swait.ge [sflag:s0], $0x2000  }
0x66: {  	[sflag:s0] =	ssyncset.done $0x0  }
0x67: {  	[sflag:s0] =	ssyncadd.s32 $0xFFFFE000  }
0x68: {  	[spmem:s1] =	stream.indirect.scatter.add.f32 [tilespmem:s30], [sflag:$0x5], $0x10, s20, s31, $0xb8;
	[tilespmem:$0x1D400] =	vst v63  }
0x69: {  	_ =	swait.ge [sflag:s29], $0x2000  }
0x6a: {  	[sflag:s29] =	ssyncset.done $0x0  }
0x6b: {  	[sflag:s29] =	ssyncadd.s32 $0xFFFFE000  }
0x6c: {  	[tilespmem:s20], [sflag:$0x1] =	stream.linear.gather [hbm4b:s12+s20], $0x200, $0x38;
	[tilespmem:$0x1D400] =	vst v63  }
0x6d: {  	s16 =	sadd.s32 $0x800, s17  }
0x6e: {  	[tilespmem:s30], [sflag:$0x1] =	stream.linear.gather [hbm4b:s16+s20], $0x2000, $0x38;
	[tilespmem:$0x1D400] =	vst v63  }
0x6f: {  	_ =	swait.ge [sflag:s6], $0x200  }
0x70: {  	[sflag:s6] =	ssyncset.done $0x0  }
0x71: {  	[sflag:s6] =	ssyncadd.s32 $0xFFFFFE00  }
0x72: {  	_ =	swait.ge [sflag:s6], $0x2000  }
.Ltmp3:
0x73: {  	[sflag:s6] =	ssyncset.done $0x0;
	(pc) =	sbr.rel @p1 .LBB2_3-.Ltmp3, $4  }
0x74: {  	[sflag:s6] =	ssyncadd.s32 $0xFFFFE000  }
0x75: {  	[spmem:s1] =	stream.indirect.scatter.add.f32 [tilespmem:s14], [sflag:$0x5], $0x10, s31, s31, $0xb8;
	[tilespmem:$0x1D400] =	vst v63  }
0x76: {  	_ =	swait.ge [sflag:s29], $0x2000  }
0x77: {  	s12 =	sadd.s32 $0x80, s12;
	[sflag:s29] =	ssyncset.done $0x0  }
0x78: {  	s15 =	sadd.s32 $0xFFFFFFC0, s12;
	s13 =	sadd.s32 s13, s4;
	[sflag:s29] =	ssyncadd.s32 $0xFFFFE000  }
0x79: {  	[tilespmem:s31], [sflag:$0x2] =	stream.linear.gather [hbm4b:s15+s20], $0x200, $0x38;
	[tilespmem:$0x1D400] =	vst v63  }
0x7a: {  	s17 =	sadd.s32 $0x400, s13  }
0x7b: {  	[tilespmem:s14], [sflag:$0x2] =	stream.linear.gather [hbm4b:s17+s20], $0x2000, $0x38;
	[tilespmem:$0x1D400] =	vst v63  }
0x7c: {  	_ =	swait.ge [sflag:s0], $0x200  }
0x7d: {  	[sflag:s0] =	ssyncset.done $0x0  }
0x7e: {  	[sflag:s0] =	ssyncadd.s32 $0xFFFFFE00  }
0x7f: {  	_ =	swait.ge [sflag:s0], $0x2000  }
0x80: {  	[sflag:s0] =	ssyncset.done $0x0  }
0x81: {  	[sflag:s0] =	ssyncadd.s32 $0xFFFFE000  }
0x82: {  	[spmem:s1] =	stream.indirect.scatter.add.f32 [tilespmem:s30], [sflag:$0x5], $0x10, s20, s31, $0xb8;
	[tilespmem:$0x1D400] =	vst v63  }
0x83: {  	_ =	swait.ge [sflag:s29], $0x2000  }
0x84: {  	[sflag:s29] =	ssyncset.done $0x0  }
0x85: {  	[sflag:s29] =	ssyncadd.s32 $0xFFFFE000  }
0x86: {  	[tilespmem:s20], [sflag:$0x1] =	stream.linear.gather [hbm4b:s12+s20], $0x200, $0x38;
	[tilespmem:$0x1D400] =	vst v63  }
0x87: {  	s13 =	sadd.s32 $0x800, s13  }
0x88: {  	[tilespmem:s30], [sflag:$0x1] =	stream.linear.gather [hbm4b:s13+s20], $0x2000, $0x38;
	[tilespmem:$0x1D400] =	vst v63  }
0x89: {  	_ =	swait.ge [sflag:s6], $0x200  }
0x8a: {  	[sflag:s6] =	ssyncset.done $0x0  }
0x8b: {  	[sflag:s6] =	ssyncadd.s32 $0xFFFFFE00  }
0x8c: {  	_ =	swait.ge [sflag:s6], $0x2000  }
0x8d: {  	[sflag:s6] =	ssyncset.done $0x0  }
0x8e: {  	[sflag:s6] =	ssyncadd.s32 $0xFFFFE000  }
0x8f: {  	[spmem:s1] =	stream.indirect.scatter.add.f32 [tilespmem:s14], [sflag:$0x5], $0x10, s31, s31, $0xb8;
	[tilespmem:$0x1D400] =	vst v63  }
0x90: {  	_ =	swait.ge [sflag:s29], $0x2000  }
0x91: {  	[sflag:s29] =	ssyncset.done $0x0  }
0x92: {  	s12 =	simm.s32 $0x0;
	[sflag:s29] =	ssyncadd.s32 $0xFFFFE000  }
0x93: {  	[tilespmem:s31], [sflag:$0x2] =	stream.linear.gather [hbm4b:s5+s12], $0x200, $0x38;
	[tilespmem:$0x1D400] =	vst v63  }
0x94: {  	s15 =	rddreg [dreg:$0x6]  }
0x95: {  	[tilespmem:s14], [sflag:$0x2] =	stream.linear.gather [hbm4b:s15+s12], $0x2000, $0x38;
	[tilespmem:$0x1D400] =	vst v63  }
0x96: {  	_ =	swait.ge [sflag:s0], $0x200  }
0x97: {  	[sflag:s0] =	ssyncset.done $0x0  }
0x98: {  	[sflag:s0] =	ssyncadd.s32 $0xFFFFFE00  }
0x99: {  	_ =	swait.ge [sflag:s0], $0x2000  }
0x9a: {  	[sflag:s0] =	ssyncset.done $0x0  }
0x9b: {  	[sflag:s0] =	ssyncadd.s32 $0xFFFFE000  }
0x9c: {  	[spmem:s1] =	stream.indirect.scatter.add.f32 [tilespmem:s30], [sflag:$0x5], $0x10, s12, s31, $0xb8;
	[tilespmem:$0x1D400] =	vst v63  }
0x9d: {  	_ =	swait.ge [sflag:s29], $0x2000  }
0x9e: {  	[sflag:s29] =	ssyncset.done $0x0  }
0x9f: {  	[sflag:s29] =	ssyncadd.s32 $0xFFFFE000  }
0xa0: {  	_ =	swait.ge [sflag:s6], $0x200  }
0xa1: {  	[sflag:s6] =	ssyncset.done $0x0  }
0xa2: {  	[sflag:s6] =	ssyncadd.s32 $0xFFFFFE00  }
0xa3: {  	_ =	swait.ge [sflag:s6], $0x2000  }
0xa4: {  	[sflag:s6] =	ssyncset.done $0x0  }
0xa5: {  	[sflag:s6] =	ssyncadd.s32 $0xFFFFE000  }
0xa6: {  	[spmem:s1] =	stream.indirect.scatter.add.f32 [tilespmem:s14], [sflag:$0x5], $0x10, s31, s31, $0xb8;
	[tilespmem:$0x1D400] =	vst v63  }
0xa7: {  	_ =	swait.ge [sflag:s29], $0x2000  }
0xa8: {  	[sflag:s29] =	ssyncset.done $0x0  }
0xa9: {  	[sflag:s29] =	ssyncadd.s32 $0xFFFFE000  }
0xaa: {  	[bflag:$0x0] =	sbarrier.arrive $0xFFFF  }
0xab: {  	[tilespmem:s12], [sflag:$0x1] =	stream.linear.gather [hbm4b:s2+s12], $0x200, $0x38;
	[tilespmem:$0x1D400] =	vst v63  }
0xac: {  	_ = 	snop  }
0xad: {  	[tilespmem:s31], [sflag:$0x2] =	stream.linear.gather [hbm4b:s7+s12], $0x200, $0x38;
	[tilespmem:$0x1D400] =	vst v63  }
0xae: {  	_ =	swait.ge [sflag:s0], $0x200  }
0xaf: {  	[sflag:s0] =	ssyncset.done $0x0  }
0xb0: {  	[sflag:s0] =	ssyncadd.s32 $0xFFFFFE00  }
0xb1: {  	[tilespmem:s30], [sflag:$0x5] =	stream.indirect.gather [spmem:s1], $0x10, s12, s31, $0xb8;
	[tilespmem:$0x1D400] =	vst v63  }
0xb2: {  	_ =	swait.ge [sflag:s29], $0x2000  }
0xb3: {  	[sflag:s29] =	ssyncset.done $0x0  }
0xb4: {  	s16 =	rddreg [dreg:$0x7];
	[sflag:s29] =	ssyncadd.s32 $0xFFFFE000  }
0xb5: {  	[hbm4b:s16+s12] =	stream.linear.scatter [tilespmem:s30], [sflag:$0x3], $0x2000, $0x38;
	[tilespmem:$0x1D400] =	vst v63  }
0xb6: {  	_ = 	snop  }
0xb7: {  	[tilespmem:s12], [sflag:$0x1] =	stream.linear.gather [hbm4b:s9+s12], $0x200, $0x38;
	[tilespmem:$0x1D400] =	vst v63  }
0xb8: {  	_ =	swait.ge [sflag:s6], $0x200  }
0xb9: {  	[sflag:s6] =	ssyncset.done $0x0  }
0xba: {  	[sflag:s6] =	ssyncadd.s32 $0xFFFFFE00  }
0xbb: {  	[tilespmem:s14], [sflag:$0x5] =	stream.indirect.gather [spmem:s1], $0x10, s31, s31, $0xb8;
	[tilespmem:$0x1D400] =	vst v63  }
0xbc: {  	_ =	swait.ge [sflag:s29], $0x2000  }
0xbd: {  	[sflag:s29] =	ssyncset.done $0x0  }
0xbe: {  	s17 =	rddreg [dreg:$0x8];
	[sflag:s29] =	ssyncadd.s32 $0xFFFFE000  }
0xbf: {  	[hbm4b:s17+s12] =	stream.linear.scatter [tilespmem:s14], [sflag:$0x4], $0x2000, $0x38;
	[tilespmem:$0x1D400] =	vst v63  }
0xc0: {  	s15 =	sadd.s32 $0xFFFFFFC0, s26  }
0xc1: {  	[tilespmem:s31], [sflag:$0x2] =	stream.linear.gather [hbm4b:s15+s20], $0x200, $0x38;
	[tilespmem:$0x1D400] =	vst v63  }
0xc2: {  	_ =	swait.ge [sflag:s0], $0x200  }
0xc3: {  	[sflag:s0] =	ssyncset.done $0x0  }
0xc4: {  	[sflag:s0] =	ssyncadd.s32 $0xFFFFFE00  }
0xc5: {  	_ =	swait.ge [sflag:s8], $0x2000  }
0xc6: {  	[sflag:s8] =	ssyncset.done $0x0  }
0xc7: {  	[sflag:s8] =	ssyncadd.s32 $0xFFFFE000  }
0xc8: {  	[tilespmem:s30], [sflag:$0x5] =	stream.indirect.gather [spmem:s1], $0x10, s20, s31, $0xb8;
	[tilespmem:$0x1D400] =	vst v63  }
0xc9: {  	_ =	swait.ge [sflag:s29], $0x2000  }
0xca: {  	s16 =	sadd.s32 $0x0, s21;
	[sflag:s29] =	ssyncset.done $0x0  }
0xcb: {  	s17 =	sadd.s32 $0x800, s16;
	[sflag:s29] =	ssyncadd.s32 $0xFFFFE000  }
0xcc: {  	[hbm4b:s17+s20] =	stream.linear.scatter [tilespmem:s30], [sflag:$0x3], $0x2000, $0x38;
	[tilespmem:$0x1D400] =	vst v63  }
0xcd: {  	_ = 	snop  }
0xce: {  	[tilespmem:s20], [sflag:$0x1] =	stream.linear.gather [hbm4b:s26+s20], $0x200, $0x38;
	[tilespmem:$0x1D400] =	vst v63  }
0xcf: {  	_ =	swait.ge [sflag:s6], $0x200  }
0xd0: {  	[sflag:s6] =	ssyncset.done $0x0  }
0xd1: {  	[sflag:s6] =	ssyncadd.s32 $0xFFFFFE00  }
0xd2: {  	_ =	swait.ge [sflag:s10], $0x2000  }
0xd3: {  	[sflag:s10] =	ssyncset.done $0x0  }
0xd4: {  	[sflag:s10] =	ssyncadd.s32 $0xFFFFE000  }
0xd5: {  	[tilespmem:s14], [sflag:$0x5] =	stream.indirect.gather [spmem:s1], $0x10, s31, s31, $0xb8;
	[tilespmem:$0x1D400] =	vst v63  }
0xd6: {  	_ =	swait.ge [sflag:s29], $0x2000  }
0xd7: {  	s13 =	sadd.s32 $0x80, s26;
	[sflag:s29] =	ssyncset.done $0x0  }
0xd8: {  	s12 =	simm.s32 $0x800;
	s15 =	sadd.s32 $0xC00, s16;
	[sflag:s29] =	ssyncadd.s32 $0xFFFFE000  }
.LBB2_5:
0xd9: {  	[hbm4b:s15+s20] =	stream.linear.scatter [tilespmem:s14], [sflag:$0x4], $0x2000, $0x38;
	[tilespmem:$0x1D400] =	vst v63  }
0xda: {  	s15 =	smov.u32 s12  }
0xdb: {  	s16 =	sadd.s32 $0xFFFFFFC0, s13;
	p1 =	seq.s32 s12, $0x30800;
	s12 =	sadd.s32 $0x800, s12  }
0xdc: {  	[tilespmem:s31], [sflag:$0x2] =	stream.linear.gather [hbm4b:s16+s20], $0x200, $0x38;
	[tilespmem:$0x1D400] =	vst v63  }
0xdd: {  	_ =	swait.ge [sflag:s0], $0x200  }
0xde: {  	[sflag:s0] =	ssyncset.done $0x0  }
0xdf: {  	[sflag:s0] =	ssyncadd.s32 $0xFFFFFE00  }
0xe0: {  	_ =	swait.ge [sflag:s8], $0x2000  }
0xe1: {  	[sflag:s8] =	ssyncset.done $0x0  }
0xe2: {  	[sflag:s8] =	ssyncadd.s32 $0xFFFFE000  }
0xe3: {  	[tilespmem:s30], [sflag:$0x5] =	stream.indirect.gather [spmem:s1], $0x10, s20, s31, $0xb8;
	[tilespmem:$0x1D400] =	vst v63  }
0xe4: {  	_ =	swait.ge [sflag:s29], $0x2000  }
0xe5: {  	s15 =	sadd.s32 s15, s21;
	[sflag:s29] =	ssyncset.done $0x0  }
0xe6: {  	s16 =	sadd.s32 $0x800, s15;
	[sflag:s29] =	ssyncadd.s32 $0xFFFFE000  }
0xe7: {  	[hbm4b:s16+s20] =	stream.linear.scatter [tilespmem:s30], [sflag:$0x3], $0x2000, $0x38;
	[tilespmem:$0x1D400] =	vst v63  }
0xe8: {  	_ = 	snop  }
0xe9: {  	[tilespmem:s20], [sflag:$0x1] =	stream.linear.gather [hbm4b:s13+s20], $0x200, $0x38;
	[tilespmem:$0x1D400] =	vst v63  }
0xea: {  	_ =	swait.ge [sflag:s6], $0x200  }
0xeb: {  	[sflag:s6] =	ssyncset.done $0x0  }
0xec: {  	[sflag:s6] =	ssyncadd.s32 $0xFFFFFE00  }
0xed: {  	_ =	swait.ge [sflag:s10], $0x2000  }
0xee: {  	[sflag:s10] =	ssyncset.done $0x0  }
.Ltmp4:
0xef: {  	[sflag:s10] =	ssyncadd.s32 $0xFFFFE000;
	(pc) =	sbr.rel @!p1 .LBB2_5-.Ltmp4, $4  }
0xf0: {  	[tilespmem:s14], [sflag:$0x5] =	stream.indirect.gather [spmem:s1], $0x10, s31, s31, $0xb8;
	[tilespmem:$0x1D400] =	vst v63  }
0xf1: {  	_ =	swait.ge [sflag:s29], $0x2000  }
0xf2: {  	[sflag:s29] =	ssyncset.done $0x0  }
0xf3: {  	s15 =	sadd.s32 $0xC00, s15;
	s13 =	sadd.s32 $0x80, s13;
	[sflag:s29] =	ssyncadd.s32 $0xFFFFE000  }
0xf4: {  	[hbm4b:s15+s20] =	stream.linear.scatter [tilespmem:s14], [sflag:$0x4], $0x2000, $0x38;
	[tilespmem:$0x1D400] =	vst v63  }
0xf5: {  	_ = 	snop  }
0xf6: {  	[tilespmem:s31], [sflag:$0x2] =	stream.linear.gather [hbm4b:s5+s20], $0x200, $0x38;
	[tilespmem:$0x1D400] =	vst v63  }
0xf7: {  	_ =	swait.ge [sflag:s0], $0x200  }
0xf8: {  	[sflag:s0] =	ssyncset.done $0x0  }
0xf9: {  	[sflag:s0] =	ssyncadd.s32 $0xFFFFFE00  }
0xfa: {  	_ =	swait.ge [sflag:s8], $0x2000  }
0xfb: {  	[sflag:s8] =	ssyncset.done $0x0  }
0xfc: {  	[sflag:s8] =	ssyncadd.s32 $0xFFFFE000  }
0xfd: {  	[tilespmem:s30], [sflag:$0x5] =	stream.indirect.gather [spmem:s1], $0x10, s20, s31, $0xb8;
	[tilespmem:$0x1D400] =	vst v63  }
0xfe: {  	_ =	swait.ge [sflag:s29], $0x2000  }
0xff: {  	[sflag:s29] =	ssyncset.done $0x0  }
0x100: {  	s12 =	rddreg [dreg:$0xb];
	[sflag:s29] =	ssyncadd.s32 $0xFFFFE000  }
0x101: {  	[hbm4b:s12+s20] =	stream.linear.scatter [tilespmem:s30], [sflag:$0x3], $0x2000, $0x38;
	[tilespmem:$0x1D400] =	vst v63  }
0x102: {  	_ =	swait.ge [sflag:s6], $0x200  }
0x103: {  	[sflag:s6] =	ssyncset.done $0x0  }
0x104: {  	[sflag:s6] =	ssyncadd.s32 $0xFFFFFE00  }
0x105: {  	_ =	swait.ge [sflag:s10], $0x2000  }
0x106: {  	[sflag:s10] =	ssyncset.done $0x0  }
0x107: {  	[sflag:s10] =	ssyncadd.s32 $0xFFFFE000  }
0x108: {  	[tilespmem:s14], [sflag:$0x5] =	stream.indirect.gather [spmem:s1], $0x10, s31, s31, $0xb8;
	[tilespmem:$0x1D400] =	vst v63  }
.Ltmp5:
0x109: {  	_ = 	snop;
	(pc) =	sbr.rel .LBB2_12-.Ltmp5, $4  }
0x10a: {  	_ =	swait.ge [sflag:s29], $0x2000  }
0x10b: {  	[sflag:s29] =	ssyncset.done $0x0  }
0x10c: {  	[sflag:s29] =	ssyncadd.s32 $0xFFFFE000  }
0x10d: {  	[hbm4b:s18+s20] =	stream.linear.scatter [tilespmem:s14], [sflag:$0x4], $0x2000, $0x38;
	[tilespmem:$0x1D400] =	vst v63  }
.LBB2_7:
0x10e: {  	[tilespmem:s30], [sflag:$0x1] =	stream.linear.gather [hbm4b:s3+s12], $0x2000, $0x38;
	[tilespmem:$0x1D400] =	vst v63  }
0x10f: {  	s15 =	sadd.s32 $0xFFFFFFC0, s25;
	s13 =	sadd.s32 $0x0, s3  }
0x110: {  	[tilespmem:s31], [sflag:$0x2] =	stream.linear.gather [hbm4b:s15+s20], $0x200, $0x38;
	[tilespmem:$0x1D400] =	vst v63  }
0x111: {  	s16 =	sadd.s32 $0x400, s13  }
0x112: {  	[tilespmem:s14], [sflag:$0x2] =	stream.linear.gather [hbm4b:s16+s20], $0x2000, $0x38;
	[tilespmem:$0x1D400] =	vst v63  }
0x113: {  	_ =	swait.ge [sflag:s0], $0x200  }
0x114: {  	[sflag:s0] =	ssyncset.done $0x0  }
0x115: {  	[sflag:s0] =	ssyncadd.s32 $0xFFFFFE00  }
0x116: {  	_ =	swait.ge [sflag:s0], $0x2000  }
0x117: {  	[sflag:s0] =	ssyncset.done $0x0  }
0x118: {  	[sflag:s0] =	ssyncadd.s32 $0xFFFFE000  }
0x119: {  	[spmem:s1] =	stream.indirect.scatter.add.f32 [tilespmem:s30], [sflag:$0x5], $0x10, s20, s31, $0xb8;
	[tilespmem:$0x1D400] =	vst v63  }
0x11a: {  	_ =	swait.ge [sflag:s29], $0x2000  }
0x11b: {  	[sflag:s29] =	ssyncset.done $0x0  }
0x11c: {  	[sflag:s29] =	ssyncadd.s32 $0xFFFFE000  }
0x11d: {  	[tilespmem:s20], [sflag:$0x1] =	stream.linear.gather [hbm4b:s25+s20], $0x200, $0x38;
	[tilespmem:$0x1D400] =	vst v63  }
0x11e: {  	s17 =	sadd.s32 $0x800, s13  }
0x11f: {  	[tilespmem:s30], [sflag:$0x1] =	stream.linear.gather [hbm4b:s17+s20], $0x2000, $0x38;
	[tilespmem:$0x1D400] =	vst v63  }
0x120: {  	_ =	swait.ge [sflag:s6], $0x200  }
0x121: {  	[sflag:s6] =	ssyncset.done $0x0  }
0x122: {  	[sflag:s6] =	ssyncadd.s32 $0xFFFFFE00  }
0x123: {  	_ =	swait.ge [sflag:s6], $0x2000  }
0x124: {  	[sflag:s6] =	ssyncset.done $0x0  }
0x125: {  	[sflag:s6] =	ssyncadd.s32 $0xFFFFE000  }
0x126: {  	[spmem:s1] =	stream.indirect.scatter.add.f32 [tilespmem:s14], [sflag:$0x5], $0x10, s31, s31, $0xb8;
	[tilespmem:$0x1D400] =	vst v63  }
0x127: {  	s12 =	sadd.s32 $0x80, s25;
	_ =	swait.ge [sflag:s29], $0x2000  }
0x128: {  	s13 =	simm.s32 $0x800;
	s15 =	simm.s32 $0x1000;
	[sflag:s29] =	ssyncset.done $0x0  }
.LBB2_8:
0x129: {  	s16 =	sadd.s32 $0xFFFFFFC0, s12  }
0x12a: {  	s17 =	sadd.s32 s13, s3;
	[sflag:s29] =	ssyncadd.s32 $0xFFFFE000;
	s13 =	smov.u32 s15  }
0x12b: {  	[tilespmem:s31], [sflag:$0x2] =	stream.linear.gather [hbm4b:s16+s20], $0x200, $0x38;
	[tilespmem:$0x1D400] =	vst v63  }
0x12c: {  	p1 =	seq.s32 s15, $0x31000;
	s15 =	sadd.s32 $0x800, s15;
	s16 =	sadd.s32 $0x400, s17  }
0x12d: {  	[tilespmem:s14], [sflag:$0x2] =	stream.linear.gather [hbm4b:s16+s20], $0x2000, $0x38;
	[tilespmem:$0x1D400] =	vst v63  }
0x12e: {  	_ =	swait.ge [sflag:s0], $0x200  }
0x12f: {  	[sflag:s0] =	ssyncset.done $0x0  }
0x130: {  	[sflag:s0] =	ssyncadd.s32 $0xFFFFFE00  }
0x131: {  	_ =	swait.ge [sflag:s0], $0x2000  }
0x132: {  	[sflag:s0] =	ssyncset.done $0x0  }
0x133: {  	[sflag:s0] =	ssyncadd.s32 $0xFFFFE000  }
0x134: {  	[spmem:s1] =	stream.indirect.scatter.add.f32 [tilespmem:s30], [sflag:$0x5], $0x10, s20, s31, $0xb8;
	[tilespmem:$0x1D400] =	vst v63  }
0x135: {  	_ =	swait.ge [sflag:s29], $0x2000  }
0x136: {  	[sflag:s29] =	ssyncset.done $0x0  }
0x137: {  	[sflag:s29] =	ssyncadd.s32 $0xFFFFE000  }
0x138: {  	[tilespmem:s20], [sflag:$0x1] =	stream.linear.gather [hbm4b:s12+s20], $0x200, $0x38;
	[tilespmem:$0x1D400] =	vst v63  }
0x139: {  	s16 =	sadd.s32 $0x800, s17  }
0x13a: {  	[tilespmem:s30], [sflag:$0x1] =	stream.linear.gather [hbm4b:s16+s20], $0x2000, $0x38;
	[tilespmem:$0x1D400] =	vst v63  }
0x13b: {  	_ =	swait.ge [sflag:s6], $0x200  }
0x13c: {  	[sflag:s6] =	ssyncset.done $0x0  }
0x13d: {  	[sflag:s6] =	ssyncadd.s32 $0xFFFFFE00  }
0x13e: {  	_ =	swait.ge [sflag:s6], $0x2000  }
.Ltmp6:
0x13f: {  	[sflag:s6] =	ssyncset.done $0x0;
	(pc) =	sbr.rel @!p1 .LBB2_8-.Ltmp6, $4  }
0x140: {  	[sflag:s6] =	ssyncadd.s32 $0xFFFFE000  }
0x141: {  	[spmem:s1] =	stream.indirect.scatter.add.f32 [tilespmem:s14], [sflag:$0x5], $0x10, s31, s31, $0xb8;
	[tilespmem:$0x1D400] =	vst v63  }
0x142: {  	_ =	swait.ge [sflag:s29], $0x2000  }
0x143: {  	s12 =	sadd.s32 $0x80, s12;
	[sflag:s29] =	ssyncset.done $0x0  }
0x144: {  	s15 =	sadd.s32 $0xFFFFFFC0, s12;
	s13 =	sadd.s32 s13, s3;
	[sflag:s29] =	ssyncadd.s32 $0xFFFFE000  }
0x145: {  	[tilespmem:s31], [sflag:$0x2] =	stream.linear.gather [hbm4b:s15+s20], $0x200, $0x38;
	[tilespmem:$0x1D400] =	vst v63  }
0x146: {  	s17 =	sadd.s32 $0x400, s13  }
0x147: {  	[tilespmem:s14], [sflag:$0x2] =	stream.linear.gather [hbm4b:s17+s20], $0x2000, $0x38;
	[tilespmem:$0x1D400] =	vst v63  }
0x148: {  	_ =	swait.ge [sflag:s0], $0x200  }
0x149: {  	[sflag:s0] =	ssyncset.done $0x0  }
0x14a: {  	[sflag:s0] =	ssyncadd.s32 $0xFFFFFE00  }
0x14b: {  	_ =	swait.ge [sflag:s0], $0x2000  }
0x14c: {  	[sflag:s0] =	ssyncset.done $0x0  }
0x14d: {  	[sflag:s0] =	ssyncadd.s32 $0xFFFFE000  }
0x14e: {  	[spmem:s1] =	stream.indirect.scatter.add.f32 [tilespmem:s30], [sflag:$0x5], $0x10, s20, s31, $0xb8;
	[tilespmem:$0x1D400] =	vst v63  }
0x14f: {  	_ =	swait.ge [sflag:s29], $0x2000  }
0x150: {  	[sflag:s29] =	ssyncset.done $0x0  }
0x151: {  	[sflag:s29] =	ssyncadd.s32 $0xFFFFE000  }
0x152: {  	[tilespmem:s20], [sflag:$0x1] =	stream.linear.gather [hbm4b:s12+s20], $0x200, $0x38;
	[tilespmem:$0x1D400] =	vst v63  }
0x153: {  	s13 =	sadd.s32 $0x800, s13  }
0x154: {  	[tilespmem:s30], [sflag:$0x1] =	stream.linear.gather [hbm4b:s13+s20], $0x2000, $0x38;
	[tilespmem:$0x1D400] =	vst v63  }
0x155: {  	_ =	swait.ge [sflag:s6], $0x200  }
0x156: {  	[sflag:s6] =	ssyncset.done $0x0  }
0x157: {  	[sflag:s6] =	ssyncadd.s32 $0xFFFFFE00  }
0x158: {  	_ =	swait.ge [sflag:s6], $0x2000  }
0x159: {  	[sflag:s6] =	ssyncset.done $0x0  }
0x15a: {  	[sflag:s6] =	ssyncadd.s32 $0xFFFFE000  }
0x15b: {  	[spmem:s1] =	stream.indirect.scatter.add.f32 [tilespmem:s14], [sflag:$0x5], $0x10, s31, s31, $0xb8;
	[tilespmem:$0x1D400] =	vst v63  }
0x15c: {  	_ =	swait.ge [sflag:s29], $0x2000  }
0x15d: {  	[sflag:s29] =	ssyncset.done $0x0  }
0x15e: {  	s12 =	simm.s32 $0x0;
	[sflag:s29] =	ssyncadd.s32 $0xFFFFE000  }
0x15f: {  	[tilespmem:s31], [sflag:$0x2] =	stream.linear.gather [hbm4b:s5+s12], $0x200, $0x38;
	[tilespmem:$0x1D400] =	vst v63  }
0x160: {  	s15 =	rddreg [dreg:$0x3]  }
0x161: {  	[tilespmem:s14], [sflag:$0x2] =	stream.linear.gather [hbm4b:s15+s12], $0x2000, $0x38;
	[tilespmem:$0x1D400] =	vst v63  }
0x162: {  	_ =	swait.ge [sflag:s0], $0x200  }
0x163: {  	[sflag:s0] =	ssyncset.done $0x0  }
0x164: {  	[sflag:s0] =	ssyncadd.s32 $0xFFFFFE00  }
0x165: {  	_ =	swait.ge [sflag:s0], $0x2000  }
0x166: {  	[sflag:s0] =	ssyncset.done $0x0  }
0x167: {  	[sflag:s0] =	ssyncadd.s32 $0xFFFFE000  }
0x168: {  	[spmem:s1] =	stream.indirect.scatter.add.f32 [tilespmem:s30], [sflag:$0x5], $0x10, s12, s31, $0xb8;
	[tilespmem:$0x1D400] =	vst v63  }
0x169: {  	_ =	swait.ge [sflag:s29], $0x2000  }
0x16a: {  	[sflag:s29] =	ssyncset.done $0x0  }
0x16b: {  	[sflag:s29] =	ssyncadd.s32 $0xFFFFE000  }
0x16c: {  	_ =	swait.ge [sflag:s6], $0x200  }
0x16d: {  	[sflag:s6] =	ssyncset.done $0x0  }
0x16e: {  	[sflag:s6] =	ssyncadd.s32 $0xFFFFFE00  }
0x16f: {  	_ =	swait.ge [sflag:s6], $0x2000  }
0x170: {  	[sflag:s6] =	ssyncset.done $0x0  }
0x171: {  	[sflag:s6] =	ssyncadd.s32 $0xFFFFE000  }
0x172: {  	[spmem:s1] =	stream.indirect.scatter.add.f32 [tilespmem:s14], [sflag:$0x5], $0x10, s31, s31, $0xb8;
	[tilespmem:$0x1D400] =	vst v63  }
0x173: {  	_ =	swait.ge [sflag:s29], $0x2000  }
0x174: {  	[sflag:s29] =	ssyncset.done $0x0  }
0x175: {  	[sflag:s29] =	ssyncadd.s32 $0xFFFFE000  }
0x176: {  	[bflag:$0x0] =	sbarrier.arrive $0xFFFF  }
0x177: {  	[tilespmem:s12], [sflag:$0x1] =	stream.linear.gather [hbm4b:s2+s12], $0x200, $0x38;
	[tilespmem:$0x1D400] =	vst v63  }
0x178: {  	_ = 	snop  }
0x179: {  	[tilespmem:s31], [sflag:$0x2] =	stream.linear.gather [hbm4b:s7+s12], $0x200, $0x38;
	[tilespmem:$0x1D400] =	vst v63  }
0x17a: {  	_ =	swait.ge [sflag:s0], $0x200  }
0x17b: {  	[sflag:s0] =	ssyncset.done $0x0  }
0x17c: {  	[sflag:s0] =	ssyncadd.s32 $0xFFFFFE00  }
0x17d: {  	[tilespmem:s30], [sflag:$0x5] =	stream.indirect.gather [spmem:s1], $0x10, s12, s31, $0xb8;
	[tilespmem:$0x1D400] =	vst v63  }
0x17e: {  	_ =	swait.ge [sflag:s29], $0x2000  }
0x17f: {  	[sflag:s29] =	ssyncset.done $0x0  }
0x180: {  	s16 =	rddreg [dreg:$0x4];
	[sflag:s29] =	ssyncadd.s32 $0xFFFFE000  }
0x181: {  	[hbm4b:s16+s12] =	stream.linear.scatter [tilespmem:s30], [sflag:$0x3], $0x2000, $0x38;
	[tilespmem:$0x1D400] =	vst v63  }
0x182: {  	_ = 	snop  }
0x183: {  	[tilespmem:s12], [sflag:$0x1] =	stream.linear.gather [hbm4b:s9+s12], $0x200, $0x38;
	[tilespmem:$0x1D400] =	vst v63  }
0x184: {  	_ =	swait.ge [sflag:s6], $0x200  }
0x185: {  	[sflag:s6] =	ssyncset.done $0x0  }
0x186: {  	[sflag:s6] =	ssyncadd.s32 $0xFFFFFE00  }
0x187: {  	[tilespmem:s14], [sflag:$0x5] =	stream.indirect.gather [spmem:s1], $0x10, s31, s31, $0xb8;
	[tilespmem:$0x1D400] =	vst v63  }
0x188: {  	_ =	swait.ge [sflag:s29], $0x2000  }
0x189: {  	[sflag:s29] =	ssyncset.done $0x0  }
0x18a: {  	s17 =	rddreg [dreg:$0x5];
	[sflag:s29] =	ssyncadd.s32 $0xFFFFE000  }
0x18b: {  	[hbm4b:s17+s12] =	stream.linear.scatter [tilespmem:s14], [sflag:$0x4], $0x2000, $0x38;
	[tilespmem:$0x1D400] =	vst v63  }
0x18c: {  	s15 =	sadd.s32 $0xFFFFFFC0, s26  }
0x18d: {  	[tilespmem:s31], [sflag:$0x2] =	stream.linear.gather [hbm4b:s15+s20], $0x200, $0x38;
	[tilespmem:$0x1D400] =	vst v63  }
0x18e: {  	_ =	swait.ge [sflag:s0], $0x200  }
0x18f: {  	[sflag:s0] =	ssyncset.done $0x0  }
0x190: {  	[sflag:s0] =	ssyncadd.s32 $0xFFFFFE00  }
0x191: {  	_ =	swait.ge [sflag:s8], $0x2000  }
0x192: {  	[sflag:s8] =	ssyncset.done $0x0  }
0x193: {  	[sflag:s8] =	ssyncadd.s32 $0xFFFFE000  }
0x194: {  	[tilespmem:s30], [sflag:$0x5] =	stream.indirect.gather [spmem:s1], $0x10, s20, s31, $0xb8;
	[tilespmem:$0x1D400] =	vst v63  }
0x195: {  	_ =	swait.ge [sflag:s29], $0x2000  }
0x196: {  	s16 =	sadd.s32 $0x0, s19;
	[sflag:s29] =	ssyncset.done $0x0  }
0x197: {  	s17 =	sadd.s32 $0x800, s16;
	[sflag:s29] =	ssyncadd.s32 $0xFFFFE000  }
0x198: {  	[hbm4b:s17+s20] =	stream.linear.scatter [tilespmem:s30], [sflag:$0x3], $0x2000, $0x38;
	[tilespmem:$0x1D400] =	vst v63  }
0x199: {  	_ = 	snop  }
0x19a: {  	[tilespmem:s20], [sflag:$0x1] =	stream.linear.gather [hbm4b:s26+s20], $0x200, $0x38;
	[tilespmem:$0x1D400] =	vst v63  }
0x19b: {  	_ =	swait.ge [sflag:s6], $0x200  }
0x19c: {  	[sflag:s6] =	ssyncset.done $0x0  }
0x19d: {  	[sflag:s6] =	ssyncadd.s32 $0xFFFFFE00  }
0x19e: {  	_ =	swait.ge [sflag:s10], $0x2000  }
0x19f: {  	[sflag:s10] =	ssyncset.done $0x0  }
0x1a0: {  	[sflag:s10] =	ssyncadd.s32 $0xFFFFE000  }
0x1a1: {  	[tilespmem:s14], [sflag:$0x5] =	stream.indirect.gather [spmem:s1], $0x10, s31, s31, $0xb8;
	[tilespmem:$0x1D400] =	vst v63  }
0x1a2: {  	_ =	swait.ge [sflag:s29], $0x2000  }
0x1a3: {  	s13 =	sadd.s32 $0x80, s26;
	[sflag:s29] =	ssyncset.done $0x0  }
0x1a4: {  	s12 =	simm.s32 $0x800;
	s15 =	sadd.s32 $0xC00, s16;
	[sflag:s29] =	ssyncadd.s32 $0xFFFFE000  }
.LBB2_10:
0x1a5: {  	[hbm4b:s15+s20] =	stream.linear.scatter [tilespmem:s14], [sflag:$0x4], $0x2000, $0x38;
	[tilespmem:$0x1D400] =	vst v63  }
0x1a6: {  	s15 =	smov.u32 s12  }
0x1a7: {  	s16 =	sadd.s32 $0xFFFFFFC0, s13;
	p1 =	seq.s32 s12, $0x30800;
	s12 =	sadd.s32 $0x800, s12  }
0x1a8: {  	[tilespmem:s31], [sflag:$0x2] =	stream.linear.gather [hbm4b:s16+s20], $0x200, $0x38;
	[tilespmem:$0x1D400] =	vst v63  }
0x1a9: {  	_ =	swait.ge [sflag:s0], $0x200  }
0x1aa: {  	[sflag:s0] =	ssyncset.done $0x0  }
0x1ab: {  	[sflag:s0] =	ssyncadd.s32 $0xFFFFFE00  }
0x1ac: {  	_ =	swait.ge [sflag:s8], $0x2000  }
0x1ad: {  	[sflag:s8] =	ssyncset.done $0x0  }
0x1ae: {  	[sflag:s8] =	ssyncadd.s32 $0xFFFFE000  }
0x1af: {  	[tilespmem:s30], [sflag:$0x5] =	stream.indirect.gather [spmem:s1], $0x10, s20, s31, $0xb8;
	[tilespmem:$0x1D400] =	vst v63  }
0x1b0: {  	_ =	swait.ge [sflag:s29], $0x2000  }
0x1b1: {  	s15 =	sadd.s32 s15, s19;
	[sflag:s29] =	ssyncset.done $0x0  }
0x1b2: {  	s16 =	sadd.s32 $0x800, s15;
	[sflag:s29] =	ssyncadd.s32 $0xFFFFE000  }
0x1b3: {  	[hbm4b:s16+s20] =	stream.linear.scatter [tilespmem:s30], [sflag:$0x3], $0x2000, $0x38;
	[tilespmem:$0x1D400] =	vst v63  }
0x1b4: {  	_ = 	snop  }
0x1b5: {  	[tilespmem:s20], [sflag:$0x1] =	stream.linear.gather [hbm4b:s13+s20], $0x200, $0x38;
	[tilespmem:$0x1D400] =	vst v63  }
0x1b6: {  	_ =	swait.ge [sflag:s6], $0x200  }
0x1b7: {  	[sflag:s6] =	ssyncset.done $0x0  }
0x1b8: {  	[sflag:s6] =	ssyncadd.s32 $0xFFFFFE00  }
0x1b9: {  	_ =	swait.ge [sflag:s10], $0x2000  }
0x1ba: {  	[sflag:s10] =	ssyncset.done $0x0  }
.Ltmp7:
0x1bb: {  	[sflag:s10] =	ssyncadd.s32 $0xFFFFE000;
	(pc) =	sbr.rel @!p1 .LBB2_10-.Ltmp7, $4  }
0x1bc: {  	[tilespmem:s14], [sflag:$0x5] =	stream.indirect.gather [spmem:s1], $0x10, s31, s31, $0xb8;
	[tilespmem:$0x1D400] =	vst v63  }
0x1bd: {  	_ =	swait.ge [sflag:s29], $0x2000  }
0x1be: {  	[sflag:s29] =	ssyncset.done $0x0  }
0x1bf: {  	s15 =	sadd.s32 $0xC00, s15;
	s13 =	sadd.s32 $0x80, s13;
	[sflag:s29] =	ssyncadd.s32 $0xFFFFE000  }
.Ltmp8:
0x1c0: {  	_ = 	snop;
	(pc) =	sbr.rel .LBB2_11-.Ltmp8, $1  }
0x1c1: {  	_ =	sdelay $0x3  }
.LBB2_13:
0x1c2: {  	_ =	sfence.sel $0x180000  }
0x1c3: {  	[bflag:$0x0] =	sbarrier.arrive $0xFFFF  }
0x1c4: {  	_ =	strace $0x90000047  }
0x1c5: {  	s0 =	stileid.u32;
	[bflag:$0x2] =	sbarrier.arrive $0xFFFF  }
0x1c6: {  	p0 =	sne.s32 s0, $0x0;
	s0 =	rddreg [dreg:$0x2]  }
0x1c7: {  	s0 =	sadd.s32 @!p0 $0x100000, s0  }
0x1c8: {  	[sflag:s0] =	ssyncadd.tile.s32 @!p0 $0x1;
	_ =	shalt  }
.Lfunc_end2:
_tile_overlayer_lowered:
.L_overlay_start_2:
0x1c9: {  	(tag) =	ssettag $0x2  }
0x1ca: {  	s0 =	rddreg [dreg:$0x0];
	s2 =	stileid.u32  }
0x1cb: {  	s1 =	rddreg [dreg:$0x1];
	p0 =	sne.s32 s2, $0x0  }
0x1cc: {  	s3 =	rddreg [dreg:$0x2];
	[bflag:$0x3] =	sbarrier.arrive $0xFFFF;
	s2 =	simm.s32 @!p0 $0x1C05  }
0x1cd: {  	[timem:s3], [sflag:s2] =	dma.local @!p0 [hbm:s0], s1  }
0x1ce: {  	s0 =	simm.s32 @!p0 $0x5  }
0x1cf: {  	_ =	swait.ge @!p0 [sflag:s0], s1  }
0x1d0: {  	s1 =	ssub.s32 @!p0 $0x0, s1;
	[sflag:s0] =	ssyncset.done @!p0 $0x0  }
0x1d1: {  	[sflag:s0] =	ssyncadd.s32 @!p0 s1  }
0x1d2: {  	[bflag:$0x3] =	sbarrier.arrive $0xFFFF  }
0x1d3: {  	_ =	shalt  }

</sc_bundles>
